<compile_context>
chip_gen: v7x
topology: tpu7x:2x2x1
jax: 0.10.2.dev20260603
libtpu: 0.0.44.dev20260713+nightly
codegen_flags: <defaults>
</compile_context>

<pallas_src>
import jax
import jax.numpy as jnp
from jax import lax
from jax.experimental import pallas as pl
from jax.experimental.pallas import tpu as pltpu
from jax.experimental.pallas import tpu_sc as plsc

NC = 2
NS = 16
NW = NC * NS
BR = 2000


def _sc_degree(e4, zeros16, ones16, *, n):
    rows = n // NS
    nchunk, k = e4.shape[2], e4.shape[3]
    mesh = plsc.VectorSubcoreMesh(core_axis_name="c", subcore_axis_name="s")

    def body(e_hbm, zeros_hbm, ones_hbm, out_hbm, dst_v, ones_v, sem, acc):
        c = lax.axis_index("c")
        s = lax.axis_index("s")
        wid = s * NC + c
        r0 = s * rows
        pltpu.sync_copy(zeros_hbm.at[pl.ds(r0, rows)], acc.at[pl.ds(r0, rows)])
        pltpu.sync_copy(e_hbm.at[1, wid], dst_v)
        pltpu.sync_copy(ones_hbm, ones_v)
        plsc.subcore_barrier()

        nb = 10
        for t in range(nb):
            pltpu.async_copy(ones_v, acc.at[dst_v.at[t]], sem, add=True)

        @pl.loop(0, nchunk - nb, step=nb)
        def _(j):
            for t in range(nb):
                pltpu.async_copy(ones_v, acc.at[dst_v.at[j + nb + t]], sem, add=True)
            for t in range(nb):
                pltpu.make_async_copy(ones_v, acc.at[dst_v.at[0]], sem).wait()

        for t in range(nb):
            pltpu.make_async_copy(ones_v, acc.at[dst_v.at[0]], sem).wait()

        plsc.subcore_barrier()
        pltpu.sync_copy(acc.at[pl.ds(r0, rows)], out_hbm.at[c, pl.ds(r0, rows)])

    f = pl.kernel(
        body,
        out_type=jax.ShapeDtypeStruct((NC, n, 16), jnp.float32),
        mesh=mesh,
        compiler_params=pltpu.CompilerParams(use_tc_tiling_on_sc=False),
        scratch_types=[
            pltpu.VMEM((nchunk, k), jnp.int32),
            pltpu.VMEM((k, 16), jnp.float32),
            pltpu.SemaphoreType.DMA,
            pltpu.VMEM_SHARED((n, 16), jnp.float32),
        ],
    )
    return f(e4, zeros16, ones16)


def _sc_aggregate(table, e4, zeros, *, n, d, nbuf):
    rows = n // NS
    nchunk, k = e4.shape[2], e4.shape[3]
    mesh = plsc.VectorSubcoreMesh(core_axis_name="c", subcore_axis_name="s")

    def body(table_hbm, e_hbm, zeros_hbm, out_hbm,
             src_v, dst_v, bufs, gsems, ssems, acc):
        c = lax.axis_index("c")
        s = lax.axis_index("s")
        wid = s * NC + c
        r0 = s * rows
        pltpu.sync_copy(zeros_hbm.at[pl.ds(r0, rows)], acc.at[pl.ds(r0, rows)])
        pltpu.sync_copy(e_hbm.at[0, wid], src_v)
        pltpu.sync_copy(e_hbm.at[1, wid], dst_v)
        plsc.subcore_barrier()

        for b in range(nbuf):
            pltpu.async_copy(table_hbm.at[src_v.at[b]], bufs[b], gsems[b])

        @pl.loop(0, nchunk - nbuf, step=nbuf)
        def _(j):
            for b in range(nbuf):
                ch = j + b
                pltpu.make_async_copy(
                    table_hbm.at[src_v.at[ch]], bufs[b], gsems[b]).wait()
                pltpu.async_copy(bufs[b], acc.at[dst_v.at[ch]], ssems[b], add=True)
                pltpu.make_async_copy(
                    bufs[b], acc.at[dst_v.at[0]], ssems[b]).wait()
                pltpu.async_copy(
                    table_hbm.at[src_v.at[ch + nbuf]], bufs[b], gsems[b])

        for b in range(nbuf):
            ch = nchunk - nbuf + b
            pltpu.make_async_copy(
                table_hbm.at[src_v.at[ch]], bufs[b], gsems[b]).wait()
            pltpu.async_copy(bufs[b], acc.at[dst_v.at[ch]], ssems[b], add=True)
            pltpu.make_async_copy(bufs[b], acc.at[dst_v.at[0]], ssems[b]).wait()
        plsc.subcore_barrier()
        pltpu.sync_copy(acc.at[pl.ds(r0, rows)], out_hbm.at[c, pl.ds(r0, rows)])

    f = pl.kernel(
        body,
        out_type=jax.ShapeDtypeStruct((NC, n, d), jnp.float32),
        mesh=mesh,
        compiler_params=pltpu.CompilerParams(use_tc_tiling_on_sc=False),
        scratch_types=[
            pltpu.VMEM((nchunk, k), jnp.int32),
            pltpu.VMEM((nchunk, k), jnp.int32),
            tuple(pltpu.VMEM((k, d), jnp.float32) for _ in range(nbuf)),
            tuple(pltpu.SemaphoreType.DMA for _ in range(nbuf)),
            tuple(pltpu.SemaphoreType.DMA for _ in range(nbuf)),
            pltpu.VMEM_SHARED((n, d), jnp.float32),
        ],
    )
    return f(table, e4, zeros)


def _tc_first(degp, x, W1, *, n):
    dd = x.shape[1]
    h = W1.shape[1]

    def body(degp_ref, x_ref, w_ref, dis_ref, s_ref):
        deg = degp_ref[0, :, 0:1] + degp_ref[1, :, 0:1] + 1.0
        dis = lax.rsqrt(deg)
        dis_ref[...] = dis
        hh = jnp.dot(x_ref[...], w_ref[...], preferred_element_type=jnp.float32)
        s_ref[...] = hh * dis

    return pl.pallas_call(
        body,
        grid=(n // BR,),
        in_specs=[
            pl.BlockSpec((2, BR, 16), lambda i: (0, i, 0)),
            pl.BlockSpec((BR, dd), lambda i: (i, 0)),
            pl.BlockSpec((dd, h), lambda i: (0, 0)),
        ],
        out_specs=[
            pl.BlockSpec((BR, 1), lambda i: (i, 0)),
            pl.BlockSpec((BR, h), lambda i: (i, 0)),
        ],
        out_shape=[
            jax.ShapeDtypeStruct((n, 1), jnp.float32),
            jax.ShapeDtypeStruct((n, h), jnp.float32),
        ],
    )(degp, x, W1)


def _tc_mid(aggp, s_prev, dis2, brow, Wn, *, n):
    h = s_prev.shape[1]
    dn = Wn.shape[1]

    def body(aggp_ref, s_ref, dis_ref, b_ref, w_ref, o_ref):
        dis = dis_ref[...]
        agg = aggp_ref[0] + aggp_ref[1] + s_ref[...]
        hh = jnp.maximum(dis * agg + b_ref[...], 0.0)
        o_ref[...] = jnp.dot(hh, w_ref[...],
                             preferred_element_type=jnp.float32) * dis

    return pl.pallas_call(
        body,
        grid=(n // BR,),
        in_specs=[
            pl.BlockSpec((2, BR, h), lambda i: (0, i, 0)),
            pl.BlockSpec((BR, h), lambda i: (i, 0)),
            pl.BlockSpec((BR, 1), lambda i: (i, 0)),
            pl.BlockSpec((1, h), lambda i: (0, 0)),
            pl.BlockSpec((h, dn), lambda i: (0, 0)),
        ],
        out_specs=pl.BlockSpec((BR, dn), lambda i: (i, 0)),
        out_shape=jax.ShapeDtypeStruct((n, dn), jnp.float32),
    )(aggp, s_prev, dis2, brow, Wn)


def _tc_last(aggp, s3, dis2, brow, *, n, c_out):
    d3 = s3.shape[1]

    def body(aggp_ref, s_ref, dis_ref, b_ref, o_ref):
        agg = aggp_ref[0] + aggp_ref[1] + s_ref[...]
        o_ref[...] = (dis_ref[...] * agg + b_ref[...])[:, :c_out]

    return pl.pallas_call(
        body,
        grid=(n // BR,),
        in_specs=[
            pl.BlockSpec((2, BR, d3), lambda i: (0, i, 0)),
            pl.BlockSpec((BR, d3), lambda i: (i, 0)),
            pl.BlockSpec((BR, 1), lambda i: (i, 0)),
            pl.BlockSpec((1, d3), lambda i: (0, 0)),
        ],
        out_specs=pl.BlockSpec((BR, c_out), lambda i: (i, 0)),
        out_shape=jax.ShapeDtypeStruct((n, c_out), jnp.float32),
    )(aggp, s3, dis2, brow)


def kernel(x, edge_index, W1, b1, W2, b2, W3, b3):
    n, dd = x.shape
    e = edge_index.shape[1]
    h = W1.shape[1]
    c_out = W3.shape[1]
    d3 = 48
    k, nbuf = 40, 5
    assert e % (NW * k) == 0 and n % NS == 0 and n % BR == 0
    nchunk = e // (NW * k)
    assert nchunk % nbuf == 0

    e4 = edge_index.reshape(2, NW, nchunk, k)
    zeros_h = jnp.zeros((n, h), jnp.float32)
    zeros_3 = jnp.zeros((n, d3), jnp.float32)
    zeros_16 = jnp.zeros((n, 16), jnp.float32)
    ones_16 = jnp.ones((k, 16), jnp.float32)
    W3p = jnp.pad(W3, ((0, 0), (0, d3 - c_out)))
    b1r = b1.reshape(1, h)
    b2r = b2.reshape(1, h)
    b3r = jnp.pad(b3, (0, d3 - c_out)).reshape(1, d3)

    degp = _sc_degree(e4, zeros_16, ones_16, n=n)
    dis2, s1 = _tc_first(degp, x, W1, n=n)
    agg1 = _sc_aggregate(s1, e4, zeros_h, n=n, d=h, nbuf=nbuf)
    s2 = _tc_mid(agg1, s1, dis2, b1r, W2, n=n)
    agg2 = _sc_aggregate(s2, e4, zeros_h, n=n, d=h, nbuf=nbuf)
    s3 = _tc_mid(agg2, s2, dis2, b2r, W3p, n=n)
    agg3 = _sc_aggregate(s3, e4, zeros_3, n=n, d=d3, nbuf=nbuf)
    return _tc_last(agg3, s3, dis2, b3r, n=n, c_out=c_out)

# --- scband reference (transcript-rebuilt; emitter-appended) ---
"""Pipeline reference for scband-gcn-94489281062 (READ-ONLY COPY).

The authoritative reference and input builder live on the scoring server;
editing this copy changes nothing except your own understanding.
"""

import jax, jax.numpy as jnp
import numpy as np

N = 10000
E = 320000
D = 128
H = 128
C = 40


def setup_inputs(seed: int = 0) -> dict:
    key = jax.random.key(seed)
    ks = jax.random.split(key, 8)
    x = jax.random.normal(ks[0], (N, D), dtype=jnp.float32)
    edge_index = jax.random.randint(ks[1], (2, E), 0, N, dtype=jnp.int32)
    W1 = jax.random.normal(ks[2], (D, H), dtype=jnp.float32) * (1.0 / np.sqrt(D))
    b1 = jnp.zeros((H,), dtype=jnp.float32)
    W2 = jax.random.normal(ks[3], (H, H), dtype=jnp.float32) * (1.0 / np.sqrt(H))
    b2 = jnp.zeros((H,), dtype=jnp.float32)
    W3 = jax.random.normal(ks[4], (H, C), dtype=jnp.float32) * (1.0 / np.sqrt(H))
    b3 = jnp.zeros((C,), dtype=jnp.float32)
    return {"x": x, "edge_index": edge_index, "W1": W1, "b1": b1, "W2": W2, "b2": b2, "W3": W3, "b3": b3}


def gcn_conv(x, edge_index, W, b):
    # Faithful PyG GCNConv: add self-loops, symmetric normalization, linear, scatter-add aggregate, bias.
    n = x.shape[0]
    src = edge_index[0]
    dst = edge_index[1]
    loop = jnp.arange(n, dtype=src.dtype)
    src = jnp.concatenate([src, loop])
    dst = jnp.concatenate([dst, loop])
    deg = jnp.zeros((n,), dtype=jnp.float32).at[dst].add(1.0)
    deg_inv_sqrt = jnp.where(deg > 0, jax.lax.rsqrt(jnp.maximum(deg, 1e-12)), 0.0)
    norm = deg_inv_sqrt[src] * deg_inv_sqrt[dst]
    h = x @ W
    msg = h[src] * norm[:, None]
    out = jax.ops.segment_sum(msg, dst, num_segments=n)
    return out + b


def reference(x, edge_index, W1, b1, W2, b2, W3, b3):
    # Eval-mode forward: dropout is identity.
    h = gcn_conv(x, edge_index, W1, b1)
    h = jax.nn.relu(h)
    h = gcn_conv(h, edge_index, W2, b2)
    h = jax.nn.relu(h)
    h = gcn_conv(h, edge_index, W3, b3)
    return h

if __name__ == "__main__":
    import jax
    _d = setup_inputs()
    print(jax.jit(kernel)(*tuple(_d.values())))

</pallas_src>

<mosaic_0001>
#map = affine_map<(d0, d1) -> (0, 0, 0, 0)>
#map1 = affine_map<(d0, d1) -> (0, 0)>
#map2 = affine_map<(d0, d1) -> (0, 0, 0)>
module attributes {stable_mosaic.version = 14 : i64} {
  func.func @body(%arg0: i32, %arg1: i32, %arg2: memref<2x32x250x40xi32, #tpu.memory_space<hbm>>, %arg3: memref<10000x16xf32, #tpu.memory_space<hbm>>, %arg4: memref<40x16xf32, #tpu.memory_space<hbm>>, %arg5: memref<2x10000x16xf32, #tpu.memory_space<hbm>>, %arg6: memref<250x40xi32, #tpu.memory_space<vmem>>, %arg7: memref<40x16xf32, #tpu.memory_space<vmem>>, %arg8: memref<!tpu.dma_semaphore, #tpu.memory_space<semaphore_mem>>, %arg9: memref<10000x16xf32, #tpu.memory_space<vmem_shared>>) attributes {dimension_semantics = [#tpu.dimension_semantics<core_parallel>, #tpu.dimension_semantics<subcore_parallel>], iteration_bounds = array<i64: 2, 16>, scalar_prefetch = 0 : i64, scratch_operands = 4 : i64, tpu.core_type = #tpu.core_type<sc_vector_subcore>, window_params = [{transform_indices = #map}, {transform_indices = #map1}, {transform_indices = #map1}, {transform_indices = #map2}]} {
    %mul3A = arith.constant 2 : i32
    %mul3A_0 = arith.muli %arg1, %mul3A : i32
    %add3A = arith.addi %mul3A_0, %arg0 : i32
    %mul3A_1 = arith.constant 625 : i32
    %mul3A_2 = arith.muli %arg1, %mul3A_1 : i32
    "tpu.region"() ({
      %run_scoped3A_146 = tpu.sem_alloc : memref<!tpu.dma_semaphore, #tpu.memory_space<semaphore_mem>>
      %dma_start3A_147 = arith.constant 0 : i32
      %dma_start3A_148 = tpu.memref_slice %arg9[%mul3A_2, %dma_start3A_147] : memref<10000x16xf32, #tpu.memory_space<vmem_shared>> -> memref<625x16xf32, #tpu.memory_space<vmem_shared>>
      %dma_start3A_149 = arith.constant 0 : i32
      %dma_start3A_150 = tpu.memref_slice %arg3[%mul3A_2, %dma_start3A_149] : memref<10000x16xf32, #tpu.memory_space<hbm>> -> memref<625x16xf32, #tpu.memory_space<hbm>>
      tpu.enqueue_dma source(%dma_start3A_150 : memref<625x16xf32, #tpu.memory_space<hbm>>) target(%dma_start3A_148 : memref<625x16xf32, #tpu.memory_space<vmem_shared>>) target_semaphore(%run_scoped3A_146 : memref<!tpu.dma_semaphore, #tpu.memory_space<semaphore_mem>>)
      %dma_wait3A_151 = arith.constant 0 : i32
      %dma_wait3A_152 = tpu.memref_slice %arg9[%mul3A_2, %dma_wait3A_151] : memref<10000x16xf32, #tpu.memory_space<vmem_shared>> -> memref<625x16xf32, #tpu.memory_space<vmem_shared>>
      %dma_wait3A_153 = arith.constant 0 : i32
      %dma_wait3A_154 = tpu.memref_slice %arg3[%mul3A_2, %dma_wait3A_153] : memref<10000x16xf32, #tpu.memory_space<hbm>> -> memref<625x16xf32, #tpu.memory_space<hbm>>
      tpu.wait_dma2 semaphore(%run_scoped3A_146 : memref<!tpu.dma_semaphore, #tpu.memory_space<semaphore_mem>>) src(%dma_wait3A_154 : memref<625x16xf32, #tpu.memory_space<hbm>>) dst(%dma_wait3A_152 : memref<625x16xf32, #tpu.memory_space<vmem_shared>>)
      tpu.yield
    }) : () -> ()
    %run_scoped3A = arith.constant 1 : i32
    "tpu.region"() ({
      %run_scoped3A_146 = tpu.sem_alloc : memref<!tpu.dma_semaphore, #tpu.memory_space<semaphore_mem>>
      %dma_start3A_147 = arith.constant 0 : i32
      %dma_start3A_148 = arith.constant 0 : i32
      %dma_start3A_149 = tpu.memref_slice %arg2[%run_scoped3A, %add3A, %dma_start3A_147, %dma_start3A_148] : memref<2x32x250x40xi32, #tpu.memory_space<hbm>> -> memref<1x1x250x40xi32, #tpu.memory_space<hbm>>
      %dma_start3A_150 = tpu.memref_squeeze %dma_start3A_149 : memref<1x1x250x40xi32, #tpu.memory_space<hbm>> -> memref<250x40xi32, #tpu.memory_space<hbm>>
      %dma_start3A_151 = arith.constant 0 : i32
      %dma_start3A_152 = arith.constant 0 : i32
      %dma_start3A_153 = tpu.memref_slice %arg2[%run_scoped3A, %add3A, %dma_start3A_151, %dma_start3A_152] : memref<2x32x250x40xi32, #tpu.memory_space<hbm>> -> memref<1x1x250x40xi32, #tpu.memory_space<hbm>>
      %dma_start3A_154 = tpu.memref_squeeze %dma_start3A_153 : memref<1x1x250x40xi32, #tpu.memory_space<hbm>> -> memref<250x40xi32, #tpu.memory_space<hbm>>
      tpu.enqueue_dma source(%dma_start3A_154 : memref<250x40xi32, #tpu.memory_space<hbm>>) target(%arg6 : memref<250x40xi32, #tpu.memory_space<vmem>>) target_semaphore(%run_scoped3A_146 : memref<!tpu.dma_semaphore, #tpu.memory_space<semaphore_mem>>)
      %dma_wait3A_155 = arith.constant 0 : i32
      %dma_wait3A_156 = arith.constant 0 : i32
      %dma_wait3A_157 = tpu.memref_slice %arg2[%run_scoped3A, %add3A, %dma_wait3A_155, %dma_wait3A_156] : memref<2x32x250x40xi32, #tpu.memory_space<hbm>> -> memref<1x1x250x40xi32, #tpu.memory_space<hbm>>
      %dma_wait3A_158 = tpu.memref_squeeze %dma_wait3A_157 : memref<1x1x250x40xi32, #tpu.memory_space<hbm>> -> memref<250x40xi32, #tpu.memory_space<hbm>>
      %dma_wait3A_159 = arith.constant 0 : i32
      %dma_wait3A_160 = arith.constant 0 : i32
      %dma_wait3A_161 = tpu.memref_slice %arg2[%run_scoped3A, %add3A, %dma_wait3A_159, %dma_wait3A_160] : memref<2x32x250x40xi32, #tpu.memory_space<hbm>> -> memref<1x1x250x40xi32, #tpu.memory_space<hbm>>
      %dma_wait3A_162 = tpu.memref_squeeze %dma_wait3A_161 : memref<1x1x250x40xi32, #tpu.memory_space<hbm>> -> memref<250x40xi32, #tpu.memory_space<hbm>>
      tpu.wait_dma2 semaphore(%run_scoped3A_146 : memref<!tpu.dma_semaphore, #tpu.memory_space<semaphore_mem>>) src(%dma_wait3A_162 : memref<250x40xi32, #tpu.memory_space<hbm>>) dst(%arg6 : memref<250x40xi32, #tpu.memory_space<vmem>>)
      tpu.yield
    }) : () -> ()
    "tpu.region"() ({
      %run_scoped3A_146 = tpu.sem_alloc : memref<!tpu.dma_semaphore, #tpu.memory_space<semaphore_mem>>
      tpu.enqueue_dma source(%arg4 : memref<40x16xf32, #tpu.memory_space<hbm>>) target(%arg7 : memref<40x16xf32, #tpu.memory_space<vmem>>) target_semaphore(%run_scoped3A_146 : memref<!tpu.dma_semaphore, #tpu.memory_space<semaphore_mem>>)
      tpu.wait_dma2 semaphore(%run_scoped3A_146 : memref<!tpu.dma_semaphore, #tpu.memory_space<semaphore_mem>>) src(%arg4 : memref<40x16xf32, #tpu.memory_space<hbm>>) dst(%arg7 : memref<40x16xf32, #tpu.memory_space<vmem>>)
      tpu.yield
    }) : () -> ()
    %barrier3A = arith.constant 0 : index
    tpu.barrier barrier_id(%barrier3A)
    %dma_start3A = arith.constant 0 : i32
    %dma_start3A_3 = arith.constant 0 : i32
    %dma_start3A_4 = tpu.memref_slice %arg6[%dma_start3A, %dma_start3A_3] : memref<250x40xi32, #tpu.memory_space<vmem>> -> memref<1x40xi32, #tpu.memory_space<vmem>>
    %dma_start3A_5 = tpu.memref_squeeze %dma_start3A_4 : memref<1x40xi32, #tpu.memory_space<vmem>> -> memref<40xi32, #tpu.memory_space<vmem>>
    %dma_start3A_6 = arith.constant 0 : i32
    %dma_start3A_7 = arith.constant 0 : i32
    %dma_start3A_8 = tpu.memref_slice %arg9[%dma_start3A_6, %dma_start3A_7] : memref<10000x16xf32, #tpu.memory_space<vmem_shared>> -> memref<10000x16xf32, #tpu.memory_space<vmem_shared>>
    tpu.enqueue_indirect_dma source(%arg7 : memref<40x16xf32, #tpu.memory_space<vmem>>) target(%dma_start3A_8 : memref<10000x16xf32, #tpu.memory_space<vmem_shared>>) offsets(%dma_start3A_5 : memref<40xi32, #tpu.memory_space<vmem>>) semaphore(%arg8 : memref<!tpu.dma_semaphore, #tpu.memory_space<semaphore_mem>>) {add = true}
    %dma_start3A_9 = arith.constant 1 : i32
    %dma_start3A_10 = arith.constant 0 : i32
    %dma_start3A_11 = tpu.memref_slice %arg6[%dma_start3A_9, %dma_start3A_10] : memref<250x40xi32, #tpu.memory_space<vmem>> -> memref<1x40xi32, #tpu.memory_space<vmem>>
    %dma_start3A_12 = tpu.memref_squeeze %dma_start3A_11 : memref<1x40xi32, #tpu.memory_space<vmem>> -> memref<40xi32, #tpu.memory_space<vmem>>
    %dma_start3A_13 = arith.constant 0 : i32
    %dma_start3A_14 = arith.constant 0 : i32
    %dma_start3A_15 = tpu.memref_slice %arg9[%dma_start3A_13, %dma_start3A_14] : memref<10000x16xf32, #tpu.memory_space<vmem_shared>> -> memref<10000x16xf32, #tpu.memory_space<vmem_shared>>
    tpu.enqueue_indirect_dma source(%arg7 : memref<40x16xf32, #tpu.memory_space<vmem>>) target(%dma_start3A_15 : memref<10000x16xf32, #tpu.memory_space<vmem_shared>>) offsets(%dma_start3A_12 : memref<40xi32, #tpu.memory_space<vmem>>) semaphore(%arg8 : memref<!tpu.dma_semaphore, #tpu.memory_space<semaphore_mem>>) {add = true}
    %dma_start3A_16 = arith.constant 2 : i32
    %dma_start3A_17 = arith.constant 0 : i32
    %dma_start3A_18 = tpu.memref_slice %arg6[%dma_start3A_16, %dma_start3A_17] : memref<250x40xi32, #tpu.memory_space<vmem>> -> memref<1x40xi32, #tpu.memory_space<vmem>>
    %dma_start3A_19 = tpu.memref_squeeze %dma_start3A_18 : memref<1x40xi32, #tpu.memory_space<vmem>> -> memref<40xi32, #tpu.memory_space<vmem>>
    %dma_start3A_20 = arith.constant 0 : i32
    %dma_start3A_21 = arith.constant 0 : i32
    %dma_start3A_22 = tpu.memref_slice %arg9[%dma_start3A_20, %dma_start3A_21] : memref<10000x16xf32, #tpu.memory_space<vmem_shared>> -> memref<10000x16xf32, #tpu.memory_space<vmem_shared>>
    tpu.enqueue_indirect_dma source(%arg7 : memref<40x16xf32, #tpu.memory_space<vmem>>) target(%dma_start3A_22 : memref<10000x16xf32, #tpu.memory_space<vmem_shared>>) offsets(%dma_start3A_19 : memref<40xi32, #tpu.memory_space<vmem>>) semaphore(%arg8 : memref<!tpu.dma_semaphore, #tpu.memory_space<semaphore_mem>>) {add = true}
    %dma_start3A_23 = arith.constant 3 : i32
    %dma_start3A_24 = arith.constant 0 : i32
    %dma_start3A_25 = tpu.memref_slice %arg6[%dma_start3A_23, %dma_start3A_24] : memref<250x40xi32, #tpu.memory_space<vmem>> -> memref<1x40xi32, #tpu.memory_space<vmem>>
    %dma_start3A_26 = tpu.memref_squeeze %dma_start3A_25 : memref<1x40xi32, #tpu.memory_space<vmem>> -> memref<40xi32, #tpu.memory_space<vmem>>
    %dma_start3A_27 = arith.constant 0 : i32
    %dma_start3A_28 = arith.constant 0 : i32
    %dma_start3A_29 = tpu.memref_slice %arg9[%dma_start3A_27, %dma_start3A_28] : memref<10000x16xf32, #tpu.memory_space<vmem_shared>> -> memref<10000x16xf32, #tpu.memory_space<vmem_shared>>
    tpu.enqueue_indirect_dma source(%arg7 : memref<40x16xf32, #tpu.memory_space<vmem>>) target(%dma_start3A_29 : memref<10000x16xf32, #tpu.memory_space<vmem_shared>>) offsets(%dma_start3A_26 : memref<40xi32, #tpu.memory_space<vmem>>) semaphore(%arg8 : memref<!tpu.dma_semaphore, #tpu.memory_space<semaphore_mem>>) {add = true}
    %dma_start3A_30 = arith.constant 4 : i32
    %dma_start3A_31 = arith.constant 0 : i32
    %dma_start3A_32 = tpu.memref_slice %arg6[%dma_start3A_30, %dma_start3A_31] : memref<250x40xi32, #tpu.memory_space<vmem>> -> memref<1x40xi32, #tpu.memory_space<vmem>>
    %dma_start3A_33 = tpu.memref_squeeze %dma_start3A_32 : memref<1x40xi32, #tpu.memory_space<vmem>> -> memref<40xi32, #tpu.memory_space<vmem>>
    %dma_start3A_34 = arith.constant 0 : i32
    %dma_start3A_35 = arith.constant 0 : i32
    %dma_start3A_36 = tpu.memref_slice %arg9[%dma_start3A_34, %dma_start3A_35] : memref<10000x16xf32, #tpu.memory_space<vmem_shared>> -> memref<10000x16xf32, #tpu.memory_space<vmem_shared>>
    tpu.enqueue_indirect_dma source(%arg7 : memref<40x16xf32, #tpu.memory_space<vmem>>) target(%dma_start3A_36 : memref<10000x16xf32, #tpu.memory_space<vmem_shared>>) offsets(%dma_start3A_33 : memref<40xi32, #tpu.memory_space<vmem>>) semaphore(%arg8 : memref<!tpu.dma_semaphore, #tpu.memory_space<semaphore_mem>>) {add = true}
    %dma_start3A_37 = arith.constant 5 : i32
    %dma_start3A_38 = arith.constant 0 : i32
    %dma_start3A_39 = tpu.memref_slice %arg6[%dma_start3A_37, %dma_start3A_38] : memref<250x40xi32, #tpu.memory_space<vmem>> -> memref<1x40xi32, #tpu.memory_space<vmem>>
    %dma_start3A_40 = tpu.memref_squeeze %dma_start3A_39 : memref<1x40xi32, #tpu.memory_space<vmem>> -> memref<40xi32, #tpu.memory_space<vmem>>
    %dma_start3A_41 = arith.constant 0 : i32
    %dma_start3A_42 = arith.constant 0 : i32
    %dma_start3A_43 = tpu.memref_slice %arg9[%dma_start3A_41, %dma_start3A_42] : memref<10000x16xf32, #tpu.memory_space<vmem_shared>> -> memref<10000x16xf32, #tpu.memory_space<vmem_shared>>
    tpu.enqueue_indirect_dma source(%arg7 : memref<40x16xf32, #tpu.memory_space<vmem>>) target(%dma_start3A_43 : memref<10000x16xf32, #tpu.memory_space<vmem_shared>>) offsets(%dma_start3A_40 : memref<40xi32, #tpu.memory_space<vmem>>) semaphore(%arg8 : memref<!tpu.dma_semaphore, #tpu.memory_space<semaphore_mem>>) {add = true}
    %dma_start3A_44 = arith.constant 6 : i32
    %dma_start3A_45 = arith.constant 0 : i32
    %dma_start3A_46 = tpu.memref_slice %arg6[%dma_start3A_44, %dma_start3A_45] : memref<250x40xi32, #tpu.memory_space<vmem>> -> memref<1x40xi32, #tpu.memory_space<vmem>>
    %dma_start3A_47 = tpu.memref_squeeze %dma_start3A_46 : memref<1x40xi32, #tpu.memory_space<vmem>> -> memref<40xi32, #tpu.memory_space<vmem>>
    %dma_start3A_48 = arith.constant 0 : i32
    %dma_start3A_49 = arith.constant 0 : i32
    %dma_start3A_50 = tpu.memref_slice %arg9[%dma_start3A_48, %dma_start3A_49] : memref<10000x16xf32, #tpu.memory_space<vmem_shared>> -> memref<10000x16xf32, #tpu.memory_space<vmem_shared>>
    tpu.enqueue_indirect_dma source(%arg7 : memref<40x16xf32, #tpu.memory_space<vmem>>) target(%dma_start3A_50 : memref<10000x16xf32, #tpu.memory_space<vmem_shared>>) offsets(%dma_start3A_47 : memref<40xi32, #tpu.memory_space<vmem>>) semaphore(%arg8 : memref<!tpu.dma_semaphore, #tpu.memory_space<semaphore_mem>>) {add = true}
    %dma_start3A_51 = arith.constant 7 : i32
    %dma_start3A_52 = arith.constant 0 : i32
    %dma_start3A_53 = tpu.memref_slice %arg6[%dma_start3A_51, %dma_start3A_52] : memref<250x40xi32, #tpu.memory_space<vmem>> -> memref<1x40xi32, #tpu.memory_space<vmem>>
    %dma_start3A_54 = tpu.memref_squeeze %dma_start3A_53 : memref<1x40xi32, #tpu.memory_space<vmem>> -> memref<40xi32, #tpu.memory_space<vmem>>
    %dma_start3A_55 = arith.constant 0 : i32
    %dma_start3A_56 = arith.constant 0 : i32
    %dma_start3A_57 = tpu.memref_slice %arg9[%dma_start3A_55, %dma_start3A_56] : memref<10000x16xf32, #tpu.memory_space<vmem_shared>> -> memref<10000x16xf32, #tpu.memory_space<vmem_shared>>
    tpu.enqueue_indirect_dma source(%arg7 : memref<40x16xf32, #tpu.memory_space<vmem>>) target(%dma_start3A_57 : memref<10000x16xf32, #tpu.memory_space<vmem_shared>>) offsets(%dma_start3A_54 : memref<40xi32, #tpu.memory_space<vmem>>) semaphore(%arg8 : memref<!tpu.dma_semaphore, #tpu.memory_space<semaphore_mem>>) {add = true}
    %dma_start3A_58 = arith.constant 8 : i32
    %dma_start3A_59 = arith.constant 0 : i32
    %dma_start3A_60 = tpu.memref_slice %arg6[%dma_start3A_58, %dma_start3A_59] : memref<250x40xi32, #tpu.memory_space<vmem>> -> memref<1x40xi32, #tpu.memory_space<vmem>>
    %dma_start3A_61 = tpu.memref_squeeze %dma_start3A_60 : memref<1x40xi32, #tpu.memory_space<vmem>> -> memref<40xi32, #tpu.memory_space<vmem>>
    %dma_start3A_62 = arith.constant 0 : i32
    %dma_start3A_63 = arith.constant 0 : i32
    %dma_start3A_64 = tpu.memref_slice %arg9[%dma_start3A_62, %dma_start3A_63] : memref<10000x16xf32, #tpu.memory_space<vmem_shared>> -> memref<10000x16xf32, #tpu.memory_space<vmem_shared>>
    tpu.enqueue_indirect_dma source(%arg7 : memref<40x16xf32, #tpu.memory_space<vmem>>) target(%dma_start3A_64 : memref<10000x16xf32, #tpu.memory_space<vmem_shared>>) offsets(%dma_start3A_61 : memref<40xi32, #tpu.memory_space<vmem>>) semaphore(%arg8 : memref<!tpu.dma_semaphore, #tpu.memory_space<semaphore_mem>>) {add = true}
    %dma_start3A_65 = arith.constant 9 : i32
    %dma_start3A_66 = arith.constant 0 : i32
    %dma_start3A_67 = tpu.memref_slice %arg6[%dma_start3A_65, %dma_start3A_66] : memref<250x40xi32, #tpu.memory_space<vmem>> -> memref<1x40xi32, #tpu.memory_space<vmem>>
    %dma_start3A_68 = tpu.memref_squeeze %dma_start3A_67 : memref<1x40xi32, #tpu.memory_space<vmem>> -> memref<40xi32, #tpu.memory_space<vmem>>
    %dma_start3A_69 = arith.constant 0 : i32
    %dma_start3A_70 = arith.constant 0 : i32
    %dma_start3A_71 = tpu.memref_slice %arg9[%dma_start3A_69, %dma_start3A_70] : memref<10000x16xf32, #tpu.memory_space<vmem_shared>> -> memref<10000x16xf32, #tpu.memory_space<vmem_shared>>
    tpu.enqueue_indirect_dma source(%arg7 : memref<40x16xf32, #tpu.memory_space<vmem>>) target(%dma_start3A_71 : memref<10000x16xf32, #tpu.memory_space<vmem_shared>>) offsets(%dma_start3A_68 : memref<40xi32, #tpu.memory_space<vmem>>) semaphore(%arg8 : memref<!tpu.dma_semaphore, #tpu.memory_space<semaphore_mem>>) {add = true}
    %scan3A = arith.constant 0 : i32
    %scan3A_72 = arith.constant 24 : i32
    %scan3A_73 = arith.addi %scan3A, %scan3A_72 : i32
    %scan3A_74 = arith.constant 1 : i32
    scf.for %scan3A_146 = %scan3A to %scan3A_73 step %scan3A_74  : i32 {
      %mul3A_147 = arith.constant 10 : i32
      %mul3A_148 = arith.muli %scan3A_146, %mul3A_147 : i32
      %add3A_149 = arith.constant 0 : i32
      %add3A_150 = arith.addi %add3A_149, %mul3A_148 : i32
      %add3A_151 = arith.constant 10 : i32
      %add3A_152 = arith.addi %add3A_150, %add3A_151 : i32
      %add3A_153 = arith.constant 0 : i32
      %add3A_154 = arith.addi %add3A_152, %add3A_153 : i32
      %dma_start3A_155 = arith.constant 0 : i32
      %dma_start3A_156 = tpu.memref_slice %arg6[%add3A_154, %dma_start3A_155] : memref<250x40xi32, #tpu.memory_space<vmem>> -> memref<1x40xi32, #tpu.memory_space<vmem>>
      %dma_start3A_157 = tpu.memref_squeeze %dma_start3A_156 : memref<1x40xi32, #tpu.memory_space<vmem>> -> memref<40xi32, #tpu.memory_space<vmem>>
      %dma_start3A_158 = arith.constant 0 : i32
      %dma_start3A_159 = arith.constant 0 : i32
      %dma_start3A_160 = tpu.memref_slice %arg9[%dma_start3A_158, %dma_start3A_159] : memref<10000x16xf32, #tpu.memory_space<vmem_shared>> -> memref<10000x16xf32, #tpu.memory_space<vmem_shared>>
      tpu.enqueue_indirect_dma source(%arg7 : memref<40x16xf32, #tpu.memory_space<vmem>>) target(%dma_start3A_160 : memref<10000x16xf32, #tpu.memory_space<vmem_shared>>) offsets(%dma_start3A_157 : memref<40xi32, #tpu.memory_space<vmem>>) semaphore(%arg8 : memref<!tpu.dma_semaphore, #tpu.memory_space<semaphore_mem>>) {add = true}
      %add3A_161 = arith.constant 10 : i32
      %add3A_162 = arith.addi %add3A_150, %add3A_161 : i32
      %add3A_163 = arith.constant 1 : i32
      %add3A_164 = arith.addi %add3A_162, %add3A_163 : i32
      %dma_start3A_165 = arith.constant 0 : i32
      %dma_start3A_166 = tpu.memref_slice %arg6[%add3A_164, %dma_start3A_165] : memref<250x40xi32, #tpu.memory_space<vmem>> -> memref<1x40xi32, #tpu.memory_space<vmem>>
      %dma_start3A_167 = tpu.memref_squeeze %dma_start3A_166 : memref<1x40xi32, #tpu.memory_space<vmem>> -> memref<40xi32, #tpu.memory_space<vmem>>
      %dma_start3A_168 = arith.constant 0 : i32
      %dma_start3A_169 = arith.constant 0 : i32
      %dma_start3A_170 = tpu.memref_slice %arg9[%dma_start3A_168, %dma_start3A_169] : memref<10000x16xf32, #tpu.memory_space<vmem_shared>> -> memref<10000x16xf32, #tpu.memory_space<vmem_shared>>
      tpu.enqueue_indirect_dma source(%arg7 : memref<40x16xf32, #tpu.memory_space<vmem>>) target(%dma_start3A_170 : memref<10000x16xf32, #tpu.memory_space<vmem_shared>>) offsets(%dma_start3A_167 : memref<40xi32, #tpu.memory_space<vmem>>) semaphore(%arg8 : memref<!tpu.dma_semaphore, #tpu.memory_space<semaphore_mem>>) {add = true}
      %add3A_171 = arith.constant 10 : i32
      %add3A_172 = arith.addi %add3A_150, %add3A_171 : i32
      %add3A_173 = arith.constant 2 : i32
      %add3A_174 = arith.addi %add3A_172, %add3A_173 : i32
      %dma_start3A_175 = arith.constant 0 : i32
      %dma_start3A_176 = tpu.memref_slice %arg6[%add3A_174, %dma_start3A_175] : memref<250x40xi32, #tpu.memory_space<vmem>> -> memref<1x40xi32, #tpu.memory_space<vmem>>
      %dma_start3A_177 = tpu.memref_squeeze %dma_start3A_176 : memref<1x40xi32, #tpu.memory_space<vmem>> -> memref<40xi32, #tpu.memory_space<vmem>>
      %dma_start3A_178 = arith.constant 0 : i32
      %dma_start3A_179 = arith.constant 0 : i32
      %dma_start3A_180 = tpu.memref_slice %arg9[%dma_start3A_178, %dma_start3A_179] : memref<10000x16xf32, #tpu.memory_space<vmem_shared>> -> memref<10000x16xf32, #tpu.memory_space<vmem_shared>>
      tpu.enqueue_indirect_dma source(%arg7 : memref<40x16xf32, #tpu.memory_space<vmem>>) target(%dma_start3A_180 : memref<10000x16xf32, #tpu.memory_space<vmem_shared>>) offsets(%dma_start3A_177 : memref<40xi32, #tpu.memory_space<vmem>>) semaphore(%arg8 : memref<!tpu.dma_semaphore, #tpu.memory_space<semaphore_mem>>) {add = true}
      %add3A_181 = arith.constant 10 : i32
      %add3A_182 = arith.addi %add3A_150, %add3A_181 : i32
      %add3A_183 = arith.constant 3 : i32
      %add3A_184 = arith.addi %add3A_182, %add3A_183 : i32
      %dma_start3A_185 = arith.constant 0 : i32
      %dma_start3A_186 = tpu.memref_slice %arg6[%add3A_184, %dma_start3A_185] : memref<250x40xi32, #tpu.memory_space<vmem>> -> memref<1x40xi32, #tpu.memory_space<vmem>>
      %dma_start3A_187 = tpu.memref_squeeze %dma_start3A_186 : memref<1x40xi32, #tpu.memory_space<vmem>> -> memref<40xi32, #tpu.memory_space<vmem>>
      %dma_start3A_188 = arith.constant 0 : i32
      %dma_start3A_189 = arith.constant 0 : i32
      %dma_start3A_190 = tpu.memref_slice %arg9[%dma_start3A_188, %dma_start3A_189] : memref<10000x16xf32, #tpu.memory_space<vmem_shared>> -> memref<10000x16xf32, #tpu.memory_space<vmem_shared>>
      tpu.enqueue_indirect_dma source(%arg7 : memref<40x16xf32, #tpu.memory_space<vmem>>) target(%dma_start3A_190 : memref<10000x16xf32, #tpu.memory_space<vmem_shared>>) offsets(%dma_start3A_187 : memref<40xi32, #tpu.memory_space<vmem>>) semaphore(%arg8 : memref<!tpu.dma_semaphore, #tpu.memory_space<semaphore_mem>>) {add = true}
      %add3A_191 = arith.constant 10 : i32
      %add3A_192 = arith.addi %add3A_150, %add3A_191 : i32
      %add3A_193 = arith.constant 4 : i32
      %add3A_194 = arith.addi %add3A_192, %add3A_193 : i32
      %dma_start3A_195 = arith.constant 0 : i32
      %dma_start3A_196 = tpu.memref_slice %arg6[%add3A_194, %dma_start3A_195] : memref<250x40xi32, #tpu.memory_space<vmem>> -> memref<1x40xi32, #tpu.memory_space<vmem>>
      %dma_start3A_197 = tpu.memref_squeeze %dma_start3A_196 : memref<1x40xi32, #tpu.memory_space<vmem>> -> memref<40xi32, #tpu.memory_space<vmem>>
      %dma_start3A_198 = arith.constant 0 : i32
      %dma_start3A_199 = arith.constant 0 : i32
      %dma_start3A_200 = tpu.memref_slice %arg9[%dma_start3A_198, %dma_start3A_199] : memref<10000x16xf32, #tpu.memory_space<vmem_shared>> -> memref<10000x16xf32, #tpu.memory_space<vmem_shared>>
      tpu.enqueue_indirect_dma source(%arg7 : memref<40x16xf32, #tpu.memory_space<vmem>>) target(%dma_start3A_200 : memref<10000x16xf32, #tpu.memory_space<vmem_shared>>) offsets(%dma_start3A_197 : memref<40xi32, #tpu.memory_space<vmem>>) semaphore(%arg8 : memref<!tpu.dma_semaphore, #tpu.memory_space<semaphore_mem>>) {add = true}
      %add3A_201 = arith.constant 10 : i32
      %add3A_202 = arith.addi %add3A_150, %add3A_201 : i32
      %add3A_203 = arith.constant 5 : i32
      %add3A_204 = arith.addi %add3A_202, %add3A_203 : i32
      %dma_start3A_205 = arith.constant 0 : i32
      %dma_start3A_206 = tpu.memref_slice %arg6[%add3A_204, %dma_start3A_205] : memref<250x40xi32, #tpu.memory_space<vmem>> -> memref<1x40xi32, #tpu.memory_space<vmem>>
      %dma_start3A_207 = tpu.memref_squeeze %dma_start3A_206 : memref<1x40xi32, #tpu.memory_space<vmem>> -> memref<40xi32, #tpu.memory_space<vmem>>
      %dma_start3A_208 = arith.constant 0 : i32
      %dma_start3A_209 = arith.constant 0 : i32
      %dma_start3A_210 = tpu.memref_slice %arg9[%dma_start3A_208, %dma_start3A_209] : memref<10000x16xf32, #tpu.memory_space<vmem_shared>> -> memref<10000x16xf32, #tpu.memory_space<vmem_shared>>
      tpu.enqueue_indirect_dma source(%arg7 : memref<40x16xf32, #tpu.memory_space<vmem>>) target(%dma_start3A_210 : memref<10000x16xf32, #tpu.memory_space<vmem_shared>>) offsets(%dma_start3A_207 : memref<40xi32, #tpu.memory_space<vmem>>) semaphore(%arg8 : memref<!tpu.dma_semaphore, #tpu.memory_space<semaphore_mem>>) {add = true}
      %add3A_211 = arith.constant 10 : i32
      %add3A_212 = arith.addi %add3A_150, %add3A_211 : i32
      %add3A_213 = arith.constant 6 : i32
      %add3A_214 = arith.addi %add3A_212, %add3A_213 : i32
      %dma_start3A_215 = arith.constant 0 : i32
      %dma_start3A_216 = tpu.memref_slice %arg6[%add3A_214, %dma_start3A_215] : memref<250x40xi32, #tpu.memory_space<vmem>> -> memref<1x40xi32, #tpu.memory_space<vmem>>
      %dma_start3A_217 = tpu.memref_squeeze %dma_start3A_216 : memref<1x40xi32, #tpu.memory_space<vmem>> -> memref<40xi32, #tpu.memory_space<vmem>>
      %dma_start3A_218 = arith.constant 0 : i32
      %dma_start3A_219 = arith.constant 0 : i32
      %dma_start3A_220 = tpu.memref_slice %arg9[%dma_start3A_218, %dma_start3A_219] : memref<10000x16xf32, #tpu.memory_space<vmem_shared>> -> memref<10000x16xf32, #tpu.memory_space<vmem_shared>>
      tpu.enqueue_indirect_dma source(%arg7 : memref<40x16xf32, #tpu.memory_space<vmem>>) target(%dma_start3A_220 : memref<10000x16xf32, #tpu.memory_space<vmem_shared>>) offsets(%dma_start3A_217 : memref<40xi32, #tpu.memory_space<vmem>>) semaphore(%arg8 : memref<!tpu.dma_semaphore, #tpu.memory_space<semaphore_mem>>) {add = true}
      %add3A_221 = arith.constant 10 : i32
      %add3A_222 = arith.addi %add3A_150, %add3A_221 : i32
      %add3A_223 = arith.constant 7 : i32
      %add3A_224 = arith.addi %add3A_222, %add3A_223 : i32
      %dma_start3A_225 = arith.constant 0 : i32
      %dma_start3A_226 = tpu.memref_slice %arg6[%add3A_224, %dma_start3A_225] : memref<250x40xi32, #tpu.memory_space<vmem>> -> memref<1x40xi32, #tpu.memory_space<vmem>>
      %dma_start3A_227 = tpu.memref_squeeze %dma_start3A_226 : memref<1x40xi32, #tpu.memory_space<vmem>> -> memref<40xi32, #tpu.memory_space<vmem>>
      %dma_start3A_228 = arith.constant 0 : i32
      %dma_start3A_229 = arith.constant 0 : i32
      %dma_start3A_230 = tpu.memref_slice %arg9[%dma_start3A_228, %dma_start3A_229] : memref<10000x16xf32, #tpu.memory_space<vmem_shared>> -> memref<10000x16xf32, #tpu.memory_space<vmem_shared>>
      tpu.enqueue_indirect_dma source(%arg7 : memref<40x16xf32, #tpu.memory_space<vmem>>) target(%dma_start3A_230 : memref<10000x16xf32, #tpu.memory_space<vmem_shared>>) offsets(%dma_start3A_227 : memref<40xi32, #tpu.memory_space<vmem>>) semaphore(%arg8 : memref<!tpu.dma_semaphore, #tpu.memory_space<semaphore_mem>>) {add = true}
      %add3A_231 = arith.constant 10 : i32
      %add3A_232 = arith.addi %add3A_150, %add3A_231 : i32
      %add3A_233 = arith.constant 8 : i32
      %add3A_234 = arith.addi %add3A_232, %add3A_233 : i32
      %dma_start3A_235 = arith.constant 0 : i32
      %dma_start3A_236 = tpu.memref_slice %arg6[%add3A_234, %dma_start3A_235] : memref<250x40xi32, #tpu.memory_space<vmem>> -> memref<1x40xi32, #tpu.memory_space<vmem>>
      %dma_start3A_237 = tpu.memref_squeeze %dma_start3A_236 : memref<1x40xi32, #tpu.memory_space<vmem>> -> memref<40xi32, #tpu.memory_space<vmem>>
      %dma_start3A_238 = arith.constant 0 : i32
      %dma_start3A_239 = arith.constant 0 : i32
      %dma_start3A_240 = tpu.memref_slice %arg9[%dma_start3A_238, %dma_start3A_239] : memref<10000x16xf32, #tpu.memory_space<vmem_shared>> -> memref<10000x16xf32, #tpu.memory_space<vmem_shared>>
      tpu.enqueue_indirect_dma source(%arg7 : memref<40x16xf32, #tpu.memory_space<vmem>>) target(%dma_start3A_240 : memref<10000x16xf32, #tpu.memory_space<vmem_shared>>) offsets(%dma_start3A_237 : memref<40xi32, #tpu.memory_space<vmem>>) semaphore(%arg8 : memref<!tpu.dma_semaphore, #tpu.memory_space<semaphore_mem>>) {add = true}
      %add3A_241 = arith.constant 10 : i32
      %add3A_242 = arith.addi %add3A_150, %add3A_241 : i32
      %add3A_243 = arith.constant 9 : i32
      %add3A_244 = arith.addi %add3A_242, %add3A_243 : i32
      %dma_start3A_245 = arith.constant 0 : i32
      %dma_start3A_246 = tpu.memref_slice %arg6[%add3A_244, %dma_start3A_245] : memref<250x40xi32, #tpu.memory_space<vmem>> -> memref<1x40xi32, #tpu.memory_space<vmem>>
      %dma_start3A_247 = tpu.memref_squeeze %dma_start3A_246 : memref<1x40xi32, #tpu.memory_space<vmem>> -> memref<40xi32, #tpu.memory_space<vmem>>
      %dma_start3A_248 = arith.constant 0 : i32
      %dma_start3A_249 = arith.constant 0 : i32
      %dma_start3A_250 = tpu.memref_slice %arg9[%dma_start3A_248, %dma_start3A_249] : memref<10000x16xf32, #tpu.memory_space<vmem_shared>> -> memref<10000x16xf32, #tpu.memory_space<vmem_shared>>
      tpu.enqueue_indirect_dma source(%arg7 : memref<40x16xf32, #tpu.memory_space<vmem>>) target(%dma_start3A_250 : memref<10000x16xf32, #tpu.memory_space<vmem_shared>>) offsets(%dma_start3A_247 : memref<40xi32, #tpu.memory_space<vmem>>) semaphore(%arg8 : memref<!tpu.dma_semaphore, #tpu.memory_space<semaphore_mem>>) {add = true}
      %dma_wait3A_251 = arith.constant 0 : i32
      %dma_wait3A_252 = arith.constant 0 : i32
      %dma_wait3A_253 = tpu.memref_slice %arg6[%dma_wait3A_251, %dma_wait3A_252] : memref<250x40xi32, #tpu.memory_space<vmem>> -> memref<1x40xi32, #tpu.memory_space<vmem>>
      %dma_wait3A_254 = tpu.memref_squeeze %dma_wait3A_253 : memref<1x40xi32, #tpu.memory_space<vmem>> -> memref<40xi32, #tpu.memory_space<vmem>>
      %dma_wait3A_255 = arith.constant 0 : i32
      %dma_wait3A_256 = arith.constant 0 : i32
      %dma_wait3A_257 = tpu.memref_slice %arg9[%dma_wait3A_255, %dma_wait3A_256] : memref<10000x16xf32, #tpu.memory_space<vmem_shared>> -> memref<10000x16xf32, #tpu.memory_space<vmem_shared>>
      tpu.wait_indirect_dma semaphore(%arg8 : memref<!tpu.dma_semaphore, #tpu.memory_space<semaphore_mem>>) src(%arg7 : memref<40x16xf32, #tpu.memory_space<vmem>>) dst(%dma_wait3A_257 : memref<10000x16xf32, #tpu.memory_space<vmem_shared>>)
      %dma_wait3A_258 = arith.constant 0 : i32
      %dma_wait3A_259 = arith.constant 0 : i32
      %dma_wait3A_260 = tpu.memref_slice %arg6[%dma_wait3A_258, %dma_wait3A_259] : memref<250x40xi32, #tpu.memory_space<vmem>> -> memref<1x40xi32, #tpu.memory_space<vmem>>
      %dma_wait3A_261 = tpu.memref_squeeze %dma_wait3A_260 : memref<1x40xi32, #tpu.memory_space<vmem>> -> memref<40xi32, #tpu.memory_space<vmem>>
      %dma_wait3A_262 = arith.constant 0 : i32
      %dma_wait3A_263 = arith.constant 0 : i32
      %dma_wait3A_264 = tpu.memref_slice %arg9[%dma_wait3A_262, %dma_wait3A_263] : memref<10000x16xf32, #tpu.memory_space<vmem_shared>> -> memref<10000x16xf32, #tpu.memory_space<vmem_shared>>
      tpu.wait_indirect_dma semaphore(%arg8 : memref<!tpu.dma_semaphore, #tpu.memory_space<semaphore_mem>>) src(%arg7 : memref<40x16xf32, #tpu.memory_space<vmem>>) dst(%dma_wait3A_264 : memref<10000x16xf32, #tpu.memory_space<vmem_shared>>)
      %dma_wait3A_265 = arith.constant 0 : i32
      %dma_wait3A_266 = arith.constant 0 : i32
      %dma_wait3A_267 = tpu.memref_slice %arg6[%dma_wait3A_265, %dma_wait3A_266] : memref<250x40xi32, #tpu.memory_space<vmem>> -> memref<1x40xi32, #tpu.memory_space<vmem>>
      %dma_wait3A_268 = tpu.memref_squeeze %dma_wait3A_267 : memref<1x40xi32, #tpu.memory_space<vmem>> -> memref<40xi32, #tpu.memory_space<vmem>>
      %dma_wait3A_269 = arith.constant 0 : i32
      %dma_wait3A_270 = arith.constant 0 : i32
      %dma_wait3A_271 = tpu.memref_slice %arg9[%dma_wait3A_269, %dma_wait3A_270] : memref<10000x16xf32, #tpu.memory_space<vmem_shared>> -> memref<10000x16xf32, #tpu.memory_space<vmem_shared>>
      tpu.wait_indirect_dma semaphore(%arg8 : memref<!tpu.dma_semaphore, #tpu.memory_space<semaphore_mem>>) src(%arg7 : memref<40x16xf32, #tpu.memory_space<vmem>>) dst(%dma_wait3A_271 : memref<10000x16xf32, #tpu.memory_space<vmem_shared>>)
      %dma_wait3A_272 = arith.constant 0 : i32
      %dma_wait3A_273 = arith.constant 0 : i32
      %dma_wait3A_274 = tpu.memref_slice %arg6[%dma_wait3A_272, %dma_wait3A_273] : memref<250x40xi32, #tpu.memory_space<vmem>> -> memref<1x40xi32, #tpu.memory_space<vmem>>
      %dma_wait3A_275 = tpu.memref_squeeze %dma_wait3A_274 : memref<1x40xi32, #tpu.memory_space<vmem>> -> memref<40xi32, #tpu.memory_space<vmem>>
      %dma_wait3A_276 = arith.constant 0 : i32
      %dma_wait3A_277 = arith.constant 0 : i32
      %dma_wait3A_278 = tpu.memref_slice %arg9[%dma_wait3A_276, %dma_wait3A_277] : memref<10000x16xf32, #tpu.memory_space<vmem_shared>> -> memref<10000x16xf32, #tpu.memory_space<vmem_shared>>
      tpu.wait_indirect_dma semaphore(%arg8 : memref<!tpu.dma_semaphore, #tpu.memory_space<semaphore_mem>>) src(%arg7 : memref<40x16xf32, #tpu.memory_space<vmem>>) dst(%dma_wait3A_278 : memref<10000x16xf32, #tpu.memory_space<vmem_shared>>)
      %dma_wait3A_279 = arith.constant 0 : i32
      %dma_wait3A_280 = arith.constant 0 : i32
      %dma_wait3A_281 = tpu.memref_slice %arg6[%dma_wait3A_279, %dma_wait3A_280] : memref<250x40xi32, #tpu.memory_space<vmem>> -> memref<1x40xi32, #tpu.memory_space<vmem>>
      %dma_wait3A_282 = tpu.memref_squeeze %dma_wait3A_281 : memref<1x40xi32, #tpu.memory_space<vmem>> -> memref<40xi32, #tpu.memory_space<vmem>>
      %dma_wait3A_283 = arith.constant 0 : i32
      %dma_wait3A_284 = arith.constant 0 : i32
      %dma_wait3A_285 = tpu.memref_slice %arg9[%dma_wait3A_283, %dma_wait3A_284] : memref<10000x16xf32, #tpu.memory_space<vmem_shared>> -> memref<10000x16xf32, #tpu.memory_space<vmem_shared>>
      tpu.wait_indirect_dma semaphore(%arg8 : memref<!tpu.dma_semaphore, #tpu.memory_space<semaphore_mem>>) src(%arg7 : memref<40x16xf32, #tpu.memory_space<vmem>>) dst(%dma_wait3A_285 : memref<10000x16xf32, #tpu.memory_space<vmem_shared>>)
      %dma_wait3A_286 = arith.constant 0 : i32
      %dma_wait3A_287 = arith.constant 0 : i32
      %dma_wait3A_288 = tpu.memref_slice %arg6[%dma_wait3A_286, %dma_wait3A_287] : memref<250x40xi32, #tpu.memory_space<vmem>> -> memref<1x40xi32, #tpu.memory_space<vmem>>
      %dma_wait3A_289 = tpu.memref_squeeze %dma_wait3A_288 : memref<1x40xi32, #tpu.memory_space<vmem>> -> memref<40xi32, #tpu.memory_space<vmem>>
      %dma_wait3A_290 = arith.constant 0 : i32
      %dma_wait3A_291 = arith.constant 0 : i32
      %dma_wait3A_292 = tpu.memref_slice %arg9[%dma_wait3A_290, %dma_wait3A_291] : memref<10000x16xf32, #tpu.memory_space<vmem_shared>> -> memref<10000x16xf32, #tpu.memory_space<vmem_shared>>
      tpu.wait_indirect_dma semaphore(%arg8 : memref<!tpu.dma_semaphore, #tpu.memory_space<semaphore_mem>>) src(%arg7 : memref<40x16xf32, #tpu.memory_space<vmem>>) dst(%dma_wait3A_292 : memref<10000x16xf32, #tpu.memory_space<vmem_shared>>)
      %dma_wait3A_293 = arith.constant 0 : i32
      %dma_wait3A_294 = arith.constant 0 : i32
      %dma_wait3A_295 = tpu.memref_slice %arg6[%dma_wait3A_293, %dma_wait3A_294] : memref<250x40xi32, #tpu.memory_space<vmem>> -> memref<1x40xi32, #tpu.memory_space<vmem>>
      %dma_wait3A_296 = tpu.memref_squeeze %dma_wait3A_295 : memref<1x40xi32, #tpu.memory_space<vmem>> -> memref<40xi32, #tpu.memory_space<vmem>>
      %dma_wait3A_297 = arith.constant 0 : i32
      %dma_wait3A_298 = arith.constant 0 : i32
      %dma_wait3A_299 = tpu.memref_slice %arg9[%dma_wait3A_297, %dma_wait3A_298] : memref<10000x16xf32, #tpu.memory_space<vmem_shared>> -> memref<10000x16xf32, #tpu.memory_space<vmem_shared>>
      tpu.wait_indirect_dma semaphore(%arg8 : memref<!tpu.dma_semaphore, #tpu.memory_space<semaphore_mem>>) src(%arg7 : memref<40x16xf32, #tpu.memory_space<vmem>>) dst(%dma_wait3A_299 : memref<10000x16xf32, #tpu.memory_space<vmem_shared>>)
      %dma_wait3A_300 = arith.constant 0 : i32
      %dma_wait3A_301 = arith.constant 0 : i32
      %dma_wait3A_302 = tpu.memref_slice %arg6[%dma_wait3A_300, %dma_wait3A_301] : memref<250x40xi32, #tpu.memory_space<vmem>> -> memref<1x40xi32, #tpu.memory_space<vmem>>
      %dma_wait3A_303 = tpu.memref_squeeze %dma_wait3A_302 : memref<1x40xi32, #tpu.memory_space<vmem>> -> memref<40xi32, #tpu.memory_space<vmem>>
      %dma_wait3A_304 = arith.constant 0 : i32
      %dma_wait3A_305 = arith.constant 0 : i32
      %dma_wait3A_306 = tpu.memref_slice %arg9[%dma_wait3A_304, %dma_wait3A_305] : memref<10000x16xf32, #tpu.memory_space<vmem_shared>> -> memref<10000x16xf32, #tpu.memory_space<vmem_shared>>
      tpu.wait_indirect_dma semaphore(%arg8 : memref<!tpu.dma_semaphore, #tpu.memory_space<semaphore_mem>>) src(%arg7 : memref<40x16xf32, #tpu.memory_space<vmem>>) dst(%dma_wait3A_306 : memref<10000x16xf32, #tpu.memory_space<vmem_shared>>)
      %dma_wait3A_307 = arith.constant 0 : i32
      %dma_wait3A_308 = arith.constant 0 : i32
      %dma_wait3A_309 = tpu.memref_slice %arg6[%dma_wait3A_307, %dma_wait3A_308] : memref<250x40xi32, #tpu.memory_space<vmem>> -> memref<1x40xi32, #tpu.memory_space<vmem>>
      %dma_wait3A_310 = tpu.memref_squeeze %dma_wait3A_309 : memref<1x40xi32, #tpu.memory_space<vmem>> -> memref<40xi32, #tpu.memory_space<vmem>>
      %dma_wait3A_311 = arith.constant 0 : i32
      %dma_wait3A_312 = arith.constant 0 : i32
      %dma_wait3A_313 = tpu.memref_slice %arg9[%dma_wait3A_311, %dma_wait3A_312] : memref<10000x16xf32, #tpu.memory_space<vmem_shared>> -> memref<10000x16xf32, #tpu.memory_space<vmem_shared>>
      tpu.wait_indirect_dma semaphore(%arg8 : memref<!tpu.dma_semaphore, #tpu.memory_space<semaphore_mem>>) src(%arg7 : memref<40x16xf32, #tpu.memory_space<vmem>>) dst(%dma_wait3A_313 : memref<10000x16xf32, #tpu.memory_space<vmem_shared>>)
      %dma_wait3A_314 = arith.constant 0 : i32
      %dma_wait3A_315 = arith.constant 0 : i32
      %dma_wait3A_316 = tpu.memref_slice %arg6[%dma_wait3A_314, %dma_wait3A_315] : memref<250x40xi32, #tpu.memory_space<vmem>> -> memref<1x40xi32, #tpu.memory_space<vmem>>
      %dma_wait3A_317 = tpu.memref_squeeze %dma_wait3A_316 : memref<1x40xi32, #tpu.memory_space<vmem>> -> memref<40xi32, #tpu.memory_space<vmem>>
      %dma_wait3A_318 = arith.constant 0 : i32
      %dma_wait3A_319 = arith.constant 0 : i32
      %dma_wait3A_320 = tpu.memref_slice %arg9[%dma_wait3A_318, %dma_wait3A_319] : memref<10000x16xf32, #tpu.memory_space<vmem_shared>> -> memref<10000x16xf32, #tpu.memory_space<vmem_shared>>
      tpu.wait_indirect_dma semaphore(%arg8 : memref<!tpu.dma_semaphore, #tpu.memory_space<semaphore_mem>>) src(%arg7 : memref<40x16xf32, #tpu.memory_space<vmem>>) dst(%dma_wait3A_320 : memref<10000x16xf32, #tpu.memory_space<vmem_shared>>)
    }
    %scan3A_75 = arith.constant 24 : i32
    %dma_wait3A = arith.constant 0 : i32
    %dma_wait3A_76 = arith.constant 0 : i32
    %dma_wait3A_77 = tpu.memref_slice %arg6[%dma_wait3A, %dma_wait3A_76] : memref<250x40xi32, #tpu.memory_space<vmem>> -> memref<1x40xi32, #tpu.memory_space<vmem>>
    %dma_wait3A_78 = tpu.memref_squeeze %dma_wait3A_77 : memref<1x40xi32, #tpu.memory_space<vmem>> -> memref<40xi32, #tpu.memory_space<vmem>>
    %dma_wait3A_79 = arith.constant 0 : i32
    %dma_wait3A_80 = arith.constant 0 : i32
    %dma_wait3A_81 = tpu.memref_slice %arg9[%dma_wait3A_79, %dma_wait3A_80] : memref<10000x16xf32, #tpu.memory_space<vmem_shared>> -> memref<10000x16xf32, #tpu.memory_space<vmem_shared>>
    tpu.wait_indirect_dma semaphore(%arg8 : memref<!tpu.dma_semaphore, #tpu.memory_space<semaphore_mem>>) src(%arg7 : memref<40x16xf32, #tpu.memory_space<vmem>>) dst(%dma_wait3A_81 : memref<10000x16xf32, #tpu.memory_space<vmem_shared>>)
    %dma_wait3A_82 = arith.constant 0 : i32
    %dma_wait3A_83 = arith.constant 0 : i32
    %dma_wait3A_84 = tpu.memref_slice %arg6[%dma_wait3A_82, %dma_wait3A_83] : memref<250x40xi32, #tpu.memory_space<vmem>> -> memref<1x40xi32, #tpu.memory_space<vmem>>
    %dma_wait3A_85 = tpu.memref_squeeze %dma_wait3A_84 : memref<1x40xi32, #tpu.memory_space<vmem>> -> memref<40xi32, #tpu.memory_space<vmem>>
    %dma_wait3A_86 = arith.constant 0 : i32
    %dma_wait3A_87 = arith.constant 0 : i32
    %dma_wait3A_88 = tpu.memref_slice %arg9[%dma_wait3A_86, %dma_wait3A_87] : memref<10000x16xf32, #tpu.memory_space<vmem_shared>> -> memref<10000x16xf32, #tpu.memory_space<vmem_shared>>
    tpu.wait_indirect_dma semaphore(%arg8 : memref<!tpu.dma_semaphore, #tpu.memory_space<semaphore_mem>>) src(%arg7 : memref<40x16xf32, #tpu.memory_space<vmem>>) dst(%dma_wait3A_88 : memref<10000x16xf32, #tpu.memory_space<vmem_shared>>)
    %dma_wait3A_89 = arith.constant 0 : i32
    %dma_wait3A_90 = arith.constant 0 : i32
    %dma_wait3A_91 = tpu.memref_slice %arg6[%dma_wait3A_89, %dma_wait3A_90] : memref<250x40xi32, #tpu.memory_space<vmem>> -> memref<1x40xi32, #tpu.memory_space<vmem>>
    %dma_wait3A_92 = tpu.memref_squeeze %dma_wait3A_91 : memref<1x40xi32, #tpu.memory_space<vmem>> -> memref<40xi32, #tpu.memory_space<vmem>>
    %dma_wait3A_93 = arith.constant 0 : i32
    %dma_wait3A_94 = arith.constant 0 : i32
    %dma_wait3A_95 = tpu.memref_slice %arg9[%dma_wait3A_93, %dma_wait3A_94] : memref<10000x16xf32, #tpu.memory_space<vmem_shared>> -> memref<10000x16xf32, #tpu.memory_space<vmem_shared>>
    tpu.wait_indirect_dma semaphore(%arg8 : memref<!tpu.dma_semaphore, #tpu.memory_space<semaphore_mem>>) src(%arg7 : memref<40x16xf32, #tpu.memory_space<vmem>>) dst(%dma_wait3A_95 : memref<10000x16xf32, #tpu.memory_space<vmem_shared>>)
    %dma_wait3A_96 = arith.constant 0 : i32
    %dma_wait3A_97 = arith.constant 0 : i32
    %dma_wait3A_98 = tpu.memref_slice %arg6[%dma_wait3A_96, %dma_wait3A_97] : memref<250x40xi32, #tpu.memory_space<vmem>> -> memref<1x40xi32, #tpu.memory_space<vmem>>
    %dma_wait3A_99 = tpu.memref_squeeze %dma_wait3A_98 : memref<1x40xi32, #tpu.memory_space<vmem>> -> memref<40xi32, #tpu.memory_space<vmem>>
    %dma_wait3A_100 = arith.constant 0 : i32
    %dma_wait3A_101 = arith.constant 0 : i32
    %dma_wait3A_102 = tpu.memref_slice %arg9[%dma_wait3A_100, %dma_wait3A_101] : memref<10000x16xf32, #tpu.memory_space<vmem_shared>> -> memref<10000x16xf32, #tpu.memory_space<vmem_shared>>
    tpu.wait_indirect_dma semaphore(%arg8 : memref<!tpu.dma_semaphore, #tpu.memory_space<semaphore_mem>>) src(%arg7 : memref<40x16xf32, #tpu.memory_space<vmem>>) dst(%dma_wait3A_102 : memref<10000x16xf32, #tpu.memory_space<vmem_shared>>)
    %dma_wait3A_103 = arith.constant 0 : i32
    %dma_wait3A_104 = arith.constant 0 : i32
    %dma_wait3A_105 = tpu.memref_slice %arg6[%dma_wait3A_103, %dma_wait3A_104] : memref<250x40xi32, #tpu.memory_space<vmem>> -> memref<1x40xi32, #tpu.memory_space<vmem>>
    %dma_wait3A_106 = tpu.memref_squeeze %dma_wait3A_105 : memref<1x40xi32, #tpu.memory_space<vmem>> -> memref<40xi32, #tpu.memory_space<vmem>>
    %dma_wait3A_107 = arith.constant 0 : i32
    %dma_wait3A_108 = arith.constant 0 : i32
    %dma_wait3A_109 = tpu.memref_slice %arg9[%dma_wait3A_107, %dma_wait3A_108] : memref<10000x16xf32, #tpu.memory_space<vmem_shared>> -> memref<10000x16xf32, #tpu.memory_space<vmem_shared>>
    tpu.wait_indirect_dma semaphore(%arg8 : memref<!tpu.dma_semaphore, #tpu.memory_space<semaphore_mem>>) src(%arg7 : memref<40x16xf32, #tpu.memory_space<vmem>>) dst(%dma_wait3A_109 : memref<10000x16xf32, #tpu.memory_space<vmem_shared>>)
    %dma_wait3A_110 = arith.constant 0 : i32
    %dma_wait3A_111 = arith.constant 0 : i32
    %dma_wait3A_112 = tpu.memref_slice %arg6[%dma_wait3A_110, %dma_wait3A_111] : memref<250x40xi32, #tpu.memory_space<vmem>> -> memref<1x40xi32, #tpu.memory_space<vmem>>
    %dma_wait3A_113 = tpu.memref_squeeze %dma_wait3A_112 : memref<1x40xi32, #tpu.memory_space<vmem>> -> memref<40xi32, #tpu.memory_space<vmem>>
    %dma_wait3A_114 = arith.constant 0 : i32
    %dma_wait3A_115 = arith.constant 0 : i32
    %dma_wait3A_116 = tpu.memref_slice %arg9[%dma_wait3A_114, %dma_wait3A_115] : memref<10000x16xf32, #tpu.memory_space<vmem_shared>> -> memref<10000x16xf32, #tpu.memory_space<vmem_shared>>
    tpu.wait_indirect_dma semaphore(%arg8 : memref<!tpu.dma_semaphore, #tpu.memory_space<semaphore_mem>>) src(%arg7 : memref<40x16xf32, #tpu.memory_space<vmem>>) dst(%dma_wait3A_116 : memref<10000x16xf32, #tpu.memory_space<vmem_shared>>)
    %dma_wait3A_117 = arith.constant 0 : i32
    %dma_wait3A_118 = arith.constant 0 : i32
    %dma_wait3A_119 = tpu.memref_slice %arg6[%dma_wait3A_117, %dma_wait3A_118] : memref<250x40xi32, #tpu.memory_space<vmem>> -> memref<1x40xi32, #tpu.memory_space<vmem>>
    %dma_wait3A_120 = tpu.memref_squeeze %dma_wait3A_119 : memref<1x40xi32, #tpu.memory_space<vmem>> -> memref<40xi32, #tpu.memory_space<vmem>>
    %dma_wait3A_121 = arith.constant 0 : i32
    %dma_wait3A_122 = arith.constant 0 : i32
    %dma_wait3A_123 = tpu.memref_slice %arg9[%dma_wait3A_121, %dma_wait3A_122] : memref<10000x16xf32, #tpu.memory_space<vmem_shared>> -> memref<10000x16xf32, #tpu.memory_space<vmem_shared>>
    tpu.wait_indirect_dma semaphore(%arg8 : memref<!tpu.dma_semaphore, #tpu.memory_space<semaphore_mem>>) src(%arg7 : memref<40x16xf32, #tpu.memory_space<vmem>>) dst(%dma_wait3A_123 : memref<10000x16xf32, #tpu.memory_space<vmem_shared>>)
    %dma_wait3A_124 = arith.constant 0 : i32
    %dma_wait3A_125 = arith.constant 0 : i32
    %dma_wait3A_126 = tpu.memref_slice %arg6[%dma_wait3A_124, %dma_wait3A_125] : memref<250x40xi32, #tpu.memory_space<vmem>> -> memref<1x40xi32, #tpu.memory_space<vmem>>
    %dma_wait3A_127 = tpu.memref_squeeze %dma_wait3A_126 : memref<1x40xi32, #tpu.memory_space<vmem>> -> memref<40xi32, #tpu.memory_space<vmem>>
    %dma_wait3A_128 = arith.constant 0 : i32
    %dma_wait3A_129 = arith.constant 0 : i32
    %dma_wait3A_130 = tpu.memref_slice %arg9[%dma_wait3A_128, %dma_wait3A_129] : memref<10000x16xf32, #tpu.memory_space<vmem_shared>> -> memref<10000x16xf32, #tpu.memory_space<vmem_shared>>
    tpu.wait_indirect_dma semaphore(%arg8 : memref<!tpu.dma_semaphore, #tpu.memory_space<semaphore_mem>>) src(%arg7 : memref<40x16xf32, #tpu.memory_space<vmem>>) dst(%dma_wait3A_130 : memref<10000x16xf32, #tpu.memory_space<vmem_shared>>)
    %dma_wait3A_131 = arith.constant 0 : i32
    %dma_wait3A_132 = arith.constant 0 : i32
    %dma_wait3A_133 = tpu.memref_slice %arg6[%dma_wait3A_131, %dma_wait3A_132] : memref<250x40xi32, #tpu.memory_space<vmem>> -> memref<1x40xi32, #tpu.memory_space<vmem>>
    %dma_wait3A_134 = tpu.memref_squeeze %dma_wait3A_133 : memref<1x40xi32, #tpu.memory_space<vmem>> -> memref<40xi32, #tpu.memory_space<vmem>>
    %dma_wait3A_135 = arith.constant 0 : i32
    %dma_wait3A_136 = arith.constant 0 : i32
    %dma_wait3A_137 = tpu.memref_slice %arg9[%dma_wait3A_135, %dma_wait3A_136] : memref<10000x16xf32, #tpu.memory_space<vmem_shared>> -> memref<10000x16xf32, #tpu.memory_space<vmem_shared>>
    tpu.wait_indirect_dma semaphore(%arg8 : memref<!tpu.dma_semaphore, #tpu.memory_space<semaphore_mem>>) src(%arg7 : memref<40x16xf32, #tpu.memory_space<vmem>>) dst(%dma_wait3A_137 : memref<10000x16xf32, #tpu.memory_space<vmem_shared>>)
    %dma_wait3A_138 = arith.constant 0 : i32
    %dma_wait3A_139 = arith.constant 0 : i32
    %dma_wait3A_140 = tpu.memref_slice %arg6[%dma_wait3A_138, %dma_wait3A_139] : memref<250x40xi32, #tpu.memory_space<vmem>> -> memref<1x40xi32, #tpu.memory_space<vmem>>
    %dma_wait3A_141 = tpu.memref_squeeze %dma_wait3A_140 : memref<1x40xi32, #tpu.memory_space<vmem>> -> memref<40xi32, #tpu.memory_space<vmem>>
    %dma_wait3A_142 = arith.constant 0 : i32
    %dma_wait3A_143 = arith.constant 0 : i32
    %dma_wait3A_144 = tpu.memref_slice %arg9[%dma_wait3A_142, %dma_wait3A_143] : memref<10000x16xf32, #tpu.memory_space<vmem_shared>> -> memref<10000x16xf32, #tpu.memory_space<vmem_shared>>
    tpu.wait_indirect_dma semaphore(%arg8 : memref<!tpu.dma_semaphore, #tpu.memory_space<semaphore_mem>>) src(%arg7 : memref<40x16xf32, #tpu.memory_space<vmem>>) dst(%dma_wait3A_144 : memref<10000x16xf32, #tpu.memory_space<vmem_shared>>)
    %barrier3A_145 = arith.constant 0 : index
    tpu.barrier barrier_id(%barrier3A_145)
    "tpu.region"() ({
      %run_scoped3A_146 = tpu.sem_alloc : memref<!tpu.dma_semaphore, #tpu.memory_space<semaphore_mem>>
      %dma_start3A_147 = arith.constant 0 : i32
      %dma_start3A_148 = tpu.memref_slice %arg5[%arg0, %mul3A_2, %dma_start3A_147] : memref<2x10000x16xf32, #tpu.memory_space<hbm>> -> memref<1x625x16xf32, #tpu.memory_space<hbm>>
      %dma_start3A_149 = tpu.memref_squeeze %dma_start3A_148 : memref<1x625x16xf32, #tpu.memory_space<hbm>> -> memref<625x16xf32, #tpu.memory_space<hbm>>
      %dma_start3A_150 = arith.constant 0 : i32
      %dma_start3A_151 = tpu.memref_slice %arg9[%mul3A_2, %dma_start3A_150] : memref<10000x16xf32, #tpu.memory_space<vmem_shared>> -> memref<625x16xf32, #tpu.memory_space<vmem_shared>>
      tpu.enqueue_dma source(%dma_start3A_151 : memref<625x16xf32, #tpu.memory_space<vmem_shared>>) target(%dma_start3A_149 : memref<625x16xf32, #tpu.memory_space<hbm>>) target_semaphore(%run_scoped3A_146 : memref<!tpu.dma_semaphore, #tpu.memory_space<semaphore_mem>>)
      %dma_wait3A_152 = arith.constant 0 : i32
      %dma_wait3A_153 = tpu.memref_slice %arg5[%arg0, %mul3A_2, %dma_wait3A_152] : memref<2x10000x16xf32, #tpu.memory_space<hbm>> -> memref<1x625x16xf32, #tpu.memory_space<hbm>>
      %dma_wait3A_154 = tpu.memref_squeeze %dma_wait3A_153 : memref<1x625x16xf32, #tpu.memory_space<hbm>> -> memref<625x16xf32, #tpu.memory_space<hbm>>
      %dma_wait3A_155 = arith.constant 0 : i32
      %dma_wait3A_156 = tpu.memref_slice %arg9[%mul3A_2, %dma_wait3A_155] : memref<10000x16xf32, #tpu.memory_space<vmem_shared>> -> memref<625x16xf32, #tpu.memory_space<vmem_shared>>
      tpu.wait_dma2 semaphore(%run_scoped3A_146 : memref<!tpu.dma_semaphore, #tpu.memory_space<semaphore_mem>>) src(%dma_wait3A_156 : memref<625x16xf32, #tpu.memory_space<vmem_shared>>) dst(%dma_wait3A_154 : memref<625x16xf32, #tpu.memory_space<hbm>>)
      tpu.yield
    }) : () -> ()
    return
  }
}

#map = affine_map<(d0, d1) -> (0, 0)>
#map1 = affine_map<(d0, d1) -> (0, 0, 0, 0)>
#map2 = affine_map<(d0, d1) -> (0, 0, 0)>
module attributes {stable_mosaic.version = 14 : i64} {
  func.func @body(%arg0: i32, %arg1: i32, %arg2: memref<10000x48xf32, #tpu.memory_space<hbm>>, %arg3: memref<2x32x250x40xi32, #tpu.memory_space<hbm>>, %arg4: memref<10000x48xf32, #tpu.memory_space<hbm>>, %arg5: memref<2x10000x48xf32, #tpu.memory_space<hbm>>, %arg6: memref<250x40xi32, #tpu.memory_space<vmem>>, %arg7: memref<250x40xi32, #tpu.memory_space<vmem>>, %arg8: memref<40x48xf32, #tpu.memory_space<vmem>>, %arg9: memref<40x48xf32, #tpu.memory_space<vmem>>, %arg10: memref<40x48xf32, #tpu.memory_space<vmem>>, %arg11: memref<40x48xf32, #tpu.memory_space<vmem>>, %arg12: memref<40x48xf32, #tpu.memory_space<vmem>>, %arg13: memref<!tpu.dma_semaphore, #tpu.memory_space<semaphore_mem>>, %arg14: memref<!tpu.dma_semaphore, #tpu.memory_space<semaphore_mem>>, %arg15: memref<!tpu.dma_semaphore, #tpu.memory_space<semaphore_mem>>, %arg16: memref<!tpu.dma_semaphore, #tpu.memory_space<semaphore_mem>>, %arg17: memref<!tpu.dma_semaphore, #tpu.memory_space<semaphore_mem>>, %arg18: memref<!tpu.dma_semaphore, #tpu.memory_space<semaphore_mem>>, %arg19: memref<!tpu.dma_semaphore, #tpu.memory_space<semaphore_mem>>, %arg20: memref<!tpu.dma_semaphore, #tpu.memory_space<semaphore_mem>>, %arg21: memref<!tpu.dma_semaphore, #tpu.memory_space<semaphore_mem>>, %arg22: memref<!tpu.dma_semaphore, #tpu.memory_space<semaphore_mem>>, %arg23: memref<10000x48xf32, #tpu.memory_space<vmem_shared>>) attributes {dimension_semantics = [#tpu.dimension_semantics<core_parallel>, #tpu.dimension_semantics<subcore_parallel>], iteration_bounds = array<i64: 2, 16>, scalar_prefetch = 0 : i64, scratch_operands = 18 : i64, tpu.core_type = #tpu.core_type<sc_vector_subcore>, window_params = [{transform_indices = #map}, {transform_indices = #map1}, {transform_indices = #map}, {transform_indices = #map2}]} {
    %mul3A = arith.constant 2 : i32
    %mul3A_0 = arith.muli %arg1, %mul3A : i32
    %add3A = arith.addi %mul3A_0, %arg0 : i32
    %mul3A_1 = arith.constant 625 : i32
    %mul3A_2 = arith.muli %arg1, %mul3A_1 : i32
    "tpu.region"() ({
      %run_scoped3A_147 = tpu.sem_alloc : memref<!tpu.dma_semaphore, #tpu.memory_space<semaphore_mem>>
      %dma_start3A_148 = arith.constant 0 : i32
      %dma_start3A_149 = tpu.memref_slice %arg23[%mul3A_2, %dma_start3A_148] : memref<10000x48xf32, #tpu.memory_space<vmem_shared>> -> memref<625x48xf32, #tpu.memory_space<vmem_shared>>
      %dma_start3A_150 = arith.constant 0 : i32
      %dma_start3A_151 = tpu.memref_slice %arg4[%mul3A_2, %dma_start3A_150] : memref<10000x48xf32, #tpu.memory_space<hbm>> -> memref<625x48xf32, #tpu.memory_space<hbm>>
      tpu.enqueue_dma source(%dma_start3A_151 : memref<625x48xf32, #tpu.memory_space<hbm>>) target(%dma_start3A_149 : memref<625x48xf32, #tpu.memory_space<vmem_shared>>) target_semaphore(%run_scoped3A_147 : memref<!tpu.dma_semaphore, #tpu.memory_space<semaphore_mem>>)
      %dma_wait3A_152 = arith.constant 0 : i32
      %dma_wait3A_153 = tpu.memref_slice %arg23[%mul3A_2, %dma_wait3A_152] : memref<10000x48xf32, #tpu.memory_space<vmem_shared>> -> memref<625x48xf32, #tpu.memory_space<vmem_shared>>
      %dma_wait3A_154 = arith.constant 0 : i32
      %dma_wait3A_155 = tpu.memref_slice %arg4[%mul3A_2, %dma_wait3A_154] : memref<10000x48xf32, #tpu.memory_space<hbm>> -> memref<625x48xf32, #tpu.memory_space<hbm>>
      tpu.wait_dma2 semaphore(%run_scoped3A_147 : memref<!tpu.dma_semaphore, #tpu.memory_space<semaphore_mem>>) src(%dma_wait3A_155 : memref<625x48xf32, #tpu.memory_space<hbm>>) dst(%dma_wait3A_153 : memref<625x48xf32, #tpu.memory_space<vmem_shared>>)
      tpu.yield
    }) : () -> ()
    %run_scoped3A = arith.constant 0 : i32
    "tpu.region"() ({
      %run_scoped3A_147 = tpu.sem_alloc : memref<!tpu.dma_semaphore, #tpu.memory_space<semaphore_mem>>
      %dma_start3A_148 = arith.constant 0 : i32
      %dma_start3A_149 = arith.constant 0 : i32
      %dma_start3A_150 = tpu.memref_slice %arg3[%run_scoped3A, %add3A, %dma_start3A_148, %dma_start3A_149] : memref<2x32x250x40xi32, #tpu.memory_space<hbm>> -> memref<1x1x250x40xi32, #tpu.memory_space<hbm>>
      %dma_start3A_151 = tpu.memref_squeeze %dma_start3A_150 : memref<1x1x250x40xi32, #tpu.memory_space<hbm>> -> memref<250x40xi32, #tpu.memory_space<hbm>>
      %dma_start3A_152 = arith.constant 0 : i32
      %dma_start3A_153 = arith.constant 0 : i32
      %dma_start3A_154 = tpu.memref_slice %arg3[%run_scoped3A, %add3A, %dma_start3A_152, %dma_start3A_153] : memref<2x32x250x40xi32, #tpu.memory_space<hbm>> -> memref<1x1x250x40xi32, #tpu.memory_space<hbm>>
      %dma_start3A_155 = tpu.memref_squeeze %dma_start3A_154 : memref<1x1x250x40xi32, #tpu.memory_space<hbm>> -> memref<250x40xi32, #tpu.memory_space<hbm>>
      tpu.enqueue_dma source(%dma_start3A_155 : memref<250x40xi32, #tpu.memory_space<hbm>>) target(%arg6 : memref<250x40xi32, #tpu.memory_space<vmem>>) target_semaphore(%run_scoped3A_147 : memref<!tpu.dma_semaphore, #tpu.memory_space<semaphore_mem>>)
      %dma_wait3A_156 = arith.constant 0 : i32
      %dma_wait3A_157 = arith.constant 0 : i32
      %dma_wait3A_158 = tpu.memref_slice %arg3[%run_scoped3A, %add3A, %dma_wait3A_156, %dma_wait3A_157] : memref<2x32x250x40xi32, #tpu.memory_space<hbm>> -> memref<1x1x250x40xi32, #tpu.memory_space<hbm>>
      %dma_wait3A_159 = tpu.memref_squeeze %dma_wait3A_158 : memref<1x1x250x40xi32, #tpu.memory_space<hbm>> -> memref<250x40xi32, #tpu.memory_space<hbm>>
      %dma_wait3A_160 = arith.constant 0 : i32
      %dma_wait3A_161 = arith.constant 0 : i32
      %dma_wait3A_162 = tpu.memref_slice %arg3[%run_scoped3A, %add3A, %dma_wait3A_160, %dma_wait3A_161] : memref<2x32x250x40xi32, #tpu.memory_space<hbm>> -> memref<1x1x250x40xi32, #tpu.memory_space<hbm>>
      %dma_wait3A_163 = tpu.memref_squeeze %dma_wait3A_162 : memref<1x1x250x40xi32, #tpu.memory_space<hbm>> -> memref<250x40xi32, #tpu.memory_space<hbm>>
      tpu.wait_dma2 semaphore(%run_scoped3A_147 : memref<!tpu.dma_semaphore, #tpu.memory_space<semaphore_mem>>) src(%dma_wait3A_163 : memref<250x40xi32, #tpu.memory_space<hbm>>) dst(%arg6 : memref<250x40xi32, #tpu.memory_space<vmem>>)
      tpu.yield
    }) : () -> ()
    %run_scoped3A_3 = arith.constant 1 : i32
    "tpu.region"() ({
      %run_scoped3A_147 = tpu.sem_alloc : memref<!tpu.dma_semaphore, #tpu.memory_space<semaphore_mem>>
      %dma_start3A_148 = arith.constant 0 : i32
      %dma_start3A_149 = arith.constant 0 : i32
      %dma_start3A_150 = tpu.memref_slice %arg3[%run_scoped3A_3, %add3A, %dma_start3A_148, %dma_start3A_149] : memref<2x32x250x40xi32, #tpu.memory_space<hbm>> -> memref<1x1x250x40xi32, #tpu.memory_space<hbm>>
      %dma_start3A_151 = tpu.memref_squeeze %dma_start3A_150 : memref<1x1x250x40xi32, #tpu.memory_space<hbm>> -> memref<250x40xi32, #tpu.memory_space<hbm>>
      %dma_start3A_152 = arith.constant 0 : i32
      %dma_start3A_153 = arith.constant 0 : i32
      %dma_start3A_154 = tpu.memref_slice %arg3[%run_scoped3A_3, %add3A, %dma_start3A_152, %dma_start3A_153] : memref<2x32x250x40xi32, #tpu.memory_space<hbm>> -> memref<1x1x250x40xi32, #tpu.memory_space<hbm>>
      %dma_start3A_155 = tpu.memref_squeeze %dma_start3A_154 : memref<1x1x250x40xi32, #tpu.memory_space<hbm>> -> memref<250x40xi32, #tpu.memory_space<hbm>>
      tpu.enqueue_dma source(%dma_start3A_155 : memref<250x40xi32, #tpu.memory_space<hbm>>) target(%arg7 : memref<250x40xi32, #tpu.memory_space<vmem>>) target_semaphore(%run_scoped3A_147 : memref<!tpu.dma_semaphore, #tpu.memory_space<semaphore_mem>>)
      %dma_wait3A_156 = arith.constant 0 : i32
      %dma_wait3A_157 = arith.constant 0 : i32
      %dma_wait3A_158 = tpu.memref_slice %arg3[%run_scoped3A_3, %add3A, %dma_wait3A_156, %dma_wait3A_157] : memref<2x32x250x40xi32, #tpu.memory_space<hbm>> -> memref<1x1x250x40xi32, #tpu.memory_space<hbm>>
      %dma_wait3A_159 = tpu.memref_squeeze %dma_wait3A_158 : memref<1x1x250x40xi32, #tpu.memory_space<hbm>> -> memref<250x40xi32, #tpu.memory_space<hbm>>
      %dma_wait3A_160 = arith.constant 0 : i32
      %dma_wait3A_161 = arith.constant 0 : i32
      %dma_wait3A_162 = tpu.memref_slice %arg3[%run_scoped3A_3, %add3A, %dma_wait3A_160, %dma_wait3A_161] : memref<2x32x250x40xi32, #tpu.memory_space<hbm>> -> memref<1x1x250x40xi32, #tpu.memory_space<hbm>>
      %dma_wait3A_163 = tpu.memref_squeeze %dma_wait3A_162 : memref<1x1x250x40xi32, #tpu.memory_space<hbm>> -> memref<250x40xi32, #tpu.memory_space<hbm>>
      tpu.wait_dma2 semaphore(%run_scoped3A_147 : memref<!tpu.dma_semaphore, #tpu.memory_space<semaphore_mem>>) src(%dma_wait3A_163 : memref<250x40xi32, #tpu.memory_space<hbm>>) dst(%arg7 : memref<250x40xi32, #tpu.memory_space<vmem>>)
      tpu.yield
    }) : () -> ()
    %barrier3A = arith.constant 0 : index
    tpu.barrier barrier_id(%barrier3A)
    %dma_start3A = arith.constant 0 : i32
    %dma_start3A_4 = arith.constant 0 : i32
    %dma_start3A_5 = tpu.memref_slice %arg6[%dma_start3A, %dma_start3A_4] : memref<250x40xi32, #tpu.memory_space<vmem>> -> memref<1x40xi32, #tpu.memory_space<vmem>>
    %dma_start3A_6 = tpu.memref_squeeze %dma_start3A_5 : memref<1x40xi32, #tpu.memory_space<vmem>> -> memref<40xi32, #tpu.memory_space<vmem>>
    %dma_start3A_7 = arith.constant 0 : i32
    %dma_start3A_8 = arith.constant 0 : i32
    %dma_start3A_9 = tpu.memref_slice %arg2[%dma_start3A_7, %dma_start3A_8] : memref<10000x48xf32, #tpu.memory_space<hbm>> -> memref<10000x48xf32, #tpu.memory_space<hbm>>
    tpu.enqueue_indirect_dma source(%dma_start3A_9 : memref<10000x48xf32, #tpu.memory_space<hbm>>) target(%arg8 : memref<40x48xf32, #tpu.memory_space<vmem>>) offsets(%dma_start3A_6 : memref<40xi32, #tpu.memory_space<vmem>>) semaphore(%arg13 : memref<!tpu.dma_semaphore, #tpu.memory_space<semaphore_mem>>)
    %dma_start3A_10 = arith.constant 1 : i32
    %dma_start3A_11 = arith.constant 0 : i32
    %dma_start3A_12 = tpu.memref_slice %arg6[%dma_start3A_10, %dma_start3A_11] : memref<250x40xi32, #tpu.memory_space<vmem>> -> memref<1x40xi32, #tpu.memory_space<vmem>>
    %dma_start3A_13 = tpu.memref_squeeze %dma_start3A_12 : memref<1x40xi32, #tpu.memory_space<vmem>> -> memref<40xi32, #tpu.memory_space<vmem>>
    %dma_start3A_14 = arith.constant 0 : i32
    %dma_start3A_15 = arith.constant 0 : i32
    %dma_start3A_16 = tpu.memref_slice %arg2[%dma_start3A_14, %dma_start3A_15] : memref<10000x48xf32, #tpu.memory_space<hbm>> -> memref<10000x48xf32, #tpu.memory_space<hbm>>
    tpu.enqueue_indirect_dma source(%dma_start3A_16 : memref<10000x48xf32, #tpu.memory_space<hbm>>) target(%arg9 : memref<40x48xf32, #tpu.memory_space<vmem>>) offsets(%dma_start3A_13 : memref<40xi32, #tpu.memory_space<vmem>>) semaphore(%arg14 : memref<!tpu.dma_semaphore, #tpu.memory_space<semaphore_mem>>)
    %dma_start3A_17 = arith.constant 2 : i32
    %dma_start3A_18 = arith.constant 0 : i32
    %dma_start3A_19 = tpu.memref_slice %arg6[%dma_start3A_17, %dma_start3A_18] : memref<250x40xi32, #tpu.memory_space<vmem>> -> memref<1x40xi32, #tpu.memory_space<vmem>>
    %dma_start3A_20 = tpu.memref_squeeze %dma_start3A_19 : memref<1x40xi32, #tpu.memory_space<vmem>> -> memref<40xi32, #tpu.memory_space<vmem>>
    %dma_start3A_21 = arith.constant 0 : i32
    %dma_start3A_22 = arith.constant 0 : i32
    %dma_start3A_23 = tpu.memref_slice %arg2[%dma_start3A_21, %dma_start3A_22] : memref<10000x48xf32, #tpu.memory_space<hbm>> -> memref<10000x48xf32, #tpu.memory_space<hbm>>
    tpu.enqueue_indirect_dma source(%dma_start3A_23 : memref<10000x48xf32, #tpu.memory_space<hbm>>) target(%arg10 : memref<40x48xf32, #tpu.memory_space<vmem>>) offsets(%dma_start3A_20 : memref<40xi32, #tpu.memory_space<vmem>>) semaphore(%arg15 : memref<!tpu.dma_semaphore, #tpu.memory_space<semaphore_mem>>)
    %dma_start3A_24 = arith.constant 3 : i32
    %dma_start3A_25 = arith.constant 0 : i32
    %dma_start3A_26 = tpu.memref_slice %arg6[%dma_start3A_24, %dma_start3A_25] : memref<250x40xi32, #tpu.memory_space<vmem>> -> memref<1x40xi32, #tpu.memory_space<vmem>>
    %dma_start3A_27 = tpu.memref_squeeze %dma_start3A_26 : memref<1x40xi32, #tpu.memory_space<vmem>> -> memref<40xi32, #tpu.memory_space<vmem>>
    %dma_start3A_28 = arith.constant 0 : i32
    %dma_start3A_29 = arith.constant 0 : i32
    %dma_start3A_30 = tpu.memref_slice %arg2[%dma_start3A_28, %dma_start3A_29] : memref<10000x48xf32, #tpu.memory_space<hbm>> -> memref<10000x48xf32, #tpu.memory_space<hbm>>
    tpu.enqueue_indirect_dma source(%dma_start3A_30 : memref<10000x48xf32, #tpu.memory_space<hbm>>) target(%arg11 : memref<40x48xf32, #tpu.memory_space<vmem>>) offsets(%dma_start3A_27 : memref<40xi32, #tpu.memory_space<vmem>>) semaphore(%arg16 : memref<!tpu.dma_semaphore, #tpu.memory_space<semaphore_mem>>)
    %dma_start3A_31 = arith.constant 4 : i32
    %dma_start3A_32 = arith.constant 0 : i32
    %dma_start3A_33 = tpu.memref_slice %arg6[%dma_start3A_31, %dma_start3A_32] : memref<250x40xi32, #tpu.memory_space<vmem>> -> memref<1x40xi32, #tpu.memory_space<vmem>>
    %dma_start3A_34 = tpu.memref_squeeze %dma_start3A_33 : memref<1x40xi32, #tpu.memory_space<vmem>> -> memref<40xi32, #tpu.memory_space<vmem>>
    %dma_start3A_35 = arith.constant 0 : i32
    %dma_start3A_36 = arith.constant 0 : i32
    %dma_start3A_37 = tpu.memref_slice %arg2[%dma_start3A_35, %dma_start3A_36] : memref<10000x48xf32, #tpu.memory_space<hbm>> -> memref<10000x48xf32, #tpu.memory_space<hbm>>
    tpu.enqueue_indirect_dma source(%dma_start3A_37 : memref<10000x48xf32, #tpu.memory_space<hbm>>) target(%arg12 : memref<40x48xf32, #tpu.memory_space<vmem>>) offsets(%dma_start3A_34 : memref<40xi32, #tpu.memory_space<vmem>>) semaphore(%arg17 : memref<!tpu.dma_semaphore, #tpu.memory_space<semaphore_mem>>)
    %scan3A = arith.constant 0 : i32
    %scan3A_38 = arith.constant 49 : i32
    %scan3A_39 = arith.addi %scan3A, %scan3A_38 : i32
    %scan3A_40 = arith.constant 1 : i32
    scf.for %scan3A_147 = %scan3A to %scan3A_39 step %scan3A_40  : i32 {
      %mul3A_148 = arith.constant 5 : i32
      %mul3A_149 = arith.muli %scan3A_147, %mul3A_148 : i32
      %add3A_150 = arith.constant 0 : i32
      %add3A_151 = arith.addi %add3A_150, %mul3A_149 : i32
      %add3A_152 = arith.constant 0 : i32
      %add3A_153 = arith.addi %add3A_151, %add3A_152 : i32
      %dma_wait3A_154 = arith.constant 0 : i32
      %dma_wait3A_155 = tpu.memref_slice %arg6[%add3A_153, %dma_wait3A_154] : memref<250x40xi32, #tpu.memory_space<vmem>> -> memref<1x40xi32, #tpu.memory_space<vmem>>
      %dma_wait3A_156 = tpu.memref_squeeze %dma_wait3A_155 : memref<1x40xi32, #tpu.memory_space<vmem>> -> memref<40xi32, #tpu.memory_space<vmem>>
      %dma_wait3A_157 = arith.constant 0 : i32
      %dma_wait3A_158 = arith.constant 0 : i32
      %dma_wait3A_159 = tpu.memref_slice %arg2[%dma_wait3A_157, %dma_wait3A_158] : memref<10000x48xf32, #tpu.memory_space<hbm>> -> memref<10000x48xf32, #tpu.memory_space<hbm>>
      tpu.wait_indirect_dma semaphore(%arg13 : memref<!tpu.dma_semaphore, #tpu.memory_space<semaphore_mem>>) src(%dma_wait3A_159 : memref<10000x48xf32, #tpu.memory_space<hbm>>) dst(%arg8 : memref<40x48xf32, #tpu.memory_space<vmem>>)
      %dma_start3A_160 = arith.constant 0 : i32
      %dma_start3A_161 = tpu.memref_slice %arg7[%add3A_153, %dma_start3A_160] : memref<250x40xi32, #tpu.memory_space<vmem>> -> memref<1x40xi32, #tpu.memory_space<vmem>>
      %dma_start3A_162 = tpu.memref_squeeze %dma_start3A_161 : memref<1x40xi32, #tpu.memory_space<vmem>> -> memref<40xi32, #tpu.memory_space<vmem>>
      %dma_start3A_163 = arith.constant 0 : i32
      %dma_start3A_164 = arith.constant 0 : i32
      %dma_start3A_165 = tpu.memref_slice %arg23[%dma_start3A_163, %dma_start3A_164] : memref<10000x48xf32, #tpu.memory_space<vmem_shared>> -> memref<10000x48xf32, #tpu.memory_space<vmem_shared>>
      tpu.enqueue_indirect_dma source(%arg8 : memref<40x48xf32, #tpu.memory_space<vmem>>) target(%dma_start3A_165 : memref<10000x48xf32, #tpu.memory_space<vmem_shared>>) offsets(%dma_start3A_162 : memref<40xi32, #tpu.memory_space<vmem>>) semaphore(%arg18 : memref<!tpu.dma_semaphore, #tpu.memory_space<semaphore_mem>>) {add = true}
      %dma_wait3A_166 = arith.constant 0 : i32
      %dma_wait3A_167 = arith.constant 0 : i32
      %dma_wait3A_168 = tpu.memref_slice %arg7[%dma_wait3A_166, %dma_wait3A_167] : memref<250x40xi32, #tpu.memory_space<vmem>> -> memref<1x40xi32, #tpu.memory_space<vmem>>
      %dma_wait3A_169 = tpu.memref_squeeze %dma_wait3A_168 : memref<1x40xi32, #tpu.memory_space<vmem>> -> memref<40xi32, #tpu.memory_space<vmem>>
      %dma_wait3A_170 = arith.constant 0 : i32
      %dma_wait3A_171 = arith.constant 0 : i32
      %dma_wait3A_172 = tpu.memref_slice %arg23[%dma_wait3A_170, %dma_wait3A_171] : memref<10000x48xf32, #tpu.memory_space<vmem_shared>> -> memref<10000x48xf32, #tpu.memory_space<vmem_shared>>
      tpu.wait_indirect_dma semaphore(%arg18 : memref<!tpu.dma_semaphore, #tpu.memory_space<semaphore_mem>>) src(%arg8 : memref<40x48xf32, #tpu.memory_space<vmem>>) dst(%dma_wait3A_172 : memref<10000x48xf32, #tpu.memory_space<vmem_shared>>)
      %add3A_173 = arith.constant 5 : i32
      %add3A_174 = arith.addi %add3A_153, %add3A_173 : i32
      %dma_start3A_175 = arith.constant 0 : i32
      %dma_start3A_176 = tpu.memref_slice %arg6[%add3A_174, %dma_start3A_175] : memref<250x40xi32, #tpu.memory_space<vmem>> -> memref<1x40xi32, #tpu.memory_space<vmem>>
      %dma_start3A_177 = tpu.memref_squeeze %dma_start3A_176 : memref<1x40xi32, #tpu.memory_space<vmem>> -> memref<40xi32, #tpu.memory_space<vmem>>
      %dma_start3A_178 = arith.constant 0 : i32
      %dma_start3A_179 = arith.constant 0 : i32
      %dma_start3A_180 = tpu.memref_slice %arg2[%dma_start3A_178, %dma_start3A_179] : memref<10000x48xf32, #tpu.memory_space<hbm>> -> memref<10000x48xf32, #tpu.memory_space<hbm>>
      tpu.enqueue_indirect_dma source(%dma_start3A_180 : memref<10000x48xf32, #tpu.memory_space<hbm>>) target(%arg8 : memref<40x48xf32, #tpu.memory_space<vmem>>) offsets(%dma_start3A_177 : memref<40xi32, #tpu.memory_space<vmem>>) semaphore(%arg13 : memref<!tpu.dma_semaphore, #tpu.memory_space<semaphore_mem>>)
      %add3A_181 = arith.constant 1 : i32
      %add3A_182 = arith.addi %add3A_151, %add3A_181 : i32
      %dma_wait3A_183 = arith.constant 0 : i32
      %dma_wait3A_184 = tpu.memref_slice %arg6[%add3A_182, %dma_wait3A_183] : memref<250x40xi32, #tpu.memory_space<vmem>> -> memref<1x40xi32, #tpu.memory_space<vmem>>
      %dma_wait3A_185 = tpu.memref_squeeze %dma_wait3A_184 : memref<1x40xi32, #tpu.memory_space<vmem>> -> memref<40xi32, #tpu.memory_space<vmem>>
      %dma_wait3A_186 = arith.constant 0 : i32
      %dma_wait3A_187 = arith.constant 0 : i32
      %dma_wait3A_188 = tpu.memref_slice %arg2[%dma_wait3A_186, %dma_wait3A_187] : memref<10000x48xf32, #tpu.memory_space<hbm>> -> memref<10000x48xf32, #tpu.memory_space<hbm>>
      tpu.wait_indirect_dma semaphore(%arg14 : memref<!tpu.dma_semaphore, #tpu.memory_space<semaphore_mem>>) src(%dma_wait3A_188 : memref<10000x48xf32, #tpu.memory_space<hbm>>) dst(%arg9 : memref<40x48xf32, #tpu.memory_space<vmem>>)
      %dma_start3A_189 = arith.constant 0 : i32
      %dma_start3A_190 = tpu.memref_slice %arg7[%add3A_182, %dma_start3A_189] : memref<250x40xi32, #tpu.memory_space<vmem>> -> memref<1x40xi32, #tpu.memory_space<vmem>>
      %dma_start3A_191 = tpu.memref_squeeze %dma_start3A_190 : memref<1x40xi32, #tpu.memory_space<vmem>> -> memref<40xi32, #tpu.memory_space<vmem>>
      %dma_start3A_192 = arith.constant 0 : i32
      %dma_start3A_193 = arith.constant 0 : i32
      %dma_start3A_194 = tpu.memref_slice %arg23[%dma_start3A_192, %dma_start3A_193] : memref<10000x48xf32, #tpu.memory_space<vmem_shared>> -> memref<10000x48xf32, #tpu.memory_space<vmem_shared>>
      tpu.enqueue_indirect_dma source(%arg9 : memref<40x48xf32, #tpu.memory_space<vmem>>) target(%dma_start3A_194 : memref<10000x48xf32, #tpu.memory_space<vmem_shared>>) offsets(%dma_start3A_191 : memref<40xi32, #tpu.memory_space<vmem>>) semaphore(%arg19 : memref<!tpu.dma_semaphore, #tpu.memory_space<semaphore_mem>>) {add = true}
      %dma_wait3A_195 = arith.constant 0 : i32
      %dma_wait3A_196 = arith.constant 0 : i32
      %dma_wait3A_197 = tpu.memref_slice %arg7[%dma_wait3A_195, %dma_wait3A_196] : memref<250x40xi32, #tpu.memory_space<vmem>> -> memref<1x40xi32, #tpu.memory_space<vmem>>
      %dma_wait3A_198 = tpu.memref_squeeze %dma_wait3A_197 : memref<1x40xi32, #tpu.memory_space<vmem>> -> memref<40xi32, #tpu.memory_space<vmem>>
      %dma_wait3A_199 = arith.constant 0 : i32
      %dma_wait3A_200 = arith.constant 0 : i32
      %dma_wait3A_201 = tpu.memref_slice %arg23[%dma_wait3A_199, %dma_wait3A_200] : memref<10000x48xf32, #tpu.memory_space<vmem_shared>> -> memref<10000x48xf32, #tpu.memory_space<vmem_shared>>
      tpu.wait_indirect_dma semaphore(%arg19 : memref<!tpu.dma_semaphore, #tpu.memory_space<semaphore_mem>>) src(%arg9 : memref<40x48xf32, #tpu.memory_space<vmem>>) dst(%dma_wait3A_201 : memref<10000x48xf32, #tpu.memory_space<vmem_shared>>)
      %add3A_202 = arith.constant 5 : i32
      %add3A_203 = arith.addi %add3A_182, %add3A_202 : i32
      %dma_start3A_204 = arith.constant 0 : i32
      %dma_start3A_205 = tpu.memref_slice %arg6[%add3A_203, %dma_start3A_204] : memref<250x40xi32, #tpu.memory_space<vmem>> -> memref<1x40xi32, #tpu.memory_space<vmem>>
      %dma_start3A_206 = tpu.memref_squeeze %dma_start3A_205 : memref<1x40xi32, #tpu.memory_space<vmem>> -> memref<40xi32, #tpu.memory_space<vmem>>
      %dma_start3A_207 = arith.constant 0 : i32
      %dma_start3A_208 = arith.constant 0 : i32
      %dma_start3A_209 = tpu.memref_slice %arg2[%dma_start3A_207, %dma_start3A_208] : memref<10000x48xf32, #tpu.memory_space<hbm>> -> memref<10000x48xf32, #tpu.memory_space<hbm>>
      tpu.enqueue_indirect_dma source(%dma_start3A_209 : memref<10000x48xf32, #tpu.memory_space<hbm>>) target(%arg9 : memref<40x48xf32, #tpu.memory_space<vmem>>) offsets(%dma_start3A_206 : memref<40xi32, #tpu.memory_space<vmem>>) semaphore(%arg14 : memref<!tpu.dma_semaphore, #tpu.memory_space<semaphore_mem>>)
      %add3A_210 = arith.constant 2 : i32
      %add3A_211 = arith.addi %add3A_151, %add3A_210 : i32
      %dma_wait3A_212 = arith.constant 0 : i32
      %dma_wait3A_213 = tpu.memref_slice %arg6[%add3A_211, %dma_wait3A_212] : memref<250x40xi32, #tpu.memory_space<vmem>> -> memref<1x40xi32, #tpu.memory_space<vmem>>
      %dma_wait3A_214 = tpu.memref_squeeze %dma_wait3A_213 : memref<1x40xi32, #tpu.memory_space<vmem>> -> memref<40xi32, #tpu.memory_space<vmem>>
      %dma_wait3A_215 = arith.constant 0 : i32
      %dma_wait3A_216 = arith.constant 0 : i32
      %dma_wait3A_217 = tpu.memref_slice %arg2[%dma_wait3A_215, %dma_wait3A_216] : memref<10000x48xf32, #tpu.memory_space<hbm>> -> memref<10000x48xf32, #tpu.memory_space<hbm>>
      tpu.wait_indirect_dma semaphore(%arg15 : memref<!tpu.dma_semaphore, #tpu.memory_space<semaphore_mem>>) src(%dma_wait3A_217 : memref<10000x48xf32, #tpu.memory_space<hbm>>) dst(%arg10 : memref<40x48xf32, #tpu.memory_space<vmem>>)
      %dma_start3A_218 = arith.constant 0 : i32
      %dma_start3A_219 = tpu.memref_slice %arg7[%add3A_211, %dma_start3A_218] : memref<250x40xi32, #tpu.memory_space<vmem>> -> memref<1x40xi32, #tpu.memory_space<vmem>>
      %dma_start3A_220 = tpu.memref_squeeze %dma_start3A_219 : memref<1x40xi32, #tpu.memory_space<vmem>> -> memref<40xi32, #tpu.memory_space<vmem>>
      %dma_start3A_221 = arith.constant 0 : i32
      %dma_start3A_222 = arith.constant 0 : i32
      %dma_start3A_223 = tpu.memref_slice %arg23[%dma_start3A_221, %dma_start3A_222] : memref<10000x48xf32, #tpu.memory_space<vmem_shared>> -> memref<10000x48xf32, #tpu.memory_space<vmem_shared>>
      tpu.enqueue_indirect_dma source(%arg10 : memref<40x48xf32, #tpu.memory_space<vmem>>) target(%dma_start3A_223 : memref<10000x48xf32, #tpu.memory_space<vmem_shared>>) offsets(%dma_start3A_220 : memref<40xi32, #tpu.memory_space<vmem>>) semaphore(%arg20 : memref<!tpu.dma_semaphore, #tpu.memory_space<semaphore_mem>>) {add = true}
      %dma_wait3A_224 = arith.constant 0 : i32
      %dma_wait3A_225 = arith.constant 0 : i32
      %dma_wait3A_226 = tpu.memref_slice %arg7[%dma_wait3A_224, %dma_wait3A_225] : memref<250x40xi32, #tpu.memory_space<vmem>> -> memref<1x40xi32, #tpu.memory_space<vmem>>
      %dma_wait3A_227 = tpu.memref_squeeze %dma_wait3A_226 : memref<1x40xi32, #tpu.memory_space<vmem>> -> memref<40xi32, #tpu.memory_space<vmem>>
      %dma_wait3A_228 = arith.constant 0 : i32
      %dma_wait3A_229 = arith.constant 0 : i32
      %dma_wait3A_230 = tpu.memref_slice %arg23[%dma_wait3A_228, %dma_wait3A_229] : memref<10000x48xf32, #tpu.memory_space<vmem_shared>> -> memref<10000x48xf32, #tpu.memory_space<vmem_shared>>
      tpu.wait_indirect_dma semaphore(%arg20 : memref<!tpu.dma_semaphore, #tpu.memory_space<semaphore_mem>>) src(%arg10 : memref<40x48xf32, #tpu.memory_space<vmem>>) dst(%dma_wait3A_230 : memref<10000x48xf32, #tpu.memory_space<vmem_shared>>)
      %add3A_231 = arith.constant 5 : i32
      %add3A_232 = arith.addi %add3A_211, %add3A_231 : i32
      %dma_start3A_233 = arith.constant 0 : i32
      %dma_start3A_234 = tpu.memref_slice %arg6[%add3A_232, %dma_start3A_233] : memref<250x40xi32, #tpu.memory_space<vmem>> -> memref<1x40xi32, #tpu.memory_space<vmem>>
      %dma_start3A_235 = tpu.memref_squeeze %dma_start3A_234 : memref<1x40xi32, #tpu.memory_space<vmem>> -> memref<40xi32, #tpu.memory_space<vmem>>
      %dma_start3A_236 = arith.constant 0 : i32
      %dma_start3A_237 = arith.constant 0 : i32
      %dma_start3A_238 = tpu.memref_slice %arg2[%dma_start3A_236, %dma_start3A_237] : memref<10000x48xf32, #tpu.memory_space<hbm>> -> memref<10000x48xf32, #tpu.memory_space<hbm>>
      tpu.enqueue_indirect_dma source(%dma_start3A_238 : memref<10000x48xf32, #tpu.memory_space<hbm>>) target(%arg10 : memref<40x48xf32, #tpu.memory_space<vmem>>) offsets(%dma_start3A_235 : memref<40xi32, #tpu.memory_space<vmem>>) semaphore(%arg15 : memref<!tpu.dma_semaphore, #tpu.memory_space<semaphore_mem>>)
      %add3A_239 = arith.constant 3 : i32
      %add3A_240 = arith.addi %add3A_151, %add3A_239 : i32
      %dma_wait3A_241 = arith.constant 0 : i32
      %dma_wait3A_242 = tpu.memref_slice %arg6[%add3A_240, %dma_wait3A_241] : memref<250x40xi32, #tpu.memory_space<vmem>> -> memref<1x40xi32, #tpu.memory_space<vmem>>
      %dma_wait3A_243 = tpu.memref_squeeze %dma_wait3A_242 : memref<1x40xi32, #tpu.memory_space<vmem>> -> memref<40xi32, #tpu.memory_space<vmem>>
      %dma_wait3A_244 = arith.constant 0 : i32
      %dma_wait3A_245 = arith.constant 0 : i32
      %dma_wait3A_246 = tpu.memref_slice %arg2[%dma_wait3A_244, %dma_wait3A_245] : memref<10000x48xf32, #tpu.memory_space<hbm>> -> memref<10000x48xf32, #tpu.memory_space<hbm>>
      tpu.wait_indirect_dma semaphore(%arg16 : memref<!tpu.dma_semaphore, #tpu.memory_space<semaphore_mem>>) src(%dma_wait3A_246 : memref<10000x48xf32, #tpu.memory_space<hbm>>) dst(%arg11 : memref<40x48xf32, #tpu.memory_space<vmem>>)
      %dma_start3A_247 = arith.constant 0 : i32
      %dma_start3A_248 = tpu.memref_slice %arg7[%add3A_240, %dma_start3A_247] : memref<250x40xi32, #tpu.memory_space<vmem>> -> memref<1x40xi32, #tpu.memory_space<vmem>>
      %dma_start3A_249 = tpu.memref_squeeze %dma_start3A_248 : memref<1x40xi32, #tpu.memory_space<vmem>> -> memref<40xi32, #tpu.memory_space<vmem>>
      %dma_start3A_250 = arith.constant 0 : i32
      %dma_start3A_251 = arith.constant 0 : i32
      %dma_start3A_252 = tpu.memref_slice %arg23[%dma_start3A_250, %dma_start3A_251] : memref<10000x48xf32, #tpu.memory_space<vmem_shared>> -> memref<10000x48xf32, #tpu.memory_space<vmem_shared>>
      tpu.enqueue_indirect_dma source(%arg11 : memref<40x48xf32, #tpu.memory_space<vmem>>) target(%dma_start3A_252 : memref<10000x48xf32, #tpu.memory_space<vmem_shared>>) offsets(%dma_start3A_249 : memref<40xi32, #tpu.memory_space<vmem>>) semaphore(%arg21 : memref<!tpu.dma_semaphore, #tpu.memory_space<semaphore_mem>>) {add = true}
      %dma_wait3A_253 = arith.constant 0 : i32
      %dma_wait3A_254 = arith.constant 0 : i32
      %dma_wait3A_255 = tpu.memref_slice %arg7[%dma_wait3A_253, %dma_wait3A_254] : memref<250x40xi32, #tpu.memory_space<vmem>> -> memref<1x40xi32, #tpu.memory_space<vmem>>
      %dma_wait3A_256 = tpu.memref_squeeze %dma_wait3A_255 : memref<1x40xi32, #tpu.memory_space<vmem>> -> memref<40xi32, #tpu.memory_space<vmem>>
      %dma_wait3A_257 = arith.constant 0 : i32
      %dma_wait3A_258 = arith.constant 0 : i32
      %dma_wait3A_259 = tpu.memref_slice %arg23[%dma_wait3A_257, %dma_wait3A_258] : memref<10000x48xf32, #tpu.memory_space<vmem_shared>> -> memref<10000x48xf32, #tpu.memory_space<vmem_shared>>
      tpu.wait_indirect_dma semaphore(%arg21 : memref<!tpu.dma_semaphore, #tpu.memory_space<semaphore_mem>>) src(%arg11 : memref<40x48xf32, #tpu.memory_space<vmem>>) dst(%dma_wait3A_259 : memref<10000x48xf32, #tpu.memory_space<vmem_shared>>)
      %add3A_260 = arith.constant 5 : i32
      %add3A_261 = arith.addi %add3A_240, %add3A_260 : i32
      %dma_start3A_262 = arith.constant 0 : i32
      %dma_start3A_263 = tpu.memref_slice %arg6[%add3A_261, %dma_start3A_262] : memref<250x40xi32, #tpu.memory_space<vmem>> -> memref<1x40xi32, #tpu.memory_space<vmem>>
      %dma_start3A_264 = tpu.memref_squeeze %dma_start3A_263 : memref<1x40xi32, #tpu.memory_space<vmem>> -> memref<40xi32, #tpu.memory_space<vmem>>
      %dma_start3A_265 = arith.constant 0 : i32
      %dma_start3A_266 = arith.constant 0 : i32
      %dma_start3A_267 = tpu.memref_slice %arg2[%dma_start3A_265, %dma_start3A_266] : memref<10000x48xf32, #tpu.memory_space<hbm>> -> memref<10000x48xf32, #tpu.memory_space<hbm>>
      tpu.enqueue_indirect_dma source(%dma_start3A_267 : memref<10000x48xf32, #tpu.memory_space<hbm>>) target(%arg11 : memref<40x48xf32, #tpu.memory_space<vmem>>) offsets(%dma_start3A_264 : memref<40xi32, #tpu.memory_space<vmem>>) semaphore(%arg16 : memref<!tpu.dma_semaphore, #tpu.memory_space<semaphore_mem>>)
      %add3A_268 = arith.constant 4 : i32
      %add3A_269 = arith.addi %add3A_151, %add3A_268 : i32
      %dma_wait3A_270 = arith.constant 0 : i32
      %dma_wait3A_271 = tpu.memref_slice %arg6[%add3A_269, %dma_wait3A_270] : memref<250x40xi32, #tpu.memory_space<vmem>> -> memref<1x40xi32, #tpu.memory_space<vmem>>
      %dma_wait3A_272 = tpu.memref_squeeze %dma_wait3A_271 : memref<1x40xi32, #tpu.memory_space<vmem>> -> memref<40xi32, #tpu.memory_space<vmem>>
      %dma_wait3A_273 = arith.constant 0 : i32
      %dma_wait3A_274 = arith.constant 0 : i32
      %dma_wait3A_275 = tpu.memref_slice %arg2[%dma_wait3A_273, %dma_wait3A_274] : memref<10000x48xf32, #tpu.memory_space<hbm>> -> memref<10000x48xf32, #tpu.memory_space<hbm>>
      tpu.wait_indirect_dma semaphore(%arg17 : memref<!tpu.dma_semaphore, #tpu.memory_space<semaphore_mem>>) src(%dma_wait3A_275 : memref<10000x48xf32, #tpu.memory_space<hbm>>) dst(%arg12 : memref<40x48xf32, #tpu.memory_space<vmem>>)
      %dma_start3A_276 = arith.constant 0 : i32
      %dma_start3A_277 = tpu.memref_slice %arg7[%add3A_269, %dma_start3A_276] : memref<250x40xi32, #tpu.memory_space<vmem>> -> memref<1x40xi32, #tpu.memory_space<vmem>>
      %dma_start3A_278 = tpu.memref_squeeze %dma_start3A_277 : memref<1x40xi32, #tpu.memory_space<vmem>> -> memref<40xi32, #tpu.memory_space<vmem>>
      %dma_start3A_279 = arith.constant 0 : i32
      %dma_start3A_280 = arith.constant 0 : i32
      %dma_start3A_281 = tpu.memref_slice %arg23[%dma_start3A_279, %dma_start3A_280] : memref<10000x48xf32, #tpu.memory_space<vmem_shared>> -> memref<10000x48xf32, #tpu.memory_space<vmem_shared>>
      tpu.enqueue_indirect_dma source(%arg12 : memref<40x48xf32, #tpu.memory_space<vmem>>) target(%dma_start3A_281 : memref<10000x48xf32, #tpu.memory_space<vmem_shared>>) offsets(%dma_start3A_278 : memref<40xi32, #tpu.memory_space<vmem>>) semaphore(%arg22 : memref<!tpu.dma_semaphore, #tpu.memory_space<semaphore_mem>>) {add = true}
      %dma_wait3A_282 = arith.constant 0 : i32
      %dma_wait3A_283 = arith.constant 0 : i32
      %dma_wait3A_284 = tpu.memref_slice %arg7[%dma_wait3A_282, %dma_wait3A_283] : memref<250x40xi32, #tpu.memory_space<vmem>> -> memref<1x40xi32, #tpu.memory_space<vmem>>
      %dma_wait3A_285 = tpu.memref_squeeze %dma_wait3A_284 : memref<1x40xi32, #tpu.memory_space<vmem>> -> memref<40xi32, #tpu.memory_space<vmem>>
      %dma_wait3A_286 = arith.constant 0 : i32
      %dma_wait3A_287 = arith.constant 0 : i32
      %dma_wait3A_288 = tpu.memref_slice %arg23[%dma_wait3A_286, %dma_wait3A_287] : memref<10000x48xf32, #tpu.memory_space<vmem_shared>> -> memref<10000x48xf32, #tpu.memory_space<vmem_shared>>
      tpu.wait_indirect_dma semaphore(%arg22 : memref<!tpu.dma_semaphore, #tpu.memory_space<semaphore_mem>>) src(%arg12 : memref<40x48xf32, #tpu.memory_space<vmem>>) dst(%dma_wait3A_288 : memref<10000x48xf32, #tpu.memory_space<vmem_shared>>)
      %add3A_289 = arith.constant 5 : i32
      %add3A_290 = arith.addi %add3A_269, %add3A_289 : i32
      %dma_start3A_291 = arith.constant 0 : i32
      %dma_start3A_292 = tpu.memref_slice %arg6[%add3A_290, %dma_start3A_291] : memref<250x40xi32, #tpu.memory_space<vmem>> -> memref<1x40xi32, #tpu.memory_space<vmem>>
      %dma_start3A_293 = tpu.memref_squeeze %dma_start3A_292 : memref<1x40xi32, #tpu.memory_space<vmem>> -> memref<40xi32, #tpu.memory_space<vmem>>
      %dma_start3A_294 = arith.constant 0 : i32
      %dma_start3A_295 = arith.constant 0 : i32
      %dma_start3A_296 = tpu.memref_slice %arg2[%dma_start3A_294, %dma_start3A_295] : memref<10000x48xf32, #tpu.memory_space<hbm>> -> memref<10000x48xf32, #tpu.memory_space<hbm>>
      tpu.enqueue_indirect_dma source(%dma_start3A_296 : memref<10000x48xf32, #tpu.memory_space<hbm>>) target(%arg12 : memref<40x48xf32, #tpu.memory_space<vmem>>) offsets(%dma_start3A_293 : memref<40xi32, #tpu.memory_space<vmem>>) semaphore(%arg17 : memref<!tpu.dma_semaphore, #tpu.memory_space<semaphore_mem>>)
    }
    %scan3A_41 = arith.constant 49 : i32
    %dma_wait3A = arith.constant 245 : i32
    %dma_wait3A_42 = arith.constant 0 : i32
    %dma_wait3A_43 = tpu.memref_slice %arg6[%dma_wait3A, %dma_wait3A_42] : memref<250x40xi32, #tpu.memory_space<vmem>> -> memref<1x40xi32, #tpu.memory_space<vmem>>
    %dma_wait3A_44 = tpu.memref_squeeze %dma_wait3A_43 : memref<1x40xi32, #tpu.memory_space<vmem>> -> memref<40xi32, #tpu.memory_space<vmem>>
    %dma_wait3A_45 = arith.constant 0 : i32
    %dma_wait3A_46 = arith.constant 0 : i32
    %dma_wait3A_47 = tpu.memref_slice %arg2[%dma_wait3A_45, %dma_wait3A_46] : memref<10000x48xf32, #tpu.memory_space<hbm>> -> memref<10000x48xf32, #tpu.memory_space<hbm>>
    tpu.wait_indirect_dma semaphore(%arg13 : memref<!tpu.dma_semaphore, #tpu.memory_space<semaphore_mem>>) src(%dma_wait3A_47 : memref<10000x48xf32, #tpu.memory_space<hbm>>) dst(%arg8 : memref<40x48xf32, #tpu.memory_space<vmem>>)
    %dma_start3A_48 = arith.constant 245 : i32
    %dma_start3A_49 = arith.constant 0 : i32
    %dma_start3A_50 = tpu.memref_slice %arg7[%dma_start3A_48, %dma_start3A_49] : memref<250x40xi32, #tpu.memory_space<vmem>> -> memref<1x40xi32, #tpu.memory_space<vmem>>
    %dma_start3A_51 = tpu.memref_squeeze %dma_start3A_50 : memref<1x40xi32, #tpu.memory_space<vmem>> -> memref<40xi32, #tpu.memory_space<vmem>>
    %dma_start3A_52 = arith.constant 0 : i32
    %dma_start3A_53 = arith.constant 0 : i32
    %dma_start3A_54 = tpu.memref_slice %arg23[%dma_start3A_52, %dma_start3A_53] : memref<10000x48xf32, #tpu.memory_space<vmem_shared>> -> memref<10000x48xf32, #tpu.memory_space<vmem_shared>>
    tpu.enqueue_indirect_dma source(%arg8 : memref<40x48xf32, #tpu.memory_space<vmem>>) target(%dma_start3A_54 : memref<10000x48xf32, #tpu.memory_space<vmem_shared>>) offsets(%dma_start3A_51 : memref<40xi32, #tpu.memory_space<vmem>>) semaphore(%arg18 : memref<!tpu.dma_semaphore, #tpu.memory_space<semaphore_mem>>) {add = true}
    %dma_wait3A_55 = arith.constant 0 : i32
    %dma_wait3A_56 = arith.constant 0 : i32
    %dma_wait3A_57 = tpu.memref_slice %arg7[%dma_wait3A_55, %dma_wait3A_56] : memref<250x40xi32, #tpu.memory_space<vmem>> -> memref<1x40xi32, #tpu.memory_space<vmem>>
    %dma_wait3A_58 = tpu.memref_squeeze %dma_wait3A_57 : memref<1x40xi32, #tpu.memory_space<vmem>> -> memref<40xi32, #tpu.memory_space<vmem>>
    %dma_wait3A_59 = arith.constant 0 : i32
    %dma_wait3A_60 = arith.constant 0 : i32
    %dma_wait3A_61 = tpu.memref_slice %arg23[%dma_wait3A_59, %dma_wait3A_60] : memref<10000x48xf32, #tpu.memory_space<vmem_shared>> -> memref<10000x48xf32, #tpu.memory_space<vmem_shared>>
    tpu.wait_indirect_dma semaphore(%arg18 : memref<!tpu.dma_semaphore, #tpu.memory_space<semaphore_mem>>) src(%arg8 : memref<40x48xf32, #tpu.memory_space<vmem>>) dst(%dma_wait3A_61 : memref<10000x48xf32, #tpu.memory_space<vmem_shared>>)
    %dma_wait3A_62 = arith.constant 246 : i32
    %dma_wait3A_63 = arith.constant 0 : i32
    %dma_wait3A_64 = tpu.memref_slice %arg6[%dma_wait3A_62, %dma_wait3A_63] : memref<250x40xi32, #tpu.memory_space<vmem>> -> memref<1x40xi32, #tpu.memory_space<vmem>>
    %dma_wait3A_65 = tpu.memref_squeeze %dma_wait3A_64 : memref<1x40xi32, #tpu.memory_space<vmem>> -> memref<40xi32, #tpu.memory_space<vmem>>
    %dma_wait3A_66 = arith.constant 0 : i32
    %dma_wait3A_67 = arith.constant 0 : i32
    %dma_wait3A_68 = tpu.memref_slice %arg2[%dma_wait3A_66, %dma_wait3A_67] : memref<10000x48xf32, #tpu.memory_space<hbm>> -> memref<10000x48xf32, #tpu.memory_space<hbm>>
    tpu.wait_indirect_dma semaphore(%arg14 : memref<!tpu.dma_semaphore, #tpu.memory_space<semaphore_mem>>) src(%dma_wait3A_68 : memref<10000x48xf32, #tpu.memory_space<hbm>>) dst(%arg9 : memref<40x48xf32, #tpu.memory_space<vmem>>)
    %dma_start3A_69 = arith.constant 246 : i32
    %dma_start3A_70 = arith.constant 0 : i32
    %dma_start3A_71 = tpu.memref_slice %arg7[%dma_start3A_69, %dma_start3A_70] : memref<250x40xi32, #tpu.memory_space<vmem>> -> memref<1x40xi32, #tpu.memory_space<vmem>>
    %dma_start3A_72 = tpu.memref_squeeze %dma_start3A_71 : memref<1x40xi32, #tpu.memory_space<vmem>> -> memref<40xi32, #tpu.memory_space<vmem>>
    %dma_start3A_73 = arith.constant 0 : i32
    %dma_start3A_74 = arith.constant 0 : i32
    %dma_start3A_75 = tpu.memref_slice %arg23[%dma_start3A_73, %dma_start3A_74] : memref<10000x48xf32, #tpu.memory_space<vmem_shared>> -> memref<10000x48xf32, #tpu.memory_space<vmem_shared>>
    tpu.enqueue_indirect_dma source(%arg9 : memref<40x48xf32, #tpu.memory_space<vmem>>) target(%dma_start3A_75 : memref<10000x48xf32, #tpu.memory_space<vmem_shared>>) offsets(%dma_start3A_72 : memref<40xi32, #tpu.memory_space<vmem>>) semaphore(%arg19 : memref<!tpu.dma_semaphore, #tpu.memory_space<semaphore_mem>>) {add = true}
    %dma_wait3A_76 = arith.constant 0 : i32
    %dma_wait3A_77 = arith.constant 0 : i32
    %dma_wait3A_78 = tpu.memref_slice %arg7[%dma_wait3A_76, %dma_wait3A_77] : memref<250x40xi32, #tpu.memory_space<vmem>> -> memref<1x40xi32, #tpu.memory_space<vmem>>
    %dma_wait3A_79 = tpu.memref_squeeze %dma_wait3A_78 : memref<1x40xi32, #tpu.memory_space<vmem>> -> memref<40xi32, #tpu.memory_space<vmem>>
    %dma_wait3A_80 = arith.constant 0 : i32
    %dma_wait3A_81 = arith.constant 0 : i32
    %dma_wait3A_82 = tpu.memref_slice %arg23[%dma_wait3A_80, %dma_wait3A_81] : memref<10000x48xf32, #tpu.memory_space<vmem_shared>> -> memref<10000x48xf32, #tpu.memory_space<vmem_shared>>
    tpu.wait_indirect_dma semaphore(%arg19 : memref<!tpu.dma_semaphore, #tpu.memory_space<semaphore_mem>>) src(%arg9 : memref<40x48xf32, #tpu.memory_space<vmem>>) dst(%dma_wait3A_82 : memref<10000x48xf32, #tpu.memory_space<vmem_shared>>)
    %dma_wait3A_83 = arith.constant 247 : i32
    %dma_wait3A_84 = arith.constant 0 : i32
    %dma_wait3A_85 = tpu.memref_slice %arg6[%dma_wait3A_83, %dma_wait3A_84] : memref<250x40xi32, #tpu.memory_space<vmem>> -> memref<1x40xi32, #tpu.memory_space<vmem>>
    %dma_wait3A_86 = tpu.memref_squeeze %dma_wait3A_85 : memref<1x40xi32, #tpu.memory_space<vmem>> -> memref<40xi32, #tpu.memory_space<vmem>>
    %dma_wait3A_87 = arith.constant 0 : i32
    %dma_wait3A_88 = arith.constant 0 : i32
    %dma_wait3A_89 = tpu.memref_slice %arg2[%dma_wait3A_87, %dma_wait3A_88] : memref<10000x48xf32, #tpu.memory_space<hbm>> -> memref<10000x48xf32, #tpu.memory_space<hbm>>
    tpu.wait_indirect_dma semaphore(%arg15 : memref<!tpu.dma_semaphore, #tpu.memory_space<semaphore_mem>>) src(%dma_wait3A_89 : memref<10000x48xf32, #tpu.memory_space<hbm>>) dst(%arg10 : memref<40x48xf32, #tpu.memory_space<vmem>>)
    %dma_start3A_90 = arith.constant 247 : i32
    %dma_start3A_91 = arith.constant 0 : i32
    %dma_start3A_92 = tpu.memref_slice %arg7[%dma_start3A_90, %dma_start3A_91] : memref<250x40xi32, #tpu.memory_space<vmem>> -> memref<1x40xi32, #tpu.memory_space<vmem>>
    %dma_start3A_93 = tpu.memref_squeeze %dma_start3A_92 : memref<1x40xi32, #tpu.memory_space<vmem>> -> memref<40xi32, #tpu.memory_space<vmem>>
    %dma_start3A_94 = arith.constant 0 : i32
    %dma_start3A_95 = arith.constant 0 : i32
    %dma_start3A_96 = tpu.memref_slice %arg23[%dma_start3A_94, %dma_start3A_95] : memref<10000x48xf32, #tpu.memory_space<vmem_shared>> -> memref<10000x48xf32, #tpu.memory_space<vmem_shared>>
    tpu.enqueue_indirect_dma source(%arg10 : memref<40x48xf32, #tpu.memory_space<vmem>>) target(%dma_start3A_96 : memref<10000x48xf32, #tpu.memory_space<vmem_shared>>) offsets(%dma_start3A_93 : memref<40xi32, #tpu.memory_space<vmem>>) semaphore(%arg20 : memref<!tpu.dma_semaphore, #tpu.memory_space<semaphore_mem>>) {add = true}
    %dma_wait3A_97 = arith.constant 0 : i32
    %dma_wait3A_98 = arith.constant 0 : i32
    %dma_wait3A_99 = tpu.memref_slice %arg7[%dma_wait3A_97, %dma_wait3A_98] : memref<250x40xi32, #tpu.memory_space<vmem>> -> memref<1x40xi32, #tpu.memory_space<vmem>>
    %dma_wait3A_100 = tpu.memref_squeeze %dma_wait3A_99 : memref<1x40xi32, #tpu.memory_space<vmem>> -> memref<40xi32, #tpu.memory_space<vmem>>
    %dma_wait3A_101 = arith.constant 0 : i32
    %dma_wait3A_102 = arith.constant 0 : i32
    %dma_wait3A_103 = tpu.memref_slice %arg23[%dma_wait3A_101, %dma_wait3A_102] : memref<10000x48xf32, #tpu.memory_space<vmem_shared>> -> memref<10000x48xf32, #tpu.memory_space<vmem_shared>>
    tpu.wait_indirect_dma semaphore(%arg20 : memref<!tpu.dma_semaphore, #tpu.memory_space<semaphore_mem>>) src(%arg10 : memref<40x48xf32, #tpu.memory_space<vmem>>) dst(%dma_wait3A_103 : memref<10000x48xf32, #tpu.memory_space<vmem_shared>>)
    %dma_wait3A_104 = arith.constant 248 : i32
    %dma_wait3A_105 = arith.constant 0 : i32
    %dma_wait3A_106 = tpu.memref_slice %arg6[%dma_wait3A_104, %dma_wait3A_105] : memref<250x40xi32, #tpu.memory_space<vmem>> -> memref<1x40xi32, #tpu.memory_space<vmem>>
    %dma_wait3A_107 = tpu.memref_squeeze %dma_wait3A_106 : memref<1x40xi32, #tpu.memory_space<vmem>> -> memref<40xi32, #tpu.memory_space<vmem>>
    %dma_wait3A_108 = arith.constant 0 : i32
    %dma_wait3A_109 = arith.constant 0 : i32
    %dma_wait3A_110 = tpu.memref_slice %arg2[%dma_wait3A_108, %dma_wait3A_109] : memref<10000x48xf32, #tpu.memory_space<hbm>> -> memref<10000x48xf32, #tpu.memory_space<hbm>>
    tpu.wait_indirect_dma semaphore(%arg16 : memref<!tpu.dma_semaphore, #tpu.memory_space<semaphore_mem>>) src(%dma_wait3A_110 : memref<10000x48xf32, #tpu.memory_space<hbm>>) dst(%arg11 : memref<40x48xf32, #tpu.memory_space<vmem>>)
    %dma_start3A_111 = arith.constant 248 : i32
    %dma_start3A_112 = arith.constant 0 : i32
    %dma_start3A_113 = tpu.memref_slice %arg7[%dma_start3A_111, %dma_start3A_112] : memref<250x40xi32, #tpu.memory_space<vmem>> -> memref<1x40xi32, #tpu.memory_space<vmem>>
    %dma_start3A_114 = tpu.memref_squeeze %dma_start3A_113 : memref<1x40xi32, #tpu.memory_space<vmem>> -> memref<40xi32, #tpu.memory_space<vmem>>
    %dma_start3A_115 = arith.constant 0 : i32
    %dma_start3A_116 = arith.constant 0 : i32
    %dma_start3A_117 = tpu.memref_slice %arg23[%dma_start3A_115, %dma_start3A_116] : memref<10000x48xf32, #tpu.memory_space<vmem_shared>> -> memref<10000x48xf32, #tpu.memory_space<vmem_shared>>
    tpu.enqueue_indirect_dma source(%arg11 : memref<40x48xf32, #tpu.memory_space<vmem>>) target(%dma_start3A_117 : memref<10000x48xf32, #tpu.memory_space<vmem_shared>>) offsets(%dma_start3A_114 : memref<40xi32, #tpu.memory_space<vmem>>) semaphore(%arg21 : memref<!tpu.dma_semaphore, #tpu.memory_space<semaphore_mem>>) {add = true}
    %dma_wait3A_118 = arith.constant 0 : i32
    %dma_wait3A_119 = arith.constant 0 : i32
    %dma_wait3A_120 = tpu.memref_slice %arg7[%dma_wait3A_118, %dma_wait3A_119] : memref<250x40xi32, #tpu.memory_space<vmem>> -> memref<1x40xi32, #tpu.memory_space<vmem>>
    %dma_wait3A_121 = tpu.memref_squeeze %dma_wait3A_120 : memref<1x40xi32, #tpu.memory_space<vmem>> -> memref<40xi32, #tpu.memory_space<vmem>>
    %dma_wait3A_122 = arith.constant 0 : i32
    %dma_wait3A_123 = arith.constant 0 : i32
    %dma_wait3A_124 = tpu.memref_slice %arg23[%dma_wait3A_122, %dma_wait3A_123] : memref<10000x48xf32, #tpu.memory_space<vmem_shared>> -> memref<10000x48xf32, #tpu.memory_space<vmem_shared>>
    tpu.wait_indirect_dma semaphore(%arg21 : memref<!tpu.dma_semaphore, #tpu.memory_space<semaphore_mem>>) src(%arg11 : memref<40x48xf32, #tpu.memory_space<vmem>>) dst(%dma_wait3A_124 : memref<10000x48xf32, #tpu.memory_space<vmem_shared>>)
    %dma_wait3A_125 = arith.constant 249 : i32
    %dma_wait3A_126 = arith.constant 0 : i32
    %dma_wait3A_127 = tpu.memref_slice %arg6[%dma_wait3A_125, %dma_wait3A_126] : memref<250x40xi32, #tpu.memory_space<vmem>> -> memref<1x40xi32, #tpu.memory_space<vmem>>
    %dma_wait3A_128 = tpu.memref_squeeze %dma_wait3A_127 : memref<1x40xi32, #tpu.memory_space<vmem>> -> memref<40xi32, #tpu.memory_space<vmem>>
    %dma_wait3A_129 = arith.constant 0 : i32
    %dma_wait3A_130 = arith.constant 0 : i32
    %dma_wait3A_131 = tpu.memref_slice %arg2[%dma_wait3A_129, %dma_wait3A_130] : memref<10000x48xf32, #tpu.memory_space<hbm>> -> memref<10000x48xf32, #tpu.memory_space<hbm>>
    tpu.wait_indirect_dma semaphore(%arg17 : memref<!tpu.dma_semaphore, #tpu.memory_space<semaphore_mem>>) src(%dma_wait3A_131 : memref<10000x48xf32, #tpu.memory_space<hbm>>) dst(%arg12 : memref<40x48xf32, #tpu.memory_space<vmem>>)
    %dma_start3A_132 = arith.constant 249 : i32
    %dma_start3A_133 = arith.constant 0 : i32
    %dma_start3A_134 = tpu.memref_slice %arg7[%dma_start3A_132, %dma_start3A_133] : memref<250x40xi32, #tpu.memory_space<vmem>> -> memref<1x40xi32, #tpu.memory_space<vmem>>
    %dma_start3A_135 = tpu.memref_squeeze %dma_start3A_134 : memref<1x40xi32, #tpu.memory_space<vmem>> -> memref<40xi32, #tpu.memory_space<vmem>>
    %dma_start3A_136 = arith.constant 0 : i32
    %dma_start3A_137 = arith.constant 0 : i32
    %dma_start3A_138 = tpu.memref_slice %arg23[%dma_start3A_136, %dma_start3A_137] : memref<10000x48xf32, #tpu.memory_space<vmem_shared>> -> memref<10000x48xf32, #tpu.memory_space<vmem_shared>>
    tpu.enqueue_indirect_dma source(%arg12 : memref<40x48xf32, #tpu.memory_space<vmem>>) target(%dma_start3A_138 : memref<10000x48xf32, #tpu.memory_space<vmem_shared>>) offsets(%dma_start3A_135 : memref<40xi32, #tpu.memory_space<vmem>>) semaphore(%arg22 : memref<!tpu.dma_semaphore, #tpu.memory_space<semaphore_mem>>) {add = true}
    %dma_wait3A_139 = arith.constant 0 : i32
    %dma_wait3A_140 = arith.constant 0 : i32
    %dma_wait3A_141 = tpu.memref_slice %arg7[%dma_wait3A_139, %dma_wait3A_140] : memref<250x40xi32, #tpu.memory_space<vmem>> -> memref<1x40xi32, #tpu.memory_space<vmem>>
    %dma_wait3A_142 = tpu.memref_squeeze %dma_wait3A_141 : memref<1x40xi32, #tpu.memory_space<vmem>> -> memref<40xi32, #tpu.memory_space<vmem>>
    %dma_wait3A_143 = arith.constant 0 : i32
    %dma_wait3A_144 = arith.constant 0 : i32
    %dma_wait3A_145 = tpu.memref_slice %arg23[%dma_wait3A_143, %dma_wait3A_144] : memref<10000x48xf32, #tpu.memory_space<vmem_shared>> -> memref<10000x48xf32, #tpu.memory_space<vmem_shared>>
    tpu.wait_indirect_dma semaphore(%arg22 : memref<!tpu.dma_semaphore, #tpu.memory_space<semaphore_mem>>) src(%arg12 : memref<40x48xf32, #tpu.memory_space<vmem>>) dst(%dma_wait3A_145 : memref<10000x48xf32, #tpu.memory_space<vmem_shared>>)
    %barrier3A_146 = arith.constant 0 : index
    tpu.barrier barrier_id(%barrier3A_146)
    "tpu.region"() ({
      %run_scoped3A_147 = tpu.sem_alloc : memref<!tpu.dma_semaphore, #tpu.memory_space<semaphore_mem>>
      %dma_start3A_148 = arith.constant 0 : i32
      %dma_start3A_149 = tpu.memref_slice %arg5[%arg0, %mul3A_2, %dma_start3A_148] : memref<2x10000x48xf32, #tpu.memory_space<hbm>> -> memref<1x625x48xf32, #tpu.memory_space<hbm>>
      %dma_start3A_150 = tpu.memref_squeeze %dma_start3A_149 : memref<1x625x48xf32, #tpu.memory_space<hbm>> -> memref<625x48xf32, #tpu.memory_space<hbm>>
      %dma_start3A_151 = arith.constant 0 : i32
      %dma_start3A_152 = tpu.memref_slice %arg23[%mul3A_2, %dma_start3A_151] : memref<10000x48xf32, #tpu.memory_space<vmem_shared>> -> memref<625x48xf32, #tpu.memory_space<vmem_shared>>
      tpu.enqueue_dma source(%dma_start3A_152 : memref<625x48xf32, #tpu.memory_space<vmem_shared>>) target(%dma_start3A_150 : memref<625x48xf32, #tpu.memory_space<hbm>>) target_semaphore(%run_scoped3A_147 : memref<!tpu.dma_semaphore, #tpu.memory_space<semaphore_mem>>)
      %dma_wait3A_153 = arith.constant 0 : i32
      %dma_wait3A_154 = tpu.memref_slice %arg5[%arg0, %mul3A_2, %dma_wait3A_153] : memref<2x10000x48xf32, #tpu.memory_space<hbm>> -> memref<1x625x48xf32, #tpu.memory_space<hbm>>
      %dma_wait3A_155 = tpu.memref_squeeze %dma_wait3A_154 : memref<1x625x48xf32, #tpu.memory_space<hbm>> -> memref<625x48xf32, #tpu.memory_space<hbm>>
      %dma_wait3A_156 = arith.constant 0 : i32
      %dma_wait3A_157 = tpu.memref_slice %arg23[%mul3A_2, %dma_wait3A_156] : memref<10000x48xf32, #tpu.memory_space<vmem_shared>> -> memref<625x48xf32, #tpu.memory_space<vmem_shared>>
      tpu.wait_dma2 semaphore(%run_scoped3A_147 : memref<!tpu.dma_semaphore, #tpu.memory_space<semaphore_mem>>) src(%dma_wait3A_157 : memref<625x48xf32, #tpu.memory_space<vmem_shared>>) dst(%dma_wait3A_155 : memref<625x48xf32, #tpu.memory_space<hbm>>)
      tpu.yield
    }) : () -> ()
    return
  }
}

#map = affine_map<(d0, d1) -> (0, 0)>
#map1 = affine_map<(d0, d1) -> (0, 0, 0, 0)>
#map2 = affine_map<(d0, d1) -> (0, 0, 0)>
module attributes {stable_mosaic.version = 14 : i64} {
  func.func @body(%arg0: i32, %arg1: i32, %arg2: memref<10000x128xf32, #tpu.memory_space<hbm>>, %arg3: memref<2x32x250x40xi32, #tpu.memory_space<hbm>>, %arg4: memref<10000x128xf32, #tpu.memory_space<hbm>>, %arg5: memref<2x10000x128xf32, #tpu.memory_space<hbm>>, %arg6: memref<250x40xi32, #tpu.memory_space<vmem>>, %arg7: memref<250x40xi32, #tpu.memory_space<vmem>>, %arg8: memref<40x128xf32, #tpu.memory_space<vmem>>, %arg9: memref<40x128xf32, #tpu.memory_space<vmem>>, %arg10: memref<40x128xf32, #tpu.memory_space<vmem>>, %arg11: memref<40x128xf32, #tpu.memory_space<vmem>>, %arg12: memref<40x128xf32, #tpu.memory_space<vmem>>, %arg13: memref<!tpu.dma_semaphore, #tpu.memory_space<semaphore_mem>>, %arg14: memref<!tpu.dma_semaphore, #tpu.memory_space<semaphore_mem>>, %arg15: memref<!tpu.dma_semaphore, #tpu.memory_space<semaphore_mem>>, %arg16: memref<!tpu.dma_semaphore, #tpu.memory_space<semaphore_mem>>, %arg17: memref<!tpu.dma_semaphore, #tpu.memory_space<semaphore_mem>>, %arg18: memref<!tpu.dma_semaphore, #tpu.memory_space<semaphore_mem>>, %arg19: memref<!tpu.dma_semaphore, #tpu.memory_space<semaphore_mem>>, %arg20: memref<!tpu.dma_semaphore, #tpu.memory_space<semaphore_mem>>, %arg21: memref<!tpu.dma_semaphore, #tpu.memory_space<semaphore_mem>>, %arg22: memref<!tpu.dma_semaphore, #tpu.memory_space<semaphore_mem>>, %arg23: memref<10000x128xf32, #tpu.memory_space<vmem_shared>>) attributes {dimension_semantics = [#tpu.dimension_semantics<core_parallel>, #tpu.dimension_semantics<subcore_parallel>], iteration_bounds = array<i64: 2, 16>, scalar_prefetch = 0 : i64, scratch_operands = 18 : i64, tpu.core_type = #tpu.core_type<sc_vector_subcore>, window_params = [{transform_indices = #map}, {transform_indices = #map1}, {transform_indices = #map}, {transform_indices = #map2}]} {
    %mul3A = arith.constant 2 : i32
    %mul3A_0 = arith.muli %arg1, %mul3A : i32
    %add3A = arith.addi %mul3A_0, %arg0 : i32
    %mul3A_1 = arith.constant 625 : i32
    %mul3A_2 = arith.muli %arg1, %mul3A_1 : i32
    "tpu.region"() ({
      %run_scoped3A_147 = tpu.sem_alloc : memref<!tpu.dma_semaphore, #tpu.memory_space<semaphore_mem>>
      %dma_start3A_148 = arith.constant 0 : i32
      %dma_start3A_149 = tpu.memref_slice %arg23[%mul3A_2, %dma_start3A_148] : memref<10000x128xf32, #tpu.memory_space<vmem_shared>> -> memref<625x128xf32, #tpu.memory_space<vmem_shared>>
      %dma_start3A_150 = arith.constant 0 : i32
      %dma_start3A_151 = tpu.memref_slice %arg4[%mul3A_2, %dma_start3A_150] : memref<10000x128xf32, #tpu.memory_space<hbm>> -> memref<625x128xf32, #tpu.memory_space<hbm>>
      tpu.enqueue_dma source(%dma_start3A_151 : memref<625x128xf32, #tpu.memory_space<hbm>>) target(%dma_start3A_149 : memref<625x128xf32, #tpu.memory_space<vmem_shared>>) target_semaphore(%run_scoped3A_147 : memref<!tpu.dma_semaphore, #tpu.memory_space<semaphore_mem>>)
      %dma_wait3A_152 = arith.constant 0 : i32
      %dma_wait3A_153 = tpu.memref_slice %arg23[%mul3A_2, %dma_wait3A_152] : memref<10000x128xf32, #tpu.memory_space<vmem_shared>> -> memref<625x128xf32, #tpu.memory_space<vmem_shared>>
      %dma_wait3A_154 = arith.constant 0 : i32
      %dma_wait3A_155 = tpu.memref_slice %arg4[%mul3A_2, %dma_wait3A_154] : memref<10000x128xf32, #tpu.memory_space<hbm>> -> memref<625x128xf32, #tpu.memory_space<hbm>>
      tpu.wait_dma2 semaphore(%run_scoped3A_147 : memref<!tpu.dma_semaphore, #tpu.memory_space<semaphore_mem>>) src(%dma_wait3A_155 : memref<625x128xf32, #tpu.memory_space<hbm>>) dst(%dma_wait3A_153 : memref<625x128xf32, #tpu.memory_space<vmem_shared>>)
      tpu.yield
    }) : () -> ()
    %run_scoped3A = arith.constant 0 : i32
    "tpu.region"() ({
      %run_scoped3A_147 = tpu.sem_alloc : memref<!tpu.dma_semaphore, #tpu.memory_space<semaphore_mem>>
      %dma_start3A_148 = arith.constant 0 : i32
      %dma_start3A_149 = arith.constant 0 : i32
      %dma_start3A_150 = tpu.memref_slice %arg3[%run_scoped3A, %add3A, %dma_start3A_148, %dma_start3A_149] : memref<2x32x250x40xi32, #tpu.memory_space<hbm>> -> memref<1x1x250x40xi32, #tpu.memory_space<hbm>>
      %dma_start3A_151 = tpu.memref_squeeze %dma_start3A_150 : memref<1x1x250x40xi32, #tpu.memory_space<hbm>> -> memref<250x40xi32, #tpu.memory_space<hbm>>
      %dma_start3A_152 = arith.constant 0 : i32
      %dma_start3A_153 = arith.constant 0 : i32
      %dma_start3A_154 = tpu.memref_slice %arg3[%run_scoped3A, %add3A, %dma_start3A_152, %dma_start3A_153] : memref<2x32x250x40xi32, #tpu.memory_space<hbm>> -> memref<1x1x250x40xi32, #tpu.memory_space<hbm>>
      %dma_start3A_155 = tpu.memref_squeeze %dma_start3A_154 : memref<1x1x250x40xi32, #tpu.memory_space<hbm>> -> memref<250x40xi32, #tpu.memory_space<hbm>>
      tpu.enqueue_dma source(%dma_start3A_155 : memref<250x40xi32, #tpu.memory_space<hbm>>) target(%arg6 : memref<250x40xi32, #tpu.memory_space<vmem>>) target_semaphore(%run_scoped3A_147 : memref<!tpu.dma_semaphore, #tpu.memory_space<semaphore_mem>>)
      %dma_wait3A_156 = arith.constant 0 : i32
      %dma_wait3A_157 = arith.constant 0 : i32
      %dma_wait3A_158 = tpu.memref_slice %arg3[%run_scoped3A, %add3A, %dma_wait3A_156, %dma_wait3A_157] : memref<2x32x250x40xi32, #tpu.memory_space<hbm>> -> memref<1x1x250x40xi32, #tpu.memory_space<hbm>>
      %dma_wait3A_159 = tpu.memref_squeeze %dma_wait3A_158 : memref<1x1x250x40xi32, #tpu.memory_space<hbm>> -> memref<250x40xi32, #tpu.memory_space<hbm>>
      %dma_wait3A_160 = arith.constant 0 : i32
      %dma_wait3A_161 = arith.constant 0 : i32
      %dma_wait3A_162 = tpu.memref_slice %arg3[%run_scoped3A, %add3A, %dma_wait3A_160, %dma_wait3A_161] : memref<2x32x250x40xi32, #tpu.memory_space<hbm>> -> memref<1x1x250x40xi32, #tpu.memory_space<hbm>>
      %dma_wait3A_163 = tpu.memref_squeeze %dma_wait3A_162 : memref<1x1x250x40xi32, #tpu.memory_space<hbm>> -> memref<250x40xi32, #tpu.memory_space<hbm>>
      tpu.wait_dma2 semaphore(%run_scoped3A_147 : memref<!tpu.dma_semaphore, #tpu.memory_space<semaphore_mem>>) src(%dma_wait3A_163 : memref<250x40xi32, #tpu.memory_space<hbm>>) dst(%arg6 : memref<250x40xi32, #tpu.memory_space<vmem>>)
      tpu.yield
    }) : () -> ()
    %run_scoped3A_3 = arith.constant 1 : i32
    "tpu.region"() ({
      %run_scoped3A_147 = tpu.sem_alloc : memref<!tpu.dma_semaphore, #tpu.memory_space<semaphore_mem>>
      %dma_start3A_148 = arith.constant 0 : i32
      %dma_start3A_149 = arith.constant 0 : i32
      %dma_start3A_150 = tpu.memref_slice %arg3[%run_scoped3A_3, %add3A, %dma_start3A_148, %dma_start3A_149] : memref<2x32x250x40xi32, #tpu.memory_space<hbm>> -> memref<1x1x250x40xi32, #tpu.memory_space<hbm>>
      %dma_start3A_151 = tpu.memref_squeeze %dma_start3A_150 : memref<1x1x250x40xi32, #tpu.memory_space<hbm>> -> memref<250x40xi32, #tpu.memory_space<hbm>>
      %dma_start3A_152 = arith.constant 0 : i32
      %dma_start3A_153 = arith.constant 0 : i32
      %dma_start3A_154 = tpu.memref_slice %arg3[%run_scoped3A_3, %add3A, %dma_start3A_152, %dma_start3A_153] : memref<2x32x250x40xi32, #tpu.memory_space<hbm>> -> memref<1x1x250x40xi32, #tpu.memory_space<hbm>>
      %dma_start3A_155 = tpu.memref_squeeze %dma_start3A_154 : memref<1x1x250x40xi32, #tpu.memory_space<hbm>> -> memref<250x40xi32, #tpu.memory_space<hbm>>
      tpu.enqueue_dma source(%dma_start3A_155 : memref<250x40xi32, #tpu.memory_space<hbm>>) target(%arg7 : memref<250x40xi32, #tpu.memory_space<vmem>>) target_semaphore(%run_scoped3A_147 : memref<!tpu.dma_semaphore, #tpu.memory_space<semaphore_mem>>)
      %dma_wait3A_156 = arith.constant 0 : i32
      %dma_wait3A_157 = arith.constant 0 : i32
      %dma_wait3A_158 = tpu.memref_slice %arg3[%run_scoped3A_3, %add3A, %dma_wait3A_156, %dma_wait3A_157] : memref<2x32x250x40xi32, #tpu.memory_space<hbm>> -> memref<1x1x250x40xi32, #tpu.memory_space<hbm>>
      %dma_wait3A_159 = tpu.memref_squeeze %dma_wait3A_158 : memref<1x1x250x40xi32, #tpu.memory_space<hbm>> -> memref<250x40xi32, #tpu.memory_space<hbm>>
      %dma_wait3A_160 = arith.constant 0 : i32
      %dma_wait3A_161 = arith.constant 0 : i32
      %dma_wait3A_162 = tpu.memref_slice %arg3[%run_scoped3A_3, %add3A, %dma_wait3A_160, %dma_wait3A_161] : memref<2x32x250x40xi32, #tpu.memory_space<hbm>> -> memref<1x1x250x40xi32, #tpu.memory_space<hbm>>
      %dma_wait3A_163 = tpu.memref_squeeze %dma_wait3A_162 : memref<1x1x250x40xi32, #tpu.memory_space<hbm>> -> memref<250x40xi32, #tpu.memory_space<hbm>>
      tpu.wait_dma2 semaphore(%run_scoped3A_147 : memref<!tpu.dma_semaphore, #tpu.memory_space<semaphore_mem>>) src(%dma_wait3A_163 : memref<250x40xi32, #tpu.memory_space<hbm>>) dst(%arg7 : memref<250x40xi32, #tpu.memory_space<vmem>>)
      tpu.yield
    }) : () -> ()
    %barrier3A = arith.constant 0 : index
    tpu.barrier barrier_id(%barrier3A)
    %dma_start3A = arith.constant 0 : i32
    %dma_start3A_4 = arith.constant 0 : i32
    %dma_start3A_5 = tpu.memref_slice %arg6[%dma_start3A, %dma_start3A_4] : memref<250x40xi32, #tpu.memory_space<vmem>> -> memref<1x40xi32, #tpu.memory_space<vmem>>
    %dma_start3A_6 = tpu.memref_squeeze %dma_start3A_5 : memref<1x40xi32, #tpu.memory_space<vmem>> -> memref<40xi32, #tpu.memory_space<vmem>>
    %dma_start3A_7 = arith.constant 0 : i32
    %dma_start3A_8 = arith.constant 0 : i32
    %dma_start3A_9 = tpu.memref_slice %arg2[%dma_start3A_7, %dma_start3A_8] : memref<10000x128xf32, #tpu.memory_space<hbm>> -> memref<10000x128xf32, #tpu.memory_space<hbm>>
    tpu.enqueue_indirect_dma source(%dma_start3A_9 : memref<10000x128xf32, #tpu.memory_space<hbm>>) target(%arg8 : memref<40x128xf32, #tpu.memory_space<vmem>>) offsets(%dma_start3A_6 : memref<40xi32, #tpu.memory_space<vmem>>) semaphore(%arg13 : memref<!tpu.dma_semaphore, #tpu.memory_space<semaphore_mem>>)
    %dma_start3A_10 = arith.constant 1 : i32
    %dma_start3A_11 = arith.constant 0 : i32
    %dma_start3A_12 = tpu.memref_slice %arg6[%dma_start3A_10, %dma_start3A_11] : memref<250x40xi32, #tpu.memory_space<vmem>> -> memref<1x40xi32, #tpu.memory_space<vmem>>
    %dma_start3A_13 = tpu.memref_squeeze %dma_start3A_12 : memref<1x40xi32, #tpu.memory_space<vmem>> -> memref<40xi32, #tpu.memory_space<vmem>>
    %dma_start3A_14 = arith.constant 0 : i32
    %dma_start3A_15 = arith.constant 0 : i32
    %dma_start3A_16 = tpu.memref_slice %arg2[%dma_start3A_14, %dma_start3A_15] : memref<10000x128xf32, #tpu.memory_space<hbm>> -> memref<10000x128xf32, #tpu.memory_space<hbm>>
    tpu.enqueue_indirect_dma source(%dma_start3A_16 : memref<10000x128xf32, #tpu.memory_space<hbm>>) target(%arg9 : memref<40x128xf32, #tpu.memory_space<vmem>>) offsets(%dma_start3A_13 : memref<40xi32, #tpu.memory_space<vmem>>) semaphore(%arg14 : memref<!tpu.dma_semaphore, #tpu.memory_space<semaphore_mem>>)
    %dma_start3A_17 = arith.constant 2 : i32
    %dma_start3A_18 = arith.constant 0 : i32
    %dma_start3A_19 = tpu.memref_slice %arg6[%dma_start3A_17, %dma_start3A_18] : memref<250x40xi32, #tpu.memory_space<vmem>> -> memref<1x40xi32, #tpu.memory_space<vmem>>
    %dma_start3A_20 = tpu.memref_squeeze %dma_start3A_19 : memref<1x40xi32, #tpu.memory_space<vmem>> -> memref<40xi32, #tpu.memory_space<vmem>>
    %dma_start3A_21 = arith.constant 0 : i32
    %dma_start3A_22 = arith.constant 0 : i32
    %dma_start3A_23 = tpu.memref_slice %arg2[%dma_start3A_21, %dma_start3A_22] : memref<10000x128xf32, #tpu.memory_space<hbm>> -> memref<10000x128xf32, #tpu.memory_space<hbm>>
    tpu.enqueue_indirect_dma source(%dma_start3A_23 : memref<10000x128xf32, #tpu.memory_space<hbm>>) target(%arg10 : memref<40x128xf32, #tpu.memory_space<vmem>>) offsets(%dma_start3A_20 : memref<40xi32, #tpu.memory_space<vmem>>) semaphore(%arg15 : memref<!tpu.dma_semaphore, #tpu.memory_space<semaphore_mem>>)
    %dma_start3A_24 = arith.constant 3 : i32
    %dma_start3A_25 = arith.constant 0 : i32
    %dma_start3A_26 = tpu.memref_slice %arg6[%dma_start3A_24, %dma_start3A_25] : memref<250x40xi32, #tpu.memory_space<vmem>> -> memref<1x40xi32, #tpu.memory_space<vmem>>
    %dma_start3A_27 = tpu.memref_squeeze %dma_start3A_26 : memref<1x40xi32, #tpu.memory_space<vmem>> -> memref<40xi32, #tpu.memory_space<vmem>>
    %dma_start3A_28 = arith.constant 0 : i32
    %dma_start3A_29 = arith.constant 0 : i32
    %dma_start3A_30 = tpu.memref_slice %arg2[%dma_start3A_28, %dma_start3A_29] : memref<10000x128xf32, #tpu.memory_space<hbm>> -> memref<10000x128xf32, #tpu.memory_space<hbm>>
    tpu.enqueue_indirect_dma source(%dma_start3A_30 : memref<10000x128xf32, #tpu.memory_space<hbm>>) target(%arg11 : memref<40x128xf32, #tpu.memory_space<vmem>>) offsets(%dma_start3A_27 : memref<40xi32, #tpu.memory_space<vmem>>) semaphore(%arg16 : memref<!tpu.dma_semaphore, #tpu.memory_space<semaphore_mem>>)
    %dma_start3A_31 = arith.constant 4 : i32
    %dma_start3A_32 = arith.constant 0 : i32
    %dma_start3A_33 = tpu.memref_slice %arg6[%dma_start3A_31, %dma_start3A_32] : memref<250x40xi32, #tpu.memory_space<vmem>> -> memref<1x40xi32, #tpu.memory_space<vmem>>
    %dma_start3A_34 = tpu.memref_squeeze %dma_start3A_33 : memref<1x40xi32, #tpu.memory_space<vmem>> -> memref<40xi32, #tpu.memory_space<vmem>>
    %dma_start3A_35 = arith.constant 0 : i32
    %dma_start3A_36 = arith.constant 0 : i32
    %dma_start3A_37 = tpu.memref_slice %arg2[%dma_start3A_35, %dma_start3A_36] : memref<10000x128xf32, #tpu.memory_space<hbm>> -> memref<10000x128xf32, #tpu.memory_space<hbm>>
    tpu.enqueue_indirect_dma source(%dma_start3A_37 : memref<10000x128xf32, #tpu.memory_space<hbm>>) target(%arg12 : memref<40x128xf32, #tpu.memory_space<vmem>>) offsets(%dma_start3A_34 : memref<40xi32, #tpu.memory_space<vmem>>) semaphore(%arg17 : memref<!tpu.dma_semaphore, #tpu.memory_space<semaphore_mem>>)
    %scan3A = arith.constant 0 : i32
    %scan3A_38 = arith.constant 49 : i32
    %scan3A_39 = arith.addi %scan3A, %scan3A_38 : i32
    %scan3A_40 = arith.constant 1 : i32
    scf.for %scan3A_147 = %scan3A to %scan3A_39 step %scan3A_40  : i32 {
      %mul3A_148 = arith.constant 5 : i32
      %mul3A_149 = arith.muli %scan3A_147, %mul3A_148 : i32
      %add3A_150 = arith.constant 0 : i32
      %add3A_151 = arith.addi %add3A_150, %mul3A_149 : i32
      %add3A_152 = arith.constant 0 : i32
      %add3A_153 = arith.addi %add3A_151, %add3A_152 : i32
      %dma_wait3A_154 = arith.constant 0 : i32
      %dma_wait3A_155 = tpu.memref_slice %arg6[%add3A_153, %dma_wait3A_154] : memref<250x40xi32, #tpu.memory_space<vmem>> -> memref<1x40xi32, #tpu.memory_space<vmem>>
      %dma_wait3A_156 = tpu.memref_squeeze %dma_wait3A_155 : memref<1x40xi32, #tpu.memory_space<vmem>> -> memref<40xi32, #tpu.memory_space<vmem>>
      %dma_wait3A_157 = arith.constant 0 : i32
      %dma_wait3A_158 = arith.constant 0 : i32
      %dma_wait3A_159 = tpu.memref_slice %arg2[%dma_wait3A_157, %dma_wait3A_158] : memref<10000x128xf32, #tpu.memory_space<hbm>> -> memref<10000x128xf32, #tpu.memory_space<hbm>>
      tpu.wait_indirect_dma semaphore(%arg13 : memref<!tpu.dma_semaphore, #tpu.memory_space<semaphore_mem>>) src(%dma_wait3A_159 : memref<10000x128xf32, #tpu.memory_space<hbm>>) dst(%arg8 : memref<40x128xf32, #tpu.memory_space<vmem>>)
      %dma_start3A_160 = arith.constant 0 : i32
      %dma_start3A_161 = tpu.memref_slice %arg7[%add3A_153, %dma_start3A_160] : memref<250x40xi32, #tpu.memory_space<vmem>> -> memref<1x40xi32, #tpu.memory_space<vmem>>
      %dma_start3A_162 = tpu.memref_squeeze %dma_start3A_161 : memref<1x40xi32, #tpu.memory_space<vmem>> -> memref<40xi32, #tpu.memory_space<vmem>>
      %dma_start3A_163 = arith.constant 0 : i32
      %dma_start3A_164 = arith.constant 0 : i32
      %dma_start3A_165 = tpu.memref_slice %arg23[%dma_start3A_163, %dma_start3A_164] : memref<10000x128xf32, #tpu.memory_space<vmem_shared>> -> memref<10000x128xf32, #tpu.memory_space<vmem_shared>>
      tpu.enqueue_indirect_dma source(%arg8 : memref<40x128xf32, #tpu.memory_space<vmem>>) target(%dma_start3A_165 : memref<10000x128xf32, #tpu.memory_space<vmem_shared>>) offsets(%dma_start3A_162 : memref<40xi32, #tpu.memory_space<vmem>>) semaphore(%arg18 : memref<!tpu.dma_semaphore, #tpu.memory_space<semaphore_mem>>) {add = true}
      %dma_wait3A_166 = arith.constant 0 : i32
      %dma_wait3A_167 = arith.constant 0 : i32
      %dma_wait3A_168 = tpu.memref_slice %arg7[%dma_wait3A_166, %dma_wait3A_167] : memref<250x40xi32, #tpu.memory_space<vmem>> -> memref<1x40xi32, #tpu.memory_space<vmem>>
      %dma_wait3A_169 = tpu.memref_squeeze %dma_wait3A_168 : memref<1x40xi32, #tpu.memory_space<vmem>> -> memref<40xi32, #tpu.memory_space<vmem>>
      %dma_wait3A_170 = arith.constant 0 : i32
      %dma_wait3A_171 = arith.constant 0 : i32
      %dma_wait3A_172 = tpu.memref_slice %arg23[%dma_wait3A_170, %dma_wait3A_171] : memref<10000x128xf32, #tpu.memory_space<vmem_shared>> -> memref<10000x128xf32, #tpu.memory_space<vmem_shared>>
      tpu.wait_indirect_dma semaphore(%arg18 : memref<!tpu.dma_semaphore, #tpu.memory_space<semaphore_mem>>) src(%arg8 : memref<40x128xf32, #tpu.memory_space<vmem>>) dst(%dma_wait3A_172 : memref<10000x128xf32, #tpu.memory_space<vmem_shared>>)
      %add3A_173 = arith.constant 5 : i32
      %add3A_174 = arith.addi %add3A_153, %add3A_173 : i32
      %dma_start3A_175 = arith.constant 0 : i32
      %dma_start3A_176 = tpu.memref_slice %arg6[%add3A_174, %dma_start3A_175] : memref<250x40xi32, #tpu.memory_space<vmem>> -> memref<1x40xi32, #tpu.memory_space<vmem>>
      %dma_start3A_177 = tpu.memref_squeeze %dma_start3A_176 : memref<1x40xi32, #tpu.memory_space<vmem>> -> memref<40xi32, #tpu.memory_space<vmem>>
      %dma_start3A_178 = arith.constant 0 : i32
      %dma_start3A_179 = arith.constant 0 : i32
      %dma_start3A_180 = tpu.memref_slice %arg2[%dma_start3A_178, %dma_start3A_179] : memref<10000x128xf32, #tpu.memory_space<hbm>> -> memref<10000x128xf32, #tpu.memory_space<hbm>>
      tpu.enqueue_indirect_dma source(%dma_start3A_180 : memref<10000x128xf32, #tpu.memory_space<hbm>>) target(%arg8 : memref<40x128xf32, #tpu.memory_space<vmem>>) offsets(%dma_start3A_177 : memref<40xi32, #tpu.memory_space<vmem>>) semaphore(%arg13 : memref<!tpu.dma_semaphore, #tpu.memory_space<semaphore_mem>>)
      %add3A_181 = arith.constant 1 : i32
      %add3A_182 = arith.addi %add3A_151, %add3A_181 : i32
      %dma_wait3A_183 = arith.constant 0 : i32
      %dma_wait3A_184 = tpu.memref_slice %arg6[%add3A_182, %dma_wait3A_183] : memref<250x40xi32, #tpu.memory_space<vmem>> -> memref<1x40xi32, #tpu.memory_space<vmem>>
      %dma_wait3A_185 = tpu.memref_squeeze %dma_wait3A_184 : memref<1x40xi32, #tpu.memory_space<vmem>> -> memref<40xi32, #tpu.memory_space<vmem>>
      %dma_wait3A_186 = arith.constant 0 : i32
      %dma_wait3A_187 = arith.constant 0 : i32
      %dma_wait3A_188 = tpu.memref_slice %arg2[%dma_wait3A_186, %dma_wait3A_187] : memref<10000x128xf32, #tpu.memory_space<hbm>> -> memref<10000x128xf32, #tpu.memory_space<hbm>>
      tpu.wait_indirect_dma semaphore(%arg14 : memref<!tpu.dma_semaphore, #tpu.memory_space<semaphore_mem>>) src(%dma_wait3A_188 : memref<10000x128xf32, #tpu.memory_space<hbm>>) dst(%arg9 : memref<40x128xf32, #tpu.memory_space<vmem>>)
      %dma_start3A_189 = arith.constant 0 : i32
      %dma_start3A_190 = tpu.memref_slice %arg7[%add3A_182, %dma_start3A_189] : memref<250x40xi32, #tpu.memory_space<vmem>> -> memref<1x40xi32, #tpu.memory_space<vmem>>
      %dma_start3A_191 = tpu.memref_squeeze %dma_start3A_190 : memref<1x40xi32, #tpu.memory_space<vmem>> -> memref<40xi32, #tpu.memory_space<vmem>>
      %dma_start3A_192 = arith.constant 0 : i32
      %dma_start3A_193 = arith.constant 0 : i32
      %dma_start3A_194 = tpu.memref_slice %arg23[%dma_start3A_192, %dma_start3A_193] : memref<10000x128xf32, #tpu.memory_space<vmem_shared>> -> memref<10000x128xf32, #tpu.memory_space<vmem_shared>>
      tpu.enqueue_indirect_dma source(%arg9 : memref<40x128xf32, #tpu.memory_space<vmem>>) target(%dma_start3A_194 : memref<10000x128xf32, #tpu.memory_space<vmem_shared>>) offsets(%dma_start3A_191 : memref<40xi32, #tpu.memory_space<vmem>>) semaphore(%arg19 : memref<!tpu.dma_semaphore, #tpu.memory_space<semaphore_mem>>) {add = true}
      %dma_wait3A_195 = arith.constant 0 : i32
      %dma_wait3A_196 = arith.constant 0 : i32
      %dma_wait3A_197 = tpu.memref_slice %arg7[%dma_wait3A_195, %dma_wait3A_196] : memref<250x40xi32, #tpu.memory_space<vmem>> -> memref<1x40xi32, #tpu.memory_space<vmem>>
      %dma_wait3A_198 = tpu.memref_squeeze %dma_wait3A_197 : memref<1x40xi32, #tpu.memory_space<vmem>> -> memref<40xi32, #tpu.memory_space<vmem>>
      %dma_wait3A_199 = arith.constant 0 : i32
      %dma_wait3A_200 = arith.constant 0 : i32
      %dma_wait3A_201 = tpu.memref_slice %arg23[%dma_wait3A_199, %dma_wait3A_200] : memref<10000x128xf32, #tpu.memory_space<vmem_shared>> -> memref<10000x128xf32, #tpu.memory_space<vmem_shared>>
      tpu.wait_indirect_dma semaphore(%arg19 : memref<!tpu.dma_semaphore, #tpu.memory_space<semaphore_mem>>) src(%arg9 : memref<40x128xf32, #tpu.memory_space<vmem>>) dst(%dma_wait3A_201 : memref<10000x128xf32, #tpu.memory_space<vmem_shared>>)
      %add3A_202 = arith.constant 5 : i32
      %add3A_203 = arith.addi %add3A_182, %add3A_202 : i32
      %dma_start3A_204 = arith.constant 0 : i32
      %dma_start3A_205 = tpu.memref_slice %arg6[%add3A_203, %dma_start3A_204] : memref<250x40xi32, #tpu.memory_space<vmem>> -> memref<1x40xi32, #tpu.memory_space<vmem>>
      %dma_start3A_206 = tpu.memref_squeeze %dma_start3A_205 : memref<1x40xi32, #tpu.memory_space<vmem>> -> memref<40xi32, #tpu.memory_space<vmem>>
      %dma_start3A_207 = arith.constant 0 : i32
      %dma_start3A_208 = arith.constant 0 : i32
      %dma_start3A_209 = tpu.memref_slice %arg2[%dma_start3A_207, %dma_start3A_208] : memref<10000x128xf32, #tpu.memory_space<hbm>> -> memref<10000x128xf32, #tpu.memory_space<hbm>>
      tpu.enqueue_indirect_dma source(%dma_start3A_209 : memref<10000x128xf32, #tpu.memory_space<hbm>>) target(%arg9 : memref<40x128xf32, #tpu.memory_space<vmem>>) offsets(%dma_start3A_206 : memref<40xi32, #tpu.memory_space<vmem>>) semaphore(%arg14 : memref<!tpu.dma_semaphore, #tpu.memory_space<semaphore_mem>>)
      %add3A_210 = arith.constant 2 : i32
      %add3A_211 = arith.addi %add3A_151, %add3A_210 : i32
      %dma_wait3A_212 = arith.constant 0 : i32
      %dma_wait3A_213 = tpu.memref_slice %arg6[%add3A_211, %dma_wait3A_212] : memref<250x40xi32, #tpu.memory_space<vmem>> -> memref<1x40xi32, #tpu.memory_space<vmem>>
      %dma_wait3A_214 = tpu.memref_squeeze %dma_wait3A_213 : memref<1x40xi32, #tpu.memory_space<vmem>> -> memref<40xi32, #tpu.memory_space<vmem>>
      %dma_wait3A_215 = arith.constant 0 : i32
      %dma_wait3A_216 = arith.constant 0 : i32
      %dma_wait3A_217 = tpu.memref_slice %arg2[%dma_wait3A_215, %dma_wait3A_216] : memref<10000x128xf32, #tpu.memory_space<hbm>> -> memref<10000x128xf32, #tpu.memory_space<hbm>>
      tpu.wait_indirect_dma semaphore(%arg15 : memref<!tpu.dma_semaphore, #tpu.memory_space<semaphore_mem>>) src(%dma_wait3A_217 : memref<10000x128xf32, #tpu.memory_space<hbm>>) dst(%arg10 : memref<40x128xf32, #tpu.memory_space<vmem>>)
      %dma_start3A_218 = arith.constant 0 : i32
      %dma_start3A_219 = tpu.memref_slice %arg7[%add3A_211, %dma_start3A_218] : memref<250x40xi32, #tpu.memory_space<vmem>> -> memref<1x40xi32, #tpu.memory_space<vmem>>
      %dma_start3A_220 = tpu.memref_squeeze %dma_start3A_219 : memref<1x40xi32, #tpu.memory_space<vmem>> -> memref<40xi32, #tpu.memory_space<vmem>>
      %dma_start3A_221 = arith.constant 0 : i32
      %dma_start3A_222 = arith.constant 0 : i32
      %dma_start3A_223 = tpu.memref_slice %arg23[%dma_start3A_221, %dma_start3A_222] : memref<10000x128xf32, #tpu.memory_space<vmem_shared>> -> memref<10000x128xf32, #tpu.memory_space<vmem_shared>>
      tpu.enqueue_indirect_dma source(%arg10 : memref<40x128xf32, #tpu.memory_space<vmem>>) target(%dma_start3A_223 : memref<10000x128xf32, #tpu.memory_space<vmem_shared>>) offsets(%dma_start3A_220 : memref<40xi32, #tpu.memory_space<vmem>>) semaphore(%arg20 : memref<!tpu.dma_semaphore, #tpu.memory_space<semaphore_mem>>) {add = true}
      %dma_wait3A_224 = arith.constant 0 : i32
      %dma_wait3A_225 = arith.constant 0 : i32
      %dma_wait3A_226 = tpu.memref_slice %arg7[%dma_wait3A_224, %dma_wait3A_225] : memref<250x40xi32, #tpu.memory_space<vmem>> -> memref<1x40xi32, #tpu.memory_space<vmem>>
      %dma_wait3A_227 = tpu.memref_squeeze %dma_wait3A_226 : memref<1x40xi32, #tpu.memory_space<vmem>> -> memref<40xi32, #tpu.memory_space<vmem>>
      %dma_wait3A_228 = arith.constant 0 : i32
      %dma_wait3A_229 = arith.constant 0 : i32
      %dma_wait3A_230 = tpu.memref_slice %arg23[%dma_wait3A_228, %dma_wait3A_229] : memref<10000x128xf32, #tpu.memory_space<vmem_shared>> -> memref<10000x128xf32, #tpu.memory_space<vmem_shared>>
      tpu.wait_indirect_dma semaphore(%arg20 : memref<!tpu.dma_semaphore, #tpu.memory_space<semaphore_mem>>) src(%arg10 : memref<40x128xf32, #tpu.memory_space<vmem>>) dst(%dma_wait3A_230 : memref<10000x128xf32, #tpu.memory_space<vmem_shared>>)
      %add3A_231 = arith.constant 5 : i32
      %add3A_232 = arith.addi %add3A_211, %add3A_231 : i32
      %dma_start3A_233 = arith.constant 0 : i32
      %dma_start3A_234 = tpu.memref_slice %arg6[%add3A_232, %dma_start3A_233] : memref<250x40xi32, #tpu.memory_space<vmem>> -> memref<1x40xi32, #tpu.memory_space<vmem>>
      %dma_start3A_235 = tpu.memref_squeeze %dma_start3A_234 : memref<1x40xi32, #tpu.memory_space<vmem>> -> memref<40xi32, #tpu.memory_space<vmem>>
      %dma_start3A_236 = arith.constant 0 : i32
      %dma_start3A_237 = arith.constant 0 : i32
      %dma_start3A_238 = tpu.memref_slice %arg2[%dma_start3A_236, %dma_start3A_237] : memref<10000x128xf32, #tpu.memory_space<hbm>> -> memref<10000x128xf32, #tpu.memory_space<hbm>>
      tpu.enqueue_indirect_dma source(%dma_start3A_238 : memref<10000x128xf32, #tpu.memory_space<hbm>>) target(%arg10 : memref<40x128xf32, #tpu.memory_space<vmem>>) offsets(%dma_start3A_235 : memref<40xi32, #tpu.memory_space<vmem>>) semaphore(%arg15 : memref<!tpu.dma_semaphore, #tpu.memory_space<semaphore_mem>>)
      %add3A_239 = arith.constant 3 : i32
      %add3A_240 = arith.addi %add3A_151, %add3A_239 : i32
      %dma_wait3A_241 = arith.constant 0 : i32
      %dma_wait3A_242 = tpu.memref_slice %arg6[%add3A_240, %dma_wait3A_241] : memref<250x40xi32, #tpu.memory_space<vmem>> -> memref<1x40xi32, #tpu.memory_space<vmem>>
      %dma_wait3A_243 = tpu.memref_squeeze %dma_wait3A_242 : memref<1x40xi32, #tpu.memory_space<vmem>> -> memref<40xi32, #tpu.memory_space<vmem>>
      %dma_wait3A_244 = arith.constant 0 : i32
      %dma_wait3A_245 = arith.constant 0 : i32
      %dma_wait3A_246 = tpu.memref_slice %arg2[%dma_wait3A_244, %dma_wait3A_245] : memref<10000x128xf32, #tpu.memory_space<hbm>> -> memref<10000x128xf32, #tpu.memory_space<hbm>>
      tpu.wait_indirect_dma semaphore(%arg16 : memref<!tpu.dma_semaphore, #tpu.memory_space<semaphore_mem>>) src(%dma_wait3A_246 : memref<10000x128xf32, #tpu.memory_space<hbm>>) dst(%arg11 : memref<40x128xf32, #tpu.memory_space<vmem>>)
      %dma_start3A_247 = arith.constant 0 : i32
      %dma_start3A_248 = tpu.memref_slice %arg7[%add3A_240, %dma_start3A_247] : memref<250x40xi32, #tpu.memory_space<vmem>> -> memref<1x40xi32, #tpu.memory_space<vmem>>
      %dma_start3A_249 = tpu.memref_squeeze %dma_start3A_248 : memref<1x40xi32, #tpu.memory_space<vmem>> -> memref<40xi32, #tpu.memory_space<vmem>>
      %dma_start3A_250 = arith.constant 0 : i32
      %dma_start3A_251 = arith.constant 0 : i32
      %dma_start3A_252 = tpu.memref_slice %arg23[%dma_start3A_250, %dma_start3A_251] : memref<10000x128xf32, #tpu.memory_space<vmem_shared>> -> memref<10000x128xf32, #tpu.memory_space<vmem_shared>>
      tpu.enqueue_indirect_dma source(%arg11 : memref<40x128xf32, #tpu.memory_space<vmem>>) target(%dma_start3A_252 : memref<10000x128xf32, #tpu.memory_space<vmem_shared>>) offsets(%dma_start3A_249 : memref<40xi32, #tpu.memory_space<vmem>>) semaphore(%arg21 : memref<!tpu.dma_semaphore, #tpu.memory_space<semaphore_mem>>) {add = true}
      %dma_wait3A_253 = arith.constant 0 : i32
      %dma_wait3A_254 = arith.constant 0 : i32
      %dma_wait3A_255 = tpu.memref_slice %arg7[%dma_wait3A_253, %dma_wait3A_254] : memref<250x40xi32, #tpu.memory_space<vmem>> -> memref<1x40xi32, #tpu.memory_space<vmem>>
      %dma_wait3A_256 = tpu.memref_squeeze %dma_wait3A_255 : memref<1x40xi32, #tpu.memory_space<vmem>> -> memref<40xi32, #tpu.memory_space<vmem>>
      %dma_wait3A_257 = arith.constant 0 : i32
      %dma_wait3A_258 = arith.constant 0 : i32
      %dma_wait3A_259 = tpu.memref_slice %arg23[%dma_wait3A_257, %dma_wait3A_258] : memref<10000x128xf32, #tpu.memory_space<vmem_shared>> -> memref<10000x128xf32, #tpu.memory_space<vmem_shared>>
      tpu.wait_indirect_dma semaphore(%arg21 : memref<!tpu.dma_semaphore, #tpu.memory_space<semaphore_mem>>) src(%arg11 : memref<40x128xf32, #tpu.memory_space<vmem>>) dst(%dma_wait3A_259 : memref<10000x128xf32, #tpu.memory_space<vmem_shared>>)
      %add3A_260 = arith.constant 5 : i32
      %add3A_261 = arith.addi %add3A_240, %add3A_260 : i32
      %dma_start3A_262 = arith.constant 0 : i32
      %dma_start3A_263 = tpu.memref_slice %arg6[%add3A_261, %dma_start3A_262] : memref<250x40xi32, #tpu.memory_space<vmem>> -> memref<1x40xi32, #tpu.memory_space<vmem>>
      %dma_start3A_264 = tpu.memref_squeeze %dma_start3A_263 : memref<1x40xi32, #tpu.memory_space<vmem>> -> memref<40xi32, #tpu.memory_space<vmem>>
      %dma_start3A_265 = arith.constant 0 : i32
      %dma_start3A_266 = arith.constant 0 : i32
      %dma_start3A_267 = tpu.memref_slice %arg2[%dma_start3A_265, %dma_start3A_266] : memref<10000x128xf32, #tpu.memory_space<hbm>> -> memref<10000x128xf32, #tpu.memory_space<hbm>>
      tpu.enqueue_indirect_dma source(%dma_start3A_267 : memref<10000x128xf32, #tpu.memory_space<hbm>>) target(%arg11 : memref<40x128xf32, #tpu.memory_space<vmem>>) offsets(%dma_start3A_264 : memref<40xi32, #tpu.memory_space<vmem>>) semaphore(%arg16 : memref<!tpu.dma_semaphore, #tpu.memory_space<semaphore_mem>>)
      %add3A_268 = arith.constant 4 : i32
      %add3A_269 = arith.addi %add3A_151, %add3A_268 : i32
      %dma_wait3A_270 = arith.constant 0 : i32
      %dma_wait3A_271 = tpu.memref_slice %arg6[%add3A_269, %dma_wait3A_270] : memref<250x40xi32, #tpu.memory_space<vmem>> -> memref<1x40xi32, #tpu.memory_space<vmem>>
      %dma_wait3A_272 = tpu.memref_squeeze %dma_wait3A_271 : memref<1x40xi32, #tpu.memory_space<vmem>> -> memref<40xi32, #tpu.memory_space<vmem>>
      %dma_wait3A_273 = arith.constant 0 : i32
      %dma_wait3A_274 = arith.constant 0 : i32
      %dma_wait3A_275 = tpu.memref_slice %arg2[%dma_wait3A_273, %dma_wait3A_274] : memref<10000x128xf32, #tpu.memory_space<hbm>> -> memref<10000x128xf32, #tpu.memory_space<hbm>>
      tpu.wait_indirect_dma semaphore(%arg17 : memref<!tpu.dma_semaphore, #tpu.memory_space<semaphore_mem>>) src(%dma_wait3A_275 : memref<10000x128xf32, #tpu.memory_space<hbm>>) dst(%arg12 : memref<40x128xf32, #tpu.memory_space<vmem>>)
      %dma_start3A_276 = arith.constant 0 : i32
      %dma_start3A_277 = tpu.memref_slice %arg7[%add3A_269, %dma_start3A_276] : memref<250x40xi32, #tpu.memory_space<vmem>> -> memref<1x40xi32, #tpu.memory_space<vmem>>
      %dma_start3A_278 = tpu.memref_squeeze %dma_start3A_277 : memref<1x40xi32, #tpu.memory_space<vmem>> -> memref<40xi32, #tpu.memory_space<vmem>>
      %dma_start3A_279 = arith.constant 0 : i32
      %dma_start3A_280 = arith.constant 0 : i32
      %dma_start3A_281 = tpu.memref_slice %arg23[%dma_start3A_279, %dma_start3A_280] : memref<10000x128xf32, #tpu.memory_space<vmem_shared>> -> memref<10000x128xf32, #tpu.memory_space<vmem_shared>>
      tpu.enqueue_indirect_dma source(%arg12 : memref<40x128xf32, #tpu.memory_space<vmem>>) target(%dma_start3A_281 : memref<10000x128xf32, #tpu.memory_space<vmem_shared>>) offsets(%dma_start3A_278 : memref<40xi32, #tpu.memory_space<vmem>>) semaphore(%arg22 : memref<!tpu.dma_semaphore, #tpu.memory_space<semaphore_mem>>) {add = true}
      %dma_wait3A_282 = arith.constant 0 : i32
      %dma_wait3A_283 = arith.constant 0 : i32
      %dma_wait3A_284 = tpu.memref_slice %arg7[%dma_wait3A_282, %dma_wait3A_283] : memref<250x40xi32, #tpu.memory_space<vmem>> -> memref<1x40xi32, #tpu.memory_space<vmem>>
      %dma_wait3A_285 = tpu.memref_squeeze %dma_wait3A_284 : memref<1x40xi32, #tpu.memory_space<vmem>> -> memref<40xi32, #tpu.memory_space<vmem>>
      %dma_wait3A_286 = arith.constant 0 : i32
      %dma_wait3A_287 = arith.constant 0 : i32
      %dma_wait3A_288 = tpu.memref_slice %arg23[%dma_wait3A_286, %dma_wait3A_287] : memref<10000x128xf32, #tpu.memory_space<vmem_shared>> -> memref<10000x128xf32, #tpu.memory_space<vmem_shared>>
      tpu.wait_indirect_dma semaphore(%arg22 : memref<!tpu.dma_semaphore, #tpu.memory_space<semaphore_mem>>) src(%arg12 : memref<40x128xf32, #tpu.memory_space<vmem>>) dst(%dma_wait3A_288 : memref<10000x128xf32, #tpu.memory_space<vmem_shared>>)
      %add3A_289 = arith.constant 5 : i32
      %add3A_290 = arith.addi %add3A_269, %add3A_289 : i32
      %dma_start3A_291 = arith.constant 0 : i32
      %dma_start3A_292 = tpu.memref_slice %arg6[%add3A_290, %dma_start3A_291] : memref<250x40xi32, #tpu.memory_space<vmem>> -> memref<1x40xi32, #tpu.memory_space<vmem>>
      %dma_start3A_293 = tpu.memref_squeeze %dma_start3A_292 : memref<1x40xi32, #tpu.memory_space<vmem>> -> memref<40xi32, #tpu.memory_space<vmem>>
      %dma_start3A_294 = arith.constant 0 : i32
      %dma_start3A_295 = arith.constant 0 : i32
      %dma_start3A_296 = tpu.memref_slice %arg2[%dma_start3A_294, %dma_start3A_295] : memref<10000x128xf32, #tpu.memory_space<hbm>> -> memref<10000x128xf32, #tpu.memory_space<hbm>>
      tpu.enqueue_indirect_dma source(%dma_start3A_296 : memref<10000x128xf32, #tpu.memory_space<hbm>>) target(%arg12 : memref<40x128xf32, #tpu.memory_space<vmem>>) offsets(%dma_start3A_293 : memref<40xi32, #tpu.memory_space<vmem>>) semaphore(%arg17 : memref<!tpu.dma_semaphore, #tpu.memory_space<semaphore_mem>>)
    }
    %scan3A_41 = arith.constant 49 : i32
    %dma_wait3A = arith.constant 245 : i32
    %dma_wait3A_42 = arith.constant 0 : i32
    %dma_wait3A_43 = tpu.memref_slice %arg6[%dma_wait3A, %dma_wait3A_42] : memref<250x40xi32, #tpu.memory_space<vmem>> -> memref<1x40xi32, #tpu.memory_space<vmem>>
    %dma_wait3A_44 = tpu.memref_squeeze %dma_wait3A_43 : memref<1x40xi32, #tpu.memory_space<vmem>> -> memref<40xi32, #tpu.memory_space<vmem>>
    %dma_wait3A_45 = arith.constant 0 : i32
    %dma_wait3A_46 = arith.constant 0 : i32
    %dma_wait3A_47 = tpu.memref_slice %arg2[%dma_wait3A_45, %dma_wait3A_46] : memref<10000x128xf32, #tpu.memory_space<hbm>> -> memref<10000x128xf32, #tpu.memory_space<hbm>>
    tpu.wait_indirect_dma semaphore(%arg13 : memref<!tpu.dma_semaphore, #tpu.memory_space<semaphore_mem>>) src(%dma_wait3A_47 : memref<10000x128xf32, #tpu.memory_space<hbm>>) dst(%arg8 : memref<40x128xf32, #tpu.memory_space<vmem>>)
    %dma_start3A_48 = arith.constant 245 : i32
    %dma_start3A_49 = arith.constant 0 : i32
    %dma_start3A_50 = tpu.memref_slice %arg7[%dma_start3A_48, %dma_start3A_49] : memref<250x40xi32, #tpu.memory_space<vmem>> -> memref<1x40xi32, #tpu.memory_space<vmem>>
    %dma_start3A_51 = tpu.memref_squeeze %dma_start3A_50 : memref<1x40xi32, #tpu.memory_space<vmem>> -> memref<40xi32, #tpu.memory_space<vmem>>
    %dma_start3A_52 = arith.constant 0 : i32
    %dma_start3A_53 = arith.constant 0 : i32
    %dma_start3A_54 = tpu.memref_slice %arg23[%dma_start3A_52, %dma_start3A_53] : memref<10000x128xf32, #tpu.memory_space<vmem_shared>> -> memref<10000x128xf32, #tpu.memory_space<vmem_shared>>
    tpu.enqueue_indirect_dma source(%arg8 : memref<40x128xf32, #tpu.memory_space<vmem>>) target(%dma_start3A_54 : memref<10000x128xf32, #tpu.memory_space<vmem_shared>>) offsets(%dma_start3A_51 : memref<40xi32, #tpu.memory_space<vmem>>) semaphore(%arg18 : memref<!tpu.dma_semaphore, #tpu.memory_space<semaphore_mem>>) {add = true}
    %dma_wait3A_55 = arith.constant 0 : i32
    %dma_wait3A_56 = arith.constant 0 : i32
    %dma_wait3A_57 = tpu.memref_slice %arg7[%dma_wait3A_55, %dma_wait3A_56] : memref<250x40xi32, #tpu.memory_space<vmem>> -> memref<1x40xi32, #tpu.memory_space<vmem>>
    %dma_wait3A_58 = tpu.memref_squeeze %dma_wait3A_57 : memref<1x40xi32, #tpu.memory_space<vmem>> -> memref<40xi32, #tpu.memory_space<vmem>>
    %dma_wait3A_59 = arith.constant 0 : i32
    %dma_wait3A_60 = arith.constant 0 : i32
    %dma_wait3A_61 = tpu.memref_slice %arg23[%dma_wait3A_59, %dma_wait3A_60] : memref<10000x128xf32, #tpu.memory_space<vmem_shared>> -> memref<10000x128xf32, #tpu.memory_space<vmem_shared>>
    tpu.wait_indirect_dma semaphore(%arg18 : memref<!tpu.dma_semaphore, #tpu.memory_space<semaphore_mem>>) src(%arg8 : memref<40x128xf32, #tpu.memory_space<vmem>>) dst(%dma_wait3A_61 : memref<10000x128xf32, #tpu.memory_space<vmem_shared>>)
    %dma_wait3A_62 = arith.constant 246 : i32
    %dma_wait3A_63 = arith.constant 0 : i32
    %dma_wait3A_64 = tpu.memref_slice %arg6[%dma_wait3A_62, %dma_wait3A_63] : memref<250x40xi32, #tpu.memory_space<vmem>> -> memref<1x40xi32, #tpu.memory_space<vmem>>
    %dma_wait3A_65 = tpu.memref_squeeze %dma_wait3A_64 : memref<1x40xi32, #tpu.memory_space<vmem>> -> memref<40xi32, #tpu.memory_space<vmem>>
    %dma_wait3A_66 = arith.constant 0 : i32
    %dma_wait3A_67 = arith.constant 0 : i32
    %dma_wait3A_68 = tpu.memref_slice %arg2[%dma_wait3A_66, %dma_wait3A_67] : memref<10000x128xf32, #tpu.memory_space<hbm>> -> memref<10000x128xf32, #tpu.memory_space<hbm>>
    tpu.wait_indirect_dma semaphore(%arg14 : memref<!tpu.dma_semaphore, #tpu.memory_space<semaphore_mem>>) src(%dma_wait3A_68 : memref<10000x128xf32, #tpu.memory_space<hbm>>) dst(%arg9 : memref<40x128xf32, #tpu.memory_space<vmem>>)
    %dma_start3A_69 = arith.constant 246 : i32
    %dma_start3A_70 = arith.constant 0 : i32
    %dma_start3A_71 = tpu.memref_slice %arg7[%dma_start3A_69, %dma_start3A_70] : memref<250x40xi32, #tpu.memory_space<vmem>> -> memref<1x40xi32, #tpu.memory_space<vmem>>
    %dma_start3A_72 = tpu.memref_squeeze %dma_start3A_71 : memref<1x40xi32, #tpu.memory_space<vmem>> -> memref<40xi32, #tpu.memory_space<vmem>>
    %dma_start3A_73 = arith.constant 0 : i32
    %dma_start3A_74 = arith.constant 0 : i32
    %dma_start3A_75 = tpu.memref_slice %arg23[%dma_start3A_73, %dma_start3A_74] : memref<10000x128xf32, #tpu.memory_space<vmem_shared>> -> memref<10000x128xf32, #tpu.memory_space<vmem_shared>>
    tpu.enqueue_indirect_dma source(%arg9 : memref<40x128xf32, #tpu.memory_space<vmem>>) target(%dma_start3A_75 : memref<10000x128xf32, #tpu.memory_space<vmem_shared>>) offsets(%dma_start3A_72 : memref<40xi32, #tpu.memory_space<vmem>>) semaphore(%arg19 : memref<!tpu.dma_semaphore, #tpu.memory_space<semaphore_mem>>) {add = true}
    %dma_wait3A_76 = arith.constant 0 : i32
    %dma_wait3A_77 = arith.constant 0 : i32
    %dma_wait3A_78 = tpu.memref_slice %arg7[%dma_wait3A_76, %dma_wait3A_77] : memref<250x40xi32, #tpu.memory_space<vmem>> -> memref<1x40xi32, #tpu.memory_space<vmem>>
    %dma_wait3A_79 = tpu.memref_squeeze %dma_wait3A_78 : memref<1x40xi32, #tpu.memory_space<vmem>> -> memref<40xi32, #tpu.memory_space<vmem>>
    %dma_wait3A_80 = arith.constant 0 : i32
    %dma_wait3A_81 = arith.constant 0 : i32
    %dma_wait3A_82 = tpu.memref_slice %arg23[%dma_wait3A_80, %dma_wait3A_81] : memref<10000x128xf32, #tpu.memory_space<vmem_shared>> -> memref<10000x128xf32, #tpu.memory_space<vmem_shared>>
    tpu.wait_indirect_dma semaphore(%arg19 : memref<!tpu.dma_semaphore, #tpu.memory_space<semaphore_mem>>) src(%arg9 : memref<40x128xf32, #tpu.memory_space<vmem>>) dst(%dma_wait3A_82 : memref<10000x128xf32, #tpu.memory_space<vmem_shared>>)
    %dma_wait3A_83 = arith.constant 247 : i32
    %dma_wait3A_84 = arith.constant 0 : i32
    %dma_wait3A_85 = tpu.memref_slice %arg6[%dma_wait3A_83, %dma_wait3A_84] : memref<250x40xi32, #tpu.memory_space<vmem>> -> memref<1x40xi32, #tpu.memory_space<vmem>>
    %dma_wait3A_86 = tpu.memref_squeeze %dma_wait3A_85 : memref<1x40xi32, #tpu.memory_space<vmem>> -> memref<40xi32, #tpu.memory_space<vmem>>
    %dma_wait3A_87 = arith.constant 0 : i32
    %dma_wait3A_88 = arith.constant 0 : i32
    %dma_wait3A_89 = tpu.memref_slice %arg2[%dma_wait3A_87, %dma_wait3A_88] : memref<10000x128xf32, #tpu.memory_space<hbm>> -> memref<10000x128xf32, #tpu.memory_space<hbm>>
    tpu.wait_indirect_dma semaphore(%arg15 : memref<!tpu.dma_semaphore, #tpu.memory_space<semaphore_mem>>) src(%dma_wait3A_89 : memref<10000x128xf32, #tpu.memory_space<hbm>>) dst(%arg10 : memref<40x128xf32, #tpu.memory_space<vmem>>)
    %dma_start3A_90 = arith.constant 247 : i32
    %dma_start3A_91 = arith.constant 0 : i32
    %dma_start3A_92 = tpu.memref_slice %arg7[%dma_start3A_90, %dma_start3A_91] : memref<250x40xi32, #tpu.memory_space<vmem>> -> memref<1x40xi32, #tpu.memory_space<vmem>>
    %dma_start3A_93 = tpu.memref_squeeze %dma_start3A_92 : memref<1x40xi32, #tpu.memory_space<vmem>> -> memref<40xi32, #tpu.memory_space<vmem>>
    %dma_start3A_94 = arith.constant 0 : i32
    %dma_start3A_95 = arith.constant 0 : i32
    %dma_start3A_96 = tpu.memref_slice %arg23[%dma_start3A_94, %dma_start3A_95] : memref<10000x128xf32, #tpu.memory_space<vmem_shared>> -> memref<10000x128xf32, #tpu.memory_space<vmem_shared>>
    tpu.enqueue_indirect_dma source(%arg10 : memref<40x128xf32, #tpu.memory_space<vmem>>) target(%dma_start3A_96 : memref<10000x128xf32, #tpu.memory_space<vmem_shared>>) offsets(%dma_start3A_93 : memref<40xi32, #tpu.memory_space<vmem>>) semaphore(%arg20 : memref<!tpu.dma_semaphore, #tpu.memory_space<semaphore_mem>>) {add = true}
    %dma_wait3A_97 = arith.constant 0 : i32
    %dma_wait3A_98 = arith.constant 0 : i32
    %dma_wait3A_99 = tpu.memref_slice %arg7[%dma_wait3A_97, %dma_wait3A_98] : memref<250x40xi32, #tpu.memory_space<vmem>> -> memref<1x40xi32, #tpu.memory_space<vmem>>
    %dma_wait3A_100 = tpu.memref_squeeze %dma_wait3A_99 : memref<1x40xi32, #tpu.memory_space<vmem>> -> memref<40xi32, #tpu.memory_space<vmem>>
    %dma_wait3A_101 = arith.constant 0 : i32
    %dma_wait3A_102 = arith.constant 0 : i32
    %dma_wait3A_103 = tpu.memref_slice %arg23[%dma_wait3A_101, %dma_wait3A_102] : memref<10000x128xf32, #tpu.memory_space<vmem_shared>> -> memref<10000x128xf32, #tpu.memory_space<vmem_shared>>
    tpu.wait_indirect_dma semaphore(%arg20 : memref<!tpu.dma_semaphore, #tpu.memory_space<semaphore_mem>>) src(%arg10 : memref<40x128xf32, #tpu.memory_space<vmem>>) dst(%dma_wait3A_103 : memref<10000x128xf32, #tpu.memory_space<vmem_shared>>)
    %dma_wait3A_104 = arith.constant 248 : i32
    %dma_wait3A_105 = arith.constant 0 : i32
    %dma_wait3A_106 = tpu.memref_slice %arg6[%dma_wait3A_104, %dma_wait3A_105] : memref<250x40xi32, #tpu.memory_space<vmem>> -> memref<1x40xi32, #tpu.memory_space<vmem>>
    %dma_wait3A_107 = tpu.memref_squeeze %dma_wait3A_106 : memref<1x40xi32, #tpu.memory_space<vmem>> -> memref<40xi32, #tpu.memory_space<vmem>>
    %dma_wait3A_108 = arith.constant 0 : i32
    %dma_wait3A_109 = arith.constant 0 : i32
    %dma_wait3A_110 = tpu.memref_slice %arg2[%dma_wait3A_108, %dma_wait3A_109] : memref<10000x128xf32, #tpu.memory_space<hbm>> -> memref<10000x128xf32, #tpu.memory_space<hbm>>
    tpu.wait_indirect_dma semaphore(%arg16 : memref<!tpu.dma_semaphore, #tpu.memory_space<semaphore_mem>>) src(%dma_wait3A_110 : memref<10000x128xf32, #tpu.memory_space<hbm>>) dst(%arg11 : memref<40x128xf32, #tpu.memory_space<vmem>>)
    %dma_start3A_111 = arith.constant 248 : i32
    %dma_start3A_112 = arith.constant 0 : i32
    %dma_start3A_113 = tpu.memref_slice %arg7[%dma_start3A_111, %dma_start3A_112] : memref<250x40xi32, #tpu.memory_space<vmem>> -> memref<1x40xi32, #tpu.memory_space<vmem>>
    %dma_start3A_114 = tpu.memref_squeeze %dma_start3A_113 : memref<1x40xi32, #tpu.memory_space<vmem>> -> memref<40xi32, #tpu.memory_space<vmem>>
    %dma_start3A_115 = arith.constant 0 : i32
    %dma_start3A_116 = arith.constant 0 : i32
    %dma_start3A_117 = tpu.memref_slice %arg23[%dma_start3A_115, %dma_start3A_116] : memref<10000x128xf32, #tpu.memory_space<vmem_shared>> -> memref<10000x128xf32, #tpu.memory_space<vmem_shared>>
    tpu.enqueue_indirect_dma source(%arg11 : memref<40x128xf32, #tpu.memory_space<vmem>>) target(%dma_start3A_117 : memref<10000x128xf32, #tpu.memory_space<vmem_shared>>) offsets(%dma_start3A_114 : memref<40xi32, #tpu.memory_space<vmem>>) semaphore(%arg21 : memref<!tpu.dma_semaphore, #tpu.memory_space<semaphore_mem>>) {add = true}
    %dma_wait3A_118 = arith.constant 0 : i32
    %dma_wait3A_119 = arith.constant 0 : i32
    %dma_wait3A_120 = tpu.memref_slice %arg7[%dma_wait3A_118, %dma_wait3A_119] : memref<250x40xi32, #tpu.memory_space<vmem>> -> memref<1x40xi32, #tpu.memory_space<vmem>>
    %dma_wait3A_121 = tpu.memref_squeeze %dma_wait3A_120 : memref<1x40xi32, #tpu.memory_space<vmem>> -> memref<40xi32, #tpu.memory_space<vmem>>
    %dma_wait3A_122 = arith.constant 0 : i32
    %dma_wait3A_123 = arith.constant 0 : i32
    %dma_wait3A_124 = tpu.memref_slice %arg23[%dma_wait3A_122, %dma_wait3A_123] : memref<10000x128xf32, #tpu.memory_space<vmem_shared>> -> memref<10000x128xf32, #tpu.memory_space<vmem_shared>>
    tpu.wait_indirect_dma semaphore(%arg21 : memref<!tpu.dma_semaphore, #tpu.memory_space<semaphore_mem>>) src(%arg11 : memref<40x128xf32, #tpu.memory_space<vmem>>) dst(%dma_wait3A_124 : memref<10000x128xf32, #tpu.memory_space<vmem_shared>>)
    %dma_wait3A_125 = arith.constant 249 : i32
    %dma_wait3A_126 = arith.constant 0 : i32
    %dma_wait3A_127 = tpu.memref_slice %arg6[%dma_wait3A_125, %dma_wait3A_126] : memref<250x40xi32, #tpu.memory_space<vmem>> -> memref<1x40xi32, #tpu.memory_space<vmem>>
    %dma_wait3A_128 = tpu.memref_squeeze %dma_wait3A_127 : memref<1x40xi32, #tpu.memory_space<vmem>> -> memref<40xi32, #tpu.memory_space<vmem>>
    %dma_wait3A_129 = arith.constant 0 : i32
    %dma_wait3A_130 = arith.constant 0 : i32
    %dma_wait3A_131 = tpu.memref_slice %arg2[%dma_wait3A_129, %dma_wait3A_130] : memref<10000x128xf32, #tpu.memory_space<hbm>> -> memref<10000x128xf32, #tpu.memory_space<hbm>>
    tpu.wait_indirect_dma semaphore(%arg17 : memref<!tpu.dma_semaphore, #tpu.memory_space<semaphore_mem>>) src(%dma_wait3A_131 : memref<10000x128xf32, #tpu.memory_space<hbm>>) dst(%arg12 : memref<40x128xf32, #tpu.memory_space<vmem>>)
    %dma_start3A_132 = arith.constant 249 : i32
    %dma_start3A_133 = arith.constant 0 : i32
    %dma_start3A_134 = tpu.memref_slice %arg7[%dma_start3A_132, %dma_start3A_133] : memref<250x40xi32, #tpu.memory_space<vmem>> -> memref<1x40xi32, #tpu.memory_space<vmem>>
    %dma_start3A_135 = tpu.memref_squeeze %dma_start3A_134 : memref<1x40xi32, #tpu.memory_space<vmem>> -> memref<40xi32, #tpu.memory_space<vmem>>
    %dma_start3A_136 = arith.constant 0 : i32
    %dma_start3A_137 = arith.constant 0 : i32
    %dma_start3A_138 = tpu.memref_slice %arg23[%dma_start3A_136, %dma_start3A_137] : memref<10000x128xf32, #tpu.memory_space<vmem_shared>> -> memref<10000x128xf32, #tpu.memory_space<vmem_shared>>
    tpu.enqueue_indirect_dma source(%arg12 : memref<40x128xf32, #tpu.memory_space<vmem>>) target(%dma_start3A_138 : memref<10000x128xf32, #tpu.memory_space<vmem_shared>>) offsets(%dma_start3A_135 : memref<40xi32, #tpu.memory_space<vmem>>) semaphore(%arg22 : memref<!tpu.dma_semaphore, #tpu.memory_space<semaphore_mem>>) {add = true}
    %dma_wait3A_139 = arith.constant 0 : i32
    %dma_wait3A_140 = arith.constant 0 : i32
    %dma_wait3A_141 = tpu.memref_slice %arg7[%dma_wait3A_139, %dma_wait3A_140] : memref<250x40xi32, #tpu.memory_space<vmem>> -> memref<1x40xi32, #tpu.memory_space<vmem>>
    %dma_wait3A_142 = tpu.memref_squeeze %dma_wait3A_141 : memref<1x40xi32, #tpu.memory_space<vmem>> -> memref<40xi32, #tpu.memory_space<vmem>>
    %dma_wait3A_143 = arith.constant 0 : i32
    %dma_wait3A_144 = arith.constant 0 : i32
    %dma_wait3A_145 = tpu.memref_slice %arg23[%dma_wait3A_143, %dma_wait3A_144] : memref<10000x128xf32, #tpu.memory_space<vmem_shared>> -> memref<10000x128xf32, #tpu.memory_space<vmem_shared>>
    tpu.wait_indirect_dma semaphore(%arg22 : memref<!tpu.dma_semaphore, #tpu.memory_space<semaphore_mem>>) src(%arg12 : memref<40x128xf32, #tpu.memory_space<vmem>>) dst(%dma_wait3A_145 : memref<10000x128xf32, #tpu.memory_space<vmem_shared>>)
    %barrier3A_146 = arith.constant 0 : index
    tpu.barrier barrier_id(%barrier3A_146)
    "tpu.region"() ({
      %run_scoped3A_147 = tpu.sem_alloc : memref<!tpu.dma_semaphore, #tpu.memory_space<semaphore_mem>>
      %dma_start3A_148 = arith.constant 0 : i32
      %dma_start3A_149 = tpu.memref_slice %arg5[%arg0, %mul3A_2, %dma_start3A_148] : memref<2x10000x128xf32, #tpu.memory_space<hbm>> -> memref<1x625x128xf32, #tpu.memory_space<hbm>>
      %dma_start3A_150 = tpu.memref_squeeze %dma_start3A_149 : memref<1x625x128xf32, #tpu.memory_space<hbm>> -> memref<625x128xf32, #tpu.memory_space<hbm>>
      %dma_start3A_151 = arith.constant 0 : i32
      %dma_start3A_152 = tpu.memref_slice %arg23[%mul3A_2, %dma_start3A_151] : memref<10000x128xf32, #tpu.memory_space<vmem_shared>> -> memref<625x128xf32, #tpu.memory_space<vmem_shared>>
      tpu.enqueue_dma source(%dma_start3A_152 : memref<625x128xf32, #tpu.memory_space<vmem_shared>>) target(%dma_start3A_150 : memref<625x128xf32, #tpu.memory_space<hbm>>) target_semaphore(%run_scoped3A_147 : memref<!tpu.dma_semaphore, #tpu.memory_space<semaphore_mem>>)
      %dma_wait3A_153 = arith.constant 0 : i32
      %dma_wait3A_154 = tpu.memref_slice %arg5[%arg0, %mul3A_2, %dma_wait3A_153] : memref<2x10000x128xf32, #tpu.memory_space<hbm>> -> memref<1x625x128xf32, #tpu.memory_space<hbm>>
      %dma_wait3A_155 = tpu.memref_squeeze %dma_wait3A_154 : memref<1x625x128xf32, #tpu.memory_space<hbm>> -> memref<625x128xf32, #tpu.memory_space<hbm>>
      %dma_wait3A_156 = arith.constant 0 : i32
      %dma_wait3A_157 = tpu.memref_slice %arg23[%mul3A_2, %dma_wait3A_156] : memref<10000x128xf32, #tpu.memory_space<vmem_shared>> -> memref<625x128xf32, #tpu.memory_space<vmem_shared>>
      tpu.wait_dma2 semaphore(%run_scoped3A_147 : memref<!tpu.dma_semaphore, #tpu.memory_space<semaphore_mem>>) src(%dma_wait3A_157 : memref<625x128xf32, #tpu.memory_space<vmem_shared>>) dst(%dma_wait3A_155 : memref<625x128xf32, #tpu.memory_space<hbm>>)
      tpu.yield
    }) : () -> ()
    return
  }
}

#map = affine_map<(d0, d1) -> (0, 0)>
#map1 = affine_map<(d0, d1) -> (0, 0, 0, 0)>
#map2 = affine_map<(d0, d1) -> (0, 0, 0)>
module attributes {stable_mosaic.version = 14 : i64} {
  func.func @body(%arg0: i32, %arg1: i32, %arg2: memref<10000x128xf32, #tpu.memory_space<hbm>>, %arg3: memref<2x32x250x40xi32, #tpu.memory_space<hbm>>, %arg4: memref<10000x128xf32, #tpu.memory_space<hbm>>, %arg5: memref<2x10000x128xf32, #tpu.memory_space<hbm>>, %arg6: memref<250x40xi32, #tpu.memory_space<vmem>>, %arg7: memref<250x40xi32, #tpu.memory_space<vmem>>, %arg8: memref<40x128xf32, #tpu.memory_space<vmem>>, %arg9: memref<40x128xf32, #tpu.memory_space<vmem>>, %arg10: memref<40x128xf32, #tpu.memory_space<vmem>>, %arg11: memref<40x128xf32, #tpu.memory_space<vmem>>, %arg12: memref<40x128xf32, #tpu.memory_space<vmem>>, %arg13: memref<!tpu.dma_semaphore, #tpu.memory_space<semaphore_mem>>, %arg14: memref<!tpu.dma_semaphore, #tpu.memory_space<semaphore_mem>>, %arg15: memref<!tpu.dma_semaphore, #tpu.memory_space<semaphore_mem>>, %arg16: memref<!tpu.dma_semaphore, #tpu.memory_space<semaphore_mem>>, %arg17: memref<!tpu.dma_semaphore, #tpu.memory_space<semaphore_mem>>, %arg18: memref<!tpu.dma_semaphore, #tpu.memory_space<semaphore_mem>>, %arg19: memref<!tpu.dma_semaphore, #tpu.memory_space<semaphore_mem>>, %arg20: memref<!tpu.dma_semaphore, #tpu.memory_space<semaphore_mem>>, %arg21: memref<!tpu.dma_semaphore, #tpu.memory_space<semaphore_mem>>, %arg22: memref<!tpu.dma_semaphore, #tpu.memory_space<semaphore_mem>>, %arg23: memref<10000x128xf32, #tpu.memory_space<vmem_shared>>) attributes {dimension_semantics = [#tpu.dimension_semantics<core_parallel>, #tpu.dimension_semantics<subcore_parallel>], iteration_bounds = array<i64: 2, 16>, scalar_prefetch = 0 : i64, scratch_operands = 18 : i64, tpu.core_type = #tpu.core_type<sc_vector_subcore>, window_params = [{transform_indices = #map}, {transform_indices = #map1}, {transform_indices = #map}, {transform_indices = #map2}]} {
    %mul3A = arith.constant 2 : i32
    %mul3A_0 = arith.muli %arg1, %mul3A : i32
    %add3A = arith.addi %mul3A_0, %arg0 : i32
    %mul3A_1 = arith.constant 625 : i32
    %mul3A_2 = arith.muli %arg1, %mul3A_1 : i32
    "tpu.region"() ({
      %run_scoped3A_147 = tpu.sem_alloc : memref<!tpu.dma_semaphore, #tpu.memory_space<semaphore_mem>>
      %dma_start3A_148 = arith.constant 0 : i32
      %dma_start3A_149 = tpu.memref_slice %arg23[%mul3A_2, %dma_start3A_148] : memref<10000x128xf32, #tpu.memory_space<vmem_shared>> -> memref<625x128xf32, #tpu.memory_space<vmem_shared>>
      %dma_start3A_150 = arith.constant 0 : i32
      %dma_start3A_151 = tpu.memref_slice %arg4[%mul3A_2, %dma_start3A_150] : memref<10000x128xf32, #tpu.memory_space<hbm>> -> memref<625x128xf32, #tpu.memory_space<hbm>>
      tpu.enqueue_dma source(%dma_start3A_151 : memref<625x128xf32, #tpu.memory_space<hbm>>) target(%dma_start3A_149 : memref<625x128xf32, #tpu.memory_space<vmem_shared>>) target_semaphore(%run_scoped3A_147 : memref<!tpu.dma_semaphore, #tpu.memory_space<semaphore_mem>>)
      %dma_wait3A_152 = arith.constant 0 : i32
      %dma_wait3A_153 = tpu.memref_slice %arg23[%mul3A_2, %dma_wait3A_152] : memref<10000x128xf32, #tpu.memory_space<vmem_shared>> -> memref<625x128xf32, #tpu.memory_space<vmem_shared>>
      %dma_wait3A_154 = arith.constant 0 : i32
      %dma_wait3A_155 = tpu.memref_slice %arg4[%mul3A_2, %dma_wait3A_154] : memref<10000x128xf32, #tpu.memory_space<hbm>> -> memref<625x128xf32, #tpu.memory_space<hbm>>
      tpu.wait_dma2 semaphore(%run_scoped3A_147 : memref<!tpu.dma_semaphore, #tpu.memory_space<semaphore_mem>>) src(%dma_wait3A_155 : memref<625x128xf32, #tpu.memory_space<hbm>>) dst(%dma_wait3A_153 : memref<625x128xf32, #tpu.memory_space<vmem_shared>>)
      tpu.yield
    }) : () -> ()
    %run_scoped3A = arith.constant 0 : i32
    "tpu.region"() ({
      %run_scoped3A_147 = tpu.sem_alloc : memref<!tpu.dma_semaphore, #tpu.memory_space<semaphore_mem>>
      %dma_start3A_148 = arith.constant 0 : i32
      %dma_start3A_149 = arith.constant 0 : i32
      %dma_start3A_150 = tpu.memref_slice %arg3[%run_scoped3A, %add3A, %dma_start3A_148, %dma_start3A_149] : memref<2x32x250x40xi32, #tpu.memory_space<hbm>> -> memref<1x1x250x40xi32, #tpu.memory_space<hbm>>
      %dma_start3A_151 = tpu.memref_squeeze %dma_start3A_150 : memref<1x1x250x40xi32, #tpu.memory_space<hbm>> -> memref<250x40xi32, #tpu.memory_space<hbm>>
      %dma_start3A_152 = arith.constant 0 : i32
      %dma_start3A_153 = arith.constant 0 : i32
      %dma_start3A_154 = tpu.memref_slice %arg3[%run_scoped3A, %add3A, %dma_start3A_152, %dma_start3A_153] : memref<2x32x250x40xi32, #tpu.memory_space<hbm>> -> memref<1x1x250x40xi32, #tpu.memory_space<hbm>>
      %dma_start3A_155 = tpu.memref_squeeze %dma_start3A_154 : memref<1x1x250x40xi32, #tpu.memory_space<hbm>> -> memref<250x40xi32, #tpu.memory_space<hbm>>
      tpu.enqueue_dma source(%dma_start3A_155 : memref<250x40xi32, #tpu.memory_space<hbm>>) target(%arg6 : memref<250x40xi32, #tpu.memory_space<vmem>>) target_semaphore(%run_scoped3A_147 : memref<!tpu.dma_semaphore, #tpu.memory_space<semaphore_mem>>)
      %dma_wait3A_156 = arith.constant 0 : i32
      %dma_wait3A_157 = arith.constant 0 : i32
      %dma_wait3A_158 = tpu.memref_slice %arg3[%run_scoped3A, %add3A, %dma_wait3A_156, %dma_wait3A_157] : memref<2x32x250x40xi32, #tpu.memory_space<hbm>> -> memref<1x1x250x40xi32, #tpu.memory_space<hbm>>
      %dma_wait3A_159 = tpu.memref_squeeze %dma_wait3A_158 : memref<1x1x250x40xi32, #tpu.memory_space<hbm>> -> memref<250x40xi32, #tpu.memory_space<hbm>>
      %dma_wait3A_160 = arith.constant 0 : i32
      %dma_wait3A_161 = arith.constant 0 : i32
      %dma_wait3A_162 = tpu.memref_slice %arg3[%run_scoped3A, %add3A, %dma_wait3A_160, %dma_wait3A_161] : memref<2x32x250x40xi32, #tpu.memory_space<hbm>> -> memref<1x1x250x40xi32, #tpu.memory_space<hbm>>
      %dma_wait3A_163 = tpu.memref_squeeze %dma_wait3A_162 : memref<1x1x250x40xi32, #tpu.memory_space<hbm>> -> memref<250x40xi32, #tpu.memory_space<hbm>>
      tpu.wait_dma2 semaphore(%run_scoped3A_147 : memref<!tpu.dma_semaphore, #tpu.memory_space<semaphore_mem>>) src(%dma_wait3A_163 : memref<250x40xi32, #tpu.memory_space<hbm>>) dst(%arg6 : memref<250x40xi32, #tpu.memory_space<vmem>>)
      tpu.yield
    }) : () -> ()
    %run_scoped3A_3 = arith.constant 1 : i32
    "tpu.region"() ({
      %run_scoped3A_147 = tpu.sem_alloc : memref<!tpu.dma_semaphore, #tpu.memory_space<semaphore_mem>>
      %dma_start3A_148 = arith.constant 0 : i32
      %dma_start3A_149 = arith.constant 0 : i32
      %dma_start3A_150 = tpu.memref_slice %arg3[%run_scoped3A_3, %add3A, %dma_start3A_148, %dma_start3A_149] : memref<2x32x250x40xi32, #tpu.memory_space<hbm>> -> memref<1x1x250x40xi32, #tpu.memory_space<hbm>>
      %dma_start3A_151 = tpu.memref_squeeze %dma_start3A_150 : memref<1x1x250x40xi32, #tpu.memory_space<hbm>> -> memref<250x40xi32, #tpu.memory_space<hbm>>
      %dma_start3A_152 = arith.constant 0 : i32
      %dma_start3A_153 = arith.constant 0 : i32
      %dma_start3A_154 = tpu.memref_slice %arg3[%run_scoped3A_3, %add3A, %dma_start3A_152, %dma_start3A_153] : memref<2x32x250x40xi32, #tpu.memory_space<hbm>> -> memref<1x1x250x40xi32, #tpu.memory_space<hbm>>
      %dma_start3A_155 = tpu.memref_squeeze %dma_start3A_154 : memref<1x1x250x40xi32, #tpu.memory_space<hbm>> -> memref<250x40xi32, #tpu.memory_space<hbm>>
      tpu.enqueue_dma source(%dma_start3A_155 : memref<250x40xi32, #tpu.memory_space<hbm>>) target(%arg7 : memref<250x40xi32, #tpu.memory_space<vmem>>) target_semaphore(%run_scoped3A_147 : memref<!tpu.dma_semaphore, #tpu.memory_space<semaphore_mem>>)
      %dma_wait3A_156 = arith.constant 0 : i32
      %dma_wait3A_157 = arith.constant 0 : i32
      %dma_wait3A_158 = tpu.memref_slice %arg3[%run_scoped3A_3, %add3A, %dma_wait3A_156, %dma_wait3A_157] : memref<2x32x250x40xi32, #tpu.memory_space<hbm>> -> memref<1x1x250x40xi32, #tpu.memory_space<hbm>>
      %dma_wait3A_159 = tpu.memref_squeeze %dma_wait3A_158 : memref<1x1x250x40xi32, #tpu.memory_space<hbm>> -> memref<250x40xi32, #tpu.memory_space<hbm>>
      %dma_wait3A_160 = arith.constant 0 : i32
      %dma_wait3A_161 = arith.constant 0 : i32
      %dma_wait3A_162 = tpu.memref_slice %arg3[%run_scoped3A_3, %add3A, %dma_wait3A_160, %dma_wait3A_161] : memref<2x32x250x40xi32, #tpu.memory_space<hbm>> -> memref<1x1x250x40xi32, #tpu.memory_space<hbm>>
      %dma_wait3A_163 = tpu.memref_squeeze %dma_wait3A_162 : memref<1x1x250x40xi32, #tpu.memory_space<hbm>> -> memref<250x40xi32, #tpu.memory_space<hbm>>
      tpu.wait_dma2 semaphore(%run_scoped3A_147 : memref<!tpu.dma_semaphore, #tpu.memory_space<semaphore_mem>>) src(%dma_wait3A_163 : memref<250x40xi32, #tpu.memory_space<hbm>>) dst(%arg7 : memref<250x40xi32, #tpu.memory_space<vmem>>)
      tpu.yield
    }) : () -> ()
    %barrier3A = arith.constant 0 : index
    tpu.barrier barrier_id(%barrier3A)
    %dma_start3A = arith.constant 0 : i32
    %dma_start3A_4 = arith.constant 0 : i32
    %dma_start3A_5 = tpu.memref_slice %arg6[%dma_start3A, %dma_start3A_4] : memref<250x40xi32, #tpu.memory_space<vmem>> -> memref<1x40xi32, #tpu.memory_space<vmem>>
    %dma_start3A_6 = tpu.memref_squeeze %dma_start3A_5 : memref<1x40xi32, #tpu.memory_space<vmem>> -> memref<40xi32, #tpu.memory_space<vmem>>
    %dma_start3A_7 = arith.constant 0 : i32
    %dma_start3A_8 = arith.constant 0 : i32
    %dma_start3A_9 = tpu.memref_slice %arg2[%dma_start3A_7, %dma_start3A_8] : memref<10000x128xf32, #tpu.memory_space<hbm>> -> memref<10000x128xf32, #tpu.memory_space<hbm>>
    tpu.enqueue_indirect_dma source(%dma_start3A_9 : memref<10000x128xf32, #tpu.memory_space<hbm>>) target(%arg8 : memref<40x128xf32, #tpu.memory_space<vmem>>) offsets(%dma_start3A_6 : memref<40xi32, #tpu.memory_space<vmem>>) semaphore(%arg13 : memref<!tpu.dma_semaphore, #tpu.memory_space<semaphore_mem>>)
    %dma_start3A_10 = arith.constant 1 : i32
    %dma_start3A_11 = arith.constant 0 : i32
    %dma_start3A_12 = tpu.memref_slice %arg6[%dma_start3A_10, %dma_start3A_11] : memref<250x40xi32, #tpu.memory_space<vmem>> -> memref<1x40xi32, #tpu.memory_space<vmem>>
    %dma_start3A_13 = tpu.memref_squeeze %dma_start3A_12 : memref<1x40xi32, #tpu.memory_space<vmem>> -> memref<40xi32, #tpu.memory_space<vmem>>
    %dma_start3A_14 = arith.constant 0 : i32
    %dma_start3A_15 = arith.constant 0 : i32
    %dma_start3A_16 = tpu.memref_slice %arg2[%dma_start3A_14, %dma_start3A_15] : memref<10000x128xf32, #tpu.memory_space<hbm>> -> memref<10000x128xf32, #tpu.memory_space<hbm>>
    tpu.enqueue_indirect_dma source(%dma_start3A_16 : memref<10000x128xf32, #tpu.memory_space<hbm>>) target(%arg9 : memref<40x128xf32, #tpu.memory_space<vmem>>) offsets(%dma_start3A_13 : memref<40xi32, #tpu.memory_space<vmem>>) semaphore(%arg14 : memref<!tpu.dma_semaphore, #tpu.memory_space<semaphore_mem>>)
    %dma_start3A_17 = arith.constant 2 : i32
    %dma_start3A_18 = arith.constant 0 : i32
    %dma_start3A_19 = tpu.memref_slice %arg6[%dma_start3A_17, %dma_start3A_18] : memref<250x40xi32, #tpu.memory_space<vmem>> -> memref<1x40xi32, #tpu.memory_space<vmem>>
    %dma_start3A_20 = tpu.memref_squeeze %dma_start3A_19 : memref<1x40xi32, #tpu.memory_space<vmem>> -> memref<40xi32, #tpu.memory_space<vmem>>
    %dma_start3A_21 = arith.constant 0 : i32
    %dma_start3A_22 = arith.constant 0 : i32
    %dma_start3A_23 = tpu.memref_slice %arg2[%dma_start3A_21, %dma_start3A_22] : memref<10000x128xf32, #tpu.memory_space<hbm>> -> memref<10000x128xf32, #tpu.memory_space<hbm>>
    tpu.enqueue_indirect_dma source(%dma_start3A_23 : memref<10000x128xf32, #tpu.memory_space<hbm>>) target(%arg10 : memref<40x128xf32, #tpu.memory_space<vmem>>) offsets(%dma_start3A_20 : memref<40xi32, #tpu.memory_space<vmem>>) semaphore(%arg15 : memref<!tpu.dma_semaphore, #tpu.memory_space<semaphore_mem>>)
    %dma_start3A_24 = arith.constant 3 : i32
    %dma_start3A_25 = arith.constant 0 : i32
    %dma_start3A_26 = tpu.memref_slice %arg6[%dma_start3A_24, %dma_start3A_25] : memref<250x40xi32, #tpu.memory_space<vmem>> -> memref<1x40xi32, #tpu.memory_space<vmem>>
    %dma_start3A_27 = tpu.memref_squeeze %dma_start3A_26 : memref<1x40xi32, #tpu.memory_space<vmem>> -> memref<40xi32, #tpu.memory_space<vmem>>
    %dma_start3A_28 = arith.constant 0 : i32
    %dma_start3A_29 = arith.constant 0 : i32
    %dma_start3A_30 = tpu.memref_slice %arg2[%dma_start3A_28, %dma_start3A_29] : memref<10000x128xf32, #tpu.memory_space<hbm>> -> memref<10000x128xf32, #tpu.memory_space<hbm>>
    tpu.enqueue_indirect_dma source(%dma_start3A_30 : memref<10000x128xf32, #tpu.memory_space<hbm>>) target(%arg11 : memref<40x128xf32, #tpu.memory_space<vmem>>) offsets(%dma_start3A_27 : memref<40xi32, #tpu.memory_space<vmem>>) semaphore(%arg16 : memref<!tpu.dma_semaphore, #tpu.memory_space<semaphore_mem>>)
    %dma_start3A_31 = arith.constant 4 : i32
    %dma_start3A_32 = arith.constant 0 : i32
    %dma_start3A_33 = tpu.memref_slice %arg6[%dma_start3A_31, %dma_start3A_32] : memref<250x40xi32, #tpu.memory_space<vmem>> -> memref<1x40xi32, #tpu.memory_space<vmem>>
    %dma_start3A_34 = tpu.memref_squeeze %dma_start3A_33 : memref<1x40xi32, #tpu.memory_space<vmem>> -> memref<40xi32, #tpu.memory_space<vmem>>
    %dma_start3A_35 = arith.constant 0 : i32
    %dma_start3A_36 = arith.constant 0 : i32
    %dma_start3A_37 = tpu.memref_slice %arg2[%dma_start3A_35, %dma_start3A_36] : memref<10000x128xf32, #tpu.memory_space<hbm>> -> memref<10000x128xf32, #tpu.memory_space<hbm>>
    tpu.enqueue_indirect_dma source(%dma_start3A_37 : memref<10000x128xf32, #tpu.memory_space<hbm>>) target(%arg12 : memref<40x128xf32, #tpu.memory_space<vmem>>) offsets(%dma_start3A_34 : memref<40xi32, #tpu.memory_space<vmem>>) semaphore(%arg17 : memref<!tpu.dma_semaphore, #tpu.memory_space<semaphore_mem>>)
    %scan3A = arith.constant 0 : i32
    %scan3A_38 = arith.constant 49 : i32
    %scan3A_39 = arith.addi %scan3A, %scan3A_38 : i32
    %scan3A_40 = arith.constant 1 : i32
    scf.for %scan3A_147 = %scan3A to %scan3A_39 step %scan3A_40  : i32 {
      %mul3A_148 = arith.constant 5 : i32
      %mul3A_149 = arith.muli %scan3A_147, %mul3A_148 : i32
      %add3A_150 = arith.constant 0 : i32
      %add3A_151 = arith.addi %add3A_150, %mul3A_149 : i32
      %add3A_152 = arith.constant 0 : i32
      %add3A_153 = arith.addi %add3A_151, %add3A_152 : i32
      %dma_wait3A_154 = arith.constant 0 : i32
      %dma_wait3A_155 = tpu.memref_slice %arg6[%add3A_153, %dma_wait3A_154] : memref<250x40xi32, #tpu.memory_space<vmem>> -> memref<1x40xi32, #tpu.memory_space<vmem>>
      %dma_wait3A_156 = tpu.memref_squeeze %dma_wait3A_155 : memref<1x40xi32, #tpu.memory_space<vmem>> -> memref<40xi32, #tpu.memory_space<vmem>>
      %dma_wait3A_157 = arith.constant 0 : i32
      %dma_wait3A_158 = arith.constant 0 : i32
      %dma_wait3A_159 = tpu.memref_slice %arg2[%dma_wait3A_157, %dma_wait3A_158] : memref<10000x128xf32, #tpu.memory_space<hbm>> -> memref<10000x128xf32, #tpu.memory_space<hbm>>
      tpu.wait_indirect_dma semaphore(%arg13 : memref<!tpu.dma_semaphore, #tpu.memory_space<semaphore_mem>>) src(%dma_wait3A_159 : memref<10000x128xf32, #tpu.memory_space<hbm>>) dst(%arg8 : memref<40x128xf32, #tpu.memory_space<vmem>>)
      %dma_start3A_160 = arith.constant 0 : i32
      %dma_start3A_161 = tpu.memref_slice %arg7[%add3A_153, %dma_start3A_160] : memref<250x40xi32, #tpu.memory_space<vmem>> -> memref<1x40xi32, #tpu.memory_space<vmem>>
      %dma_start3A_162 = tpu.memref_squeeze %dma_start3A_161 : memref<1x40xi32, #tpu.memory_space<vmem>> -> memref<40xi32, #tpu.memory_space<vmem>>
      %dma_start3A_163 = arith.constant 0 : i32
      %dma_start3A_164 = arith.constant 0 : i32
      %dma_start3A_165 = tpu.memref_slice %arg23[%dma_start3A_163, %dma_start3A_164] : memref<10000x128xf32, #tpu.memory_space<vmem_shared>> -> memref<10000x128xf32, #tpu.memory_space<vmem_shared>>
      tpu.enqueue_indirect_dma source(%arg8 : memref<40x128xf32, #tpu.memory_space<vmem>>) target(%dma_start3A_165 : memref<10000x128xf32, #tpu.memory_space<vmem_shared>>) offsets(%dma_start3A_162 : memref<40xi32, #tpu.memory_space<vmem>>) semaphore(%arg18 : memref<!tpu.dma_semaphore, #tpu.memory_space<semaphore_mem>>) {add = true}
      %dma_wait3A_166 = arith.constant 0 : i32
      %dma_wait3A_167 = arith.constant 0 : i32
      %dma_wait3A_168 = tpu.memref_slice %arg7[%dma_wait3A_166, %dma_wait3A_167] : memref<250x40xi32, #tpu.memory_space<vmem>> -> memref<1x40xi32, #tpu.memory_space<vmem>>
      %dma_wait3A_169 = tpu.memref_squeeze %dma_wait3A_168 : memref<1x40xi32, #tpu.memory_space<vmem>> -> memref<40xi32, #tpu.memory_space<vmem>>
      %dma_wait3A_170 = arith.constant 0 : i32
      %dma_wait3A_171 = arith.constant 0 : i32
      %dma_wait3A_172 = tpu.memref_slice %arg23[%dma_wait3A_170, %dma_wait3A_171] : memref<10000x128xf32, #tpu.memory_space<vmem_shared>> -> memref<10000x128xf32, #tpu.memory_space<vmem_shared>>
      tpu.wait_indirect_dma semaphore(%arg18 : memref<!tpu.dma_semaphore, #tpu.memory_space<semaphore_mem>>) src(%arg8 : memref<40x128xf32, #tpu.memory_space<vmem>>) dst(%dma_wait3A_172 : memref<10000x128xf32, #tpu.memory_space<vmem_shared>>)
      %add3A_173 = arith.constant 5 : i32
      %add3A_174 = arith.addi %add3A_153, %add3A_173 : i32
      %dma_start3A_175 = arith.constant 0 : i32
      %dma_start3A_176 = tpu.memref_slice %arg6[%add3A_174, %dma_start3A_175] : memref<250x40xi32, #tpu.memory_space<vmem>> -> memref<1x40xi32, #tpu.memory_space<vmem>>
      %dma_start3A_177 = tpu.memref_squeeze %dma_start3A_176 : memref<1x40xi32, #tpu.memory_space<vmem>> -> memref<40xi32, #tpu.memory_space<vmem>>
      %dma_start3A_178 = arith.constant 0 : i32
      %dma_start3A_179 = arith.constant 0 : i32
      %dma_start3A_180 = tpu.memref_slice %arg2[%dma_start3A_178, %dma_start3A_179] : memref<10000x128xf32, #tpu.memory_space<hbm>> -> memref<10000x128xf32, #tpu.memory_space<hbm>>
      tpu.enqueue_indirect_dma source(%dma_start3A_180 : memref<10000x128xf32, #tpu.memory_space<hbm>>) target(%arg8 : memref<40x128xf32, #tpu.memory_space<vmem>>) offsets(%dma_start3A_177 : memref<40xi32, #tpu.memory_space<vmem>>) semaphore(%arg13 : memref<!tpu.dma_semaphore, #tpu.memory_space<semaphore_mem>>)
      %add3A_181 = arith.constant 1 : i32
      %add3A_182 = arith.addi %add3A_151, %add3A_181 : i32
      %dma_wait3A_183 = arith.constant 0 : i32
      %dma_wait3A_184 = tpu.memref_slice %arg6[%add3A_182, %dma_wait3A_183] : memref<250x40xi32, #tpu.memory_space<vmem>> -> memref<1x40xi32, #tpu.memory_space<vmem>>
      %dma_wait3A_185 = tpu.memref_squeeze %dma_wait3A_184 : memref<1x40xi32, #tpu.memory_space<vmem>> -> memref<40xi32, #tpu.memory_space<vmem>>
      %dma_wait3A_186 = arith.constant 0 : i32
      %dma_wait3A_187 = arith.constant 0 : i32
      %dma_wait3A_188 = tpu.memref_slice %arg2[%dma_wait3A_186, %dma_wait3A_187] : memref<10000x128xf32, #tpu.memory_space<hbm>> -> memref<10000x128xf32, #tpu.memory_space<hbm>>
      tpu.wait_indirect_dma semaphore(%arg14 : memref<!tpu.dma_semaphore, #tpu.memory_space<semaphore_mem>>) src(%dma_wait3A_188 : memref<10000x128xf32, #tpu.memory_space<hbm>>) dst(%arg9 : memref<40x128xf32, #tpu.memory_space<vmem>>)
      %dma_start3A_189 = arith.constant 0 : i32
      %dma_start3A_190 = tpu.memref_slice %arg7[%add3A_182, %dma_start3A_189] : memref<250x40xi32, #tpu.memory_space<vmem>> -> memref<1x40xi32, #tpu.memory_space<vmem>>
      %dma_start3A_191 = tpu.memref_squeeze %dma_start3A_190 : memref<1x40xi32, #tpu.memory_space<vmem>> -> memref<40xi32, #tpu.memory_space<vmem>>
      %dma_start3A_192 = arith.constant 0 : i32
      %dma_start3A_193 = arith.constant 0 : i32
      %dma_start3A_194 = tpu.memref_slice %arg23[%dma_start3A_192, %dma_start3A_193] : memref<10000x128xf32, #tpu.memory_space<vmem_shared>> -> memref<10000x128xf32, #tpu.memory_space<vmem_shared>>
      tpu.enqueue_indirect_dma source(%arg9 : memref<40x128xf32, #tpu.memory_space<vmem>>) target(%dma_start3A_194 : memref<10000x128xf32, #tpu.memory_space<vmem_shared>>) offsets(%dma_start3A_191 : memref<40xi32, #tpu.memory_space<vmem>>) semaphore(%arg19 : memref<!tpu.dma_semaphore, #tpu.memory_space<semaphore_mem>>) {add = true}
      %dma_wait3A_195 = arith.constant 0 : i32
      %dma_wait3A_196 = arith.constant 0 : i32
      %dma_wait3A_197 = tpu.memref_slice %arg7[%dma_wait3A_195, %dma_wait3A_196] : memref<250x40xi32, #tpu.memory_space<vmem>> -> memref<1x40xi32, #tpu.memory_space<vmem>>
      %dma_wait3A_198 = tpu.memref_squeeze %dma_wait3A_197 : memref<1x40xi32, #tpu.memory_space<vmem>> -> memref<40xi32, #tpu.memory_space<vmem>>
      %dma_wait3A_199 = arith.constant 0 : i32
      %dma_wait3A_200 = arith.constant 0 : i32
      %dma_wait3A_201 = tpu.memref_slice %arg23[%dma_wait3A_199, %dma_wait3A_200] : memref<10000x128xf32, #tpu.memory_space<vmem_shared>> -> memref<10000x128xf32, #tpu.memory_space<vmem_shared>>
      tpu.wait_indirect_dma semaphore(%arg19 : memref<!tpu.dma_semaphore, #tpu.memory_space<semaphore_mem>>) src(%arg9 : memref<40x128xf32, #tpu.memory_space<vmem>>) dst(%dma_wait3A_201 : memref<10000x128xf32, #tpu.memory_space<vmem_shared>>)
      %add3A_202 = arith.constant 5 : i32
      %add3A_203 = arith.addi %add3A_182, %add3A_202 : i32
      %dma_start3A_204 = arith.constant 0 : i32
      %dma_start3A_205 = tpu.memref_slice %arg6[%add3A_203, %dma_start3A_204] : memref<250x40xi32, #tpu.memory_space<vmem>> -> memref<1x40xi32, #tpu.memory_space<vmem>>
      %dma_start3A_206 = tpu.memref_squeeze %dma_start3A_205 : memref<1x40xi32, #tpu.memory_space<vmem>> -> memref<40xi32, #tpu.memory_space<vmem>>
      %dma_start3A_207 = arith.constant 0 : i32
      %dma_start3A_208 = arith.constant 0 : i32
      %dma_start3A_209 = tpu.memref_slice %arg2[%dma_start3A_207, %dma_start3A_208] : memref<10000x128xf32, #tpu.memory_space<hbm>> -> memref<10000x128xf32, #tpu.memory_space<hbm>>
      tpu.enqueue_indirect_dma source(%dma_start3A_209 : memref<10000x128xf32, #tpu.memory_space<hbm>>) target(%arg9 : memref<40x128xf32, #tpu.memory_space<vmem>>) offsets(%dma_start3A_206 : memref<40xi32, #tpu.memory_space<vmem>>) semaphore(%arg14 : memref<!tpu.dma_semaphore, #tpu.memory_space<semaphore_mem>>)
      %add3A_210 = arith.constant 2 : i32
      %add3A_211 = arith.addi %add3A_151, %add3A_210 : i32
      %dma_wait3A_212 = arith.constant 0 : i32
      %dma_wait3A_213 = tpu.memref_slice %arg6[%add3A_211, %dma_wait3A_212] : memref<250x40xi32, #tpu.memory_space<vmem>> -> memref<1x40xi32, #tpu.memory_space<vmem>>
      %dma_wait3A_214 = tpu.memref_squeeze %dma_wait3A_213 : memref<1x40xi32, #tpu.memory_space<vmem>> -> memref<40xi32, #tpu.memory_space<vmem>>
      %dma_wait3A_215 = arith.constant 0 : i32
      %dma_wait3A_216 = arith.constant 0 : i32
      %dma_wait3A_217 = tpu.memref_slice %arg2[%dma_wait3A_215, %dma_wait3A_216] : memref<10000x128xf32, #tpu.memory_space<hbm>> -> memref<10000x128xf32, #tpu.memory_space<hbm>>
      tpu.wait_indirect_dma semaphore(%arg15 : memref<!tpu.dma_semaphore, #tpu.memory_space<semaphore_mem>>) src(%dma_wait3A_217 : memref<10000x128xf32, #tpu.memory_space<hbm>>) dst(%arg10 : memref<40x128xf32, #tpu.memory_space<vmem>>)
      %dma_start3A_218 = arith.constant 0 : i32
      %dma_start3A_219 = tpu.memref_slice %arg7[%add3A_211, %dma_start3A_218] : memref<250x40xi32, #tpu.memory_space<vmem>> -> memref<1x40xi32, #tpu.memory_space<vmem>>
      %dma_start3A_220 = tpu.memref_squeeze %dma_start3A_219 : memref<1x40xi32, #tpu.memory_space<vmem>> -> memref<40xi32, #tpu.memory_space<vmem>>
      %dma_start3A_221 = arith.constant 0 : i32
      %dma_start3A_222 = arith.constant 0 : i32
      %dma_start3A_223 = tpu.memref_slice %arg23[%dma_start3A_221, %dma_start3A_222] : memref<10000x128xf32, #tpu.memory_space<vmem_shared>> -> memref<10000x128xf32, #tpu.memory_space<vmem_shared>>
      tpu.enqueue_indirect_dma source(%arg10 : memref<40x128xf32, #tpu.memory_space<vmem>>) target(%dma_start3A_223 : memref<10000x128xf32, #tpu.memory_space<vmem_shared>>) offsets(%dma_start3A_220 : memref<40xi32, #tpu.memory_space<vmem>>) semaphore(%arg20 : memref<!tpu.dma_semaphore, #tpu.memory_space<semaphore_mem>>) {add = true}
      %dma_wait3A_224 = arith.constant 0 : i32
      %dma_wait3A_225 = arith.constant 0 : i32
      %dma_wait3A_226 = tpu.memref_slice %arg7[%dma_wait3A_224, %dma_wait3A_225] : memref<250x40xi32, #tpu.memory_space<vmem>> -> memref<1x40xi32, #tpu.memory_space<vmem>>
      %dma_wait3A_227 = tpu.memref_squeeze %dma_wait3A_226 : memref<1x40xi32, #tpu.memory_space<vmem>> -> memref<40xi32, #tpu.memory_space<vmem>>
      %dma_wait3A_228 = arith.constant 0 : i32
      %dma_wait3A_229 = arith.constant 0 : i32
      %dma_wait3A_230 = tpu.memref_slice %arg23[%dma_wait3A_228, %dma_wait3A_229] : memref<10000x128xf32, #tpu.memory_space<vmem_shared>> -> memref<10000x128xf32, #tpu.memory_space<vmem_shared>>
      tpu.wait_indirect_dma semaphore(%arg20 : memref<!tpu.dma_semaphore, #tpu.memory_space<semaphore_mem>>) src(%arg10 : memref<40x128xf32, #tpu.memory_space<vmem>>) dst(%dma_wait3A_230 : memref<10000x128xf32, #tpu.memory_space<vmem_shared>>)
      %add3A_231 = arith.constant 5 : i32
      %add3A_232 = arith.addi %add3A_211, %add3A_231 : i32
      %dma_start3A_233 = arith.constant 0 : i32
      %dma_start3A_234 = tpu.memref_slice %arg6[%add3A_232, %dma_start3A_233] : memref<250x40xi32, #tpu.memory_space<vmem>> -> memref<1x40xi32, #tpu.memory_space<vmem>>
      %dma_start3A_235 = tpu.memref_squeeze %dma_start3A_234 : memref<1x40xi32, #tpu.memory_space<vmem>> -> memref<40xi32, #tpu.memory_space<vmem>>
      %dma_start3A_236 = arith.constant 0 : i32
      %dma_start3A_237 = arith.constant 0 : i32
      %dma_start3A_238 = tpu.memref_slice %arg2[%dma_start3A_236, %dma_start3A_237] : memref<10000x128xf32, #tpu.memory_space<hbm>> -> memref<10000x128xf32, #tpu.memory_space<hbm>>
      tpu.enqueue_indirect_dma source(%dma_start3A_238 : memref<10000x128xf32, #tpu.memory_space<hbm>>) target(%arg10 : memref<40x128xf32, #tpu.memory_space<vmem>>) offsets(%dma_start3A_235 : memref<40xi32, #tpu.memory_space<vmem>>) semaphore(%arg15 : memref<!tpu.dma_semaphore, #tpu.memory_space<semaphore_mem>>)
      %add3A_239 = arith.constant 3 : i32
      %add3A_240 = arith.addi %add3A_151, %add3A_239 : i32
      %dma_wait3A_241 = arith.constant 0 : i32
      %dma_wait3A_242 = tpu.memref_slice %arg6[%add3A_240, %dma_wait3A_241] : memref<250x40xi32, #tpu.memory_space<vmem>> -> memref<1x40xi32, #tpu.memory_space<vmem>>
      %dma_wait3A_243 = tpu.memref_squeeze %dma_wait3A_242 : memref<1x40xi32, #tpu.memory_space<vmem>> -> memref<40xi32, #tpu.memory_space<vmem>>
      %dma_wait3A_244 = arith.constant 0 : i32
      %dma_wait3A_245 = arith.constant 0 : i32
      %dma_wait3A_246 = tpu.memref_slice %arg2[%dma_wait3A_244, %dma_wait3A_245] : memref<10000x128xf32, #tpu.memory_space<hbm>> -> memref<10000x128xf32, #tpu.memory_space<hbm>>
      tpu.wait_indirect_dma semaphore(%arg16 : memref<!tpu.dma_semaphore, #tpu.memory_space<semaphore_mem>>) src(%dma_wait3A_246 : memref<10000x128xf32, #tpu.memory_space<hbm>>) dst(%arg11 : memref<40x128xf32, #tpu.memory_space<vmem>>)
      %dma_start3A_247 = arith.constant 0 : i32
      %dma_start3A_248 = tpu.memref_slice %arg7[%add3A_240, %dma_start3A_247] : memref<250x40xi32, #tpu.memory_space<vmem>> -> memref<1x40xi32, #tpu.memory_space<vmem>>
      %dma_start3A_249 = tpu.memref_squeeze %dma_start3A_248 : memref<1x40xi32, #tpu.memory_space<vmem>> -> memref<40xi32, #tpu.memory_space<vmem>>
      %dma_start3A_250 = arith.constant 0 : i32
      %dma_start3A_251 = arith.constant 0 : i32
      %dma_start3A_252 = tpu.memref_slice %arg23[%dma_start3A_250, %dma_start3A_251] : memref<10000x128xf32, #tpu.memory_space<vmem_shared>> -> memref<10000x128xf32, #tpu.memory_space<vmem_shared>>
      tpu.enqueue_indirect_dma source(%arg11 : memref<40x128xf32, #tpu.memory_space<vmem>>) target(%dma_start3A_252 : memref<10000x128xf32, #tpu.memory_space<vmem_shared>>) offsets(%dma_start3A_249 : memref<40xi32, #tpu.memory_space<vmem>>) semaphore(%arg21 : memref<!tpu.dma_semaphore, #tpu.memory_space<semaphore_mem>>) {add = true}
      %dma_wait3A_253 = arith.constant 0 : i32
      %dma_wait3A_254 = arith.constant 0 : i32
      %dma_wait3A_255 = tpu.memref_slice %arg7[%dma_wait3A_253, %dma_wait3A_254] : memref<250x40xi32, #tpu.memory_space<vmem>> -> memref<1x40xi32, #tpu.memory_space<vmem>>
      %dma_wait3A_256 = tpu.memref_squeeze %dma_wait3A_255 : memref<1x40xi32, #tpu.memory_space<vmem>> -> memref<40xi32, #tpu.memory_space<vmem>>
      %dma_wait3A_257 = arith.constant 0 : i32
      %dma_wait3A_258 = arith.constant 0 : i32
      %dma_wait3A_259 = tpu.memref_slice %arg23[%dma_wait3A_257, %dma_wait3A_258] : memref<10000x128xf32, #tpu.memory_space<vmem_shared>> -> memref<10000x128xf32, #tpu.memory_space<vmem_shared>>
      tpu.wait_indirect_dma semaphore(%arg21 : memref<!tpu.dma_semaphore, #tpu.memory_space<semaphore_mem>>) src(%arg11 : memref<40x128xf32, #tpu.memory_space<vmem>>) dst(%dma_wait3A_259 : memref<10000x128xf32, #tpu.memory_space<vmem_shared>>)
      %add3A_260 = arith.constant 5 : i32
      %add3A_261 = arith.addi %add3A_240, %add3A_260 : i32
      %dma_start3A_262 = arith.constant 0 : i32
      %dma_start3A_263 = tpu.memref_slice %arg6[%add3A_261, %dma_start3A_262] : memref<250x40xi32, #tpu.memory_space<vmem>> -> memref<1x40xi32, #tpu.memory_space<vmem>>
      %dma_start3A_264 = tpu.memref_squeeze %dma_start3A_263 : memref<1x40xi32, #tpu.memory_space<vmem>> -> memref<40xi32, #tpu.memory_space<vmem>>
      %dma_start3A_265 = arith.constant 0 : i32
      %dma_start3A_266 = arith.constant 0 : i32
      %dma_start3A_267 = tpu.memref_slice %arg2[%dma_start3A_265, %dma_start3A_266] : memref<10000x128xf32, #tpu.memory_space<hbm>> -> memref<10000x128xf32, #tpu.memory_space<hbm>>
      tpu.enqueue_indirect_dma source(%dma_start3A_267 : memref<10000x128xf32, #tpu.memory_space<hbm>>) target(%arg11 : memref<40x128xf32, #tpu.memory_space<vmem>>) offsets(%dma_start3A_264 : memref<40xi32, #tpu.memory_space<vmem>>) semaphore(%arg16 : memref<!tpu.dma_semaphore, #tpu.memory_space<semaphore_mem>>)
      %add3A_268 = arith.constant 4 : i32
      %add3A_269 = arith.addi %add3A_151, %add3A_268 : i32
      %dma_wait3A_270 = arith.constant 0 : i32
      %dma_wait3A_271 = tpu.memref_slice %arg6[%add3A_269, %dma_wait3A_270] : memref<250x40xi32, #tpu.memory_space<vmem>> -> memref<1x40xi32, #tpu.memory_space<vmem>>
      %dma_wait3A_272 = tpu.memref_squeeze %dma_wait3A_271 : memref<1x40xi32, #tpu.memory_space<vmem>> -> memref<40xi32, #tpu.memory_space<vmem>>
      %dma_wait3A_273 = arith.constant 0 : i32
      %dma_wait3A_274 = arith.constant 0 : i32
      %dma_wait3A_275 = tpu.memref_slice %arg2[%dma_wait3A_273, %dma_wait3A_274] : memref<10000x128xf32, #tpu.memory_space<hbm>> -> memref<10000x128xf32, #tpu.memory_space<hbm>>
      tpu.wait_indirect_dma semaphore(%arg17 : memref<!tpu.dma_semaphore, #tpu.memory_space<semaphore_mem>>) src(%dma_wait3A_275 : memref<10000x128xf32, #tpu.memory_space<hbm>>) dst(%arg12 : memref<40x128xf32, #tpu.memory_space<vmem>>)
      %dma_start3A_276 = arith.constant 0 : i32
      %dma_start3A_277 = tpu.memref_slice %arg7[%add3A_269, %dma_start3A_276] : memref<250x40xi32, #tpu.memory_space<vmem>> -> memref<1x40xi32, #tpu.memory_space<vmem>>
      %dma_start3A_278 = tpu.memref_squeeze %dma_start3A_277 : memref<1x40xi32, #tpu.memory_space<vmem>> -> memref<40xi32, #tpu.memory_space<vmem>>
      %dma_start3A_279 = arith.constant 0 : i32
      %dma_start3A_280 = arith.constant 0 : i32
      %dma_start3A_281 = tpu.memref_slice %arg23[%dma_start3A_279, %dma_start3A_280] : memref<10000x128xf32, #tpu.memory_space<vmem_shared>> -> memref<10000x128xf32, #tpu.memory_space<vmem_shared>>
      tpu.enqueue_indirect_dma source(%arg12 : memref<40x128xf32, #tpu.memory_space<vmem>>) target(%dma_start3A_281 : memref<10000x128xf32, #tpu.memory_space<vmem_shared>>) offsets(%dma_start3A_278 : memref<40xi32, #tpu.memory_space<vmem>>) semaphore(%arg22 : memref<!tpu.dma_semaphore, #tpu.memory_space<semaphore_mem>>) {add = true}
      %dma_wait3A_282 = arith.constant 0 : i32
      %dma_wait3A_283 = arith.constant 0 : i32
      %dma_wait3A_284 = tpu.memref_slice %arg7[%dma_wait3A_282, %dma_wait3A_283] : memref<250x40xi32, #tpu.memory_space<vmem>> -> memref<1x40xi32, #tpu.memory_space<vmem>>
      %dma_wait3A_285 = tpu.memref_squeeze %dma_wait3A_284 : memref<1x40xi32, #tpu.memory_space<vmem>> -> memref<40xi32, #tpu.memory_space<vmem>>
      %dma_wait3A_286 = arith.constant 0 : i32
      %dma_wait3A_287 = arith.constant 0 : i32
      %dma_wait3A_288 = tpu.memref_slice %arg23[%dma_wait3A_286, %dma_wait3A_287] : memref<10000x128xf32, #tpu.memory_space<vmem_shared>> -> memref<10000x128xf32, #tpu.memory_space<vmem_shared>>
      tpu.wait_indirect_dma semaphore(%arg22 : memref<!tpu.dma_semaphore, #tpu.memory_space<semaphore_mem>>) src(%arg12 : memref<40x128xf32, #tpu.memory_space<vmem>>) dst(%dma_wait3A_288 : memref<10000x128xf32, #tpu.memory_space<vmem_shared>>)
      %add3A_289 = arith.constant 5 : i32
      %add3A_290 = arith.addi %add3A_269, %add3A_289 : i32
      %dma_start3A_291 = arith.constant 0 : i32
      %dma_start3A_292 = tpu.memref_slice %arg6[%add3A_290, %dma_start3A_291] : memref<250x40xi32, #tpu.memory_space<vmem>> -> memref<1x40xi32, #tpu.memory_space<vmem>>
      %dma_start3A_293 = tpu.memref_squeeze %dma_start3A_292 : memref<1x40xi32, #tpu.memory_space<vmem>> -> memref<40xi32, #tpu.memory_space<vmem>>
      %dma_start3A_294 = arith.constant 0 : i32
      %dma_start3A_295 = arith.constant 0 : i32
      %dma_start3A_296 = tpu.memref_slice %arg2[%dma_start3A_294, %dma_start3A_295] : memref<10000x128xf32, #tpu.memory_space<hbm>> -> memref<10000x128xf32, #tpu.memory_space<hbm>>
      tpu.enqueue_indirect_dma source(%dma_start3A_296 : memref<10000x128xf32, #tpu.memory_space<hbm>>) target(%arg12 : memref<40x128xf32, #tpu.memory_space<vmem>>) offsets(%dma_start3A_293 : memref<40xi32, #tpu.memory_space<vmem>>) semaphore(%arg17 : memref<!tpu.dma_semaphore, #tpu.memory_space<semaphore_mem>>)
    }
    %scan3A_41 = arith.constant 49 : i32
    %dma_wait3A = arith.constant 245 : i32
    %dma_wait3A_42 = arith.constant 0 : i32
    %dma_wait3A_43 = tpu.memref_slice %arg6[%dma_wait3A, %dma_wait3A_42] : memref<250x40xi32, #tpu.memory_space<vmem>> -> memref<1x40xi32, #tpu.memory_space<vmem>>
    %dma_wait3A_44 = tpu.memref_squeeze %dma_wait3A_43 : memref<1x40xi32, #tpu.memory_space<vmem>> -> memref<40xi32, #tpu.memory_space<vmem>>
    %dma_wait3A_45 = arith.constant 0 : i32
    %dma_wait3A_46 = arith.constant 0 : i32
    %dma_wait3A_47 = tpu.memref_slice %arg2[%dma_wait3A_45, %dma_wait3A_46] : memref<10000x128xf32, #tpu.memory_space<hbm>> -> memref<10000x128xf32, #tpu.memory_space<hbm>>
    tpu.wait_indirect_dma semaphore(%arg13 : memref<!tpu.dma_semaphore, #tpu.memory_space<semaphore_mem>>) src(%dma_wait3A_47 : memref<10000x128xf32, #tpu.memory_space<hbm>>) dst(%arg8 : memref<40x128xf32, #tpu.memory_space<vmem>>)
    %dma_start3A_48 = arith.constant 245 : i32
    %dma_start3A_49 = arith.constant 0 : i32
    %dma_start3A_50 = tpu.memref_slice %arg7[%dma_start3A_48, %dma_start3A_49] : memref<250x40xi32, #tpu.memory_space<vmem>> -> memref<1x40xi32, #tpu.memory_space<vmem>>
    %dma_start3A_51 = tpu.memref_squeeze %dma_start3A_50 : memref<1x40xi32, #tpu.memory_space<vmem>> -> memref<40xi32, #tpu.memory_space<vmem>>
    %dma_start3A_52 = arith.constant 0 : i32
    %dma_start3A_53 = arith.constant 0 : i32
    %dma_start3A_54 = tpu.memref_slice %arg23[%dma_start3A_52, %dma_start3A_53] : memref<10000x128xf32, #tpu.memory_space<vmem_shared>> -> memref<10000x128xf32, #tpu.memory_space<vmem_shared>>
    tpu.enqueue_indirect_dma source(%arg8 : memref<40x128xf32, #tpu.memory_space<vmem>>) target(%dma_start3A_54 : memref<10000x128xf32, #tpu.memory_space<vmem_shared>>) offsets(%dma_start3A_51 : memref<40xi32, #tpu.memory_space<vmem>>) semaphore(%arg18 : memref<!tpu.dma_semaphore, #tpu.memory_space<semaphore_mem>>) {add = true}
    %dma_wait3A_55 = arith.constant 0 : i32
    %dma_wait3A_56 = arith.constant 0 : i32
    %dma_wait3A_57 = tpu.memref_slice %arg7[%dma_wait3A_55, %dma_wait3A_56] : memref<250x40xi32, #tpu.memory_space<vmem>> -> memref<1x40xi32, #tpu.memory_space<vmem>>
    %dma_wait3A_58 = tpu.memref_squeeze %dma_wait3A_57 : memref<1x40xi32, #tpu.memory_space<vmem>> -> memref<40xi32, #tpu.memory_space<vmem>>
    %dma_wait3A_59 = arith.constant 0 : i32
    %dma_wait3A_60 = arith.constant 0 : i32
    %dma_wait3A_61 = tpu.memref_slice %arg23[%dma_wait3A_59, %dma_wait3A_60] : memref<10000x128xf32, #tpu.memory_space<vmem_shared>> -> memref<10000x128xf32, #tpu.memory_space<vmem_shared>>
    tpu.wait_indirect_dma semaphore(%arg18 : memref<!tpu.dma_semaphore, #tpu.memory_space<semaphore_mem>>) src(%arg8 : memref<40x128xf32, #tpu.memory_space<vmem>>) dst(%dma_wait3A_61 : memref<10000x128xf32, #tpu.memory_space<vmem_shared>>)
    %dma_wait3A_62 = arith.constant 246 : i32
    %dma_wait3A_63 = arith.constant 0 : i32
    %dma_wait3A_64 = tpu.memref_slice %arg6[%dma_wait3A_62, %dma_wait3A_63] : memref<250x40xi32, #tpu.memory_space<vmem>> -> memref<1x40xi32, #tpu.memory_space<vmem>>
    %dma_wait3A_65 = tpu.memref_squeeze %dma_wait3A_64 : memref<1x40xi32, #tpu.memory_space<vmem>> -> memref<40xi32, #tpu.memory_space<vmem>>
    %dma_wait3A_66 = arith.constant 0 : i32
    %dma_wait3A_67 = arith.constant 0 : i32
    %dma_wait3A_68 = tpu.memref_slice %arg2[%dma_wait3A_66, %dma_wait3A_67] : memref<10000x128xf32, #tpu.memory_space<hbm>> -> memref<10000x128xf32, #tpu.memory_space<hbm>>
    tpu.wait_indirect_dma semaphore(%arg14 : memref<!tpu.dma_semaphore, #tpu.memory_space<semaphore_mem>>) src(%dma_wait3A_68 : memref<10000x128xf32, #tpu.memory_space<hbm>>) dst(%arg9 : memref<40x128xf32, #tpu.memory_space<vmem>>)
    %dma_start3A_69 = arith.constant 246 : i32
    %dma_start3A_70 = arith.constant 0 : i32
    %dma_start3A_71 = tpu.memref_slice %arg7[%dma_start3A_69, %dma_start3A_70] : memref<250x40xi32, #tpu.memory_space<vmem>> -> memref<1x40xi32, #tpu.memory_space<vmem>>
    %dma_start3A_72 = tpu.memref_squeeze %dma_start3A_71 : memref<1x40xi32, #tpu.memory_space<vmem>> -> memref<40xi32, #tpu.memory_space<vmem>>
    %dma_start3A_73 = arith.constant 0 : i32
    %dma_start3A_74 = arith.constant 0 : i32
    %dma_start3A_75 = tpu.memref_slice %arg23[%dma_start3A_73, %dma_start3A_74] : memref<10000x128xf32, #tpu.memory_space<vmem_shared>> -> memref<10000x128xf32, #tpu.memory_space<vmem_shared>>
    tpu.enqueue_indirect_dma source(%arg9 : memref<40x128xf32, #tpu.memory_space<vmem>>) target(%dma_start3A_75 : memref<10000x128xf32, #tpu.memory_space<vmem_shared>>) offsets(%dma_start3A_72 : memref<40xi32, #tpu.memory_space<vmem>>) semaphore(%arg19 : memref<!tpu.dma_semaphore, #tpu.memory_space<semaphore_mem>>) {add = true}
    %dma_wait3A_76 = arith.constant 0 : i32
    %dma_wait3A_77 = arith.constant 0 : i32
    %dma_wait3A_78 = tpu.memref_slice %arg7[%dma_wait3A_76, %dma_wait3A_77] : memref<250x40xi32, #tpu.memory_space<vmem>> -> memref<1x40xi32, #tpu.memory_space<vmem>>
    %dma_wait3A_79 = tpu.memref_squeeze %dma_wait3A_78 : memref<1x40xi32, #tpu.memory_space<vmem>> -> memref<40xi32, #tpu.memory_space<vmem>>
    %dma_wait3A_80 = arith.constant 0 : i32
    %dma_wait3A_81 = arith.constant 0 : i32
    %dma_wait3A_82 = tpu.memref_slice %arg23[%dma_wait3A_80, %dma_wait3A_81] : memref<10000x128xf32, #tpu.memory_space<vmem_shared>> -> memref<10000x128xf32, #tpu.memory_space<vmem_shared>>
    tpu.wait_indirect_dma semaphore(%arg19 : memref<!tpu.dma_semaphore, #tpu.memory_space<semaphore_mem>>) src(%arg9 : memref<40x128xf32, #tpu.memory_space<vmem>>) dst(%dma_wait3A_82 : memref<10000x128xf32, #tpu.memory_space<vmem_shared>>)
    %dma_wait3A_83 = arith.constant 247 : i32
    %dma_wait3A_84 = arith.constant 0 : i32
    %dma_wait3A_85 = tpu.memref_slice %arg6[%dma_wait3A_83, %dma_wait3A_84] : memref<250x40xi32, #tpu.memory_space<vmem>> -> memref<1x40xi32, #tpu.memory_space<vmem>>
    %dma_wait3A_86 = tpu.memref_squeeze %dma_wait3A_85 : memref<1x40xi32, #tpu.memory_space<vmem>> -> memref<40xi32, #tpu.memory_space<vmem>>
    %dma_wait3A_87 = arith.constant 0 : i32
    %dma_wait3A_88 = arith.constant 0 : i32
    %dma_wait3A_89 = tpu.memref_slice %arg2[%dma_wait3A_87, %dma_wait3A_88] : memref<10000x128xf32, #tpu.memory_space<hbm>> -> memref<10000x128xf32, #tpu.memory_space<hbm>>
    tpu.wait_indirect_dma semaphore(%arg15 : memref<!tpu.dma_semaphore, #tpu.memory_space<semaphore_mem>>) src(%dma_wait3A_89 : memref<10000x128xf32, #tpu.memory_space<hbm>>) dst(%arg10 : memref<40x128xf32, #tpu.memory_space<vmem>>)
    %dma_start3A_90 = arith.constant 247 : i32
    %dma_start3A_91 = arith.constant 0 : i32
    %dma_start3A_92 = tpu.memref_slice %arg7[%dma_start3A_90, %dma_start3A_91] : memref<250x40xi32, #tpu.memory_space<vmem>> -> memref<1x40xi32, #tpu.memory_space<vmem>>
    %dma_start3A_93 = tpu.memref_squeeze %dma_start3A_92 : memref<1x40xi32, #tpu.memory_space<vmem>> -> memref<40xi32, #tpu.memory_space<vmem>>
    %dma_start3A_94 = arith.constant 0 : i32
    %dma_start3A_95 = arith.constant 0 : i32
    %dma_start3A_96 = tpu.memref_slice %arg23[%dma_start3A_94, %dma_start3A_95] : memref<10000x128xf32, #tpu.memory_space<vmem_shared>> -> memref<10000x128xf32, #tpu.memory_space<vmem_shared>>
    tpu.enqueue_indirect_dma source(%arg10 : memref<40x128xf32, #tpu.memory_space<vmem>>) target(%dma_start3A_96 : memref<10000x128xf32, #tpu.memory_space<vmem_shared>>) offsets(%dma_start3A_93 : memref<40xi32, #tpu.memory_space<vmem>>) semaphore(%arg20 : memref<!tpu.dma_semaphore, #tpu.memory_space<semaphore_mem>>) {add = true}
    %dma_wait3A_97 = arith.constant 0 : i32
    %dma_wait3A_98 = arith.constant 0 : i32
    %dma_wait3A_99 = tpu.memref_slice %arg7[%dma_wait3A_97, %dma_wait3A_98] : memref<250x40xi32, #tpu.memory_space<vmem>> -> memref<1x40xi32, #tpu.memory_space<vmem>>
    %dma_wait3A_100 = tpu.memref_squeeze %dma_wait3A_99 : memref<1x40xi32, #tpu.memory_space<vmem>> -> memref<40xi32, #tpu.memory_space<vmem>>
    %dma_wait3A_101 = arith.constant 0 : i32
    %dma_wait3A_102 = arith.constant 0 : i32
    %dma_wait3A_103 = tpu.memref_slice %arg23[%dma_wait3A_101, %dma_wait3A_102] : memref<10000x128xf32, #tpu.memory_space<vmem_shared>> -> memref<10000x128xf32, #tpu.memory_space<vmem_shared>>
    tpu.wait_indirect_dma semaphore(%arg20 : memref<!tpu.dma_semaphore, #tpu.memory_space<semaphore_mem>>) src(%arg10 : memref<40x128xf32, #tpu.memory_space<vmem>>) dst(%dma_wait3A_103 : memref<10000x128xf32, #tpu.memory_space<vmem_shared>>)
    %dma_wait3A_104 = arith.constant 248 : i32
    %dma_wait3A_105 = arith.constant 0 : i32
    %dma_wait3A_106 = tpu.memref_slice %arg6[%dma_wait3A_104, %dma_wait3A_105] : memref<250x40xi32, #tpu.memory_space<vmem>> -> memref<1x40xi32, #tpu.memory_space<vmem>>
    %dma_wait3A_107 = tpu.memref_squeeze %dma_wait3A_106 : memref<1x40xi32, #tpu.memory_space<vmem>> -> memref<40xi32, #tpu.memory_space<vmem>>
    %dma_wait3A_108 = arith.constant 0 : i32
    %dma_wait3A_109 = arith.constant 0 : i32
    %dma_wait3A_110 = tpu.memref_slice %arg2[%dma_wait3A_108, %dma_wait3A_109] : memref<10000x128xf32, #tpu.memory_space<hbm>> -> memref<10000x128xf32, #tpu.memory_space<hbm>>
    tpu.wait_indirect_dma semaphore(%arg16 : memref<!tpu.dma_semaphore, #tpu.memory_space<semaphore_mem>>) src(%dma_wait3A_110 : memref<10000x128xf32, #tpu.memory_space<hbm>>) dst(%arg11 : memref<40x128xf32, #tpu.memory_space<vmem>>)
    %dma_start3A_111 = arith.constant 248 : i32
    %dma_start3A_112 = arith.constant 0 : i32
    %dma_start3A_113 = tpu.memref_slice %arg7[%dma_start3A_111, %dma_start3A_112] : memref<250x40xi32, #tpu.memory_space<vmem>> -> memref<1x40xi32, #tpu.memory_space<vmem>>
    %dma_start3A_114 = tpu.memref_squeeze %dma_start3A_113 : memref<1x40xi32, #tpu.memory_space<vmem>> -> memref<40xi32, #tpu.memory_space<vmem>>
    %dma_start3A_115 = arith.constant 0 : i32
    %dma_start3A_116 = arith.constant 0 : i32
    %dma_start3A_117 = tpu.memref_slice %arg23[%dma_start3A_115, %dma_start3A_116] : memref<10000x128xf32, #tpu.memory_space<vmem_shared>> -> memref<10000x128xf32, #tpu.memory_space<vmem_shared>>
    tpu.enqueue_indirect_dma source(%arg11 : memref<40x128xf32, #tpu.memory_space<vmem>>) target(%dma_start3A_117 : memref<10000x128xf32, #tpu.memory_space<vmem_shared>>) offsets(%dma_start3A_114 : memref<40xi32, #tpu.memory_space<vmem>>) semaphore(%arg21 : memref<!tpu.dma_semaphore, #tpu.memory_space<semaphore_mem>>) {add = true}
    %dma_wait3A_118 = arith.constant 0 : i32
    %dma_wait3A_119 = arith.constant 0 : i32
    %dma_wait3A_120 = tpu.memref_slice %arg7[%dma_wait3A_118, %dma_wait3A_119] : memref<250x40xi32, #tpu.memory_space<vmem>> -> memref<1x40xi32, #tpu.memory_space<vmem>>
    %dma_wait3A_121 = tpu.memref_squeeze %dma_wait3A_120 : memref<1x40xi32, #tpu.memory_space<vmem>> -> memref<40xi32, #tpu.memory_space<vmem>>
    %dma_wait3A_122 = arith.constant 0 : i32
    %dma_wait3A_123 = arith.constant 0 : i32
    %dma_wait3A_124 = tpu.memref_slice %arg23[%dma_wait3A_122, %dma_wait3A_123] : memref<10000x128xf32, #tpu.memory_space<vmem_shared>> -> memref<10000x128xf32, #tpu.memory_space<vmem_shared>>
    tpu.wait_indirect_dma semaphore(%arg21 : memref<!tpu.dma_semaphore, #tpu.memory_space<semaphore_mem>>) src(%arg11 : memref<40x128xf32, #tpu.memory_space<vmem>>) dst(%dma_wait3A_124 : memref<10000x128xf32, #tpu.memory_space<vmem_shared>>)
    %dma_wait3A_125 = arith.constant 249 : i32
    %dma_wait3A_126 = arith.constant 0 : i32
    %dma_wait3A_127 = tpu.memref_slice %arg6[%dma_wait3A_125, %dma_wait3A_126] : memref<250x40xi32, #tpu.memory_space<vmem>> -> memref<1x40xi32, #tpu.memory_space<vmem>>
    %dma_wait3A_128 = tpu.memref_squeeze %dma_wait3A_127 : memref<1x40xi32, #tpu.memory_space<vmem>> -> memref<40xi32, #tpu.memory_space<vmem>>
    %dma_wait3A_129 = arith.constant 0 : i32
    %dma_wait3A_130 = arith.constant 0 : i32
    %dma_wait3A_131 = tpu.memref_slice %arg2[%dma_wait3A_129, %dma_wait3A_130] : memref<10000x128xf32, #tpu.memory_space<hbm>> -> memref<10000x128xf32, #tpu.memory_space<hbm>>
    tpu.wait_indirect_dma semaphore(%arg17 : memref<!tpu.dma_semaphore, #tpu.memory_space<semaphore_mem>>) src(%dma_wait3A_131 : memref<10000x128xf32, #tpu.memory_space<hbm>>) dst(%arg12 : memref<40x128xf32, #tpu.memory_space<vmem>>)
    %dma_start3A_132 = arith.constant 249 : i32
    %dma_start3A_133 = arith.constant 0 : i32
    %dma_start3A_134 = tpu.memref_slice %arg7[%dma_start3A_132, %dma_start3A_133] : memref<250x40xi32, #tpu.memory_space<vmem>> -> memref<1x40xi32, #tpu.memory_space<vmem>>
    %dma_start3A_135 = tpu.memref_squeeze %dma_start3A_134 : memref<1x40xi32, #tpu.memory_space<vmem>> -> memref<40xi32, #tpu.memory_space<vmem>>
    %dma_start3A_136 = arith.constant 0 : i32
    %dma_start3A_137 = arith.constant 0 : i32
    %dma_start3A_138 = tpu.memref_slice %arg23[%dma_start3A_136, %dma_start3A_137] : memref<10000x128xf32, #tpu.memory_space<vmem_shared>> -> memref<10000x128xf32, #tpu.memory_space<vmem_shared>>
    tpu.enqueue_indirect_dma source(%arg12 : memref<40x128xf32, #tpu.memory_space<vmem>>) target(%dma_start3A_138 : memref<10000x128xf32, #tpu.memory_space<vmem_shared>>) offsets(%dma_start3A_135 : memref<40xi32, #tpu.memory_space<vmem>>) semaphore(%arg22 : memref<!tpu.dma_semaphore, #tpu.memory_space<semaphore_mem>>) {add = true}
    %dma_wait3A_139 = arith.constant 0 : i32
    %dma_wait3A_140 = arith.constant 0 : i32
    %dma_wait3A_141 = tpu.memref_slice %arg7[%dma_wait3A_139, %dma_wait3A_140] : memref<250x40xi32, #tpu.memory_space<vmem>> -> memref<1x40xi32, #tpu.memory_space<vmem>>
    %dma_wait3A_142 = tpu.memref_squeeze %dma_wait3A_141 : memref<1x40xi32, #tpu.memory_space<vmem>> -> memref<40xi32, #tpu.memory_space<vmem>>
    %dma_wait3A_143 = arith.constant 0 : i32
    %dma_wait3A_144 = arith.constant 0 : i32
    %dma_wait3A_145 = tpu.memref_slice %arg23[%dma_wait3A_143, %dma_wait3A_144] : memref<10000x128xf32, #tpu.memory_space<vmem_shared>> -> memref<10000x128xf32, #tpu.memory_space<vmem_shared>>
    tpu.wait_indirect_dma semaphore(%arg22 : memref<!tpu.dma_semaphore, #tpu.memory_space<semaphore_mem>>) src(%arg12 : memref<40x128xf32, #tpu.memory_space<vmem>>) dst(%dma_wait3A_145 : memref<10000x128xf32, #tpu.memory_space<vmem_shared>>)
    %barrier3A_146 = arith.constant 0 : index
    tpu.barrier barrier_id(%barrier3A_146)
    "tpu.region"() ({
      %run_scoped3A_147 = tpu.sem_alloc : memref<!tpu.dma_semaphore, #tpu.memory_space<semaphore_mem>>
      %dma_start3A_148 = arith.constant 0 : i32
      %dma_start3A_149 = tpu.memref_slice %arg5[%arg0, %mul3A_2, %dma_start3A_148] : memref<2x10000x128xf32, #tpu.memory_space<hbm>> -> memref<1x625x128xf32, #tpu.memory_space<hbm>>
      %dma_start3A_150 = tpu.memref_squeeze %dma_start3A_149 : memref<1x625x128xf32, #tpu.memory_space<hbm>> -> memref<625x128xf32, #tpu.memory_space<hbm>>
      %dma_start3A_151 = arith.constant 0 : i32
      %dma_start3A_152 = tpu.memref_slice %arg23[%mul3A_2, %dma_start3A_151] : memref<10000x128xf32, #tpu.memory_space<vmem_shared>> -> memref<625x128xf32, #tpu.memory_space<vmem_shared>>
      tpu.enqueue_dma source(%dma_start3A_152 : memref<625x128xf32, #tpu.memory_space<vmem_shared>>) target(%dma_start3A_150 : memref<625x128xf32, #tpu.memory_space<hbm>>) target_semaphore(%run_scoped3A_147 : memref<!tpu.dma_semaphore, #tpu.memory_space<semaphore_mem>>)
      %dma_wait3A_153 = arith.constant 0 : i32
      %dma_wait3A_154 = tpu.memref_slice %arg5[%arg0, %mul3A_2, %dma_wait3A_153] : memref<2x10000x128xf32, #tpu.memory_space<hbm>> -> memref<1x625x128xf32, #tpu.memory_space<hbm>>
      %dma_wait3A_155 = tpu.memref_squeeze %dma_wait3A_154 : memref<1x625x128xf32, #tpu.memory_space<hbm>> -> memref<625x128xf32, #tpu.memory_space<hbm>>
      %dma_wait3A_156 = arith.constant 0 : i32
      %dma_wait3A_157 = tpu.memref_slice %arg23[%mul3A_2, %dma_wait3A_156] : memref<10000x128xf32, #tpu.memory_space<vmem_shared>> -> memref<625x128xf32, #tpu.memory_space<vmem_shared>>
      tpu.wait_dma2 semaphore(%run_scoped3A_147 : memref<!tpu.dma_semaphore, #tpu.memory_space<semaphore_mem>>) src(%dma_wait3A_157 : memref<625x128xf32, #tpu.memory_space<vmem_shared>>) dst(%dma_wait3A_155 : memref<625x128xf32, #tpu.memory_space<hbm>>)
      tpu.yield
    }) : () -> ()
    return
  }
}

module attributes {stable_mosaic.version = 14 : i64} {
  func.func @body(%arg0: i32, %arg1: memref<2x2000x16xf32, #tpu.memory_space<vmem>>, %arg2: memref<2000x128xf32, #tpu.memory_space<vmem>>, %arg3: memref<128x128xf32, #tpu.memory_space<vmem>>, %arg4: memref<2000x1xf32, #tpu.memory_space<vmem>>, %arg5: memref<2000x128xf32, #tpu.memory_space<vmem>>) attributes {dimension_semantics = [#tpu.dimension_semantics<arbitrary>], iteration_bounds = array<i64: 5>, scalar_prefetch = 0 : i64, scratch_operands = 0 : i64, tpu.core_type = #tpu.core_type<tc>, window_params = [{transform_indices = @transform_0, window_bounds = array<i64: 2, 2000, 16>}, {transform_indices = @transform_1, window_bounds = array<i64: 2000, 128>}, {pipeline_mode = #tpu.pipeline_mode<synchronous>, transform_indices = @transform_2, window_bounds = array<i64: 128, 128>}, {transform_indices = @transform_3, window_bounds = array<i64: 2000, 1>}, {transform_indices = @transform_4, window_bounds = array<i64: 2000, 128>}]} {
    %get3A = arith.constant 0 : index
    %get3A_0 = arith.constant 0 : index
    %get3A_1 = arith.constant 0 : index
    %get3A_2 = vector.load %arg1[%get3A, %get3A_0, %get3A_1] : memref<2x2000x16xf32, #tpu.memory_space<vmem>>, vector<1x2000x1xf32>
    %get3A_3 = vector.shape_cast %get3A_2 : vector<1x2000x1xf32> to vector<2000x1xf32>
    %get3A_4 = arith.constant 1 : index
    %get3A_5 = arith.constant 0 : index
    %get3A_6 = arith.constant 0 : index
    %get3A_7 = vector.load %arg1[%get3A_4, %get3A_5, %get3A_6] : memref<2x2000x16xf32, #tpu.memory_space<vmem>>, vector<1x2000x1xf32>
    %get3A_8 = vector.shape_cast %get3A_7 : vector<1x2000x1xf32> to vector<2000x1xf32>
    %add3A = arith.addf %get3A_3, %get3A_8 : vector<2000x1xf32>
    %add3A_9 = arith.constant 1.000000e+00 : f32
    %add3A_10 = vector.broadcast %add3A_9 : f32 to vector<2000x1xf32>
    %add3A_11 = arith.addf %add3A, %add3A_10 : vector<2000x1xf32>
    %rsqrt3A = math.rsqrt %add3A_11 : vector<2000x1xf32>
    %swap3A = arith.constant 0 : index
    %swap3A_12 = arith.constant 0 : index
    %swap3A_13 = vector.load %arg4[%swap3A, %swap3A_12] : memref<2000x1xf32, #tpu.memory_space<vmem>>, vector<2000x1xf32>
    tpu.vector_store %arg4[%swap3A, %swap3A_12], %rsqrt3A {strides = array<i32>} : memref<2000x1xf32, #tpu.memory_space<vmem>>, vector<2000x1xf32>,
    %get3A_14 = arith.constant 0 : index
    %get3A_15 = arith.constant 0 : index
    %get3A_16 = vector.load %arg2[%get3A_14, %get3A_15] : memref<2000x128xf32, #tpu.memory_space<vmem>>, vector<2000x128xf32>
    %get3A_17 = arith.constant 0 : index
    %get3A_18 = arith.constant 0 : index
    %get3A_19 = vector.load %arg3[%get3A_17, %get3A_18] : memref<128x128xf32, #tpu.memory_space<vmem>>, vector<128x128xf32>
    %dot_general3A = arith.constant dense<0.000000e+00> : vector<2000x128xf32>
    %dot_general3A_20 = tpu.matmul %get3A_16, %get3A_19, %dot_general3A {dimension_numbers = #tpu.dot_dimension_numbers<[1], [0], [0], [1], [0, 0, 1, 1], [], []>, transpose_lhs_hint = false} : vector<2000x128xf32>, vector<128x128xf32>, vector<2000x128xf32> -> vector<2000x128xf32>
    %mul3A = vector.broadcast %rsqrt3A : vector<2000x1xf32> to vector<2000x128xf32>
    %mul3A_21 = arith.mulf %dot_general3A_20, %mul3A : vector<2000x128xf32>
    %swap3A_22 = arith.constant 0 : index
    %swap3A_23 = arith.constant 0 : index
    %swap3A_24 = vector.load %arg5[%swap3A_22, %swap3A_23] : memref<2000x128xf32, #tpu.memory_space<vmem>>, vector<2000x128xf32>
    tpu.vector_store %arg5[%swap3A_22, %swap3A_23], %mul3A_21 {strides = array<i32>} : memref<2000x128xf32, #tpu.memory_space<vmem>>, vector<2000x128xf32>,
    return
  }
  func.func @transform_0(%arg0: i32) -> (i32, i32, i32) {
    %c0_i32 = arith.constant 0 : i32
    %c0_i32_0 = arith.constant 0 : i32
    %c0_i32_1 = arith.constant 0 : i32
    return %c0_i32, %arg0, %c0_i32_0 : i32, i32, i32
  }
  func.func @transform_1(%arg0: i32) -> (i32, i32) {
    %c0_i32 = arith.constant 0 : i32
    %c0_i32_0 = arith.constant 0 : i32
    return %arg0, %c0_i32 : i32, i32
  }
  func.func @transform_2(%arg0: i32) -> (i32, i32) {
    %c0_i32 = arith.constant 0 : i32
    %c0_i32_0 = arith.constant 0 : i32
    %c0_i32_1 = arith.constant 0 : i32
    return %c0_i32, %c0_i32_0 : i32, i32
  }
  func.func @transform_3(%arg0: i32) -> (i32, i32) {
    %c0_i32 = arith.constant 0 : i32
    %c0_i32_0 = arith.constant 0 : i32
    return %arg0, %c0_i32 : i32, i32
  }
  func.func @transform_4(%arg0: i32) -> (i32, i32) {
    %c0_i32 = arith.constant 0 : i32
    %c0_i32_0 = arith.constant 0 : i32
    return %arg0, %c0_i32 : i32, i32
  }
}

module attributes {stable_mosaic.version = 14 : i64} {
  func.func @body(%arg0: i32, %arg1: memref<2x2000x128xf32, #tpu.memory_space<vmem>>, %arg2: memref<2000x128xf32, #tpu.memory_space<vmem>>, %arg3: memref<2000x1xf32, #tpu.memory_space<vmem>>, %arg4: memref<1x128xf32, #tpu.memory_space<vmem>>, %arg5: memref<128x128xf32, #tpu.memory_space<vmem>>, %arg6: memref<2000x128xf32, #tpu.memory_space<vmem>>) attributes {dimension_semantics = [#tpu.dimension_semantics<arbitrary>], iteration_bounds = array<i64: 5>, scalar_prefetch = 0 : i64, scratch_operands = 0 : i64, tpu.core_type = #tpu.core_type<tc>, window_params = [{transform_indices = @transform_0, window_bounds = array<i64: 2, 2000, 128>}, {transform_indices = @transform_1, window_bounds = array<i64: 2000, 128>}, {transform_indices = @transform_2, window_bounds = array<i64: 2000, 1>}, {pipeline_mode = #tpu.pipeline_mode<synchronous>, transform_indices = @transform_3, window_bounds = array<i64: 1, 128>}, {pipeline_mode = #tpu.pipeline_mode<synchronous>, transform_indices = @transform_4, window_bounds = array<i64: 128, 128>}, {transform_indices = @transform_5, window_bounds = array<i64: 2000, 128>}]} {
    %get3A = arith.constant 0 : index
    %get3A_0 = arith.constant 0 : index
    %get3A_1 = vector.load %arg3[%get3A, %get3A_0] : memref<2000x1xf32, #tpu.memory_space<vmem>>, vector<2000x1xf32>
    %get3A_2 = arith.constant 0 : index
    %get3A_3 = arith.constant 0 : index
    %get3A_4 = arith.constant 0 : index
    %get3A_5 = vector.load %arg1[%get3A_2, %get3A_3, %get3A_4] : memref<2x2000x128xf32, #tpu.memory_space<vmem>>, vector<1x2000x128xf32>
    %get3A_6 = vector.shape_cast %get3A_5 : vector<1x2000x128xf32> to vector<2000x128xf32>
    %get3A_7 = arith.constant 1 : index
    %get3A_8 = arith.constant 0 : index
    %get3A_9 = arith.constant 0 : index
    %get3A_10 = vector.load %arg1[%get3A_7, %get3A_8, %get3A_9] : memref<2x2000x128xf32, #tpu.memory_space<vmem>>, vector<1x2000x128xf32>
    %get3A_11 = vector.shape_cast %get3A_10 : vector<1x2000x128xf32> to vector<2000x128xf32>
    %add3A = arith.addf %get3A_6, %get3A_11 : vector<2000x128xf32>
    %get3A_12 = arith.constant 0 : index
    %get3A_13 = arith.constant 0 : index
    %get3A_14 = vector.load %arg2[%get3A_12, %get3A_13] : memref<2000x128xf32, #tpu.memory_space<vmem>>, vector<2000x128xf32>
    %add3A_15 = arith.addf %add3A, %get3A_14 : vector<2000x128xf32>
    %mul3A = vector.broadcast %get3A_1 : vector<2000x1xf32> to vector<2000x128xf32>
    %mul3A_16 = arith.mulf %mul3A, %add3A_15 : vector<2000x128xf32>
    %get3A_17 = arith.constant 0 : index
    %get3A_18 = arith.constant 0 : index
    %get3A_19 = vector.load %arg4[%get3A_17, %get3A_18] : memref<1x128xf32, #tpu.memory_space<vmem>>, vector<1x128xf32>
    %add3A_20 = vector.broadcast %get3A_19 : vector<1x128xf32> to vector<2000x128xf32>
    %add3A_21 = arith.addf %mul3A_16, %add3A_20 : vector<2000x128xf32>
    %max3A = arith.constant 0.000000e+00 : f32
    %max3A_22 = vector.broadcast %max3A : f32 to vector<2000x128xf32>
    %max3A_23 = arith.maximumf %add3A_21, %max3A_22 : vector<2000x128xf32>
    %get3A_24 = arith.constant 0 : index
    %get3A_25 = arith.constant 0 : index
    %get3A_26 = vector.load %arg5[%get3A_24, %get3A_25] : memref<128x128xf32, #tpu.memory_space<vmem>>, vector<128x128xf32>
    %dot_general3A = arith.constant dense<0.000000e+00> : vector<2000x128xf32>
    %dot_general3A_27 = tpu.matmul %max3A_23, %get3A_26, %dot_general3A {dimension_numbers = #tpu.dot_dimension_numbers<[1], [0], [0], [1], [0, 0, 1, 1], [], []>, transpose_lhs_hint = false} : vector<2000x128xf32>, vector<128x128xf32>, vector<2000x128xf32> -> vector<2000x128xf32>
    %mul3A_28 = vector.broadcast %get3A_1 : vector<2000x1xf32> to vector<2000x128xf32>
    %mul3A_29 = arith.mulf %dot_general3A_27, %mul3A_28 : vector<2000x128xf32>
    %swap3A = arith.constant 0 : index
    %swap3A_30 = arith.constant 0 : index
    %swap3A_31 = vector.load %arg6[%swap3A, %swap3A_30] : memref<2000x128xf32, #tpu.memory_space<vmem>>, vector<2000x128xf32>
    tpu.vector_store %arg6[%swap3A, %swap3A_30], %mul3A_29 {strides = array<i32>} : memref<2000x128xf32, #tpu.memory_space<vmem>>, vector<2000x128xf32>,
    return
  }
  func.func @transform_0(%arg0: i32) -> (i32, i32, i32) {
    %c0_i32 = arith.constant 0 : i32
    %c0_i32_0 = arith.constant 0 : i32
    %c0_i32_1 = arith.constant 0 : i32
    return %c0_i32, %arg0, %c0_i32_0 : i32, i32, i32
  }
  func.func @transform_1(%arg0: i32) -> (i32, i32) {
    %c0_i32 = arith.constant 0 : i32
    %c0_i32_0 = arith.constant 0 : i32
    return %arg0, %c0_i32 : i32, i32
  }
  func.func @transform_2(%arg0: i32) -> (i32, i32) {
    %c0_i32 = arith.constant 0 : i32
    %c0_i32_0 = arith.constant 0 : i32
    return %arg0, %c0_i32 : i32, i32
  }
  func.func @transform_3(%arg0: i32) -> (i32, i32) {
    %c0_i32 = arith.constant 0 : i32
    %c0_i32_0 = arith.constant 0 : i32
    %c0_i32_1 = arith.constant 0 : i32
    return %c0_i32, %c0_i32_0 : i32, i32
  }
  func.func @transform_4(%arg0: i32) -> (i32, i32) {
    %c0_i32 = arith.constant 0 : i32
    %c0_i32_0 = arith.constant 0 : i32
    %c0_i32_1 = arith.constant 0 : i32
    return %c0_i32, %c0_i32_0 : i32, i32
  }
  func.func @transform_5(%arg0: i32) -> (i32, i32) {
    %c0_i32 = arith.constant 0 : i32
    %c0_i32_0 = arith.constant 0 : i32
    return %arg0, %c0_i32 : i32, i32
  }
}

module attributes {stable_mosaic.version = 14 : i64} {
  func.func @body(%arg0: i32, %arg1: memref<2x2000x128xf32, #tpu.memory_space<vmem>>, %arg2: memref<2000x128xf32, #tpu.memory_space<vmem>>, %arg3: memref<2000x1xf32, #tpu.memory_space<vmem>>, %arg4: memref<1x128xf32, #tpu.memory_space<vmem>>, %arg5: memref<128x48xf32, #tpu.memory_space<vmem>>, %arg6: memref<2000x48xf32, #tpu.memory_space<vmem>>) attributes {dimension_semantics = [#tpu.dimension_semantics<arbitrary>], iteration_bounds = array<i64: 5>, scalar_prefetch = 0 : i64, scratch_operands = 0 : i64, tpu.core_type = #tpu.core_type<tc>, window_params = [{transform_indices = @transform_0, window_bounds = array<i64: 2, 2000, 128>}, {transform_indices = @transform_1, window_bounds = array<i64: 2000, 128>}, {transform_indices = @transform_2, window_bounds = array<i64: 2000, 1>}, {pipeline_mode = #tpu.pipeline_mode<synchronous>, transform_indices = @transform_3, window_bounds = array<i64: 1, 128>}, {pipeline_mode = #tpu.pipeline_mode<synchronous>, transform_indices = @transform_4, window_bounds = array<i64: 128, 48>}, {transform_indices = @transform_5, window_bounds = array<i64: 2000, 48>}]} {
    %get3A = arith.constant 0 : index
    %get3A_0 = arith.constant 0 : index
    %get3A_1 = vector.load %arg3[%get3A, %get3A_0] : memref<2000x1xf32, #tpu.memory_space<vmem>>, vector<2000x1xf32>
    %get3A_2 = arith.constant 0 : index
    %get3A_3 = arith.constant 0 : index
    %get3A_4 = arith.constant 0 : index
    %get3A_5 = vector.load %arg1[%get3A_2, %get3A_3, %get3A_4] : memref<2x2000x128xf32, #tpu.memory_space<vmem>>, vector<1x2000x128xf32>
    %get3A_6 = vector.shape_cast %get3A_5 : vector<1x2000x128xf32> to vector<2000x128xf32>
    %get3A_7 = arith.constant 1 : index
    %get3A_8 = arith.constant 0 : index
    %get3A_9 = arith.constant 0 : index
    %get3A_10 = vector.load %arg1[%get3A_7, %get3A_8, %get3A_9] : memref<2x2000x128xf32, #tpu.memory_space<vmem>>, vector<1x2000x128xf32>
    %get3A_11 = vector.shape_cast %get3A_10 : vector<1x2000x128xf32> to vector<2000x128xf32>
    %add3A = arith.addf %get3A_6, %get3A_11 : vector<2000x128xf32>
    %get3A_12 = arith.constant 0 : index
    %get3A_13 = arith.constant 0 : index
    %get3A_14 = vector.load %arg2[%get3A_12, %get3A_13] : memref<2000x128xf32, #tpu.memory_space<vmem>>, vector<2000x128xf32>
    %add3A_15 = arith.addf %add3A, %get3A_14 : vector<2000x128xf32>
    %mul3A = vector.broadcast %get3A_1 : vector<2000x1xf32> to vector<2000x128xf32>
    %mul3A_16 = arith.mulf %mul3A, %add3A_15 : vector<2000x128xf32>
    %get3A_17 = arith.constant 0 : index
    %get3A_18 = arith.constant 0 : index
    %get3A_19 = vector.load %arg4[%get3A_17, %get3A_18] : memref<1x128xf32, #tpu.memory_space<vmem>>, vector<1x128xf32>
    %add3A_20 = vector.broadcast %get3A_19 : vector<1x128xf32> to vector<2000x128xf32>
    %add3A_21 = arith.addf %mul3A_16, %add3A_20 : vector<2000x128xf32>
    %max3A = arith.constant 0.000000e+00 : f32
    %max3A_22 = vector.broadcast %max3A : f32 to vector<2000x128xf32>
    %max3A_23 = arith.maximumf %add3A_21, %max3A_22 : vector<2000x128xf32>
    %get3A_24 = arith.constant 0 : index
    %get3A_25 = arith.constant 0 : index
    %get3A_26 = vector.load %arg5[%get3A_24, %get3A_25] : memref<128x48xf32, #tpu.memory_space<vmem>>, vector<128x48xf32>
    %dot_general3A = arith.constant dense<0.000000e+00> : vector<2000x48xf32>
    %dot_general3A_27 = tpu.matmul %max3A_23, %get3A_26, %dot_general3A {dimension_numbers = #tpu.dot_dimension_numbers<[1], [0], [0], [1], [0, 0, 1, 1], [], []>, transpose_lhs_hint = false} : vector<2000x128xf32>, vector<128x48xf32>, vector<2000x48xf32> -> vector<2000x48xf32>
    %mul3A_28 = vector.broadcast %get3A_1 : vector<2000x1xf32> to vector<2000x48xf32>
    %mul3A_29 = arith.mulf %dot_general3A_27, %mul3A_28 : vector<2000x48xf32>
    %swap3A = arith.constant 0 : index
    %swap3A_30 = arith.constant 0 : index
    %swap3A_31 = vector.load %arg6[%swap3A, %swap3A_30] : memref<2000x48xf32, #tpu.memory_space<vmem>>, vector<2000x48xf32>
    tpu.vector_store %arg6[%swap3A, %swap3A_30], %mul3A_29 {strides = array<i32>} : memref<2000x48xf32, #tpu.memory_space<vmem>>, vector<2000x48xf32>,
    return
  }
  func.func @transform_0(%arg0: i32) -> (i32, i32, i32) {
    %c0_i32 = arith.constant 0 : i32
    %c0_i32_0 = arith.constant 0 : i32
    %c0_i32_1 = arith.constant 0 : i32
    return %c0_i32, %arg0, %c0_i32_0 : i32, i32, i32
  }
  func.func @transform_1(%arg0: i32) -> (i32, i32) {
    %c0_i32 = arith.constant 0 : i32
    %c0_i32_0 = arith.constant 0 : i32
    return %arg0, %c0_i32 : i32, i32
  }
  func.func @transform_2(%arg0: i32) -> (i32, i32) {
    %c0_i32 = arith.constant 0 : i32
    %c0_i32_0 = arith.constant 0 : i32
    return %arg0, %c0_i32 : i32, i32
  }
  func.func @transform_3(%arg0: i32) -> (i32, i32) {
    %c0_i32 = arith.constant 0 : i32
    %c0_i32_0 = arith.constant 0 : i32
    %c0_i32_1 = arith.constant 0 : i32
    return %c0_i32, %c0_i32_0 : i32, i32
  }
  func.func @transform_4(%arg0: i32) -> (i32, i32) {
    %c0_i32 = arith.constant 0 : i32
    %c0_i32_0 = arith.constant 0 : i32
    %c0_i32_1 = arith.constant 0 : i32
    return %c0_i32, %c0_i32_0 : i32, i32
  }
  func.func @transform_5(%arg0: i32) -> (i32, i32) {
    %c0_i32 = arith.constant 0 : i32
    %c0_i32_0 = arith.constant 0 : i32
    return %arg0, %c0_i32 : i32, i32
  }
}

module attributes {stable_mosaic.version = 14 : i64} {
  func.func @body(%arg0: i32, %arg1: memref<2x2000x48xf32, #tpu.memory_space<vmem>>, %arg2: memref<2000x48xf32, #tpu.memory_space<vmem>>, %arg3: memref<2000x1xf32, #tpu.memory_space<vmem>>, %arg4: memref<1x48xf32, #tpu.memory_space<vmem>>, %arg5: memref<2000x40xf32, #tpu.memory_space<vmem>>) attributes {dimension_semantics = [#tpu.dimension_semantics<arbitrary>], iteration_bounds = array<i64: 5>, scalar_prefetch = 0 : i64, scratch_operands = 0 : i64, tpu.core_type = #tpu.core_type<tc>, window_params = [{transform_indices = @transform_0, window_bounds = array<i64: 2, 2000, 48>}, {transform_indices = @transform_1, window_bounds = array<i64: 2000, 48>}, {transform_indices = @transform_2, window_bounds = array<i64: 2000, 1>}, {pipeline_mode = #tpu.pipeline_mode<synchronous>, transform_indices = @transform_3, window_bounds = array<i64: 1, 48>}, {transform_indices = @transform_4, window_bounds = array<i64: 2000, 40>}]} {
    %get3A = arith.constant 0 : index
    %get3A_0 = arith.constant 0 : index
    %get3A_1 = arith.constant 0 : index
    %get3A_2 = vector.load %arg1[%get3A, %get3A_0, %get3A_1] : memref<2x2000x48xf32, #tpu.memory_space<vmem>>, vector<1x2000x48xf32>
    %get3A_3 = vector.shape_cast %get3A_2 : vector<1x2000x48xf32> to vector<2000x48xf32>
    %get3A_4 = arith.constant 1 : index
    %get3A_5 = arith.constant 0 : index
    %get3A_6 = arith.constant 0 : index
    %get3A_7 = vector.load %arg1[%get3A_4, %get3A_5, %get3A_6] : memref<2x2000x48xf32, #tpu.memory_space<vmem>>, vector<1x2000x48xf32>
    %get3A_8 = vector.shape_cast %get3A_7 : vector<1x2000x48xf32> to vector<2000x48xf32>
    %add3A = arith.addf %get3A_3, %get3A_8 : vector<2000x48xf32>
    %get3A_9 = arith.constant 0 : index
    %get3A_10 = arith.constant 0 : index
    %get3A_11 = vector.load %arg2[%get3A_9, %get3A_10] : memref<2000x48xf32, #tpu.memory_space<vmem>>, vector<2000x48xf32>
    %add3A_12 = arith.addf %add3A, %get3A_11 : vector<2000x48xf32>
    %get3A_13 = arith.constant 0 : index
    %get3A_14 = arith.constant 0 : index
    %get3A_15 = vector.load %arg3[%get3A_13, %get3A_14] : memref<2000x1xf32, #tpu.memory_space<vmem>>, vector<2000x1xf32>
    %mul3A = vector.broadcast %get3A_15 : vector<2000x1xf32> to vector<2000x48xf32>
    %mul3A_16 = arith.mulf %mul3A, %add3A_12 : vector<2000x48xf32>
    %get3A_17 = arith.constant 0 : index
    %get3A_18 = arith.constant 0 : index
    %get3A_19 = vector.load %arg4[%get3A_17, %get3A_18] : memref<1x48xf32, #tpu.memory_space<vmem>>, vector<1x48xf32>
    %add3A_20 = vector.broadcast %get3A_19 : vector<1x48xf32> to vector<2000x48xf32>
    %add3A_21 = arith.addf %mul3A_16, %add3A_20 : vector<2000x48xf32>
    %slice3A = vector.extract_strided_slice %add3A_21 {offsets = [0, 0], sizes = [2000, 40], strides = [1, 1]} : vector<2000x48xf32> to vector<2000x40xf32>
    %swap3A = arith.constant 0 : index
    %swap3A_22 = arith.constant 0 : index
    %swap3A_23 = vector.load %arg5[%swap3A, %swap3A_22] : memref<2000x40xf32, #tpu.memory_space<vmem>>, vector<2000x40xf32>
    tpu.vector_store %arg5[%swap3A, %swap3A_22], %slice3A {strides = array<i32>} : memref<2000x40xf32, #tpu.memory_space<vmem>>, vector<2000x40xf32>,
    return
  }
  func.func @transform_0(%arg0: i32) -> (i32, i32, i32) {
    %c0_i32 = arith.constant 0 : i32
    %c0_i32_0 = arith.constant 0 : i32
    %c0_i32_1 = arith.constant 0 : i32
    return %c0_i32, %arg0, %c0_i32_0 : i32, i32, i32
  }
  func.func @transform_1(%arg0: i32) -> (i32, i32) {
    %c0_i32 = arith.constant 0 : i32
    %c0_i32_0 = arith.constant 0 : i32
    return %arg0, %c0_i32 : i32, i32
  }
  func.func @transform_2(%arg0: i32) -> (i32, i32) {
    %c0_i32 = arith.constant 0 : i32
    %c0_i32_0 = arith.constant 0 : i32
    return %arg0, %c0_i32 : i32, i32
  }
  func.func @transform_3(%arg0: i32) -> (i32, i32) {
    %c0_i32 = arith.constant 0 : i32
    %c0_i32_0 = arith.constant 0 : i32
    %c0_i32_1 = arith.constant 0 : i32
    return %c0_i32, %c0_i32_0 : i32, i32
  }
  func.func @transform_4(%arg0: i32) -> (i32, i32) {
    %c0_i32 = arith.constant 0 : i32
    %c0_i32_0 = arith.constant 0 : i32
    return %arg0, %c0_i32 : i32, i32
  }
}

</mosaic_0001>

<sc_bundles>
// kernel: kernel.10.cloned.1.call-start
scs
__scs_entry_jumppad:
0x0: {  	(pc) =	sbr.rel $0x88, $3  }
0x1: {  	(tag) =	ssettag $0x0;
	lr =	simm.s32 $0x1  }
0x2: {  	[smem:$0x3F99] =	sst lr;
	_ =	strace $0xD0000000  }
0x3: {  	_ = 	snop  }
0x4: {  	_ = 	snop  }
0x5: {  	_ = 	snop  }
0x6: {  	_ = 	snop  }
0x7: {  	_ = 	snop  }
__scs_overlays_trampoline_lowered:
0x8: {  	[smem:$0x3FA8] =	sst s0  }
0x9: {  	[smem:$0x3FA9] =	sst s1  }
0xa: {  	[smem:$0x3FAA] =	sst s2  }
0xb: {  	[smem:$0x3FAB] =	sst s3  }
0xc: {  	[smem:$0x3FAC] =	sst s4  }
0xd: {  	[smem:$0x3FAD] =	sst s5  }
0xe: {  	[smem:$0x3FAE] =	sst s6  }
0xf: {  	[smem:$0x3FAF] =	sst s7  }
0x10: {  	[smem:$0x3FB0] =	sst s8  }
0x11: {  	[smem:$0x3FB1] =	sst s9;
	s0 =	simm.s32 @!p0 $0x0  }
0x12: {  	s1 =	sld [smem:$0x3F97];
	s0 =	simm.s32 @p0 $0x1  }
0x13: {  	[smem:$0x3FB2] =	sst s0;
	s0 =	simm.s32 @!p1 $0x0  }
0x14: {  	s2 =	sld [smem:$0x3F96];
	s0 =	simm.s32 @p1 $0x1  }
0x15: {  	[smem:$0x3FB3] =	sst s0;
	s0 =	simm.s32 @!p2 $0x0  }
0x16: {  	s3 =	sld [smem:$0x3FDB];
	s0 =	simm.s32 @p2 $0x1  }
0x17: {  	s4 =	simm.s32 $0x1BF5;
	[smem:$0x3FB5] =	sst s0  }
0x18: {  	s0 =	sld [smem:$0x3F98];
	_ =	swait.ge [sflag:s4], $0x0  }
0x19: {  	s7 =	sld [smem:$0x3F99]  }
0x1a: {  	s8 =	sadd.s32 $0xFFFFE003, lr  }
0x1b: {  	s9 =	sadd.s32 $0xFFFFFEF7, lr;
	s5 =	simm.s32 $0xFFFFFFFF;
	p2 =	slt.u32 s8, $0xFFFFF086  }
0x1c: {  	p1 =	slt.u32 s9, $0xF7A;
	s5 =	simm.s32 @!p2 $0x0  }
0x1d: {  	s5 =	simm.s32 @p1 $0x1;
	p0 =	seq.s32 s7, s2  }
0x1e: {  	s7 =	smul.u32 @!p0 $0xF7A, s2;
	p2 =	seq.s32 @!p0 s5, $0x0  }
0x1f: {  	s9 =	smul.u32 $0xF7A, s1;
	s8 =	simm.s32 @!p0 $0x1BF5;
	p2 =	por !p2, p0  }
0x20: {  	[sflag:s8] =	ssyncset.s32 @!p0 $0xFFFFF086;
	s6 =	sadd.s32 @!p0 s3, s7;
	s7 =	simm.s32 @!p0 $0x108  }
0x21: {  	s3 =	sadd.s32 s3, s9;
	s6 =	sadd.s32 @!p0 $0x88, s6;
	s7 =	simm.s32 @p2 $0x1082  }
0x22: {  	[simem:s7], [sflag:s8] =	dma.local @!p0 [hbm:s6], $0xF7A  }
0x23: {  	s9 =	sor.u32 $0xD0000000, s2;
	s6 =	simm.s32 $0x108;
	_ =	swait.ge @!p0 [sflag:s8], $0x0  }
0x24: {  	s3 =	sadd.s32 $0x88, s3;
	s6 =	simm.s32 @!p1 $0x1082;
	[sflag:s4] =	ssyncset.s32 $0xFFFFF086  }
0x25: {  	[simem:s6], [sflag:s4] =	dma.local [hbm:s3], $0xF7A  }
0x26: {  	[smem:$0x3F99] =	sst s1;
	(tag) =	ssettag s2;
	_ =	strace s9  }
0x27: {  	s1 =	sld [smem:$0x3FA9]  }
0x28: {  	s2 =	sld [smem:$0x3FAA]  }
0x29: {  	s4 =	sld [smem:$0x3FAC]  }
0x2a: {  	p0 =	seq.s32 s5, $0x0;
	s5 =	sld [smem:$0x3FAD]  }
0x2b: {  	s6 =	sld [smem:$0x3FAE]  }
0x2c: {  	s7 =	sld [smem:$0x3FAF]  }
0x2d: {  	s3 =	simm.s32 $0x108;
	s8 =	sld [smem:$0x3FB0]  }
0x2e: {  	s3 =	simm.s32 @!p0 $0x1082;
	s9 =	sld [smem:$0x3FB1]  }
0x2f: {  	lr =	sadd.s32 s0, s3;
	s0 =	sld [smem:$0x3FA8]  }
0x30: {  	s3 =	sld [smem:$0x3FAB]  }
0x31: {  	[smem:$0x3FB4] =	sst s10  }
0x32: {  	s10 =	sld [smem:$0x3FB2];
	_ =	sdelay $0x3  }
0x33: {  	p0 =	seq.s32 s10, $0x1;
	s10 =	sld [smem:$0x3FB4];
	_ =	sdelay $0x3  }
0x34: {  	[smem:$0x3FB4] =	sst s10  }
0x35: {  	s10 =	sld [smem:$0x3FB3];
	_ =	sdelay $0x3  }
0x36: {  	p1 =	seq.s32 s10, $0x1;
	s10 =	sld [smem:$0x3FB4];
	_ =	sdelay $0x3  }
0x37: {  	[smem:$0x3FB4] =	sst s10  }
0x38: {  	s10 =	sld [smem:$0x3FB5]  }
0x39: {  	_ = 	snop;
	(pc) =	sbr.ind lr, $3  }
0x3a: {  	_ = 	snop  }
0x3b: {  	_ = 	snop  }
0x3c: {  	p2 =	seq.s32 s10, $0x1;
	s10 =	sld [smem:$0x3FB4]  }
0x3d: {  	_ =	shalt  }
0x3e: {  	_ =	shalt  }
0x3f: {  	_ =	shalt  }
0x40: {  	_ =	shalt  }
0x41: {  	_ =	shalt  }
0x42: {  	_ =	shalt  }
0x43: {  	_ =	shalt  }
0x44: {  	_ =	shalt  }
0x45: {  	_ =	shalt  }
0x46: {  	_ =	shalt  }
0x47: {  	_ =	shalt  }
0x48: {  	_ =	shalt  }
0x49: {  	_ =	shalt  }
0x4a: {  	_ =	shalt  }
0x4b: {  	_ =	shalt  }
0x4c: {  	_ =	shalt  }
0x4d: {  	_ =	shalt  }
0x4e: {  	_ =	shalt  }
0x4f: {  	_ =	shalt  }
0x50: {  	_ =	shalt  }
0x51: {  	_ =	shalt  }
0x52: {  	_ =	shalt  }
0x53: {  	_ =	shalt  }
0x54: {  	_ =	shalt  }
0x55: {  	_ =	shalt  }
0x56: {  	_ =	shalt  }
0x57: {  	_ =	shalt  }
0x58: {  	_ =	shalt  }
0x59: {  	_ =	shalt  }
0x5a: {  	_ =	shalt  }
0x5b: {  	_ =	shalt  }
0x5c: {  	_ =	shalt  }
0x5d: {  	_ =	shalt  }
0x5e: {  	_ =	shalt  }
0x5f: {  	_ =	shalt  }
0x60: {  	_ =	shalt  }
0x61: {  	_ =	shalt  }
0x62: {  	_ =	shalt  }
0x63: {  	_ =	shalt  }
0x64: {  	_ =	shalt  }
0x65: {  	_ =	shalt  }
0x66: {  	_ =	shalt  }
0x67: {  	_ =	shalt  }
0x68: {  	_ =	shalt  }
0x69: {  	_ =	shalt  }
0x6a: {  	_ =	shalt  }
0x6b: {  	_ =	shalt  }
0x6c: {  	_ =	shalt  }
0x6d: {  	_ =	shalt  }
0x6e: {  	_ =	shalt  }
0x6f: {  	_ =	shalt  }
0x70: {  	_ =	shalt  }
0x71: {  	_ =	shalt  }
0x72: {  	_ =	shalt  }
0x73: {  	_ =	shalt  }
0x74: {  	_ =	shalt  }
0x75: {  	_ =	shalt  }
0x76: {  	_ =	shalt  }
0x77: {  	_ =	shalt  }
0x78: {  	_ =	shalt  }
0x79: {  	_ =	shalt  }
0x7a: {  	_ =	shalt  }
0x7b: {  	_ =	shalt  }
0x7c: {  	_ =	shalt  }
0x7d: {  	_ =	shalt  }
0x7e: {  	_ =	shalt  }
0x7f: {  	_ =	shalt  }
0x80: {  	_ =	shalt  }
0x81: {  	_ =	shalt  }
0x82: {  	_ =	shalt  }
0x83: {  	_ =	shalt  }
0x84: {  	_ =	shalt  }
0x85: {  	_ =	shalt  }
0x86: {  	_ =	shalt  }
0x87: {  	_ =	shalt  }
.Lfunc_end0:
.L_simem_size_0:
called_computation_lowered:
.L_overlay_start_0:
0x88: {  	s2 =	sld [smem:$0x3FD9]  }
0x89: {  	s3 =	sld [smem:$0x3FFE];
	_ =	sdelay $0x1  }
0x8a: {  	s1 =	srdreg.scid  }
0x8b: {  	s0 =	sand.u32 $0x1, s1  }
0x8c: {  	s17 =	sshll.u32 s0, $0xA;
	s2 =	sadd.s32 s3, s2  }
0x8d: {  	s2 =	sadd.s32 s2, s17  }
0x8e: {  	[smem:$0x3FC0] =	sst s2  }
0x8f: {  	_ = 	snop  }
0x90: {  	s2 =	sld [smem:$0x3FD0];
	(tm) =	ssettm $0x1  }
0x91: {  	s18 =	sld [smem:$0x3FFB];
	_ =	sdelay $0x3  }
0x92: {  	_ =	strace s18  }
0x93: {  	s3 =	sld [smem:$0x3FFC];
	_ =	sdelay $0x3  }
0x94: {  	_ =	strace s3  }
0x95: {  	s3 =	sld [smem:$0x3FFD];
	_ =	sdelay $0x3  }
0x96: {  	_ =	strace s3  }
0x97: {  	_ =	strace $0x8FFFFFFF  }
0x98: {  	s19 =	sld [smem:$0x3FDB];
	_ =	sdelay $0x1  }
0x99: {  	s4 =	simm.s32 $_scs_section_size  }
0x9a: {  	s5 =	simm.s32 $_size__tile_overlayer_lowered;
	s6 =	simm.s32 $_tile_overlayer_lowered  }
0x9b: {  	s22 =	simm.s32 $0x1BFF;
	s21 =	sshll.u32 s6, $0x1;
	s3 =	sadd.s32 s4, s19  }
0x9c: {  	s7 =	simm.s32 $0x0;
	s20 =	sshll.u32 s5, $0x1;
	s5 =	sadd.s32 s21, s3  }
0x9d: {  	[timem:s7], [sflag:s22] =	dma.local [hbm:s5], s20  }
0x9e: {  	_ =	swait.ge [sflag:s22], s20  }
0x9f: {  	s4 =	ssub.s32 $0x0, s20;
	[sflag:s22] =	ssyncset.done $0x0  }
0xa0: {  	[sflag:s22] =	ssyncadd.s32 s4;
	_ =	sdelay $0x1  }
0xa1: {  	s23 =	simm.s32 $0x1B8B  }
0xa2: {  	_ =	swait.ge [sflag:s23], $0x1  }
0xa3: {  	[sflag:s23] =	ssyncset.done $0x0  }
0xa4: {  	s25 =	simm.s32 $0x1B8E;
	s24 =	sld [smem:$0x3FFE];
	[sflag:s23] =	ssyncadd.s32 $0xFFFFFFFF  }
0xa5: {  	s26 =	simm.s32 $execute0_lowered;
	[smem:$0x3FD2] =	sst s25  }
0xa6: {  	s5 =	sshll.u32 s26, $0x1;
	_ =	strace $0x80000046;
	[dreg:$0x1] =	wrdreg $0xFFFFFFFF  }
0xa7: {  	s28 =	simm.s32 $_size_execute0_lowered;
	s3 =	sadd.s32 s3, s5;
	[dreg:$0x0] =	wrdreg $0x0  }
0xa8: {  	s5 =	sshll.u32 s28, $0x1;
	[dreg:$0x2] =	wrdreg s3  }
0xa9: {  	[dreg:$0x3] =	wrdreg s5  }
0xaa: {  	[dreg:$0x4] =	wrdreg $0xC0  }
0xab: {  	_ =	task [dreg:s7], $0x5FFFF  }
0xac: {  	[dreg:$0x1] =	wrdreg $0xFFFFFFFF  }
0xad: {  	[dreg:$0x0] =	wrdreg $0x60  }
0xae: {  	[dreg:$0x2] =	wrdreg s24  }
0xaf: {  	[dreg:$0x3] =	wrdreg s2  }
0xb0: {  	[dreg:$0x4] =	wrdreg $0x29900  }
0xb1: {  	[dreg:$0x5] =	wrdreg $0x9  }
0xb2: {  	_ =	task.clear_ibuf [dreg:s7], $0x6FFFF;
	_ =	strace $0x90000046  }
0xb3: {  	s29 =	simm.s32 $0x9;
	_ =	strace $0x80000048  }
0xb4: {  	_ =	swait.ge [sflag:s29], $0x1  }
0xb5: {  	[sflag:s29] =	ssyncadd.s32 $0xFFFFFFFF  }
0xb6: {  	_ =	strace $0x90000048  }
0xb7: {  	_ =	sfence  }
0xb8: {  	s30 =	sld [smem:$0x0];
	_ =	sdelay $0x2  }
0xb9: {  	s31 =	sshll.u32 s1, $0xD;
	s1 =	sshrl.u32 s1, $0x2  }
0xba: {  	s3 =	sand.u32 $0x4000, s31;
	s1 =	sadd.s32 s1, s30  }
0xbb: {  	s0 =	sor.u32 s3, s0;
	s1 =	sshll.u32 s1, $0x11  }
0xbc: {  	s0 =	sor.u32 s1, s0  }
0xbd: {  	s0 =	sadd.s32 $0x8F2B, s0  }
0xbe: {  	[sflag:s0] =	ssyncadd.remote.s32 $0x1  }
0xbf: {  	_ =	sfence.sel $0xFFFF  }
0xc0: {  	[dreg:$0x0] =	wrdreg $0xFFFFFFFF;
	(pc) =	sbr.abs _section_cstart, $3  }
0xc1: {  	[dreg:$0x1] =	wrdreg $0xFFFFFFFF  }
0xc2: {  	_ =	task.clear_ibuf [dreg:s7], $0x2FFFF;
	_ =	strace $0x9FFFFFFF  }
0xc3: {  	(tm) =	ssettm $0x7FFFFFFF  }
tec
execute0_lowered:
.L_overlay_start_1:
0x0: {  	(tag) =	ssettag $0x1  }
0x1: {  	s6 =	rddreg [dreg:$0x0]  }
0x2: {  	s8 =	rddreg [dreg:$0x1]  }
0x3: {  	s2 =	rddreg [dreg:$0x2]  }
0x4: {  	s0 =	rddreg [dreg:$0x3]  }
0x5: {  	s3 =	simm.s32 $0x0;
	s1 =	stileid.u32;
	s4 =	srdreg.scid  }
0x6: {  	s14 =	simm.s32 $0x50;
	s15 =	simm.s32 $0x78;
	s16 =	simm.s32 $0xA0  }
0x7: {  	s17 =	simm.s32 $0xC8;
	s18 =	simm.s32 $0xF0;
	s19 =	simm.s32 $0x118  }
0x8: {  	s20 =	simm.s32 $0x140;
	s21 =	simm.s32 $0x168;
	s22 =	simm.s32 $0x1  }
0x9: {  	s23 =	simm.s32 $0x0;
	[smem:$0x7FF] =	sst s3;
	s7 =	smul.u32 $0x2710, s1  }
0xa: {  	s4 =	sand.u32 $0x1, s4;
	s5 =	sshll.u32 s1, $0x1;
	s31 =	sshll.u32 s1, $0x6  }
0xb: {  	_ =	strace $0x80000047;
	s5 =	sor.u32 s4, s5;
	s10 =	ssub.s32 $0x2, s4  }
0xc: {  	s12 =	smul.u32 $0x27100, s4;
	s4 =	sadd.s32 $0x1B800, s6;
	s9 =	sshrl.u32 s7, $0x3  }
0xd: {  	s11 =	smul.u32 $0x2710, s5;
	s29 =	sshrl.u32 s10, $0x1;
	s30 =	sadd.s32 s7, s2  }
0xe: {  	s28 =	sadd.s32 s9, s6;
	s9 =	ssub.s32 s10, s29;
	s7 =	sadd.s32 s7, s12  }
0xf: {  	s10 =	sshrl.u32 s30, $0x3;
	s12 =	simm.s32 $0x2710;
	s5 =	sadd.s32 $0x16800, s28  }
0x10: {  	s11 =	sshrl.u32 s11, $0x3;
	s13 =	sshrl.u32 s7, $0x3;
	s9 =	smax.u32 s9, $0x1  }
0x11: {  	s11 =	sadd.s32 s6, s11;
	s6 =	sor.u32 $0x1C02, s31;
	s8 =	sadd.s32 s8, s13  }
0x12: {  	s13 =	simm.s32 $0x28;
	s7 =	sadd.s32 $0xCA40, s11;
	s11 =	simm.s32 $0x2  }
.LBB2_1:
0x13: {  	[spmem:s10], [sflag:s6] =	dma.local [hbm:s5], $0x4E2  }
0x14: {  	_ =	swait.ge [sflag:s11], $0x4E2  }
0x15: {  	[sflag:s11] =	ssyncset.done $0x0  }
0x16: {  	[sflag:s11] =	ssyncadd.s32 $0xFFFFFB1E  }
0x17: {  	[tilespmem:s3], [sflag:$0x2] =	stream.linear.gather [hbm4b:s7+s3], $0x2710, $0x38;
	[tilespmem:$0x50A0] =	vst v63  }
0x18: {  	_ =	swait.ge [sflag:s11], $0x2710  }
0x19: {  	[sflag:s11] =	ssyncset.done $0x0  }
0x1a: {  	[sflag:s11] =	ssyncadd.s32 $0xFFFFD8F0  }
0x1b: {  	[tilespmem:s12], [sflag:$0x2] =	stream.linear.gather [hbm4b:s4+s3], $0x280, $0x38;
	[tilespmem:$0x50A0] =	vst v63  }
0x1c: {  	_ =	swait.ge [sflag:s11], $0x280  }
0x1d: {  	[sflag:s11] =	ssyncset.done $0x0  }
0x1e: {  	[sflag:s11] =	ssyncadd.s32 $0xFFFFFD80  }
0x1f: {  	[bflag:$0x0] =	sbarrier.arrive $0xFFFF  }
0x20: {  	[spmem:s2] =	stream.indirect.scatter.add.f32 [tilespmem:s12], [sflag:$0x1], $0x10, s3, s13, $0xb8;
	[tilespmem:$0x50A0] =	vst v63  }
0x21: {  	_ = 	snop  }
0x22: {  	[spmem:s2] =	stream.indirect.scatter.add.f32 [tilespmem:s12], [sflag:$0x1], $0x10, s13, s13, $0xb8;
	[tilespmem:$0x50A0] =	vst v63  }
0x23: {  	_ = 	snop  }
0x24: {  	[spmem:s2] =	stream.indirect.scatter.add.f32 [tilespmem:s12], [sflag:$0x1], $0x10, s14, s13, $0xb8;
	[tilespmem:$0x50A0] =	vst v63  }
0x25: {  	_ = 	snop  }
0x26: {  	[spmem:s2] =	stream.indirect.scatter.add.f32 [tilespmem:s12], [sflag:$0x1], $0x10, s15, s13, $0xb8;
	[tilespmem:$0x50A0] =	vst v63  }
0x27: {  	_ = 	snop  }
0x28: {  	[spmem:s2] =	stream.indirect.scatter.add.f32 [tilespmem:s12], [sflag:$0x1], $0x10, s16, s13, $0xb8;
	[tilespmem:$0x50A0] =	vst v63  }
0x29: {  	_ = 	snop  }
0x2a: {  	[spmem:s2] =	stream.indirect.scatter.add.f32 [tilespmem:s12], [sflag:$0x1], $0x10, s17, s13, $0xb8;
	[tilespmem:$0x50A0] =	vst v63  }
0x2b: {  	_ = 	snop  }
0x2c: {  	[spmem:s2] =	stream.indirect.scatter.add.f32 [tilespmem:s12], [sflag:$0x1], $0x10, s18, s13, $0xb8;
	[tilespmem:$0x50A0] =	vst v63  }
0x2d: {  	_ = 	snop  }
0x2e: {  	[spmem:s2] =	stream.indirect.scatter.add.f32 [tilespmem:s12], [sflag:$0x1], $0x10, s19, s13, $0xb8;
	[tilespmem:$0x50A0] =	vst v63  }
0x2f: {  	_ = 	snop  }
0x30: {  	[spmem:s2] =	stream.indirect.scatter.add.f32 [tilespmem:s12], [sflag:$0x1], $0x10, s20, s13, $0xb8;
	[tilespmem:$0x50A0] =	vst v63  }
0x31: {  	_ = 	snop  }
0x32: {  	[spmem:s2] =	stream.indirect.scatter.add.f32 [tilespmem:s12], [sflag:$0x1], $0x10, s21, s13, $0xb8;
	[tilespmem:$0x50A0] =	vst v63  }
0x33: {  	s24 =	simm.s32 $0x190  }
0x34: {  	[spmem:s2] =	stream.indirect.scatter.add.f32 [tilespmem:s12], [sflag:$0x1], $0x10, s24, s13, $0xb8;
	[tilespmem:$0x50A0] =	vst v63  }
0x35: {  	s26 =	simm.s32 $0x1B8  }
0x36: {  	[spmem:s2] =	stream.indirect.scatter.add.f32 [tilespmem:s12], [sflag:$0x1], $0x10, s26, s13, $0xb8;
	[tilespmem:$0x50A0] =	vst v63  }
0x37: {  	s29 =	simm.s32 $0x1E0  }
0x38: {  	[spmem:s2] =	stream.indirect.scatter.add.f32 [tilespmem:s12], [sflag:$0x1], $0x10, s29, s13, $0xb8;
	[tilespmem:$0x50A0] =	vst v63  }
0x39: {  	s30 =	simm.s32 $0x208  }
0x3a: {  	[spmem:s2] =	stream.indirect.scatter.add.f32 [tilespmem:s12], [sflag:$0x1], $0x10, s30, s13, $0xb8;
	[tilespmem:$0x50A0] =	vst v63  }
0x3b: {  	s31 =	simm.s32 $0x230  }
0x3c: {  	[spmem:s2] =	stream.indirect.scatter.add.f32 [tilespmem:s12], [sflag:$0x1], $0x10, s31, s13, $0xb8;
	[tilespmem:$0x50A0] =	vst v63  }
0x3d: {  	s25 =	simm.s32 $0x258  }
0x3e: {  	[spmem:s2] =	stream.indirect.scatter.add.f32 [tilespmem:s12], [sflag:$0x1], $0x10, s25, s13, $0xb8;
	[tilespmem:$0x50A0] =	vst v63  }
0x3f: {  	s26 =	simm.s32 $0x280  }
0x40: {  	[spmem:s2] =	stream.indirect.scatter.add.f32 [tilespmem:s12], [sflag:$0x1], $0x10, s26, s13, $0xb8;
	[tilespmem:$0x50A0] =	vst v63  }
0x41: {  	s29 =	simm.s32 $0x2A8  }
0x42: {  	[spmem:s2] =	stream.indirect.scatter.add.f32 [tilespmem:s12], [sflag:$0x1], $0x10, s29, s13, $0xb8;
	[tilespmem:$0x50A0] =	vst v63  }
0x43: {  	s30 =	simm.s32 $0x2D0  }
0x44: {  	[spmem:s2] =	stream.indirect.scatter.add.f32 [tilespmem:s12], [sflag:$0x1], $0x10, s30, s13, $0xb8;
	[tilespmem:$0x50A0] =	vst v63  }
0x45: {  	s31 =	simm.s32 $0x2F8  }
0x46: {  	[spmem:s2] =	stream.indirect.scatter.add.f32 [tilespmem:s12], [sflag:$0x1], $0x10, s31, s13, $0xb8;
	[tilespmem:$0x50A0] =	vst v63  }
0x47: {  	_ =	swait.ge [sflag:s22], $0x280  }
0x48: {  	[sflag:s22] =	ssyncset.done $0x0  }
0x49: {  	[sflag:s22] =	ssyncadd.s32 $0xFFFFFD80  }
0x4a: {  	_ =	swait.ge [sflag:s22], $0x280  }
0x4b: {  	[sflag:s22] =	ssyncset.done $0x0  }
0x4c: {  	[sflag:s22] =	ssyncadd.s32 $0xFFFFFD80  }
0x4d: {  	_ =	swait.ge [sflag:s22], $0x280  }
0x4e: {  	[sflag:s22] =	ssyncset.done $0x0  }
0x4f: {  	[sflag:s22] =	ssyncadd.s32 $0xFFFFFD80  }
0x50: {  	_ =	swait.ge [sflag:s22], $0x280  }
0x51: {  	[sflag:s22] =	ssyncset.done $0x0  }
0x52: {  	[sflag:s22] =	ssyncadd.s32 $0xFFFFFD80  }
0x53: {  	_ =	swait.ge [sflag:s22], $0x280  }
0x54: {  	[sflag:s22] =	ssyncset.done $0x0  }
0x55: {  	[sflag:s22] =	ssyncadd.s32 $0xFFFFFD80  }
0x56: {  	_ =	swait.ge [sflag:s22], $0x280  }
0x57: {  	[sflag:s22] =	ssyncset.done $0x0  }
0x58: {  	[sflag:s22] =	ssyncadd.s32 $0xFFFFFD80  }
0x59: {  	_ =	swait.ge [sflag:s22], $0x280  }
0x5a: {  	[sflag:s22] =	ssyncset.done $0x0  }
0x5b: {  	[sflag:s22] =	ssyncadd.s32 $0xFFFFFD80  }
0x5c: {  	_ =	swait.ge [sflag:s22], $0x280  }
0x5d: {  	[sflag:s22] =	ssyncset.done $0x0  }
0x5e: {  	[sflag:s22] =	ssyncadd.s32 $0xFFFFFD80  }
0x5f: {  	_ =	swait.ge [sflag:s22], $0x280  }
0x60: {  	[sflag:s22] =	ssyncset.done $0x0  }
0x61: {  	[sflag:s22] =	ssyncadd.s32 $0xFFFFFD80  }
0x62: {  	_ =	swait.ge [sflag:s22], $0x280  }
0x63: {  	s28 =	simm.s32 $0xC80;
	s26 =	simm.s32 $0x190;
	[sflag:s22] =	ssyncset.done $0x0  }
.LBB2_2:
0x64: {  	s29 =	sadd.s32 $0x190, s26  }
0x65: {  	[sflag:s22] =	ssyncadd.s32 $0xFFFFFD80;
	s25 =	smov.u32 s28;
	s24 =	sadd.s32 $0x640, s28  }
0x66: {  	[spmem:s2] =	stream.indirect.scatter.add.f32 [tilespmem:s12], [sflag:$0x1], $0x10, s29, s13, $0xb8;
	[tilespmem:$0x50A0] =	vst v63  }
0x67: {  	p0 =	sne.s32 s28, $0x8FC0;
	s28 =	sadd.s32 $0x1B8, s26  }
0x68: {  	[spmem:s2] =	stream.indirect.scatter.add.f32 [tilespmem:s12], [sflag:$0x1], $0x10, s28, s13, $0xb8;
	[tilespmem:$0x50A0] =	vst v63  }
0x69: {  	s28 =	sadd.s32 $0x1E0, s26  }
0x6a: {  	[spmem:s2] =	stream.indirect.scatter.add.f32 [tilespmem:s12], [sflag:$0x1], $0x10, s28, s13, $0xb8;
	[tilespmem:$0x50A0] =	vst v63  }
0x6b: {  	s28 =	sadd.s32 $0x208, s26  }
0x6c: {  	[spmem:s2] =	stream.indirect.scatter.add.f32 [tilespmem:s12], [sflag:$0x1], $0x10, s28, s13, $0xb8;
	[tilespmem:$0x50A0] =	vst v63  }
0x6d: {  	s28 =	sadd.s32 $0x230, s26  }
0x6e: {  	[spmem:s2] =	stream.indirect.scatter.add.f32 [tilespmem:s12], [sflag:$0x1], $0x10, s28, s13, $0xb8;
	[tilespmem:$0x50A0] =	vst v63  }
0x6f: {  	s28 =	sadd.s32 $0x258, s26  }
0x70: {  	[spmem:s2] =	stream.indirect.scatter.add.f32 [tilespmem:s12], [sflag:$0x1], $0x10, s28, s13, $0xb8;
	[tilespmem:$0x50A0] =	vst v63  }
0x71: {  	s28 =	sadd.s32 $0x280, s26  }
0x72: {  	[spmem:s2] =	stream.indirect.scatter.add.f32 [tilespmem:s12], [sflag:$0x1], $0x10, s28, s13, $0xb8;
	[tilespmem:$0x50A0] =	vst v63  }
0x73: {  	s28 =	sadd.s32 $0x2A8, s26  }
0x74: {  	[spmem:s2] =	stream.indirect.scatter.add.f32 [tilespmem:s12], [sflag:$0x1], $0x10, s28, s13, $0xb8;
	[tilespmem:$0x50A0] =	vst v63  }
0x75: {  	s28 =	sadd.s32 $0x2D0, s26  }
0x76: {  	[spmem:s2] =	stream.indirect.scatter.add.f32 [tilespmem:s12], [sflag:$0x1], $0x10, s28, s13, $0xb8;
	[tilespmem:$0x50A0] =	vst v63  }
0x77: {  	s26 =	sadd.s32 $0x2F8, s26  }
0x78: {  	[spmem:s2] =	stream.indirect.scatter.add.f32 [tilespmem:s12], [sflag:$0x1], $0x10, s26, s13, $0xb8;
	[tilespmem:$0x50A0] =	vst v63  }
0x79: {  	_ =	swait.ge [sflag:s22], $0x280  }
0x7a: {  	[sflag:s22] =	ssyncset.done $0x0  }
0x7b: {  	[sflag:s22] =	ssyncadd.s32 $0xFFFFFD80  }
0x7c: {  	_ =	swait.ge [sflag:s22], $0x280  }
0x7d: {  	[sflag:s22] =	ssyncset.done $0x0  }
0x7e: {  	[sflag:s22] =	ssyncadd.s32 $0xFFFFFD80  }
0x7f: {  	_ =	swait.ge [sflag:s22], $0x280  }
0x80: {  	[sflag:s22] =	ssyncset.done $0x0  }
0x81: {  	[sflag:s22] =	ssyncadd.s32 $0xFFFFFD80  }
0x82: {  	_ =	swait.ge [sflag:s22], $0x280  }
0x83: {  	[sflag:s22] =	ssyncset.done $0x0  }
0x84: {  	[sflag:s22] =	ssyncadd.s32 $0xFFFFFD80  }
0x85: {  	_ =	swait.ge [sflag:s22], $0x280  }
0x86: {  	[sflag:s22] =	ssyncset.done $0x0  }
0x87: {  	[sflag:s22] =	ssyncadd.s32 $0xFFFFFD80  }
0x88: {  	_ =	swait.ge [sflag:s22], $0x280  }
0x89: {  	[sflag:s22] =	ssyncset.done $0x0  }
0x8a: {  	[sflag:s22] =	ssyncadd.s32 $0xFFFFFD80  }
0x8b: {  	_ =	swait.ge [sflag:s22], $0x280  }
0x8c: {  	[sflag:s22] =	ssyncset.done $0x0  }
0x8d: {  	[sflag:s22] =	ssyncadd.s32 $0xFFFFFD80  }
0x8e: {  	_ =	swait.ge [sflag:s22], $0x280  }
0x8f: {  	[sflag:s22] =	ssyncset.done $0x0  }
0x90: {  	[sflag:s22] =	ssyncadd.s32 $0xFFFFFD80  }
.Ltmp0:
0x91: {  	_ =	swait.ge [sflag:s22], $0x280;
	(pc) =	sbr.rel @p0 .LBB2_2-.Ltmp0, $4  }
0x92: {  	[sflag:s22] =	ssyncset.done $0x0  }
0x93: {  	[sflag:s22] =	ssyncadd.s32 $0xFFFFFD80  }
0x94: {  	_ =	swait.ge [sflag:s22], $0x280  }
0x95: {  	s28 =	smov.u32 s24;
	s26 =	sshra.s32 s25, $0x2;
	[sflag:s22] =	ssyncset.done $0x0  }
0x96: {  	s24 =	sadd.s32 $0x190, s26;
	[sflag:s22] =	ssyncadd.s32 $0xFFFFFD80  }
0x97: {  	[spmem:s2] =	stream.indirect.scatter.add.f32 [tilespmem:s12], [sflag:$0x1], $0x10, s24, s13, $0xb8;
	[tilespmem:$0x50A0] =	vst v63  }
0x98: {  	s28 =	sadd.s32 $0x1B8, s26  }
0x99: {  	[spmem:s2] =	stream.indirect.scatter.add.f32 [tilespmem:s12], [sflag:$0x1], $0x10, s28, s13, $0xb8;
	[tilespmem:$0x50A0] =	vst v63  }
0x9a: {  	s29 =	sadd.s32 $0x1E0, s26  }
0x9b: {  	[spmem:s2] =	stream.indirect.scatter.add.f32 [tilespmem:s12], [sflag:$0x1], $0x10, s29, s13, $0xb8;
	[tilespmem:$0x50A0] =	vst v63  }
0x9c: {  	s30 =	sadd.s32 $0x208, s26  }
0x9d: {  	[spmem:s2] =	stream.indirect.scatter.add.f32 [tilespmem:s12], [sflag:$0x1], $0x10, s30, s13, $0xb8;
	[tilespmem:$0x50A0] =	vst v63  }
0x9e: {  	s31 =	sadd.s32 $0x230, s26  }
0x9f: {  	[spmem:s2] =	stream.indirect.scatter.add.f32 [tilespmem:s12], [sflag:$0x1], $0x10, s31, s13, $0xb8;
	[tilespmem:$0x50A0] =	vst v63  }
0xa0: {  	s25 =	sadd.s32 $0x258, s26  }
0xa1: {  	[spmem:s2] =	stream.indirect.scatter.add.f32 [tilespmem:s12], [sflag:$0x1], $0x10, s25, s13, $0xb8;
	[tilespmem:$0x50A0] =	vst v63  }
0xa2: {  	s28 =	sadd.s32 $0x280, s26  }
0xa3: {  	[spmem:s2] =	stream.indirect.scatter.add.f32 [tilespmem:s12], [sflag:$0x1], $0x10, s28, s13, $0xb8;
	[tilespmem:$0x50A0] =	vst v63  }
0xa4: {  	s29 =	sadd.s32 $0x2A8, s26  }
0xa5: {  	[spmem:s2] =	stream.indirect.scatter.add.f32 [tilespmem:s12], [sflag:$0x1], $0x10, s29, s13, $0xb8;
	[tilespmem:$0x50A0] =	vst v63  }
0xa6: {  	s30 =	sadd.s32 $0x2D0, s26  }
0xa7: {  	[spmem:s2] =	stream.indirect.scatter.add.f32 [tilespmem:s12], [sflag:$0x1], $0x10, s30, s13, $0xb8;
	[tilespmem:$0x50A0] =	vst v63  }
0xa8: {  	s31 =	sadd.s32 $0x2F8, s26  }
0xa9: {  	[spmem:s2] =	stream.indirect.scatter.add.f32 [tilespmem:s12], [sflag:$0x1], $0x10, s31, s13, $0xb8;
	[tilespmem:$0x50A0] =	vst v63  }
0xaa: {  	_ =	swait.ge [sflag:s22], $0x280  }
0xab: {  	[sflag:s22] =	ssyncset.done $0x0  }
0xac: {  	[sflag:s22] =	ssyncadd.s32 $0xFFFFFD80  }
0xad: {  	_ =	swait.ge [sflag:s22], $0x280  }
0xae: {  	[sflag:s22] =	ssyncset.done $0x0  }
0xaf: {  	[sflag:s22] =	ssyncadd.s32 $0xFFFFFD80  }
0xb0: {  	_ =	swait.ge [sflag:s22], $0x280  }
0xb1: {  	[sflag:s22] =	ssyncset.done $0x0  }
0xb2: {  	[sflag:s22] =	ssyncadd.s32 $0xFFFFFD80  }
0xb3: {  	_ =	swait.ge [sflag:s22], $0x280  }
0xb4: {  	[sflag:s22] =	ssyncset.done $0x0  }
0xb5: {  	[sflag:s22] =	ssyncadd.s32 $0xFFFFFD80  }
0xb6: {  	_ =	swait.ge [sflag:s22], $0x280  }
0xb7: {  	[sflag:s22] =	ssyncset.done $0x0  }
0xb8: {  	[sflag:s22] =	ssyncadd.s32 $0xFFFFFD80  }
0xb9: {  	_ =	swait.ge [sflag:s22], $0x280  }
0xba: {  	[sflag:s22] =	ssyncset.done $0x0  }
0xbb: {  	[sflag:s22] =	ssyncadd.s32 $0xFFFFFD80  }
0xbc: {  	_ =	swait.ge [sflag:s22], $0x280  }
0xbd: {  	[sflag:s22] =	ssyncset.done $0x0  }
0xbe: {  	[sflag:s22] =	ssyncadd.s32 $0xFFFFFD80  }
0xbf: {  	_ =	swait.ge [sflag:s22], $0x280  }
0xc0: {  	[sflag:s22] =	ssyncset.done $0x0  }
0xc1: {  	[sflag:s22] =	ssyncadd.s32 $0xFFFFFD80  }
0xc2: {  	_ =	swait.ge [sflag:s22], $0x280  }
0xc3: {  	[sflag:s22] =	ssyncset.done $0x0  }
0xc4: {  	[sflag:s22] =	ssyncadd.s32 $0xFFFFFD80  }
0xc5: {  	_ =	swait.ge [sflag:s22], $0x280  }
0xc6: {  	[sflag:s22] =	ssyncset.done $0x0  }
0xc7: {  	[sflag:s22] =	ssyncadd.s32 $0xFFFFFD80  }
0xc8: {  	_ =	swait.ge [sflag:s22], $0x280  }
0xc9: {  	[sflag:s22] =	ssyncset.done $0x0  }
0xca: {  	[sflag:s22] =	ssyncadd.s32 $0xFFFFFD80  }
0xcb: {  	_ =	swait.ge [sflag:s22], $0x280  }
0xcc: {  	[sflag:s22] =	ssyncset.done $0x0  }
0xcd: {  	[sflag:s22] =	ssyncadd.s32 $0xFFFFFD80  }
0xce: {  	_ =	swait.ge [sflag:s22], $0x280  }
0xcf: {  	[sflag:s22] =	ssyncset.done $0x0  }
0xd0: {  	[sflag:s22] =	ssyncadd.s32 $0xFFFFFD80  }
0xd1: {  	_ =	swait.ge [sflag:s22], $0x280  }
0xd2: {  	[sflag:s22] =	ssyncset.done $0x0  }
0xd3: {  	[sflag:s22] =	ssyncadd.s32 $0xFFFFFD80  }
0xd4: {  	_ =	swait.ge [sflag:s22], $0x280  }
0xd5: {  	[sflag:s22] =	ssyncset.done $0x0  }
0xd6: {  	[sflag:s22] =	ssyncadd.s32 $0xFFFFFD80  }
0xd7: {  	_ =	swait.ge [sflag:s22], $0x280  }
0xd8: {  	[sflag:s22] =	ssyncset.done $0x0  }
0xd9: {  	[sflag:s22] =	ssyncadd.s32 $0xFFFFFD80  }
0xda: {  	_ =	swait.ge [sflag:s22], $0x280  }
0xdb: {  	[sflag:s22] =	ssyncset.done $0x0  }
0xdc: {  	[sflag:s22] =	ssyncadd.s32 $0xFFFFFD80  }
0xdd: {  	_ =	swait.ge [sflag:s22], $0x280  }
0xde: {  	[sflag:s22] =	ssyncset.done $0x0  }
0xdf: {  	[sflag:s22] =	ssyncadd.s32 $0xFFFFFD80  }
0xe0: {  	_ =	swait.ge [sflag:s22], $0x280  }
0xe1: {  	[sflag:s22] =	ssyncset.done $0x0  }
0xe2: {  	[sflag:s22] =	ssyncadd.s32 $0xFFFFFD80  }
0xe3: {  	_ =	swait.ge [sflag:s22], $0x280  }
0xe4: {  	s23 =	sadd.s32 $0x1, s23;
	[sflag:s22] =	ssyncset.done $0x0  }
0xe5: {  	p0 =	sne.s32 s23, s9;
	[sflag:s22] =	ssyncadd.s32 $0xFFFFFD80  }
.Ltmp1:
0xe6: {  	[bflag:$0x0] =	sbarrier.arrive $0xFFFF;
	(pc) =	sbr.rel @p0 .LBB2_1-.Ltmp1, $4  }
0xe7: {  	[hbm:s8], [sflag:s6] =	dma.local [spmem:s10], $0x4E2  }
0xe8: {  	_ =	swait.ge [sflag:s11], $0x4E2  }
0xe9: {  	[sflag:s11] =	ssyncset.done $0x0  }
0xea: {  	[sflag:s11] =	ssyncadd.s32 $0xFFFFFB1E  }
0xeb: {  	_ =	sfence.sel $0x180000  }
0xec: {  	[bflag:$0x0] =	sbarrier.arrive $0xFFFF  }
0xed: {  	p0 =	sne.s32 s1, $0x0;
	_ =	strace $0x90000047  }
0xee: {  	s0 =	sadd.s32 @!p0 $0x100000, s0;
	[bflag:$0x2] =	sbarrier.arrive $0xFFFF  }
0xef: {  	[sflag:s0] =	ssyncadd.tile.s32 @!p0 $0x1;
	_ =	shalt  }
.Lfunc_end2:
_tile_overlayer_lowered:
.L_overlay_start_2:
0xf0: {  	(tag) =	ssettag $0x2  }
0xf1: {  	s0 =	rddreg [dreg:$0x0];
	s2 =	stileid.u32  }
0xf2: {  	s1 =	rddreg [dreg:$0x1];
	p0 =	sne.s32 s2, $0x0  }
0xf3: {  	s3 =	rddreg [dreg:$0x2];
	[bflag:$0x3] =	sbarrier.arrive $0xFFFF;
	s2 =	simm.s32 @!p0 $0x1C02  }
0xf4: {  	[timem:s3], [sflag:s2] =	dma.local @!p0 [hbm:s0], s1  }
0xf5: {  	s0 =	simm.s32 @!p0 $0x2  }
0xf6: {  	_ =	swait.ge @!p0 [sflag:s0], s1  }
0xf7: {  	s1 =	ssub.s32 @!p0 $0x0, s1;
	[sflag:s0] =	ssyncset.done @!p0 $0x0  }
0xf8: {  	[sflag:s0] =	ssyncadd.s32 @!p0 s1  }
0xf9: {  	[bflag:$0x3] =	sbarrier.arrive $0xFFFF  }
0xfa: {  	_ =	shalt  }

// kernel: kernel.13.cloned.1.call-start
scs
__scs_entry_jumppad:
0x0: {  	(pc) =	sbr.rel $0x88, $3  }
0x1: {  	(tag) =	ssettag $0x0;
	lr =	simm.s32 $0x1  }
0x2: {  	[smem:$0x3F99] =	sst lr;
	_ =	strace $0xD0000000  }
0x3: {  	_ = 	snop  }
0x4: {  	_ = 	snop  }
0x5: {  	_ = 	snop  }
0x6: {  	_ = 	snop  }
0x7: {  	_ = 	snop  }
__scs_overlays_trampoline_lowered:
0x8: {  	[smem:$0x3FA8] =	sst s0  }
0x9: {  	[smem:$0x3FA9] =	sst s1  }
0xa: {  	[smem:$0x3FAA] =	sst s2  }
0xb: {  	[smem:$0x3FAB] =	sst s3  }
0xc: {  	[smem:$0x3FAC] =	sst s4  }
0xd: {  	[smem:$0x3FAD] =	sst s5  }
0xe: {  	[smem:$0x3FAE] =	sst s6  }
0xf: {  	[smem:$0x3FAF] =	sst s7  }
0x10: {  	[smem:$0x3FB0] =	sst s8  }
0x11: {  	[smem:$0x3FB1] =	sst s9;
	s0 =	simm.s32 @!p0 $0x0  }
0x12: {  	s1 =	sld [smem:$0x3F97];
	s0 =	simm.s32 @p0 $0x1  }
0x13: {  	[smem:$0x3FB2] =	sst s0;
	s0 =	simm.s32 @!p1 $0x0  }
0x14: {  	s2 =	sld [smem:$0x3F96];
	s0 =	simm.s32 @p1 $0x1  }
0x15: {  	[smem:$0x3FB3] =	sst s0;
	s0 =	simm.s32 @!p2 $0x0  }
0x16: {  	s3 =	sld [smem:$0x3FDB];
	s0 =	simm.s32 @p2 $0x1  }
0x17: {  	s4 =	simm.s32 $0x1BF5;
	[smem:$0x3FB5] =	sst s0  }
0x18: {  	s0 =	sld [smem:$0x3F98];
	_ =	swait.ge [sflag:s4], $0x0  }
0x19: {  	s7 =	sld [smem:$0x3F99]  }
0x1a: {  	s8 =	sadd.s32 $0xFFFFE003, lr  }
0x1b: {  	s9 =	sadd.s32 $0xFFFFFEF7, lr;
	s5 =	simm.s32 $0xFFFFFFFF;
	p2 =	slt.u32 s8, $0xFFFFF086  }
0x1c: {  	p1 =	slt.u32 s9, $0xF7A;
	s5 =	simm.s32 @!p2 $0x0  }
0x1d: {  	s5 =	simm.s32 @p1 $0x1;
	p0 =	seq.s32 s7, s2  }
0x1e: {  	s7 =	smul.u32 @!p0 $0xF7A, s2;
	p2 =	seq.s32 @!p0 s5, $0x0  }
0x1f: {  	s9 =	smul.u32 $0xF7A, s1;
	s8 =	simm.s32 @!p0 $0x1BF5;
	p2 =	por !p2, p0  }
0x20: {  	[sflag:s8] =	ssyncset.s32 @!p0 $0xFFFFF086;
	s6 =	sadd.s32 @!p0 s3, s7;
	s7 =	simm.s32 @!p0 $0x108  }
0x21: {  	s3 =	sadd.s32 s3, s9;
	s6 =	sadd.s32 @!p0 $0x88, s6;
	s7 =	simm.s32 @p2 $0x1082  }
0x22: {  	[simem:s7], [sflag:s8] =	dma.local @!p0 [hbm:s6], $0xF7A  }
0x23: {  	s9 =	sor.u32 $0xD0000000, s2;
	s6 =	simm.s32 $0x108;
	_ =	swait.ge @!p0 [sflag:s8], $0x0  }
0x24: {  	s3 =	sadd.s32 $0x88, s3;
	s6 =	simm.s32 @!p1 $0x1082;
	[sflag:s4] =	ssyncset.s32 $0xFFFFF086  }
0x25: {  	[simem:s6], [sflag:s4] =	dma.local [hbm:s3], $0xF7A  }
0x26: {  	[smem:$0x3F99] =	sst s1;
	(tag) =	ssettag s2;
	_ =	strace s9  }
0x27: {  	s1 =	sld [smem:$0x3FA9]  }
0x28: {  	s2 =	sld [smem:$0x3FAA]  }
0x29: {  	s4 =	sld [smem:$0x3FAC]  }
0x2a: {  	p0 =	seq.s32 s5, $0x0;
	s5 =	sld [smem:$0x3FAD]  }
0x2b: {  	s6 =	sld [smem:$0x3FAE]  }
0x2c: {  	s7 =	sld [smem:$0x3FAF]  }
0x2d: {  	s3 =	simm.s32 $0x108;
	s8 =	sld [smem:$0x3FB0]  }
0x2e: {  	s3 =	simm.s32 @!p0 $0x1082;
	s9 =	sld [smem:$0x3FB1]  }
0x2f: {  	lr =	sadd.s32 s0, s3;
	s0 =	sld [smem:$0x3FA8]  }
0x30: {  	s3 =	sld [smem:$0x3FAB]  }
0x31: {  	[smem:$0x3FB4] =	sst s10  }
0x32: {  	s10 =	sld [smem:$0x3FB2];
	_ =	sdelay $0x3  }
0x33: {  	p0 =	seq.s32 s10, $0x1;
	s10 =	sld [smem:$0x3FB4];
	_ =	sdelay $0x3  }
0x34: {  	[smem:$0x3FB4] =	sst s10  }
0x35: {  	s10 =	sld [smem:$0x3FB3];
	_ =	sdelay $0x3  }
0x36: {  	p1 =	seq.s32 s10, $0x1;
	s10 =	sld [smem:$0x3FB4];
	_ =	sdelay $0x3  }
0x37: {  	[smem:$0x3FB4] =	sst s10  }
0x38: {  	s10 =	sld [smem:$0x3FB5]  }
0x39: {  	_ = 	snop;
	(pc) =	sbr.ind lr, $3  }
0x3a: {  	_ = 	snop  }
0x3b: {  	_ = 	snop  }
0x3c: {  	p2 =	seq.s32 s10, $0x1;
	s10 =	sld [smem:$0x3FB4]  }
0x3d: {  	_ =	shalt  }
0x3e: {  	_ =	shalt  }
0x3f: {  	_ =	shalt  }
0x40: {  	_ =	shalt  }
0x41: {  	_ =	shalt  }
0x42: {  	_ =	shalt  }
0x43: {  	_ =	shalt  }
0x44: {  	_ =	shalt  }
0x45: {  	_ =	shalt  }
0x46: {  	_ =	shalt  }
0x47: {  	_ =	shalt  }
0x48: {  	_ =	shalt  }
0x49: {  	_ =	shalt  }
0x4a: {  	_ =	shalt  }
0x4b: {  	_ =	shalt  }
0x4c: {  	_ =	shalt  }
0x4d: {  	_ =	shalt  }
0x4e: {  	_ =	shalt  }
0x4f: {  	_ =	shalt  }
0x50: {  	_ =	shalt  }
0x51: {  	_ =	shalt  }
0x52: {  	_ =	shalt  }
0x53: {  	_ =	shalt  }
0x54: {  	_ =	shalt  }
0x55: {  	_ =	shalt  }
0x56: {  	_ =	shalt  }
0x57: {  	_ =	shalt  }
0x58: {  	_ =	shalt  }
0x59: {  	_ =	shalt  }
0x5a: {  	_ =	shalt  }
0x5b: {  	_ =	shalt  }
0x5c: {  	_ =	shalt  }
0x5d: {  	_ =	shalt  }
0x5e: {  	_ =	shalt  }
0x5f: {  	_ =	shalt  }
0x60: {  	_ =	shalt  }
0x61: {  	_ =	shalt  }
0x62: {  	_ =	shalt  }
0x63: {  	_ =	shalt  }
0x64: {  	_ =	shalt  }
0x65: {  	_ =	shalt  }
0x66: {  	_ =	shalt  }
0x67: {  	_ =	shalt  }
0x68: {  	_ =	shalt  }
0x69: {  	_ =	shalt  }
0x6a: {  	_ =	shalt  }
0x6b: {  	_ =	shalt  }
0x6c: {  	_ =	shalt  }
0x6d: {  	_ =	shalt  }
0x6e: {  	_ =	shalt  }
0x6f: {  	_ =	shalt  }
0x70: {  	_ =	shalt  }
0x71: {  	_ =	shalt  }
0x72: {  	_ =	shalt  }
0x73: {  	_ =	shalt  }
0x74: {  	_ =	shalt  }
0x75: {  	_ =	shalt  }
0x76: {  	_ =	shalt  }
0x77: {  	_ =	shalt  }
0x78: {  	_ =	shalt  }
0x79: {  	_ =	shalt  }
0x7a: {  	_ =	shalt  }
0x7b: {  	_ =	shalt  }
0x7c: {  	_ =	shalt  }
0x7d: {  	_ =	shalt  }
0x7e: {  	_ =	shalt  }
0x7f: {  	_ =	shalt  }
0x80: {  	_ =	shalt  }
0x81: {  	_ =	shalt  }
0x82: {  	_ =	shalt  }
0x83: {  	_ =	shalt  }
0x84: {  	_ =	shalt  }
0x85: {  	_ =	shalt  }
0x86: {  	_ =	shalt  }
0x87: {  	_ =	shalt  }
.Lfunc_end0:
.L_simem_size_0:
called_computation.1_lowered:
.L_overlay_start_0:
0x88: {  	s2 =	sld [smem:$0x3FD9]  }
0x89: {  	s3 =	sld [smem:$0x3FFE];
	_ =	sdelay $0x1  }
0x8a: {  	s1 =	srdreg.scid  }
0x8b: {  	s0 =	sand.u32 $0x1, s1  }
0x8c: {  	s16 =	sshll.u32 s0, $0xA;
	s2 =	sadd.s32 s3, s2  }
0x8d: {  	s2 =	sadd.s32 s2, s16  }
0x8e: {  	[smem:$0x3FC0] =	sst s2  }
0x8f: {  	_ = 	snop  }
0x90: {  	(tm) =	ssettm $0x1  }
0x91: {  	s17 =	sld [smem:$0x3FFB];
	_ =	sdelay $0x3  }
0x92: {  	_ =	strace s17  }
0x93: {  	s2 =	sld [smem:$0x3FFC];
	_ =	sdelay $0x3  }
0x94: {  	_ =	strace s2  }
0x95: {  	s2 =	sld [smem:$0x3FFD];
	_ =	sdelay $0x3  }
0x96: {  	_ =	strace s2  }
0x97: {  	_ =	strace $0x8FFFFFFF  }
0x98: {  	s18 =	sld [smem:$0x3FDB];
	_ =	sdelay $0x1  }
0x99: {  	s19 =	simm.s32 $_scs_section_size  }
0x9a: {  	s4 =	simm.s32 $_size__tile_overlayer_lowered;
	s5 =	simm.s32 $_tile_overlayer_lowered  }
0x9b: {  	s22 =	simm.s32 $0x1BFF;
	s21 =	sshll.u32 s5, $0x1;
	s2 =	sadd.s32 s19, s18  }
0x9c: {  	s6 =	simm.s32 $0x0;
	s20 =	sshll.u32 s4, $0x1;
	s4 =	sadd.s32 s21, s2  }
0x9d: {  	[timem:s6], [sflag:s22] =	dma.local [hbm:s4], s20  }
0x9e: {  	_ =	swait.ge [sflag:s22], s20  }
0x9f: {  	s3 =	ssub.s32 $0x0, s20;
	[sflag:s22] =	ssyncset.done $0x0  }
0xa0: {  	[sflag:s22] =	ssyncadd.s32 s3;
	_ =	sdelay $0x1  }
0xa1: {  	s23 =	simm.s32 $0x1B8B  }
0xa2: {  	_ =	swait.ge [sflag:s23], $0x1  }
0xa3: {  	[sflag:s23] =	ssyncset.done $0x0  }
0xa4: {  	s25 =	simm.s32 $0x1B8E;
	s24 =	sld [smem:$0x3FFE];
	[sflag:s23] =	ssyncadd.s32 $0xFFFFFFFF  }
0xa5: {  	s26 =	simm.s32 $execute0_lowered;
	[smem:$0x3FD2] =	sst s25  }
0xa6: {  	s4 =	sshll.u32 s26, $0x1;
	_ =	strace $0x80000049;
	[dreg:$0x1] =	wrdreg $0xFFFFFFFF  }
0xa7: {  	s28 =	simm.s32 $_size_execute0_lowered;
	s2 =	sadd.s32 s2, s4;
	[dreg:$0x0] =	wrdreg $0x0  }
0xa8: {  	s4 =	sshll.u32 s28, $0x1;
	[dreg:$0x2] =	wrdreg s2  }
0xa9: {  	[dreg:$0x3] =	wrdreg s4  }
0xaa: {  	[dreg:$0x4] =	wrdreg $0xC0  }
0xab: {  	_ =	task [dreg:s6], $0x5FFFF  }
0xac: {  	[dreg:$0x1] =	wrdreg $0xFFFFFFFF  }
0xad: {  	[dreg:$0x0] =	wrdreg $0x60  }
0xae: {  	[dreg:$0x2] =	wrdreg s24  }
0xaf: {  	[dreg:$0x3] =	wrdreg $0xB2200  }
0xb0: {  	[dreg:$0x4] =	wrdreg $0x9  }
0xb1: {  	_ =	task.clear_ibuf [dreg:s6], $0x5FFFF;
	_ =	strace $0x90000049  }
0xb2: {  	s29 =	simm.s32 $0x9;
	_ =	strace $0x8000004B  }
0xb3: {  	_ =	swait.ge [sflag:s29], $0x1  }
0xb4: {  	[sflag:s29] =	ssyncadd.s32 $0xFFFFFFFF  }
0xb5: {  	_ =	strace $0x9000004B  }
0xb6: {  	_ =	sfence  }
0xb7: {  	s30 =	sld [smem:$0x0];
	_ =	sdelay $0x2  }
0xb8: {  	s31 =	sshll.u32 s1, $0xD;
	s1 =	sshrl.u32 s1, $0x2  }
0xb9: {  	s3 =	sand.u32 $0x4000, s31;
	s1 =	sadd.s32 s1, s30  }
0xba: {  	s0 =	sor.u32 s3, s0;
	s1 =	sshll.u32 s1, $0x11  }
0xbb: {  	s0 =	sor.u32 s1, s0  }
0xbc: {  	s0 =	sadd.s32 $0x8F2B, s0  }
0xbd: {  	[sflag:s0] =	ssyncadd.remote.s32 $0x1  }
0xbe: {  	_ =	sfence.sel $0xFFFF  }
0xbf: {  	[dreg:$0x0] =	wrdreg $0xFFFFFFFF;
	(pc) =	sbr.abs _section_cstart, $3  }
0xc0: {  	[dreg:$0x1] =	wrdreg $0xFFFFFFFF  }
0xc1: {  	_ =	task.clear_ibuf [dreg:s6], $0x2FFFF;
	_ =	strace $0x9FFFFFFF  }
0xc2: {  	(tm) =	ssettm $0x7FFFFFFF  }
0xc3: {  	_ =	shalt  }
tec
execute0_lowered:
.L_overlay_start_1:
0x0: {  	(tag) =	ssettag $0x1  }
0x1: {  	s0 =	srdreg.scid  }
0x2: {  	s12 =	stileid.u32;
	s5 =	rddreg [dreg:$0x0]  }
0x3: {  	s2 =	rddreg [dreg:$0x1];
	s3 =	simm.s32 $0x0;
	s14 =	simm.s32 $0x28  }
0x4: {  	s15 =	simm.s32 $0x4E20;
	s16 =	simm.s32 $0x6220;
	s18 =	simm.s32 $0x7620  }
0x5: {  	s20 =	simm.s32 $0x8A20;
	s22 =	simm.s32 $0x9E20;
	s23 =	simm.s32 $0x1  }
0x6: {  	s24 =	simm.s32 $0x6;
	s25 =	simm.s32 $0x2;
	s28 =	simm.s32 $0x3  }
0x7: {  	s29 =	simm.s32 $0x8;
	s30 =	simm.s32 $0x4;
	s31 =	simm.s32 $0x9  }
0x8: {  	s17 =	simm.s32 $0x0;
	s0 =	sand.u32 $0x1, s0;
	s1 =	sshll.u32 s12, $0x1  }
0x9: {  	s6 =	smul.u32 $0x13880, s12;
	[smem:$0x7FF] =	sst s3;
	s4 =	sadd.s32 $0x16800, s5  }
0xa: {  	s26 =	sshll.u32 s12, $0x6;
	s12 =	simm.s32 $0xB;
	s1 =	sor.u32 s0, s1  }
0xb: {  	s7 =	smul.u32 $0x138800, s0;
	_ =	strace $0x8000004A;
	s0 =	ssub.s32 $0x2, s0  }
0xc: {  	s1 =	smul.u32 $0x2710, s1;
	s8 =	sshrl.u32 s6, $0x3;
	s9 =	sshrl.u32 s0, $0x1  }
0xd: {  	s11 =	sadd.s32 s6, s2;
	s7 =	sadd.s32 s6, s7;
	s8 =	sadd.s32 s8, s5  }
0xe: {  	s0 =	ssub.s32 s0, s9;
	s6 =	sor.u32 $0x1C0B, s26;
	s11 =	sshrl.u32 s11, $0x3  }
0xf: {  	s26 =	simm.s32 $0x7;
	s1 =	sshrl.u32 s1, $0x3;
	s7 =	sshrl.u32 s7, $0x3  }
0x10: {  	s1 =	sadd.s32 s1, s5;
	s10 =	sadd.s32 s7, s5;
	s5 =	sadd.s32 $0x3DA00, s8  }
0x11: {  	s7 =	sadd.s32 $0x2E00, s1;
	s8 =	sadd.s32 $0xCA40, s1;
	s9 =	sadd.s32 $0x64C00, s10  }
0x12: {  	s10 =	smax.u32 s0, $0x1;
	s1 =	simm.s32 $0x5;
	s0 =	simm.s32 $0xA  }
.LBB2_1:
0x13: {  	[spmem:s11], [sflag:s6] =	dma.local [hbm:s5], $0x2710  }
0x14: {  	_ =	swait.ge [sflag:s12], $0x2710  }
0x15: {  	[sflag:s12] =	ssyncset.done $0x0  }
0x16: {  	[sflag:s12] =	ssyncadd.s32 $0xFFFFD8F0  }
0x17: {  	[tilespmem:s3], [sflag:$0xB] =	stream.linear.gather [hbm4b:s7+s3], $0x2710, $0x38;
	[tilespmem:$0x1EAA0] =	vst v63  }
0x18: {  	_ =	swait.ge [sflag:s12], $0x2710  }
0x19: {  	[sflag:s12] =	ssyncset.done $0x0  }
0x1a: {  	s13 =	simm.s32 $0x2710;
	[sflag:s12] =	ssyncadd.s32 $0xFFFFD8F0  }
0x1b: {  	[tilespmem:s13], [sflag:$0xB] =	stream.linear.gather [hbm4b:s8+s3], $0x2710, $0x38;
	[tilespmem:$0x1EAA0] =	vst v63  }
0x1c: {  	_ =	swait.ge [sflag:s12], $0x2710  }
0x1d: {  	[sflag:s12] =	ssyncset.done $0x0  }
0x1e: {  	[sflag:s12] =	ssyncadd.s32 $0xFFFFD8F0  }
0x1f: {  	[bflag:$0x0] =	sbarrier.arrive $0xFFFF  }
0x20: {  	[tilespmem:s15], [sflag:$0x1] =	stream.indirect.gather [hbm4b:s4+s14], $0x80, s3, s14, $0xb8;
	[tilespmem:$0x1EAA0] =	vst v63  }
0x21: {  	_ = 	snop  }
0x22: {  	[tilespmem:s16], [sflag:$0x2] =	stream.indirect.gather [hbm4b:s4+s14], $0x80, s14, s14, $0xb8;
	[tilespmem:$0x1EAA0] =	vst v63  }
0x23: {  	s21 =	simm.s32 $0x50  }
0x24: {  	[tilespmem:s18], [sflag:$0x3] =	stream.indirect.gather [hbm4b:s4+s14], $0x80, s21, s14, $0xb8;
	[tilespmem:$0x1EAA0] =	vst v63  }
0x25: {  	s19 =	simm.s32 $0x78  }
0x26: {  	[tilespmem:s20], [sflag:$0x4] =	stream.indirect.gather [hbm4b:s4+s14], $0x80, s19, s14, $0xb8;
	[tilespmem:$0x1EAA0] =	vst v63  }
0x27: {  	s21 =	simm.s32 $0xA0  }
0x28: {  	[tilespmem:s22], [sflag:$0x5] =	stream.indirect.gather [hbm4b:s4+s14], $0x80, s21, s14, $0xb8;
	[tilespmem:$0x1EAA0] =	vst v63  }
0x29: {  	_ =	swait.ge [sflag:s23], $0x1400  }
0x2a: {  	[sflag:s23] =	ssyncset.done $0x0  }
0x2b: {  	s19 =	simm.s32 $0x2710;
	[sflag:s23] =	ssyncadd.s32 $0xFFFFEC00  }
0x2c: {  	[spmem:s2] =	stream.indirect.scatter.add.f32 [tilespmem:s15], [sflag:$0x6], $0x80, s19, s14, $0xb8;
	[tilespmem:$0x1EAA0] =	vst v63  }
0x2d: {  	_ =	swait.ge [sflag:s24], $0x1400  }
0x2e: {  	[sflag:s24] =	ssyncset.done $0x0  }
0x2f: {  	s13 =	simm.s32 $0xC8;
	[sflag:s24] =	ssyncadd.s32 $0xFFFFEC00  }
0x30: {  	[tilespmem:s15], [sflag:$0x1] =	stream.indirect.gather [hbm4b:s4+s14], $0x80, s13, s14, $0xb8;
	[tilespmem:$0x1EAA0] =	vst v63  }
0x31: {  	_ =	swait.ge [sflag:s25], $0x1400  }
0x32: {  	[sflag:s25] =	ssyncset.done $0x0  }
0x33: {  	s21 =	simm.s32 $0x2738;
	[sflag:s25] =	ssyncadd.s32 $0xFFFFEC00  }
0x34: {  	[spmem:s2] =	stream.indirect.scatter.add.f32 [tilespmem:s16], [sflag:$0x7], $0x80, s21, s14, $0xb8;
	[tilespmem:$0x1EAA0] =	vst v63  }
0x35: {  	_ =	swait.ge [sflag:s26], $0x1400  }
0x36: {  	[sflag:s26] =	ssyncset.done $0x0  }
0x37: {  	s13 =	simm.s32 $0xF0;
	[sflag:s26] =	ssyncadd.s32 $0xFFFFEC00  }
0x38: {  	[tilespmem:s16], [sflag:$0x2] =	stream.indirect.gather [hbm4b:s4+s14], $0x80, s13, s14, $0xb8;
	[tilespmem:$0x1EAA0] =	vst v63  }
0x39: {  	_ =	swait.ge [sflag:s28], $0x1400  }
0x3a: {  	[sflag:s28] =	ssyncset.done $0x0  }
0x3b: {  	s21 =	simm.s32 $0x2760;
	[sflag:s28] =	ssyncadd.s32 $0xFFFFEC00  }
0x3c: {  	[spmem:s2] =	stream.indirect.scatter.add.f32 [tilespmem:s18], [sflag:$0x8], $0x80, s21, s14, $0xb8;
	[tilespmem:$0x1EAA0] =	vst v63  }
0x3d: {  	_ =	swait.ge [sflag:s29], $0x1400  }
0x3e: {  	[sflag:s29] =	ssyncset.done $0x0  }
0x3f: {  	s13 =	simm.s32 $0x118;
	[sflag:s29] =	ssyncadd.s32 $0xFFFFEC00  }
0x40: {  	[tilespmem:s18], [sflag:$0x3] =	stream.indirect.gather [hbm4b:s4+s14], $0x80, s13, s14, $0xb8;
	[tilespmem:$0x1EAA0] =	vst v63  }
0x41: {  	_ =	swait.ge [sflag:s30], $0x1400  }
0x42: {  	[sflag:s30] =	ssyncset.done $0x0  }
0x43: {  	s21 =	simm.s32 $0x2788;
	[sflag:s30] =	ssyncadd.s32 $0xFFFFEC00  }
0x44: {  	[spmem:s2] =	stream.indirect.scatter.add.f32 [tilespmem:s20], [sflag:$0x9], $0x80, s21, s14, $0xb8;
	[tilespmem:$0x1EAA0] =	vst v63  }
0x45: {  	_ =	swait.ge [sflag:s31], $0x1400  }
0x46: {  	[sflag:s31] =	ssyncset.done $0x0  }
0x47: {  	s13 =	simm.s32 $0x140;
	[sflag:s31] =	ssyncadd.s32 $0xFFFFEC00  }
0x48: {  	[tilespmem:s20], [sflag:$0x4] =	stream.indirect.gather [hbm4b:s4+s14], $0x80, s13, s14, $0xb8;
	[tilespmem:$0x1EAA0] =	vst v63  }
0x49: {  	_ =	swait.ge [sflag:s1], $0x1400  }
0x4a: {  	[sflag:s1] =	ssyncset.done $0x0  }
0x4b: {  	s21 =	simm.s32 $0x27B0;
	[sflag:s1] =	ssyncadd.s32 $0xFFFFEC00  }
0x4c: {  	[spmem:s2] =	stream.indirect.scatter.add.f32 [tilespmem:s22], [sflag:$0xA], $0x80, s21, s14, $0xb8;
	[tilespmem:$0x1EAA0] =	vst v63  }
0x4d: {  	_ =	swait.ge [sflag:s0], $0x1400  }
0x4e: {  	[sflag:s0] =	ssyncset.done $0x0  }
0x4f: {  	s19 =	simm.s32 $0x320;
	s21 =	simm.s32 $0x168;
	[sflag:s0] =	ssyncadd.s32 $0xFFFFEC00  }
.LBB2_2:
0x50: {  	[tilespmem:s22], [sflag:$0x5] =	stream.indirect.gather [hbm4b:s4+s14], $0x80, s21, s14, $0xb8;
	[tilespmem:$0x1EAA0] =	vst v63  }
0x51: {  	s21 =	smov.u32 s19  }
0x52: {  	p0 =	sne.s32 s19, $0x9600;
	s19 =	sadd.s32 $0x320, s19;
	_ =	swait.ge [sflag:s23], $0x1400  }
0x53: {  	s21 =	sshra.s32 s21, $0x2;
	[sflag:s23] =	ssyncset.done $0x0  }
0x54: {  	s13 =	sadd.s32 $0x2710, s21;
	[sflag:s23] =	ssyncadd.s32 $0xFFFFEC00  }
0x55: {  	[spmem:s2] =	stream.indirect.scatter.add.f32 [tilespmem:s15], [sflag:$0x6], $0x80, s13, s14, $0xb8;
	[tilespmem:$0x1EAA0] =	vst v63  }
0x56: {  	_ =	swait.ge [sflag:s24], $0x1400  }
0x57: {  	[sflag:s24] =	ssyncset.done $0x0  }
0x58: {  	s13 =	sadd.s32 $0xC8, s21;
	[sflag:s24] =	ssyncadd.s32 $0xFFFFEC00  }
0x59: {  	[tilespmem:s15], [sflag:$0x1] =	stream.indirect.gather [hbm4b:s4+s14], $0x80, s13, s14, $0xb8;
	[tilespmem:$0x1EAA0] =	vst v63  }
0x5a: {  	_ =	swait.ge [sflag:s25], $0x1400  }
0x5b: {  	[sflag:s25] =	ssyncset.done $0x0  }
0x5c: {  	s13 =	sadd.s32 $0x2738, s21;
	[sflag:s25] =	ssyncadd.s32 $0xFFFFEC00  }
0x5d: {  	[spmem:s2] =	stream.indirect.scatter.add.f32 [tilespmem:s16], [sflag:$0x7], $0x80, s13, s14, $0xb8;
	[tilespmem:$0x1EAA0] =	vst v63  }
0x5e: {  	_ =	swait.ge [sflag:s26], $0x1400  }
0x5f: {  	[sflag:s26] =	ssyncset.done $0x0  }
0x60: {  	s13 =	sadd.s32 $0xF0, s21;
	[sflag:s26] =	ssyncadd.s32 $0xFFFFEC00  }
0x61: {  	[tilespmem:s16], [sflag:$0x2] =	stream.indirect.gather [hbm4b:s4+s14], $0x80, s13, s14, $0xb8;
	[tilespmem:$0x1EAA0] =	vst v63  }
0x62: {  	_ =	swait.ge [sflag:s28], $0x1400  }
0x63: {  	[sflag:s28] =	ssyncset.done $0x0  }
0x64: {  	s13 =	sadd.s32 $0x2760, s21;
	[sflag:s28] =	ssyncadd.s32 $0xFFFFEC00  }
0x65: {  	[spmem:s2] =	stream.indirect.scatter.add.f32 [tilespmem:s18], [sflag:$0x8], $0x80, s13, s14, $0xb8;
	[tilespmem:$0x1EAA0] =	vst v63  }
0x66: {  	_ =	swait.ge [sflag:s29], $0x1400  }
0x67: {  	[sflag:s29] =	ssyncset.done $0x0  }
0x68: {  	s13 =	sadd.s32 $0x118, s21;
	[sflag:s29] =	ssyncadd.s32 $0xFFFFEC00  }
0x69: {  	[tilespmem:s18], [sflag:$0x3] =	stream.indirect.gather [hbm4b:s4+s14], $0x80, s13, s14, $0xb8;
	[tilespmem:$0x1EAA0] =	vst v63  }
0x6a: {  	_ =	swait.ge [sflag:s30], $0x1400  }
0x6b: {  	[sflag:s30] =	ssyncset.done $0x0  }
0x6c: {  	s13 =	sadd.s32 $0x2788, s21;
	[sflag:s30] =	ssyncadd.s32 $0xFFFFEC00  }
0x6d: {  	[spmem:s2] =	stream.indirect.scatter.add.f32 [tilespmem:s20], [sflag:$0x9], $0x80, s13, s14, $0xb8;
	[tilespmem:$0x1EAA0] =	vst v63  }
0x6e: {  	_ =	swait.ge [sflag:s31], $0x1400  }
0x6f: {  	[sflag:s31] =	ssyncset.done $0x0  }
0x70: {  	s13 =	sadd.s32 $0x140, s21;
	[sflag:s31] =	ssyncadd.s32 $0xFFFFEC00  }
0x71: {  	[tilespmem:s20], [sflag:$0x4] =	stream.indirect.gather [hbm4b:s4+s14], $0x80, s13, s14, $0xb8;
	[tilespmem:$0x1EAA0] =	vst v63  }
0x72: {  	_ =	swait.ge [sflag:s1], $0x1400  }
0x73: {  	[sflag:s1] =	ssyncset.done $0x0  }
.Ltmp0:
0x74: {  	s13 =	sadd.s32 $0x27B0, s21;
	[sflag:s1] =	ssyncadd.s32 $0xFFFFEC00;
	(pc) =	sbr.rel @p0 .LBB2_2-.Ltmp0, $4  }
0x75: {  	[spmem:s2] =	stream.indirect.scatter.add.f32 [tilespmem:s22], [sflag:$0xA], $0x80, s13, s14, $0xb8;
	[tilespmem:$0x1EAA0] =	vst v63  }
0x76: {  	_ =	swait.ge [sflag:s0], $0x1400  }
0x77: {  	[sflag:s0] =	ssyncset.done $0x0  }
0x78: {  	s21 =	sadd.s32 $0x168, s21;
	[sflag:s0] =	ssyncadd.s32 $0xFFFFEC00  }
0x79: {  	[tilespmem:s22], [sflag:$0x5] =	stream.indirect.gather [hbm4b:s4+s14], $0x80, s21, s14, $0xb8;
	[tilespmem:$0x1EAA0] =	vst v63  }
0x7a: {  	_ =	swait.ge [sflag:s23], $0x1400  }
0x7b: {  	[sflag:s23] =	ssyncset.done $0x0  }
0x7c: {  	s13 =	simm.s32 $0x4D58;
	[sflag:s23] =	ssyncadd.s32 $0xFFFFEC00  }
0x7d: {  	[spmem:s2] =	stream.indirect.scatter.add.f32 [tilespmem:s15], [sflag:$0x6], $0x80, s13, s14, $0xb8;
	[tilespmem:$0x1EAA0] =	vst v63  }
0x7e: {  	_ =	swait.ge [sflag:s24], $0x1400  }
0x7f: {  	[sflag:s24] =	ssyncset.done $0x0  }
0x80: {  	[sflag:s24] =	ssyncadd.s32 $0xFFFFEC00  }
0x81: {  	_ =	swait.ge [sflag:s25], $0x1400  }
0x82: {  	[sflag:s25] =	ssyncset.done $0x0  }
0x83: {  	s19 =	simm.s32 $0x4D80;
	[sflag:s25] =	ssyncadd.s32 $0xFFFFEC00  }
0x84: {  	[spmem:s2] =	stream.indirect.scatter.add.f32 [tilespmem:s16], [sflag:$0x7], $0x80, s19, s14, $0xb8;
	[tilespmem:$0x1EAA0] =	vst v63  }
0x85: {  	_ =	swait.ge [sflag:s26], $0x1400  }
0x86: {  	[sflag:s26] =	ssyncset.done $0x0  }
0x87: {  	[sflag:s26] =	ssyncadd.s32 $0xFFFFEC00  }
0x88: {  	_ =	swait.ge [sflag:s28], $0x1400  }
0x89: {  	[sflag:s28] =	ssyncset.done $0x0  }
0x8a: {  	s21 =	simm.s32 $0x4DA8;
	[sflag:s28] =	ssyncadd.s32 $0xFFFFEC00  }
0x8b: {  	[spmem:s2] =	stream.indirect.scatter.add.f32 [tilespmem:s18], [sflag:$0x8], $0x80, s21, s14, $0xb8;
	[tilespmem:$0x1EAA0] =	vst v63  }
0x8c: {  	_ =	swait.ge [sflag:s29], $0x1400  }
0x8d: {  	[sflag:s29] =	ssyncset.done $0x0  }
0x8e: {  	[sflag:s29] =	ssyncadd.s32 $0xFFFFEC00  }
0x8f: {  	_ =	swait.ge [sflag:s30], $0x1400  }
0x90: {  	[sflag:s30] =	ssyncset.done $0x0  }
0x91: {  	s19 =	simm.s32 $0x4DD0;
	[sflag:s30] =	ssyncadd.s32 $0xFFFFEC00  }
0x92: {  	[spmem:s2] =	stream.indirect.scatter.add.f32 [tilespmem:s20], [sflag:$0x9], $0x80, s19, s14, $0xb8;
	[tilespmem:$0x1EAA0] =	vst v63  }
0x93: {  	_ =	swait.ge [sflag:s31], $0x1400  }
0x94: {  	[sflag:s31] =	ssyncset.done $0x0  }
0x95: {  	[sflag:s31] =	ssyncadd.s32 $0xFFFFEC00  }
0x96: {  	_ =	swait.ge [sflag:s1], $0x1400  }
0x97: {  	[sflag:s1] =	ssyncset.done $0x0  }
0x98: {  	s21 =	simm.s32 $0x4DF8;
	[sflag:s1] =	ssyncadd.s32 $0xFFFFEC00  }
0x99: {  	[spmem:s2] =	stream.indirect.scatter.add.f32 [tilespmem:s22], [sflag:$0xA], $0x80, s21, s14, $0xb8;
	[tilespmem:$0x1EAA0] =	vst v63  }
0x9a: {  	_ =	swait.ge [sflag:s0], $0x1400  }
0x9b: {  	s17 =	sadd.s32 $0x1, s17;
	[sflag:s0] =	ssyncset.done $0x0  }
0x9c: {  	p0 =	sne.s32 s17, s10;
	[sflag:s0] =	ssyncadd.s32 $0xFFFFEC00  }
.Ltmp1:
0x9d: {  	[bflag:$0x0] =	sbarrier.arrive $0xFFFF;
	(pc) =	sbr.rel @p0 .LBB2_1-.Ltmp1, $4  }
0x9e: {  	[hbm:s9], [sflag:s6] =	dma.local [spmem:s11], $0x2710  }
0x9f: {  	_ =	swait.ge [sflag:s12], $0x2710  }
0xa0: {  	[sflag:s12] =	ssyncset.done $0x0  }
0xa1: {  	[sflag:s12] =	ssyncadd.s32 $0xFFFFD8F0  }
0xa2: {  	_ =	sfence.sel $0x180000  }
0xa3: {  	[bflag:$0x0] =	sbarrier.arrive $0xFFFF  }
0xa4: {  	_ =	strace $0x9000004A  }
0xa5: {  	s0 =	stileid.u32;
	[bflag:$0x2] =	sbarrier.arrive $0xFFFF  }
0xa6: {  	p0 =	sne.s32 s0, $0x0;
	s0 =	rddreg [dreg:$0x2]  }
0xa7: {  	s0 =	sadd.s32 @!p0 $0x100000, s0  }
0xa8: {  	[sflag:s0] =	ssyncadd.tile.s32 @!p0 $0x1;
	_ =	shalt  }
.Lfunc_end2:
_tile_overlayer_lowered:
.L_overlay_start_2:
0xa9: {  	(tag) =	ssettag $0x2  }
0xaa: {  	s0 =	rddreg [dreg:$0x0];
	s2 =	stileid.u32  }
0xab: {  	s1 =	rddreg [dreg:$0x1];
	p0 =	sne.s32 s2, $0x0  }
0xac: {  	s3 =	rddreg [dreg:$0x2];
	[bflag:$0x3] =	sbarrier.arrive $0xFFFF;
	s2 =	simm.s32 @!p0 $0x1C0B  }
0xad: {  	[timem:s3], [sflag:s2] =	dma.local @!p0 [hbm:s0], s1  }
0xae: {  	s0 =	simm.s32 @!p0 $0xB  }
0xaf: {  	_ =	swait.ge @!p0 [sflag:s0], s1  }
0xb0: {  	s1 =	ssub.s32 @!p0 $0x0, s1;
	[sflag:s0] =	ssyncset.done @!p0 $0x0  }
0xb1: {  	[sflag:s0] =	ssyncadd.s32 @!p0 s1  }
0xb2: {  	[bflag:$0x3] =	sbarrier.arrive $0xFFFF  }
0xb3: {  	_ =	shalt  }

// kernel: kernel.16.cloned.1.call-start
scs
__scs_entry_jumppad:
0x0: {  	(pc) =	sbr.rel $0x88, $3  }
0x1: {  	(tag) =	ssettag $0x0;
	lr =	simm.s32 $0x1  }
0x2: {  	[smem:$0x3F99] =	sst lr;
	_ =	strace $0xD0000000  }
0x3: {  	_ = 	snop  }
0x4: {  	_ = 	snop  }
0x5: {  	_ = 	snop  }
0x6: {  	_ = 	snop  }
0x7: {  	_ = 	snop  }
__scs_overlays_trampoline_lowered:
0x8: {  	[smem:$0x3FA8] =	sst s0  }
0x9: {  	[smem:$0x3FA9] =	sst s1  }
0xa: {  	[smem:$0x3FAA] =	sst s2  }
0xb: {  	[smem:$0x3FAB] =	sst s3  }
0xc: {  	[smem:$0x3FAC] =	sst s4  }
0xd: {  	[smem:$0x3FAD] =	sst s5  }
0xe: {  	[smem:$0x3FAE] =	sst s6  }
0xf: {  	[smem:$0x3FAF] =	sst s7  }
0x10: {  	[smem:$0x3FB0] =	sst s8  }
0x11: {  	[smem:$0x3FB1] =	sst s9;
	s0 =	simm.s32 @!p0 $0x0  }
0x12: {  	s1 =	sld [smem:$0x3F97];
	s0 =	simm.s32 @p0 $0x1  }
0x13: {  	[smem:$0x3FB2] =	sst s0;
	s0 =	simm.s32 @!p1 $0x0  }
0x14: {  	s2 =	sld [smem:$0x3F96];
	s0 =	simm.s32 @p1 $0x1  }
0x15: {  	[smem:$0x3FB3] =	sst s0;
	s0 =	simm.s32 @!p2 $0x0  }
0x16: {  	s3 =	sld [smem:$0x3FDB];
	s0 =	simm.s32 @p2 $0x1  }
0x17: {  	s4 =	simm.s32 $0x1BF5;
	[smem:$0x3FB5] =	sst s0  }
0x18: {  	s0 =	sld [smem:$0x3F98];
	_ =	swait.ge [sflag:s4], $0x0  }
0x19: {  	s7 =	sld [smem:$0x3F99]  }
0x1a: {  	s8 =	sadd.s32 $0xFFFFE003, lr  }
0x1b: {  	s9 =	sadd.s32 $0xFFFFFEF7, lr;
	s5 =	simm.s32 $0xFFFFFFFF;
	p2 =	slt.u32 s8, $0xFFFFF086  }
0x1c: {  	p1 =	slt.u32 s9, $0xF7A;
	s5 =	simm.s32 @!p2 $0x0  }
0x1d: {  	s5 =	simm.s32 @p1 $0x1;
	p0 =	seq.s32 s7, s2  }
0x1e: {  	s7 =	smul.u32 @!p0 $0xF7A, s2;
	p2 =	seq.s32 @!p0 s5, $0x0  }
0x1f: {  	s9 =	smul.u32 $0xF7A, s1;
	s8 =	simm.s32 @!p0 $0x1BF5;
	p2 =	por !p2, p0  }
0x20: {  	[sflag:s8] =	ssyncset.s32 @!p0 $0xFFFFF086;
	s6 =	sadd.s32 @!p0 s3, s7;
	s7 =	simm.s32 @!p0 $0x108  }
0x21: {  	s3 =	sadd.s32 s3, s9;
	s6 =	sadd.s32 @!p0 $0x88, s6;
	s7 =	simm.s32 @p2 $0x1082  }
0x22: {  	[simem:s7], [sflag:s8] =	dma.local @!p0 [hbm:s6], $0xF7A  }
0x23: {  	s9 =	sor.u32 $0xD0000000, s2;
	s6 =	simm.s32 $0x108;
	_ =	swait.ge @!p0 [sflag:s8], $0x0  }
0x24: {  	s3 =	sadd.s32 $0x88, s3;
	s6 =	simm.s32 @!p1 $0x1082;
	[sflag:s4] =	ssyncset.s32 $0xFFFFF086  }
0x25: {  	[simem:s6], [sflag:s4] =	dma.local [hbm:s3], $0xF7A  }
0x26: {  	[smem:$0x3F99] =	sst s1;
	(tag) =	ssettag s2;
	_ =	strace s9  }
0x27: {  	s1 =	sld [smem:$0x3FA9]  }
0x28: {  	s2 =	sld [smem:$0x3FAA]  }
0x29: {  	s4 =	sld [smem:$0x3FAC]  }
0x2a: {  	p0 =	seq.s32 s5, $0x0;
	s5 =	sld [smem:$0x3FAD]  }
0x2b: {  	s6 =	sld [smem:$0x3FAE]  }
0x2c: {  	s7 =	sld [smem:$0x3FAF]  }
0x2d: {  	s3 =	simm.s32 $0x108;
	s8 =	sld [smem:$0x3FB0]  }
0x2e: {  	s3 =	simm.s32 @!p0 $0x1082;
	s9 =	sld [smem:$0x3FB1]  }
0x2f: {  	lr =	sadd.s32 s0, s3;
	s0 =	sld [smem:$0x3FA8]  }
0x30: {  	s3 =	sld [smem:$0x3FAB]  }
0x31: {  	[smem:$0x3FB4] =	sst s10  }
0x32: {  	s10 =	sld [smem:$0x3FB2];
	_ =	sdelay $0x3  }
0x33: {  	p0 =	seq.s32 s10, $0x1;
	s10 =	sld [smem:$0x3FB4];
	_ =	sdelay $0x3  }
0x34: {  	[smem:$0x3FB4] =	sst s10  }
0x35: {  	s10 =	sld [smem:$0x3FB3];
	_ =	sdelay $0x3  }
0x36: {  	p1 =	seq.s32 s10, $0x1;
	s10 =	sld [smem:$0x3FB4];
	_ =	sdelay $0x3  }
0x37: {  	[smem:$0x3FB4] =	sst s10  }
0x38: {  	s10 =	sld [smem:$0x3FB5]  }
0x39: {  	_ = 	snop;
	(pc) =	sbr.ind lr, $3  }
0x3a: {  	_ = 	snop  }
0x3b: {  	_ = 	snop  }
0x3c: {  	p2 =	seq.s32 s10, $0x1;
	s10 =	sld [smem:$0x3FB4]  }
0x3d: {  	_ =	shalt  }
0x3e: {  	_ =	shalt  }
0x3f: {  	_ =	shalt  }
0x40: {  	_ =	shalt  }
0x41: {  	_ =	shalt  }
0x42: {  	_ =	shalt  }
0x43: {  	_ =	shalt  }
0x44: {  	_ =	shalt  }
0x45: {  	_ =	shalt  }
0x46: {  	_ =	shalt  }
0x47: {  	_ =	shalt  }
0x48: {  	_ =	shalt  }
0x49: {  	_ =	shalt  }
0x4a: {  	_ =	shalt  }
0x4b: {  	_ =	shalt  }
0x4c: {  	_ =	shalt  }
0x4d: {  	_ =	shalt  }
0x4e: {  	_ =	shalt  }
0x4f: {  	_ =	shalt  }
0x50: {  	_ =	shalt  }
0x51: {  	_ =	shalt  }
0x52: {  	_ =	shalt  }
0x53: {  	_ =	shalt  }
0x54: {  	_ =	shalt  }
0x55: {  	_ =	shalt  }
0x56: {  	_ =	shalt  }
0x57: {  	_ =	shalt  }
0x58: {  	_ =	shalt  }
0x59: {  	_ =	shalt  }
0x5a: {  	_ =	shalt  }
0x5b: {  	_ =	shalt  }
0x5c: {  	_ =	shalt  }
0x5d: {  	_ =	shalt  }
0x5e: {  	_ =	shalt  }
0x5f: {  	_ =	shalt  }
0x60: {  	_ =	shalt  }
0x61: {  	_ =	shalt  }
0x62: {  	_ =	shalt  }
0x63: {  	_ =	shalt  }
0x64: {  	_ =	shalt  }
0x65: {  	_ =	shalt  }
0x66: {  	_ =	shalt  }
0x67: {  	_ =	shalt  }
0x68: {  	_ =	shalt  }
0x69: {  	_ =	shalt  }
0x6a: {  	_ =	shalt  }
0x6b: {  	_ =	shalt  }
0x6c: {  	_ =	shalt  }
0x6d: {  	_ =	shalt  }
0x6e: {  	_ =	shalt  }
0x6f: {  	_ =	shalt  }
0x70: {  	_ =	shalt  }
0x71: {  	_ =	shalt  }
0x72: {  	_ =	shalt  }
0x73: {  	_ =	shalt  }
0x74: {  	_ =	shalt  }
0x75: {  	_ =	shalt  }
0x76: {  	_ =	shalt  }
0x77: {  	_ =	shalt  }
0x78: {  	_ =	shalt  }
0x79: {  	_ =	shalt  }
0x7a: {  	_ =	shalt  }
0x7b: {  	_ =	shalt  }
0x7c: {  	_ =	shalt  }
0x7d: {  	_ =	shalt  }
0x7e: {  	_ =	shalt  }
0x7f: {  	_ =	shalt  }
0x80: {  	_ =	shalt  }
0x81: {  	_ =	shalt  }
0x82: {  	_ =	shalt  }
0x83: {  	_ =	shalt  }
0x84: {  	_ =	shalt  }
0x85: {  	_ =	shalt  }
0x86: {  	_ =	shalt  }
0x87: {  	_ =	shalt  }
.Lfunc_end0:
.L_simem_size_0:
called_computation.2_lowered:
.L_overlay_start_0:
0x88: {  	s2 =	sld [smem:$0x3FD9]  }
0x89: {  	s3 =	sld [smem:$0x3FFE];
	_ =	sdelay $0x1  }
0x8a: {  	s1 =	srdreg.scid  }
0x8b: {  	s0 =	sand.u32 $0x1, s1  }
0x8c: {  	s16 =	sshll.u32 s0, $0xA;
	s2 =	sadd.s32 s3, s2  }
0x8d: {  	s2 =	sadd.s32 s2, s16  }
0x8e: {  	[smem:$0x3FC0] =	sst s2  }
0x8f: {  	_ = 	snop  }
0x90: {  	(tm) =	ssettm $0x1  }
0x91: {  	s17 =	sld [smem:$0x3FFB];
	_ =	sdelay $0x3  }
0x92: {  	_ =	strace s17  }
0x93: {  	s2 =	sld [smem:$0x3FFC];
	_ =	sdelay $0x3  }
0x94: {  	_ =	strace s2  }
0x95: {  	s2 =	sld [smem:$0x3FFD];
	_ =	sdelay $0x3  }
0x96: {  	_ =	strace s2  }
0x97: {  	_ =	strace $0x8FFFFFFF  }
0x98: {  	s18 =	sld [smem:$0x3FDB];
	_ =	sdelay $0x1  }
0x99: {  	s19 =	simm.s32 $_scs_section_size  }
0x9a: {  	s4 =	simm.s32 $_size__tile_overlayer_lowered;
	s5 =	simm.s32 $_tile_overlayer_lowered  }
0x9b: {  	s22 =	simm.s32 $0x1BFF;
	s21 =	sshll.u32 s5, $0x1;
	s2 =	sadd.s32 s19, s18  }
0x9c: {  	s6 =	simm.s32 $0x0;
	s20 =	sshll.u32 s4, $0x1;
	s4 =	sadd.s32 s21, s2  }
0x9d: {  	[timem:s6], [sflag:s22] =	dma.local [hbm:s4], s20  }
0x9e: {  	_ =	swait.ge [sflag:s22], s20  }
0x9f: {  	s3 =	ssub.s32 $0x0, s20;
	[sflag:s22] =	ssyncset.done $0x0  }
0xa0: {  	[sflag:s22] =	ssyncadd.s32 s3;
	_ =	sdelay $0x1  }
0xa1: {  	s23 =	simm.s32 $0x1B8B  }
0xa2: {  	_ =	swait.ge [sflag:s23], $0x1  }
0xa3: {  	[sflag:s23] =	ssyncset.done $0x0  }
0xa4: {  	s25 =	simm.s32 $0x1B8E;
	s24 =	sld [smem:$0x3FFE];
	[sflag:s23] =	ssyncadd.s32 $0xFFFFFFFF  }
0xa5: {  	s26 =	simm.s32 $execute0_lowered;
	[smem:$0x3FD2] =	sst s25  }
0xa6: {  	s4 =	sshll.u32 s26, $0x1;
	_ =	strace $0x8000004C;
	[dreg:$0x1] =	wrdreg $0xFFFFFFFF  }
0xa7: {  	s28 =	simm.s32 $_size_execute0_lowered;
	s2 =	sadd.s32 s2, s4;
	[dreg:$0x0] =	wrdreg $0x0  }
0xa8: {  	s4 =	sshll.u32 s28, $0x1;
	[dreg:$0x2] =	wrdreg s2  }
0xa9: {  	[dreg:$0x3] =	wrdreg s4  }
0xaa: {  	[dreg:$0x4] =	wrdreg $0xC0  }
0xab: {  	_ =	task [dreg:s6], $0x5FFFF  }
0xac: {  	[dreg:$0x1] =	wrdreg $0xFFFFFFFF  }
0xad: {  	[dreg:$0x0] =	wrdreg $0x60  }
0xae: {  	[dreg:$0x2] =	wrdreg s24  }
0xaf: {  	[dreg:$0x3] =	wrdreg $0xB2200  }
0xb0: {  	[dreg:$0x4] =	wrdreg $0x9  }
0xb1: {  	_ =	task.clear_ibuf [dreg:s6], $0x5FFFF;
	_ =	strace $0x9000004C  }
0xb2: {  	s29 =	simm.s32 $0x9;
	_ =	strace $0x8000004E  }
0xb3: {  	_ =	swait.ge [sflag:s29], $0x1  }
0xb4: {  	[sflag:s29] =	ssyncadd.s32 $0xFFFFFFFF  }
0xb5: {  	_ =	strace $0x9000004E  }
0xb6: {  	_ =	sfence  }
0xb7: {  	s30 =	sld [smem:$0x0];
	_ =	sdelay $0x2  }
0xb8: {  	s31 =	sshll.u32 s1, $0xD;
	s1 =	sshrl.u32 s1, $0x2  }
0xb9: {  	s3 =	sand.u32 $0x4000, s31;
	s1 =	sadd.s32 s1, s30  }
0xba: {  	s0 =	sor.u32 s3, s0;
	s1 =	sshll.u32 s1, $0x11  }
0xbb: {  	s0 =	sor.u32 s1, s0  }
0xbc: {  	s0 =	sadd.s32 $0x8F2B, s0  }
0xbd: {  	[sflag:s0] =	ssyncadd.remote.s32 $0x1  }
0xbe: {  	_ =	sfence.sel $0xFFFF  }
0xbf: {  	[dreg:$0x0] =	wrdreg $0xFFFFFFFF;
	(pc) =	sbr.abs _section_cstart, $3  }
0xc0: {  	[dreg:$0x1] =	wrdreg $0xFFFFFFFF  }
0xc1: {  	_ =	task.clear_ibuf [dreg:s6], $0x2FFFF;
	_ =	strace $0x9FFFFFFF  }
0xc2: {  	(tm) =	ssettm $0x7FFFFFFF  }
0xc3: {  	_ =	shalt  }
tec
execute0_lowered:
.L_overlay_start_1:
0x0: {  	(tag) =	ssettag $0x1  }
0x1: {  	s0 =	srdreg.scid  }
0x2: {  	s12 =	stileid.u32;
	s5 =	rddreg [dreg:$0x0]  }
0x3: {  	s2 =	rddreg [dreg:$0x1];
	s3 =	simm.s32 $0x0;
	s14 =	simm.s32 $0x28  }
0x4: {  	s15 =	simm.s32 $0x4E20;
	s16 =	simm.s32 $0x6220;
	s18 =	simm.s32 $0x7620  }
0x5: {  	s20 =	simm.s32 $0x8A20;
	s22 =	simm.s32 $0x9E20;
	s23 =	simm.s32 $0x1  }
0x6: {  	s24 =	simm.s32 $0x6;
	s25 =	simm.s32 $0x2;
	s28 =	simm.s32 $0x3  }
0x7: {  	s29 =	simm.s32 $0x8;
	s30 =	simm.s32 $0x4;
	s31 =	simm.s32 $0x9  }
0x8: {  	s17 =	simm.s32 $0x0;
	s0 =	sand.u32 $0x1, s0;
	s1 =	sshll.u32 s12, $0x1  }
0x9: {  	s6 =	smul.u32 $0x13880, s12;
	[smem:$0x7FF] =	sst s3;
	s4 =	sadd.s32 $0x16800, s5  }
0xa: {  	s26 =	sshll.u32 s12, $0x6;
	s12 =	simm.s32 $0xB;
	s1 =	sor.u32 s0, s1  }
0xb: {  	s7 =	smul.u32 $0x138800, s0;
	_ =	strace $0x8000004D;
	s0 =	ssub.s32 $0x2, s0  }
0xc: {  	s1 =	smul.u32 $0x2710, s1;
	s8 =	sshrl.u32 s6, $0x3;
	s9 =	sshrl.u32 s0, $0x1  }
0xd: {  	s11 =	sadd.s32 s6, s2;
	s7 =	sadd.s32 s6, s7;
	s8 =	sadd.s32 s8, s5  }
0xe: {  	s0 =	ssub.s32 s0, s9;
	s6 =	sor.u32 $0x1C0B, s26;
	s11 =	sshrl.u32 s11, $0x3  }
0xf: {  	s26 =	simm.s32 $0x7;
	s1 =	sshrl.u32 s1, $0x3;
	s7 =	sshrl.u32 s7, $0x3  }
0x10: {  	s1 =	sadd.s32 s1, s5;
	s10 =	sadd.s32 s7, s5;
	s5 =	sadd.s32 $0x3DA00, s8  }
0x11: {  	s7 =	sadd.s32 $0x2E00, s1;
	s8 =	sadd.s32 $0xCA40, s1;
	s9 =	sadd.s32 $0x64C00, s10  }
0x12: {  	s10 =	smax.u32 s0, $0x1;
	s1 =	simm.s32 $0x5;
	s0 =	simm.s32 $0xA  }
.LBB2_1:
0x13: {  	[spmem:s11], [sflag:s6] =	dma.local [hbm:s5], $0x2710  }
0x14: {  	_ =	swait.ge [sflag:s12], $0x2710  }
0x15: {  	[sflag:s12] =	ssyncset.done $0x0  }
0x16: {  	[sflag:s12] =	ssyncadd.s32 $0xFFFFD8F0  }
0x17: {  	[tilespmem:s3], [sflag:$0xB] =	stream.linear.gather [hbm4b:s7+s3], $0x2710, $0x38;
	[tilespmem:$0x1EAA0] =	vst v63  }
0x18: {  	_ =	swait.ge [sflag:s12], $0x2710  }
0x19: {  	[sflag:s12] =	ssyncset.done $0x0  }
0x1a: {  	s13 =	simm.s32 $0x2710;
	[sflag:s12] =	ssyncadd.s32 $0xFFFFD8F0  }
0x1b: {  	[tilespmem:s13], [sflag:$0xB] =	stream.linear.gather [hbm4b:s8+s3], $0x2710, $0x38;
	[tilespmem:$0x1EAA0] =	vst v63  }
0x1c: {  	_ =	swait.ge [sflag:s12], $0x2710  }
0x1d: {  	[sflag:s12] =	ssyncset.done $0x0  }
0x1e: {  	[sflag:s12] =	ssyncadd.s32 $0xFFFFD8F0  }
0x1f: {  	[bflag:$0x0] =	sbarrier.arrive $0xFFFF  }
0x20: {  	[tilespmem:s15], [sflag:$0x1] =	stream.indirect.gather [hbm4b:s4+s14], $0x80, s3, s14, $0xb8;
	[tilespmem:$0x1EAA0] =	vst v63  }
0x21: {  	_ = 	snop  }
0x22: {  	[tilespmem:s16], [sflag:$0x2] =	stream.indirect.gather [hbm4b:s4+s14], $0x80, s14, s14, $0xb8;
	[tilespmem:$0x1EAA0] =	vst v63  }
0x23: {  	s21 =	simm.s32 $0x50  }
0x24: {  	[tilespmem:s18], [sflag:$0x3] =	stream.indirect.gather [hbm4b:s4+s14], $0x80, s21, s14, $0xb8;
	[tilespmem:$0x1EAA0] =	vst v63  }
0x25: {  	s19 =	simm.s32 $0x78  }
0x26: {  	[tilespmem:s20], [sflag:$0x4] =	stream.indirect.gather [hbm4b:s4+s14], $0x80, s19, s14, $0xb8;
	[tilespmem:$0x1EAA0] =	vst v63  }
0x27: {  	s21 =	simm.s32 $0xA0  }
0x28: {  	[tilespmem:s22], [sflag:$0x5] =	stream.indirect.gather [hbm4b:s4+s14], $0x80, s21, s14, $0xb8;
	[tilespmem:$0x1EAA0] =	vst v63  }
0x29: {  	_ =	swait.ge [sflag:s23], $0x1400  }
0x2a: {  	[sflag:s23] =	ssyncset.done $0x0  }
0x2b: {  	s19 =	simm.s32 $0x2710;
	[sflag:s23] =	ssyncadd.s32 $0xFFFFEC00  }
0x2c: {  	[spmem:s2] =	stream.indirect.scatter.add.f32 [tilespmem:s15], [sflag:$0x6], $0x80, s19, s14, $0xb8;
	[tilespmem:$0x1EAA0] =	vst v63  }
0x2d: {  	_ =	swait.ge [sflag:s24], $0x1400  }
0x2e: {  	[sflag:s24] =	ssyncset.done $0x0  }
0x2f: {  	s13 =	simm.s32 $0xC8;
	[sflag:s24] =	ssyncadd.s32 $0xFFFFEC00  }
0x30: {  	[tilespmem:s15], [sflag:$0x1] =	stream.indirect.gather [hbm4b:s4+s14], $0x80, s13, s14, $0xb8;
	[tilespmem:$0x1EAA0] =	vst v63  }
0x31: {  	_ =	swait.ge [sflag:s25], $0x1400  }
0x32: {  	[sflag:s25] =	ssyncset.done $0x0  }
0x33: {  	s21 =	simm.s32 $0x2738;
	[sflag:s25] =	ssyncadd.s32 $0xFFFFEC00  }
0x34: {  	[spmem:s2] =	stream.indirect.scatter.add.f32 [tilespmem:s16], [sflag:$0x7], $0x80, s21, s14, $0xb8;
	[tilespmem:$0x1EAA0] =	vst v63  }
0x35: {  	_ =	swait.ge [sflag:s26], $0x1400  }
0x36: {  	[sflag:s26] =	ssyncset.done $0x0  }
0x37: {  	s13 =	simm.s32 $0xF0;
	[sflag:s26] =	ssyncadd.s32 $0xFFFFEC00  }
0x38: {  	[tilespmem:s16], [sflag:$0x2] =	stream.indirect.gather [hbm4b:s4+s14], $0x80, s13, s14, $0xb8;
	[tilespmem:$0x1EAA0] =	vst v63  }
0x39: {  	_ =	swait.ge [sflag:s28], $0x1400  }
0x3a: {  	[sflag:s28] =	ssyncset.done $0x0  }
0x3b: {  	s21 =	simm.s32 $0x2760;
	[sflag:s28] =	ssyncadd.s32 $0xFFFFEC00  }
0x3c: {  	[spmem:s2] =	stream.indirect.scatter.add.f32 [tilespmem:s18], [sflag:$0x8], $0x80, s21, s14, $0xb8;
	[tilespmem:$0x1EAA0] =	vst v63  }
0x3d: {  	_ =	swait.ge [sflag:s29], $0x1400  }
0x3e: {  	[sflag:s29] =	ssyncset.done $0x0  }
0x3f: {  	s13 =	simm.s32 $0x118;
	[sflag:s29] =	ssyncadd.s32 $0xFFFFEC00  }
0x40: {  	[tilespmem:s18], [sflag:$0x3] =	stream.indirect.gather [hbm4b:s4+s14], $0x80, s13, s14, $0xb8;
	[tilespmem:$0x1EAA0] =	vst v63  }
0x41: {  	_ =	swait.ge [sflag:s30], $0x1400  }
0x42: {  	[sflag:s30] =	ssyncset.done $0x0  }
0x43: {  	s21 =	simm.s32 $0x2788;
	[sflag:s30] =	ssyncadd.s32 $0xFFFFEC00  }
0x44: {  	[spmem:s2] =	stream.indirect.scatter.add.f32 [tilespmem:s20], [sflag:$0x9], $0x80, s21, s14, $0xb8;
	[tilespmem:$0x1EAA0] =	vst v63  }
0x45: {  	_ =	swait.ge [sflag:s31], $0x1400  }
0x46: {  	[sflag:s31] =	ssyncset.done $0x0  }
0x47: {  	s13 =	simm.s32 $0x140;
	[sflag:s31] =	ssyncadd.s32 $0xFFFFEC00  }
0x48: {  	[tilespmem:s20], [sflag:$0x4] =	stream.indirect.gather [hbm4b:s4+s14], $0x80, s13, s14, $0xb8;
	[tilespmem:$0x1EAA0] =	vst v63  }
0x49: {  	_ =	swait.ge [sflag:s1], $0x1400  }
0x4a: {  	[sflag:s1] =	ssyncset.done $0x0  }
0x4b: {  	s21 =	simm.s32 $0x27B0;
	[sflag:s1] =	ssyncadd.s32 $0xFFFFEC00  }
0x4c: {  	[spmem:s2] =	stream.indirect.scatter.add.f32 [tilespmem:s22], [sflag:$0xA], $0x80, s21, s14, $0xb8;
	[tilespmem:$0x1EAA0] =	vst v63  }
0x4d: {  	_ =	swait.ge [sflag:s0], $0x1400  }
0x4e: {  	[sflag:s0] =	ssyncset.done $0x0  }
0x4f: {  	s19 =	simm.s32 $0x320;
	s21 =	simm.s32 $0x168;
	[sflag:s0] =	ssyncadd.s32 $0xFFFFEC00  }
.LBB2_2:
0x50: {  	[tilespmem:s22], [sflag:$0x5] =	stream.indirect.gather [hbm4b:s4+s14], $0x80, s21, s14, $0xb8;
	[tilespmem:$0x1EAA0] =	vst v63  }
0x51: {  	s21 =	smov.u32 s19  }
0x52: {  	p0 =	sne.s32 s19, $0x9600;
	s19 =	sadd.s32 $0x320, s19;
	_ =	swait.ge [sflag:s23], $0x1400  }
0x53: {  	s21 =	sshra.s32 s21, $0x2;
	[sflag:s23] =	ssyncset.done $0x0  }
0x54: {  	s13 =	sadd.s32 $0x2710, s21;
	[sflag:s23] =	ssyncadd.s32 $0xFFFFEC00  }
0x55: {  	[spmem:s2] =	stream.indirect.scatter.add.f32 [tilespmem:s15], [sflag:$0x6], $0x80, s13, s14, $0xb8;
	[tilespmem:$0x1EAA0] =	vst v63  }
0x56: {  	_ =	swait.ge [sflag:s24], $0x1400  }
0x57: {  	[sflag:s24] =	ssyncset.done $0x0  }
0x58: {  	s13 =	sadd.s32 $0xC8, s21;
	[sflag:s24] =	ssyncadd.s32 $0xFFFFEC00  }
0x59: {  	[tilespmem:s15], [sflag:$0x1] =	stream.indirect.gather [hbm4b:s4+s14], $0x80, s13, s14, $0xb8;
	[tilespmem:$0x1EAA0] =	vst v63  }
0x5a: {  	_ =	swait.ge [sflag:s25], $0x1400  }
0x5b: {  	[sflag:s25] =	ssyncset.done $0x0  }
0x5c: {  	s13 =	sadd.s32 $0x2738, s21;
	[sflag:s25] =	ssyncadd.s32 $0xFFFFEC00  }
0x5d: {  	[spmem:s2] =	stream.indirect.scatter.add.f32 [tilespmem:s16], [sflag:$0x7], $0x80, s13, s14, $0xb8;
	[tilespmem:$0x1EAA0] =	vst v63  }
0x5e: {  	_ =	swait.ge [sflag:s26], $0x1400  }
0x5f: {  	[sflag:s26] =	ssyncset.done $0x0  }
0x60: {  	s13 =	sadd.s32 $0xF0, s21;
	[sflag:s26] =	ssyncadd.s32 $0xFFFFEC00  }
0x61: {  	[tilespmem:s16], [sflag:$0x2] =	stream.indirect.gather [hbm4b:s4+s14], $0x80, s13, s14, $0xb8;
	[tilespmem:$0x1EAA0] =	vst v63  }
0x62: {  	_ =	swait.ge [sflag:s28], $0x1400  }
0x63: {  	[sflag:s28] =	ssyncset.done $0x0  }
0x64: {  	s13 =	sadd.s32 $0x2760, s21;
	[sflag:s28] =	ssyncadd.s32 $0xFFFFEC00  }
0x65: {  	[spmem:s2] =	stream.indirect.scatter.add.f32 [tilespmem:s18], [sflag:$0x8], $0x80, s13, s14, $0xb8;
	[tilespmem:$0x1EAA0] =	vst v63  }
0x66: {  	_ =	swait.ge [sflag:s29], $0x1400  }
0x67: {  	[sflag:s29] =	ssyncset.done $0x0  }
0x68: {  	s13 =	sadd.s32 $0x118, s21;
	[sflag:s29] =	ssyncadd.s32 $0xFFFFEC00  }
0x69: {  	[tilespmem:s18], [sflag:$0x3] =	stream.indirect.gather [hbm4b:s4+s14], $0x80, s13, s14, $0xb8;
	[tilespmem:$0x1EAA0] =	vst v63  }
0x6a: {  	_ =	swait.ge [sflag:s30], $0x1400  }
0x6b: {  	[sflag:s30] =	ssyncset.done $0x0  }
0x6c: {  	s13 =	sadd.s32 $0x2788, s21;
	[sflag:s30] =	ssyncadd.s32 $0xFFFFEC00  }
0x6d: {  	[spmem:s2] =	stream.indirect.scatter.add.f32 [tilespmem:s20], [sflag:$0x9], $0x80, s13, s14, $0xb8;
	[tilespmem:$0x1EAA0] =	vst v63  }
0x6e: {  	_ =	swait.ge [sflag:s31], $0x1400  }
0x6f: {  	[sflag:s31] =	ssyncset.done $0x0  }
0x70: {  	s13 =	sadd.s32 $0x140, s21;
	[sflag:s31] =	ssyncadd.s32 $0xFFFFEC00  }
0x71: {  	[tilespmem:s20], [sflag:$0x4] =	stream.indirect.gather [hbm4b:s4+s14], $0x80, s13, s14, $0xb8;
	[tilespmem:$0x1EAA0] =	vst v63  }
0x72: {  	_ =	swait.ge [sflag:s1], $0x1400  }
0x73: {  	[sflag:s1] =	ssyncset.done $0x0  }
.Ltmp0:
0x74: {  	s13 =	sadd.s32 $0x27B0, s21;
	[sflag:s1] =	ssyncadd.s32 $0xFFFFEC00;
	(pc) =	sbr.rel @p0 .LBB2_2-.Ltmp0, $4  }
0x75: {  	[spmem:s2] =	stream.indirect.scatter.add.f32 [tilespmem:s22], [sflag:$0xA], $0x80, s13, s14, $0xb8;
	[tilespmem:$0x1EAA0] =	vst v63  }
0x76: {  	_ =	swait.ge [sflag:s0], $0x1400  }
0x77: {  	[sflag:s0] =	ssyncset.done $0x0  }
0x78: {  	s21 =	sadd.s32 $0x168, s21;
	[sflag:s0] =	ssyncadd.s32 $0xFFFFEC00  }
0x79: {  	[tilespmem:s22], [sflag:$0x5] =	stream.indirect.gather [hbm4b:s4+s14], $0x80, s21, s14, $0xb8;
	[tilespmem:$0x1EAA0] =	vst v63  }
0x7a: {  	_ =	swait.ge [sflag:s23], $0x1400  }
0x7b: {  	[sflag:s23] =	ssyncset.done $0x0  }
0x7c: {  	s13 =	simm.s32 $0x4D58;
	[sflag:s23] =	ssyncadd.s32 $0xFFFFEC00  }
0x7d: {  	[spmem:s2] =	stream.indirect.scatter.add.f32 [tilespmem:s15], [sflag:$0x6], $0x80, s13, s14, $0xb8;
	[tilespmem:$0x1EAA0] =	vst v63  }
0x7e: {  	_ =	swait.ge [sflag:s24], $0x1400  }
0x7f: {  	[sflag:s24] =	ssyncset.done $0x0  }
0x80: {  	[sflag:s24] =	ssyncadd.s32 $0xFFFFEC00  }
0x81: {  	_ =	swait.ge [sflag:s25], $0x1400  }
0x82: {  	[sflag:s25] =	ssyncset.done $0x0  }
0x83: {  	s19 =	simm.s32 $0x4D80;
	[sflag:s25] =	ssyncadd.s32 $0xFFFFEC00  }
0x84: {  	[spmem:s2] =	stream.indirect.scatter.add.f32 [tilespmem:s16], [sflag:$0x7], $0x80, s19, s14, $0xb8;
	[tilespmem:$0x1EAA0] =	vst v63  }
0x85: {  	_ =	swait.ge [sflag:s26], $0x1400  }
0x86: {  	[sflag:s26] =	ssyncset.done $0x0  }
0x87: {  	[sflag:s26] =	ssyncadd.s32 $0xFFFFEC00  }
0x88: {  	_ =	swait.ge [sflag:s28], $0x1400  }
0x89: {  	[sflag:s28] =	ssyncset.done $0x0  }
0x8a: {  	s21 =	simm.s32 $0x4DA8;
	[sflag:s28] =	ssyncadd.s32 $0xFFFFEC00  }
0x8b: {  	[spmem:s2] =	stream.indirect.scatter.add.f32 [tilespmem:s18], [sflag:$0x8], $0x80, s21, s14, $0xb8;
	[tilespmem:$0x1EAA0] =	vst v63  }
0x8c: {  	_ =	swait.ge [sflag:s29], $0x1400  }
0x8d: {  	[sflag:s29] =	ssyncset.done $0x0  }
0x8e: {  	[sflag:s29] =	ssyncadd.s32 $0xFFFFEC00  }
0x8f: {  	_ =	swait.ge [sflag:s30], $0x1400  }
0x90: {  	[sflag:s30] =	ssyncset.done $0x0  }
0x91: {  	s19 =	simm.s32 $0x4DD0;
	[sflag:s30] =	ssyncadd.s32 $0xFFFFEC00  }
0x92: {  	[spmem:s2] =	stream.indirect.scatter.add.f32 [tilespmem:s20], [sflag:$0x9], $0x80, s19, s14, $0xb8;
	[tilespmem:$0x1EAA0] =	vst v63  }
0x93: {  	_ =	swait.ge [sflag:s31], $0x1400  }
0x94: {  	[sflag:s31] =	ssyncset.done $0x0  }
0x95: {  	[sflag:s31] =	ssyncadd.s32 $0xFFFFEC00  }
0x96: {  	_ =	swait.ge [sflag:s1], $0x1400  }
0x97: {  	[sflag:s1] =	ssyncset.done $0x0  }
0x98: {  	s21 =	simm.s32 $0x4DF8;
	[sflag:s1] =	ssyncadd.s32 $0xFFFFEC00  }
0x99: {  	[spmem:s2] =	stream.indirect.scatter.add.f32 [tilespmem:s22], [sflag:$0xA], $0x80, s21, s14, $0xb8;
	[tilespmem:$0x1EAA0] =	vst v63  }
0x9a: {  	_ =	swait.ge [sflag:s0], $0x1400  }
0x9b: {  	s17 =	sadd.s32 $0x1, s17;
	[sflag:s0] =	ssyncset.done $0x0  }
0x9c: {  	p0 =	sne.s32 s17, s10;
	[sflag:s0] =	ssyncadd.s32 $0xFFFFEC00  }
.Ltmp1:
0x9d: {  	[bflag:$0x0] =	sbarrier.arrive $0xFFFF;
	(pc) =	sbr.rel @p0 .LBB2_1-.Ltmp1, $4  }
0x9e: {  	[hbm:s9], [sflag:s6] =	dma.local [spmem:s11], $0x2710  }
0x9f: {  	_ =	swait.ge [sflag:s12], $0x2710  }
0xa0: {  	[sflag:s12] =	ssyncset.done $0x0  }
0xa1: {  	[sflag:s12] =	ssyncadd.s32 $0xFFFFD8F0  }
0xa2: {  	_ =	sfence.sel $0x180000  }
0xa3: {  	[bflag:$0x0] =	sbarrier.arrive $0xFFFF  }
0xa4: {  	_ =	strace $0x9000004D  }
0xa5: {  	s0 =	stileid.u32;
	[bflag:$0x2] =	sbarrier.arrive $0xFFFF  }
0xa6: {  	p0 =	sne.s32 s0, $0x0;
	s0 =	rddreg [dreg:$0x2]  }
0xa7: {  	s0 =	sadd.s32 @!p0 $0x100000, s0  }
0xa8: {  	[sflag:s0] =	ssyncadd.tile.s32 @!p0 $0x1;
	_ =	shalt  }
.Lfunc_end2:
_tile_overlayer_lowered:
.L_overlay_start_2:
0xa9: {  	(tag) =	ssettag $0x2  }
0xaa: {  	s0 =	rddreg [dreg:$0x0];
	s2 =	stileid.u32  }
0xab: {  	s1 =	rddreg [dreg:$0x1];
	p0 =	sne.s32 s2, $0x0  }
0xac: {  	s3 =	rddreg [dreg:$0x2];
	[bflag:$0x3] =	sbarrier.arrive $0xFFFF;
	s2 =	simm.s32 @!p0 $0x1C0B  }
0xad: {  	[timem:s3], [sflag:s2] =	dma.local @!p0 [hbm:s0], s1  }
0xae: {  	s0 =	simm.s32 @!p0 $0xB  }
0xaf: {  	_ =	swait.ge @!p0 [sflag:s0], s1  }
0xb0: {  	s1 =	ssub.s32 @!p0 $0x0, s1;
	[sflag:s0] =	ssyncset.done @!p0 $0x0  }
0xb1: {  	[sflag:s0] =	ssyncadd.s32 @!p0 s1  }
0xb2: {  	[bflag:$0x3] =	sbarrier.arrive $0xFFFF  }
0xb3: {  	_ =	shalt  }

// kernel: kernel.19.cloned.1.call-start
scs
__scs_entry_jumppad:
0x0: {  	(pc) =	sbr.rel $0x88, $3  }
0x1: {  	(tag) =	ssettag $0x0;
	lr =	simm.s32 $0x1  }
0x2: {  	[smem:$0x3F99] =	sst lr;
	_ =	strace $0xD0000000  }
0x3: {  	_ = 	snop  }
0x4: {  	_ = 	snop  }
0x5: {  	_ = 	snop  }
0x6: {  	_ = 	snop  }
0x7: {  	_ = 	snop  }
__scs_overlays_trampoline_lowered:
0x8: {  	[smem:$0x3FA8] =	sst s0  }
0x9: {  	[smem:$0x3FA9] =	sst s1  }
0xa: {  	[smem:$0x3FAA] =	sst s2  }
0xb: {  	[smem:$0x3FAB] =	sst s3  }
0xc: {  	[smem:$0x3FAC] =	sst s4  }
0xd: {  	[smem:$0x3FAD] =	sst s5  }
0xe: {  	[smem:$0x3FAE] =	sst s6  }
0xf: {  	[smem:$0x3FAF] =	sst s7  }
0x10: {  	[smem:$0x3FB0] =	sst s8  }
0x11: {  	[smem:$0x3FB1] =	sst s9;
	s0 =	simm.s32 @!p0 $0x0  }
0x12: {  	s1 =	sld [smem:$0x3F97];
	s0 =	simm.s32 @p0 $0x1  }
0x13: {  	[smem:$0x3FB2] =	sst s0;
	s0 =	simm.s32 @!p1 $0x0  }
0x14: {  	s2 =	sld [smem:$0x3F96];
	s0 =	simm.s32 @p1 $0x1  }
0x15: {  	[smem:$0x3FB3] =	sst s0;
	s0 =	simm.s32 @!p2 $0x0  }
0x16: {  	s3 =	sld [smem:$0x3FDB];
	s0 =	simm.s32 @p2 $0x1  }
0x17: {  	s4 =	simm.s32 $0x1BF5;
	[smem:$0x3FB5] =	sst s0  }
0x18: {  	s0 =	sld [smem:$0x3F98];
	_ =	swait.ge [sflag:s4], $0x0  }
0x19: {  	s7 =	sld [smem:$0x3F99]  }
0x1a: {  	s8 =	sadd.s32 $0xFFFFE003, lr  }
0x1b: {  	s9 =	sadd.s32 $0xFFFFFEF7, lr;
	s5 =	simm.s32 $0xFFFFFFFF;
	p2 =	slt.u32 s8, $0xFFFFF086  }
0x1c: {  	p1 =	slt.u32 s9, $0xF7A;
	s5 =	simm.s32 @!p2 $0x0  }
0x1d: {  	s5 =	simm.s32 @p1 $0x1;
	p0 =	seq.s32 s7, s2  }
0x1e: {  	s7 =	smul.u32 @!p0 $0xF7A, s2;
	p2 =	seq.s32 @!p0 s5, $0x0  }
0x1f: {  	s9 =	smul.u32 $0xF7A, s1;
	s8 =	simm.s32 @!p0 $0x1BF5;
	p2 =	por !p2, p0  }
0x20: {  	[sflag:s8] =	ssyncset.s32 @!p0 $0xFFFFF086;
	s6 =	sadd.s32 @!p0 s3, s7;
	s7 =	simm.s32 @!p0 $0x108  }
0x21: {  	s3 =	sadd.s32 s3, s9;
	s6 =	sadd.s32 @!p0 $0x88, s6;
	s7 =	simm.s32 @p2 $0x1082  }
0x22: {  	[simem:s7], [sflag:s8] =	dma.local @!p0 [hbm:s6], $0xF7A  }
0x23: {  	s9 =	sor.u32 $0xD0000000, s2;
	s6 =	simm.s32 $0x108;
	_ =	swait.ge @!p0 [sflag:s8], $0x0  }
0x24: {  	s3 =	sadd.s32 $0x88, s3;
	s6 =	simm.s32 @!p1 $0x1082;
	[sflag:s4] =	ssyncset.s32 $0xFFFFF086  }
0x25: {  	[simem:s6], [sflag:s4] =	dma.local [hbm:s3], $0xF7A  }
0x26: {  	[smem:$0x3F99] =	sst s1;
	(tag) =	ssettag s2;
	_ =	strace s9  }
0x27: {  	s1 =	sld [smem:$0x3FA9]  }
0x28: {  	s2 =	sld [smem:$0x3FAA]  }
0x29: {  	s4 =	sld [smem:$0x3FAC]  }
0x2a: {  	p0 =	seq.s32 s5, $0x0;
	s5 =	sld [smem:$0x3FAD]  }
0x2b: {  	s6 =	sld [smem:$0x3FAE]  }
0x2c: {  	s7 =	sld [smem:$0x3FAF]  }
0x2d: {  	s3 =	simm.s32 $0x108;
	s8 =	sld [smem:$0x3FB0]  }
0x2e: {  	s3 =	simm.s32 @!p0 $0x1082;
	s9 =	sld [smem:$0x3FB1]  }
0x2f: {  	lr =	sadd.s32 s0, s3;
	s0 =	sld [smem:$0x3FA8]  }
0x30: {  	s3 =	sld [smem:$0x3FAB]  }
0x31: {  	[smem:$0x3FB4] =	sst s10  }
0x32: {  	s10 =	sld [smem:$0x3FB2];
	_ =	sdelay $0x3  }
0x33: {  	p0 =	seq.s32 s10, $0x1;
	s10 =	sld [smem:$0x3FB4];
	_ =	sdelay $0x3  }
0x34: {  	[smem:$0x3FB4] =	sst s10  }
0x35: {  	s10 =	sld [smem:$0x3FB3];
	_ =	sdelay $0x3  }
0x36: {  	p1 =	seq.s32 s10, $0x1;
	s10 =	sld [smem:$0x3FB4];
	_ =	sdelay $0x3  }
0x37: {  	[smem:$0x3FB4] =	sst s10  }
0x38: {  	s10 =	sld [smem:$0x3FB5]  }
0x39: {  	_ = 	snop;
	(pc) =	sbr.ind lr, $3  }
0x3a: {  	_ = 	snop  }
0x3b: {  	_ = 	snop  }
0x3c: {  	p2 =	seq.s32 s10, $0x1;
	s10 =	sld [smem:$0x3FB4]  }
0x3d: {  	_ =	shalt  }
0x3e: {  	_ =	shalt  }
0x3f: {  	_ =	shalt  }
0x40: {  	_ =	shalt  }
0x41: {  	_ =	shalt  }
0x42: {  	_ =	shalt  }
0x43: {  	_ =	shalt  }
0x44: {  	_ =	shalt  }
0x45: {  	_ =	shalt  }
0x46: {  	_ =	shalt  }
0x47: {  	_ =	shalt  }
0x48: {  	_ =	shalt  }
0x49: {  	_ =	shalt  }
0x4a: {  	_ =	shalt  }
0x4b: {  	_ =	shalt  }
0x4c: {  	_ =	shalt  }
0x4d: {  	_ =	shalt  }
0x4e: {  	_ =	shalt  }
0x4f: {  	_ =	shalt  }
0x50: {  	_ =	shalt  }
0x51: {  	_ =	shalt  }
0x52: {  	_ =	shalt  }
0x53: {  	_ =	shalt  }
0x54: {  	_ =	shalt  }
0x55: {  	_ =	shalt  }
0x56: {  	_ =	shalt  }
0x57: {  	_ =	shalt  }
0x58: {  	_ =	shalt  }
0x59: {  	_ =	shalt  }
0x5a: {  	_ =	shalt  }
0x5b: {  	_ =	shalt  }
0x5c: {  	_ =	shalt  }
0x5d: {  	_ =	shalt  }
0x5e: {  	_ =	shalt  }
0x5f: {  	_ =	shalt  }
0x60: {  	_ =	shalt  }
0x61: {  	_ =	shalt  }
0x62: {  	_ =	shalt  }
0x63: {  	_ =	shalt  }
0x64: {  	_ =	shalt  }
0x65: {  	_ =	shalt  }
0x66: {  	_ =	shalt  }
0x67: {  	_ =	shalt  }
0x68: {  	_ =	shalt  }
0x69: {  	_ =	shalt  }
0x6a: {  	_ =	shalt  }
0x6b: {  	_ =	shalt  }
0x6c: {  	_ =	shalt  }
0x6d: {  	_ =	shalt  }
0x6e: {  	_ =	shalt  }
0x6f: {  	_ =	shalt  }
0x70: {  	_ =	shalt  }
0x71: {  	_ =	shalt  }
0x72: {  	_ =	shalt  }
0x73: {  	_ =	shalt  }
0x74: {  	_ =	shalt  }
0x75: {  	_ =	shalt  }
0x76: {  	_ =	shalt  }
0x77: {  	_ =	shalt  }
0x78: {  	_ =	shalt  }
0x79: {  	_ =	shalt  }
0x7a: {  	_ =	shalt  }
0x7b: {  	_ =	shalt  }
0x7c: {  	_ =	shalt  }
0x7d: {  	_ =	shalt  }
0x7e: {  	_ =	shalt  }
0x7f: {  	_ =	shalt  }
0x80: {  	_ =	shalt  }
0x81: {  	_ =	shalt  }
0x82: {  	_ =	shalt  }
0x83: {  	_ =	shalt  }
0x84: {  	_ =	shalt  }
0x85: {  	_ =	shalt  }
0x86: {  	_ =	shalt  }
0x87: {  	_ =	shalt  }
.Lfunc_end0:
.L_simem_size_0:
called_computation.3_lowered:
.L_overlay_start_0:
0x88: {  	s2 =	sld [smem:$0x3FD9]  }
0x89: {  	s3 =	sld [smem:$0x3FFE];
	_ =	sdelay $0x1  }
0x8a: {  	s1 =	srdreg.scid  }
0x8b: {  	s0 =	sand.u32 $0x1, s1  }
0x8c: {  	s16 =	sshll.u32 s0, $0xA;
	s2 =	sadd.s32 s3, s2  }
0x8d: {  	s2 =	sadd.s32 s2, s16  }
0x8e: {  	[smem:$0x3FC0] =	sst s2  }
0x8f: {  	_ = 	snop  }
0x90: {  	(tm) =	ssettm $0x1  }
0x91: {  	s17 =	sld [smem:$0x3FFB];
	_ =	sdelay $0x3  }
0x92: {  	_ =	strace s17  }
0x93: {  	s2 =	sld [smem:$0x3FFC];
	_ =	sdelay $0x3  }
0x94: {  	_ =	strace s2  }
0x95: {  	s2 =	sld [smem:$0x3FFD];
	_ =	sdelay $0x3  }
0x96: {  	_ =	strace s2  }
0x97: {  	_ =	strace $0x8FFFFFFF  }
0x98: {  	s18 =	sld [smem:$0x3FDB];
	_ =	sdelay $0x1  }
0x99: {  	s19 =	simm.s32 $_scs_section_size  }
0x9a: {  	s4 =	simm.s32 $_size__tile_overlayer_lowered;
	s5 =	simm.s32 $_tile_overlayer_lowered  }
0x9b: {  	s22 =	simm.s32 $0x1BFF;
	s21 =	sshll.u32 s5, $0x1;
	s2 =	sadd.s32 s19, s18  }
0x9c: {  	s6 =	simm.s32 $0x0;
	s20 =	sshll.u32 s4, $0x1;
	s4 =	sadd.s32 s21, s2  }
0x9d: {  	[timem:s6], [sflag:s22] =	dma.local [hbm:s4], s20  }
0x9e: {  	_ =	swait.ge [sflag:s22], s20  }
0x9f: {  	s3 =	ssub.s32 $0x0, s20;
	[sflag:s22] =	ssyncset.done $0x0  }
0xa0: {  	[sflag:s22] =	ssyncadd.s32 s3;
	_ =	sdelay $0x1  }
0xa1: {  	s23 =	simm.s32 $0x1B8B  }
0xa2: {  	_ =	swait.ge [sflag:s23], $0x1  }
0xa3: {  	[sflag:s23] =	ssyncset.done $0x0  }
0xa4: {  	s25 =	simm.s32 $0x1B8E;
	s24 =	sld [smem:$0x3FFE];
	[sflag:s23] =	ssyncadd.s32 $0xFFFFFFFF  }
0xa5: {  	s26 =	simm.s32 $execute0_lowered;
	[smem:$0x3FD2] =	sst s25  }
0xa6: {  	s4 =	sshll.u32 s26, $0x1;
	_ =	strace $0x8000004F;
	[dreg:$0x1] =	wrdreg $0xFFFFFFFF  }
0xa7: {  	s28 =	simm.s32 $_size_execute0_lowered;
	s2 =	sadd.s32 s2, s4;
	[dreg:$0x0] =	wrdreg $0x0  }
0xa8: {  	s4 =	sshll.u32 s28, $0x1;
	[dreg:$0x2] =	wrdreg s2  }
0xa9: {  	[dreg:$0x3] =	wrdreg s4  }
0xaa: {  	[dreg:$0x4] =	wrdreg $0xC0  }
0xab: {  	_ =	task [dreg:s6], $0x5FFFF  }
0xac: {  	[dreg:$0x1] =	wrdreg $0xFFFFFFFF  }
0xad: {  	[dreg:$0x0] =	wrdreg $0x60  }
0xae: {  	[dreg:$0x2] =	wrdreg s24  }
0xaf: {  	[dreg:$0x3] =	wrdreg $0x73A00  }
0xb0: {  	[dreg:$0x4] =	wrdreg $0x9  }
0xb1: {  	_ =	task.clear_ibuf [dreg:s6], $0x5FFFF;
	_ =	strace $0x9000004F  }
0xb2: {  	s29 =	simm.s32 $0x9;
	_ =	strace $0x80000051  }
0xb3: {  	_ =	swait.ge [sflag:s29], $0x1  }
0xb4: {  	[sflag:s29] =	ssyncadd.s32 $0xFFFFFFFF  }
0xb5: {  	_ =	strace $0x90000051  }
0xb6: {  	_ =	sfence  }
0xb7: {  	s30 =	sld [smem:$0x0];
	_ =	sdelay $0x2  }
0xb8: {  	s31 =	sshll.u32 s1, $0xD;
	s1 =	sshrl.u32 s1, $0x2  }
0xb9: {  	s3 =	sand.u32 $0x4000, s31;
	s1 =	sadd.s32 s1, s30  }
0xba: {  	s0 =	sor.u32 s3, s0;
	s1 =	sshll.u32 s1, $0x11  }
0xbb: {  	s0 =	sor.u32 s1, s0  }
0xbc: {  	s0 =	sadd.s32 $0x8F2B, s0  }
0xbd: {  	[sflag:s0] =	ssyncadd.remote.s32 $0x1  }
0xbe: {  	_ =	sfence.sel $0xFFFF  }
0xbf: {  	[dreg:$0x0] =	wrdreg $0xFFFFFFFF;
	(pc) =	sbr.abs _section_cstart, $3  }
0xc0: {  	[dreg:$0x1] =	wrdreg $0xFFFFFFFF  }
0xc1: {  	_ =	task.clear_ibuf [dreg:s6], $0x2FFFF;
	_ =	strace $0x9FFFFFFF  }
0xc2: {  	(tm) =	ssettm $0x7FFFFFFF  }
0xc3: {  	_ =	shalt  }
tec
execute0_lowered:
.L_overlay_start_1:
0x0: {  	(tag) =	ssettag $0x1  }
0x1: {  	s0 =	srdreg.scid  }
0x2: {  	s12 =	stileid.u32;
	s5 =	rddreg [dreg:$0x0]  }
0x3: {  	s2 =	rddreg [dreg:$0x1];
	s3 =	simm.s32 $0x0;
	s14 =	simm.s32 $0x28  }
0x4: {  	s15 =	simm.s32 $0x4E20;
	s16 =	simm.s32 $0x55A0;
	s18 =	simm.s32 $0x5D20  }
0x5: {  	s20 =	simm.s32 $0x64A0;
	s22 =	simm.s32 $0x6C20;
	s23 =	simm.s32 $0x1  }
0x6: {  	s24 =	simm.s32 $0x6;
	s25 =	simm.s32 $0x2;
	s28 =	simm.s32 $0x3  }
0x7: {  	s29 =	simm.s32 $0x8;
	s30 =	simm.s32 $0x4;
	s31 =	simm.s32 $0x9  }
0x8: {  	s17 =	simm.s32 $0x0;
	s0 =	sand.u32 $0x1, s0;
	s1 =	sshll.u32 s12, $0x1  }
0x9: {  	s6 =	smul.u32 $0x7530, s12;
	[smem:$0x7FF] =	sst s3;
	s4 =	sadd.s32 $0x16800, s5  }
0xa: {  	s26 =	sshll.u32 s12, $0x6;
	s12 =	simm.s32 $0xB;
	s1 =	sor.u32 s0, s1  }
0xb: {  	s7 =	smul.u32 $0x75300, s0;
	_ =	strace $0x80000050;
	s0 =	ssub.s32 $0x2, s0  }
0xc: {  	s1 =	smul.u32 $0x2710, s1;
	s8 =	sshrl.u32 s6, $0x3;
	s9 =	sshrl.u32 s0, $0x1  }
0xd: {  	s11 =	sadd.s32 s6, s2;
	s7 =	sadd.s32 s6, s7;
	s8 =	sadd.s32 s8, s5  }
0xe: {  	s0 =	ssub.s32 s0, s9;
	s6 =	sor.u32 $0x1C0B, s26;
	s11 =	sshrl.u32 s11, $0x3  }
0xf: {  	s26 =	simm.s32 $0x7;
	s1 =	sshrl.u32 s1, $0x3;
	s7 =	sshrl.u32 s7, $0x3  }
0x10: {  	s1 =	sadd.s32 s1, s5;
	s10 =	sadd.s32 s7, s5;
	s5 =	sadd.s32 $0x25400, s8  }
0x11: {  	s7 =	sadd.s32 $0x2E00, s1;
	s8 =	sadd.s32 $0xCA40, s1;
	s9 =	sadd.s32 $0x34000, s10  }
0x12: {  	s10 =	smax.u32 s0, $0x1;
	s1 =	simm.s32 $0x5;
	s0 =	simm.s32 $0xA  }
.LBB2_1:
0x13: {  	[spmem:s11], [sflag:s6] =	dma.local [hbm:s5], $0xEA6  }
0x14: {  	_ =	swait.ge [sflag:s12], $0xEA6  }
0x15: {  	[sflag:s12] =	ssyncset.done $0x0  }
0x16: {  	[sflag:s12] =	ssyncadd.s32 $0xFFFFF15A  }
0x17: {  	[tilespmem:s3], [sflag:$0xB] =	stream.linear.gather [hbm4b:s7+s3], $0x2710, $0x38;
	[tilespmem:$0xE8D0] =	vst v63  }
0x18: {  	_ =	swait.ge [sflag:s12], $0x2710  }
0x19: {  	[sflag:s12] =	ssyncset.done $0x0  }
0x1a: {  	s13 =	simm.s32 $0x2710;
	[sflag:s12] =	ssyncadd.s32 $0xFFFFD8F0  }
0x1b: {  	[tilespmem:s13], [sflag:$0xB] =	stream.linear.gather [hbm4b:s8+s3], $0x2710, $0x38;
	[tilespmem:$0xE8D0] =	vst v63  }
0x1c: {  	_ =	swait.ge [sflag:s12], $0x2710  }
0x1d: {  	[sflag:s12] =	ssyncset.done $0x0  }
0x1e: {  	[sflag:s12] =	ssyncadd.s32 $0xFFFFD8F0  }
0x1f: {  	[bflag:$0x0] =	sbarrier.arrive $0xFFFF  }
0x20: {  	[tilespmem:s15], [sflag:$0x1] =	stream.indirect.gather [hbm4b:s4+s14], $0x30, s3, s14, $0xb8;
	[tilespmem:$0xE8D0] =	vst v63  }
0x21: {  	_ = 	snop  }
0x22: {  	[tilespmem:s16], [sflag:$0x2] =	stream.indirect.gather [hbm4b:s4+s14], $0x30, s14, s14, $0xb8;
	[tilespmem:$0xE8D0] =	vst v63  }
0x23: {  	s21 =	simm.s32 $0x50  }
0x24: {  	[tilespmem:s18], [sflag:$0x3] =	stream.indirect.gather [hbm4b:s4+s14], $0x30, s21, s14, $0xb8;
	[tilespmem:$0xE8D0] =	vst v63  }
0x25: {  	s19 =	simm.s32 $0x78  }
0x26: {  	[tilespmem:s20], [sflag:$0x4] =	stream.indirect.gather [hbm4b:s4+s14], $0x30, s19, s14, $0xb8;
	[tilespmem:$0xE8D0] =	vst v63  }
0x27: {  	s21 =	simm.s32 $0xA0  }
0x28: {  	[tilespmem:s22], [sflag:$0x5] =	stream.indirect.gather [hbm4b:s4+s14], $0x30, s21, s14, $0xb8;
	[tilespmem:$0xE8D0] =	vst v63  }
0x29: {  	_ =	swait.ge [sflag:s23], $0x780  }
0x2a: {  	[sflag:s23] =	ssyncset.done $0x0  }
0x2b: {  	s19 =	simm.s32 $0x2710;
	[sflag:s23] =	ssyncadd.s32 $0xFFFFF880  }
0x2c: {  	[spmem:s2] =	stream.indirect.scatter.add.f32 [tilespmem:s15], [sflag:$0x6], $0x30, s19, s14, $0xb8;
	[tilespmem:$0xE8D0] =	vst v63  }
0x2d: {  	_ =	swait.ge [sflag:s24], $0x780  }
0x2e: {  	[sflag:s24] =	ssyncset.done $0x0  }
0x2f: {  	s13 =	simm.s32 $0xC8;
	[sflag:s24] =	ssyncadd.s32 $0xFFFFF880  }
0x30: {  	[tilespmem:s15], [sflag:$0x1] =	stream.indirect.gather [hbm4b:s4+s14], $0x30, s13, s14, $0xb8;
	[tilespmem:$0xE8D0] =	vst v63  }
0x31: {  	_ =	swait.ge [sflag:s25], $0x780  }
0x32: {  	[sflag:s25] =	ssyncset.done $0x0  }
0x33: {  	s21 =	simm.s32 $0x2738;
	[sflag:s25] =	ssyncadd.s32 $0xFFFFF880  }
0x34: {  	[spmem:s2] =	stream.indirect.scatter.add.f32 [tilespmem:s16], [sflag:$0x7], $0x30, s21, s14, $0xb8;
	[tilespmem:$0xE8D0] =	vst v63  }
0x35: {  	_ =	swait.ge [sflag:s26], $0x780  }
0x36: {  	[sflag:s26] =	ssyncset.done $0x0  }
0x37: {  	s13 =	simm.s32 $0xF0;
	[sflag:s26] =	ssyncadd.s32 $0xFFFFF880  }
0x38: {  	[tilespmem:s16], [sflag:$0x2] =	stream.indirect.gather [hbm4b:s4+s14], $0x30, s13, s14, $0xb8;
	[tilespmem:$0xE8D0] =	vst v63  }
0x39: {  	_ =	swait.ge [sflag:s28], $0x780  }
0x3a: {  	[sflag:s28] =	ssyncset.done $0x0  }
0x3b: {  	s21 =	simm.s32 $0x2760;
	[sflag:s28] =	ssyncadd.s32 $0xFFFFF880  }
0x3c: {  	[spmem:s2] =	stream.indirect.scatter.add.f32 [tilespmem:s18], [sflag:$0x8], $0x30, s21, s14, $0xb8;
	[tilespmem:$0xE8D0] =	vst v63  }
0x3d: {  	_ =	swait.ge [sflag:s29], $0x780  }
0x3e: {  	[sflag:s29] =	ssyncset.done $0x0  }
0x3f: {  	s13 =	simm.s32 $0x118;
	[sflag:s29] =	ssyncadd.s32 $0xFFFFF880  }
0x40: {  	[tilespmem:s18], [sflag:$0x3] =	stream.indirect.gather [hbm4b:s4+s14], $0x30, s13, s14, $0xb8;
	[tilespmem:$0xE8D0] =	vst v63  }
0x41: {  	_ =	swait.ge [sflag:s30], $0x780  }
0x42: {  	[sflag:s30] =	ssyncset.done $0x0  }
0x43: {  	s21 =	simm.s32 $0x2788;
	[sflag:s30] =	ssyncadd.s32 $0xFFFFF880  }
0x44: {  	[spmem:s2] =	stream.indirect.scatter.add.f32 [tilespmem:s20], [sflag:$0x9], $0x30, s21, s14, $0xb8;
	[tilespmem:$0xE8D0] =	vst v63  }
0x45: {  	_ =	swait.ge [sflag:s31], $0x780  }
0x46: {  	[sflag:s31] =	ssyncset.done $0x0  }
0x47: {  	s13 =	simm.s32 $0x140;
	[sflag:s31] =	ssyncadd.s32 $0xFFFFF880  }
0x48: {  	[tilespmem:s20], [sflag:$0x4] =	stream.indirect.gather [hbm4b:s4+s14], $0x30, s13, s14, $0xb8;
	[tilespmem:$0xE8D0] =	vst v63  }
0x49: {  	_ =	swait.ge [sflag:s1], $0x780  }
0x4a: {  	[sflag:s1] =	ssyncset.done $0x0  }
0x4b: {  	s21 =	simm.s32 $0x27B0;
	[sflag:s1] =	ssyncadd.s32 $0xFFFFF880  }
0x4c: {  	[spmem:s2] =	stream.indirect.scatter.add.f32 [tilespmem:s22], [sflag:$0xA], $0x30, s21, s14, $0xb8;
	[tilespmem:$0xE8D0] =	vst v63  }
0x4d: {  	_ =	swait.ge [sflag:s0], $0x780  }
0x4e: {  	[sflag:s0] =	ssyncset.done $0x0  }
0x4f: {  	s19 =	simm.s32 $0x320;
	s21 =	simm.s32 $0x168;
	[sflag:s0] =	ssyncadd.s32 $0xFFFFF880  }
.LBB2_2:
0x50: {  	[tilespmem:s22], [sflag:$0x5] =	stream.indirect.gather [hbm4b:s4+s14], $0x30, s21, s14, $0xb8;
	[tilespmem:$0xE8D0] =	vst v63  }
0x51: {  	s21 =	smov.u32 s19  }
0x52: {  	p0 =	sne.s32 s19, $0x9600;
	s19 =	sadd.s32 $0x320, s19;
	_ =	swait.ge [sflag:s23], $0x780  }
0x53: {  	s21 =	sshra.s32 s21, $0x2;
	[sflag:s23] =	ssyncset.done $0x0  }
0x54: {  	s13 =	sadd.s32 $0x2710, s21;
	[sflag:s23] =	ssyncadd.s32 $0xFFFFF880  }
0x55: {  	[spmem:s2] =	stream.indirect.scatter.add.f32 [tilespmem:s15], [sflag:$0x6], $0x30, s13, s14, $0xb8;
	[tilespmem:$0xE8D0] =	vst v63  }
0x56: {  	_ =	swait.ge [sflag:s24], $0x780  }
0x57: {  	[sflag:s24] =	ssyncset.done $0x0  }
0x58: {  	s13 =	sadd.s32 $0xC8, s21;
	[sflag:s24] =	ssyncadd.s32 $0xFFFFF880  }
0x59: {  	[tilespmem:s15], [sflag:$0x1] =	stream.indirect.gather [hbm4b:s4+s14], $0x30, s13, s14, $0xb8;
	[tilespmem:$0xE8D0] =	vst v63  }
0x5a: {  	_ =	swait.ge [sflag:s25], $0x780  }
0x5b: {  	[sflag:s25] =	ssyncset.done $0x0  }
0x5c: {  	s13 =	sadd.s32 $0x2738, s21;
	[sflag:s25] =	ssyncadd.s32 $0xFFFFF880  }
0x5d: {  	[spmem:s2] =	stream.indirect.scatter.add.f32 [tilespmem:s16], [sflag:$0x7], $0x30, s13, s14, $0xb8;
	[tilespmem:$0xE8D0] =	vst v63  }
0x5e: {  	_ =	swait.ge [sflag:s26], $0x780  }
0x5f: {  	[sflag:s26] =	ssyncset.done $0x0  }
0x60: {  	s13 =	sadd.s32 $0xF0, s21;
	[sflag:s26] =	ssyncadd.s32 $0xFFFFF880  }
0x61: {  	[tilespmem:s16], [sflag:$0x2] =	stream.indirect.gather [hbm4b:s4+s14], $0x30, s13, s14, $0xb8;
	[tilespmem:$0xE8D0] =	vst v63  }
0x62: {  	_ =	swait.ge [sflag:s28], $0x780  }
0x63: {  	[sflag:s28] =	ssyncset.done $0x0  }
0x64: {  	s13 =	sadd.s32 $0x2760, s21;
	[sflag:s28] =	ssyncadd.s32 $0xFFFFF880  }
0x65: {  	[spmem:s2] =	stream.indirect.scatter.add.f32 [tilespmem:s18], [sflag:$0x8], $0x30, s13, s14, $0xb8;
	[tilespmem:$0xE8D0] =	vst v63  }
0x66: {  	_ =	swait.ge [sflag:s29], $0x780  }
0x67: {  	[sflag:s29] =	ssyncset.done $0x0  }
0x68: {  	s13 =	sadd.s32 $0x118, s21;
	[sflag:s29] =	ssyncadd.s32 $0xFFFFF880  }
0x69: {  	[tilespmem:s18], [sflag:$0x3] =	stream.indirect.gather [hbm4b:s4+s14], $0x30, s13, s14, $0xb8;
	[tilespmem:$0xE8D0] =	vst v63  }
0x6a: {  	_ =	swait.ge [sflag:s30], $0x780  }
0x6b: {  	[sflag:s30] =	ssyncset.done $0x0  }
0x6c: {  	s13 =	sadd.s32 $0x2788, s21;
	[sflag:s30] =	ssyncadd.s32 $0xFFFFF880  }
0x6d: {  	[spmem:s2] =	stream.indirect.scatter.add.f32 [tilespmem:s20], [sflag:$0x9], $0x30, s13, s14, $0xb8;
	[tilespmem:$0xE8D0] =	vst v63  }
0x6e: {  	_ =	swait.ge [sflag:s31], $0x780  }
0x6f: {  	[sflag:s31] =	ssyncset.done $0x0  }
0x70: {  	s13 =	sadd.s32 $0x140, s21;
	[sflag:s31] =	ssyncadd.s32 $0xFFFFF880  }
0x71: {  	[tilespmem:s20], [sflag:$0x4] =	stream.indirect.gather [hbm4b:s4+s14], $0x30, s13, s14, $0xb8;
	[tilespmem:$0xE8D0] =	vst v63  }
0x72: {  	_ =	swait.ge [sflag:s1], $0x780  }
0x73: {  	[sflag:s1] =	ssyncset.done $0x0  }
.Ltmp0:
0x74: {  	s13 =	sadd.s32 $0x27B0, s21;
	[sflag:s1] =	ssyncadd.s32 $0xFFFFF880;
	(pc) =	sbr.rel @p0 .LBB2_2-.Ltmp0, $4  }
0x75: {  	[spmem:s2] =	stream.indirect.scatter.add.f32 [tilespmem:s22], [sflag:$0xA], $0x30, s13, s14, $0xb8;
	[tilespmem:$0xE8D0] =	vst v63  }
0x76: {  	_ =	swait.ge [sflag:s0], $0x780  }
0x77: {  	[sflag:s0] =	ssyncset.done $0x0  }
0x78: {  	s21 =	sadd.s32 $0x168, s21;
	[sflag:s0] =	ssyncadd.s32 $0xFFFFF880  }
0x79: {  	[tilespmem:s22], [sflag:$0x5] =	stream.indirect.gather [hbm4b:s4+s14], $0x30, s21, s14, $0xb8;
	[tilespmem:$0xE8D0] =	vst v63  }
0x7a: {  	_ =	swait.ge [sflag:s23], $0x780  }
0x7b: {  	[sflag:s23] =	ssyncset.done $0x0  }
0x7c: {  	s13 =	simm.s32 $0x4D58;
	[sflag:s23] =	ssyncadd.s32 $0xFFFFF880  }
0x7d: {  	[spmem:s2] =	stream.indirect.scatter.add.f32 [tilespmem:s15], [sflag:$0x6], $0x30, s13, s14, $0xb8;
	[tilespmem:$0xE8D0] =	vst v63  }
0x7e: {  	_ =	swait.ge [sflag:s24], $0x780  }
0x7f: {  	[sflag:s24] =	ssyncset.done $0x0  }
0x80: {  	[sflag:s24] =	ssyncadd.s32 $0xFFFFF880  }
0x81: {  	_ =	swait.ge [sflag:s25], $0x780  }
0x82: {  	[sflag:s25] =	ssyncset.done $0x0  }
0x83: {  	s19 =	simm.s32 $0x4D80;
	[sflag:s25] =	ssyncadd.s32 $0xFFFFF880  }
0x84: {  	[spmem:s2] =	stream.indirect.scatter.add.f32 [tilespmem:s16], [sflag:$0x7], $0x30, s19, s14, $0xb8;
	[tilespmem:$0xE8D0] =	vst v63  }
0x85: {  	_ =	swait.ge [sflag:s26], $0x780  }
0x86: {  	[sflag:s26] =	ssyncset.done $0x0  }
0x87: {  	[sflag:s26] =	ssyncadd.s32 $0xFFFFF880  }
0x88: {  	_ =	swait.ge [sflag:s28], $0x780  }
0x89: {  	[sflag:s28] =	ssyncset.done $0x0  }
0x8a: {  	s21 =	simm.s32 $0x4DA8;
	[sflag:s28] =	ssyncadd.s32 $0xFFFFF880  }
0x8b: {  	[spmem:s2] =	stream.indirect.scatter.add.f32 [tilespmem:s18], [sflag:$0x8], $0x30, s21, s14, $0xb8;
	[tilespmem:$0xE8D0] =	vst v63  }
0x8c: {  	_ =	swait.ge [sflag:s29], $0x780  }
0x8d: {  	[sflag:s29] =	ssyncset.done $0x0  }
0x8e: {  	[sflag:s29] =	ssyncadd.s32 $0xFFFFF880  }
0x8f: {  	_ =	swait.ge [sflag:s30], $0x780  }
0x90: {  	[sflag:s30] =	ssyncset.done $0x0  }
0x91: {  	s19 =	simm.s32 $0x4DD0;
	[sflag:s30] =	ssyncadd.s32 $0xFFFFF880  }
0x92: {  	[spmem:s2] =	stream.indirect.scatter.add.f32 [tilespmem:s20], [sflag:$0x9], $0x30, s19, s14, $0xb8;
	[tilespmem:$0xE8D0] =	vst v63  }
0x93: {  	_ =	swait.ge [sflag:s31], $0x780  }
0x94: {  	[sflag:s31] =	ssyncset.done $0x0  }
0x95: {  	[sflag:s31] =	ssyncadd.s32 $0xFFFFF880  }
0x96: {  	_ =	swait.ge [sflag:s1], $0x780  }
0x97: {  	[sflag:s1] =	ssyncset.done $0x0  }
0x98: {  	s21 =	simm.s32 $0x4DF8;
	[sflag:s1] =	ssyncadd.s32 $0xFFFFF880  }
0x99: {  	[spmem:s2] =	stream.indirect.scatter.add.f32 [tilespmem:s22], [sflag:$0xA], $0x30, s21, s14, $0xb8;
	[tilespmem:$0xE8D0] =	vst v63  }
0x9a: {  	_ =	swait.ge [sflag:s0], $0x780  }
0x9b: {  	s17 =	sadd.s32 $0x1, s17;
	[sflag:s0] =	ssyncset.done $0x0  }
0x9c: {  	p0 =	sne.s32 s17, s10;
	[sflag:s0] =	ssyncadd.s32 $0xFFFFF880  }
.Ltmp1:
0x9d: {  	[bflag:$0x0] =	sbarrier.arrive $0xFFFF;
	(pc) =	sbr.rel @p0 .LBB2_1-.Ltmp1, $4  }
0x9e: {  	[hbm:s9], [sflag:s6] =	dma.local [spmem:s11], $0xEA6  }
0x9f: {  	_ =	swait.ge [sflag:s12], $0xEA6  }
0xa0: {  	[sflag:s12] =	ssyncset.done $0x0  }
0xa1: {  	[sflag:s12] =	ssyncadd.s32 $0xFFFFF15A  }
0xa2: {  	_ =	sfence.sel $0x180000  }
0xa3: {  	[bflag:$0x0] =	sbarrier.arrive $0xFFFF  }
0xa4: {  	_ =	strace $0x90000050  }
0xa5: {  	s0 =	stileid.u32;
	[bflag:$0x2] =	sbarrier.arrive $0xFFFF  }
0xa6: {  	p0 =	sne.s32 s0, $0x0;
	s0 =	rddreg [dreg:$0x2]  }
0xa7: {  	s0 =	sadd.s32 @!p0 $0x100000, s0  }
0xa8: {  	[sflag:s0] =	ssyncadd.tile.s32 @!p0 $0x1;
	_ =	shalt  }
.Lfunc_end2:
_tile_overlayer_lowered:
.L_overlay_start_2:
0xa9: {  	(tag) =	ssettag $0x2  }
0xaa: {  	s0 =	rddreg [dreg:$0x0];
	s2 =	stileid.u32  }
0xab: {  	s1 =	rddreg [dreg:$0x1];
	p0 =	sne.s32 s2, $0x0  }
0xac: {  	s3 =	rddreg [dreg:$0x2];
	[bflag:$0x3] =	sbarrier.arrive $0xFFFF;
	s2 =	simm.s32 @!p0 $0x1C0B  }
0xad: {  	[timem:s3], [sflag:s2] =	dma.local @!p0 [hbm:s0], s1  }
0xae: {  	s0 =	simm.s32 @!p0 $0xB  }
0xaf: {  	_ =	swait.ge @!p0 [sflag:s0], s1  }
0xb0: {  	s1 =	ssub.s32 @!p0 $0x0, s1;
	[sflag:s0] =	ssyncset.done @!p0 $0x0  }
0xb1: {  	[sflag:s0] =	ssyncadd.s32 @!p0 s1  }
0xb2: {  	[bflag:$0x3] =	sbarrier.arrive $0xFFFF  }
0xb3: {  	_ =	shalt  }

</sc_bundles>
